<compile_context>
chip_gen: v7x
topology: tpu7x:2x2x1
jax: 0.10.2.dev20260603
libtpu: 0.0.44.dev20260713+nightly
codegen_flags: <defaults>
</compile_context>

<pallas_src>
import functools

import jax
import jax.numpy as jnp
from jax import lax
from jax.experimental import pallas as pl
from jax.experimental.pallas import tpu as pltpu
from jax.experimental.pallas import tpu_sc as plsc

N = 10000
E = 320000
DN = 128
DE = 16
DG = 16
L = 128

NC = 2
NS = 16
NW = NC * NS

CH = 80
CPW = E // (NW * CH)
NCHUNK = E // CH
ROWS_PER_TILE = N // NS

@functools.lru_cache(maxsize=None)
def _sc_mesh():
    return plsc.VectorSubcoreMesh(
        core_axis_name="c", subcore_axis_name="s", num_cores=NC, num_subcores=NS)


def _pack_bf16_pairs(v):
    lo = jax.lax.bitcast_convert_type(v[:, :64].astype(jnp.bfloat16), jnp.int16)
    hi = jax.lax.bitcast_convert_type(v[:, 64:].astype(jnp.bfloat16), jnp.int16)
    return (hi.astype(jnp.int32) << 16) | (lo.astype(jnp.int32) & 0xFFFF)


def _tables_body(x_ref, ws_ref, wd_ref, u_ref, weu_ref, be1_ref, xs_ref, xd_ref):
    xb = x_ref[...]
    xs_ref[...] = _pack_bf16_pairs(
        jnp.dot(xb, ws_ref[...], preferred_element_type=jnp.float32))
    c0 = jnp.dot(u_ref[...], weu_ref[...], preferred_element_type=jnp.float32) + be1_ref[...]
    xd_ref[...] = _pack_bf16_pairs(
        jnp.dot(xb, wd_ref[...], preferred_element_type=jnp.float32) + c0)


def _node_tables(x, ws, wd, u, weu, be1):
    bn = 2000
    return pl.pallas_call(
        _tables_body,
        grid=(N // bn,),
        in_specs=[
            pl.BlockSpec((bn, DN), lambda i: (i, 0)),
            pl.BlockSpec((DN, L), lambda i: (0, 0)),
            pl.BlockSpec((DN, L), lambda i: (0, 0)),
            pl.BlockSpec((1, DG), lambda i: (0, 0)),
            pl.BlockSpec((DG, L), lambda i: (0, 0)),
            pl.BlockSpec((1, L), lambda i: (0, 0)),
        ],
        out_specs=[
            pl.BlockSpec((bn, L // 2), lambda i: (i, 0)),
            pl.BlockSpec((bn, L // 2), lambda i: (i, 0)),
        ],
        out_shape=[
            jax.ShapeDtypeStruct((N, L // 2), jnp.int32),
            jax.ShapeDtypeStruct((N, L // 2), jnp.int32),
        ],
    )(x, ws, wd, u, weu, be1)


_NSLOT = 4


def _gather_body(xs_hbm, xd_hbm, row_hbm, col_hbm, gs_hbm, gd_hbm,
                 idxr, idxc, bufa, bufb, ga, gb, wa, wb):
    c = lax.axis_index("c")
    s = lax.axis_index("s")
    base = c * (NCHUNK // 2) + s * CPW
    lane0 = c * (L // 2)
    pltpu.sync_copy(row_hbm.at[pl.ds(base, CPW)], idxr)
    pltpu.sync_copy(col_hbm.at[pl.ds(base, CPW)], idxc)

    def start_gather(p, j):
        pltpu.async_copy(xs_hbm.at[idxr.at[j]], bufa.at[p], ga.at[p])
        pltpu.async_copy(xd_hbm.at[idxc.at[j]], bufb.at[p], gb.at[p])

    def wait_gather(p):
        pltpu.make_async_copy(xs_hbm.at[idxr.at[0]], bufa.at[p], ga.at[p]).wait()
        pltpu.make_async_copy(xd_hbm.at[idxc.at[0]], bufb.at[p], gb.at[p]).wait()

    def dst(hbm, j):
        r0 = s * (E // 2 // NS) + j * CH
        return hbm.at[pl.ds(r0, CH), pl.ds(lane0, L // 2)]

    def start_write(p, j):
        pltpu.async_copy(bufa.at[p], dst(gs_hbm, j), wa.at[p])
        pltpu.async_copy(bufb.at[p], dst(gd_hbm, j), wb.at[p])

    def wait_write(p):
        pltpu.make_async_copy(bufa.at[p], dst(gs_hbm, 0), wa.at[p]).wait()
        pltpu.make_async_copy(bufb.at[p], dst(gd_hbm, 0), wb.at[p]).wait()

    for p in range(_NSLOT):
        start_gather(p, p)

    def body(j4, carry):
        for p in range(_NSLOT):
            j = j4 * _NSLOT + p
            wait_gather(p)
            start_write(p, j)
        for p in range(_NSLOT):
            jn = j4 * _NSLOT + p + _NSLOT
            wait_write(p)

            @pl.when(jn < CPW)
            def _():
                start_gather(p, jn)
        return carry

    lax.fori_loop(0, CPW // _NSLOT, body, 0)
    for j in range((CPW // _NSLOT) * _NSLOT, CPW):
        p = j % _NSLOT
        wait_gather(p)
        start_write(p, j)
        wait_write(p)


@functools.lru_cache(maxsize=None)
def _gather_kernel_fn():
    return pl.kernel(
        _gather_body,
        out_type=(
            jax.ShapeDtypeStruct((E // 2, L), jnp.int32),
            jax.ShapeDtypeStruct((E // 2, L), jnp.int32),
        ),
        mesh=_sc_mesh(),
        scratch_types=[
            pltpu.VMEM((CPW, CH), jnp.int32),
            pltpu.VMEM((CPW, CH), jnp.int32),
            pltpu.VMEM((_NSLOT, CH, L // 2), jnp.int32),
            pltpu.VMEM((_NSLOT, CH, L // 2), jnp.int32),
            pltpu.SemaphoreType.DMA((_NSLOT,)),
            pltpu.SemaphoreType.DMA((_NSLOT,)),
            pltpu.SemaphoreType.DMA((_NSLOT,)),
            pltpu.SemaphoreType.DMA((_NSLOT,)),
        ],
        compiler_params=pltpu.CompilerParams(use_tc_tiling_on_sc=False),
    )


def _gather_kernel(xs, xd, row2d, col2d):
    return _gather_kernel_fn()(xs, xd, row2d, col2d)


_BH = 3200
_NBLK = (E // 2) // _BH


def _edge_body(gs_ref, gd_ref, eat_ref, wee_ref, we2_ref, be2_ref, out_ref):
    in_hi_half = pl.program_id(0) >= _NBLK
    half = L // 2

    def unpack(w):
        lo = jax.lax.bitcast_convert_type(w << 16, jnp.float32)
        hi = jax.lax.bitcast_convert_type(w & jnp.int32(-65536), jnp.float32)
        return jnp.concatenate(
            [jnp.where(in_hi_half, lo[:, half:], lo[:, :half]),
             jnp.where(in_hi_half, hi[:, half:], hi[:, :half])], axis=1)

    g = unpack(gs_ref[...]) + unpack(gd_ref[...])
    eaw = jax.lax.dot_general(
        eat_ref[...], wee_ref[...], (((0,), (0,)), ((), ())),
        preferred_element_type=jnp.float32)
    rh = jnp.maximum(g + eaw, 0.0)
    out_ref[...] = jax.lax.dot_general(
        we2_ref[...], rh, (((0,), (1,)), ((), ())),
        preferred_element_type=jnp.float32) + be2_ref[...]


def _edge_mlp(gs, gd, ea_t, wee, we2, be2):
    return pl.pallas_call(
        _edge_body,
        grid=(2 * _NBLK,),
        in_specs=[
            pl.BlockSpec((_BH, L), lambda i: (i % _NBLK, 0)),
            pl.BlockSpec((_BH, L), lambda i: (i % _NBLK, 0)),
            pl.BlockSpec((DE, _BH), lambda i: (0, i)),
            pl.BlockSpec((DE, L), lambda i: (0, 0)),
            pl.BlockSpec((L, DE), lambda i: (0, 0)),
            pl.BlockSpec((DE, 1), lambda i: (0, 0)),
        ],
        out_specs=pl.BlockSpec((DE, _BH), lambda i: (0, i)),
        out_shape=jax.ShapeDtypeStruct((DE, E), jnp.float32),
    )(gs, gd, ea_t, wee, we2, be2)


def _scatter_body(eot_hbm, col_hbm, zeros_hbm, out_hbm, idxc, tbuf0, tbuf1,
                  vals0, vals1, agg, tl, ta):
    tbufs = (tbuf0, tbuf1)
    valss = (vals0, vals1)
    c = lax.axis_index("c")
    s = lax.axis_index("s")
    pltpu.sync_copy(zeros_hbm, agg.at[pl.ds(s * ROWS_PER_TILE, ROWS_PER_TILE)])
    plsc.subcore_barrier()

    base = (c * NS + s) * CPW
    pltpu.sync_copy(col_hbm.at[pl.ds(base, CPW)], idxc)
    rows16 = jax.lax.iota(jnp.int32, DE)

    def start_load(p, j):
        e0 = (base + j) * CH
        pltpu.async_copy(eot_hbm.at[:, pl.ds(e0, CH)], tbufs[p], tl.at[p])

    def wait_load(p):
        pltpu.make_async_copy(eot_hbm.at[:, pl.ds(0, CH)], tbufs[p],
                              tl.at[p]).wait()

    def start_add(p, j):
        pltpu.async_copy(valss[p], agg.at[idxc.at[j]], ta.at[p], add=True)

    def wait_add(p):
        pltpu.make_async_copy(valss[p], agg.at[idxc.at[0]], ta.at[p]).wait()

    def transpose(p):
        def tblock(j16, cc):
            for u in range(16):
                e = j16 * 16 + u
                v = plsc.load_gather(tbufs[p],
                                     [rows16, jnp.full((DE,), 0, jnp.int32) + e])
                valss[p][e, pl.ds(0, DE)] = v
            return cc

        lax.fori_loop(0, CH // 16, tblock, 0)

    start_load(0, 0)

    def body(j2, carry):
        for p in range(2):
            j = 2 * j2 + p
            start_load((p + 1) % 2, j + 1)
            wait_load(p)

            @pl.when(j >= 2)
            def _():
                wait_add(p)

            transpose(p)
            start_add(p, j)
        return carry

    lax.fori_loop(0, (CPW - 1) // 2, body, 0)
    wait_load(0)
    wait_add(0)
    transpose(0)
    start_add(0, CPW - 1)
    wait_add(1)
    wait_add(0)
    plsc.subcore_barrier()
    r0 = s * ROWS_PER_TILE
    pltpu.sync_copy(agg.at[pl.ds(r0, ROWS_PER_TILE)],
                    out_hbm.at[c].at[pl.ds(r0, ROWS_PER_TILE)])


@functools.lru_cache(maxsize=None)
def _scatter_kernel_fn():
    return pl.kernel(
        _scatter_body,
        out_type=jax.ShapeDtypeStruct((NC, N, DE), jnp.float32),
        mesh=_sc_mesh(),
        scratch_types=[
            pltpu.VMEM((CPW, CH), jnp.int32),
            pltpu.VMEM((DE, CH), jnp.float32),
            pltpu.VMEM((DE, CH), jnp.float32),
            pltpu.VMEM((CH, DE), jnp.float32),
            pltpu.VMEM((CH, DE), jnp.float32),
            pltpu.VMEM_SHARED((N, DE), jnp.float32),
            pltpu.SemaphoreType.DMA((2,)),
            pltpu.SemaphoreType.DMA((2,)),
        ],
        compiler_params=pltpu.CompilerParams(
            use_tc_tiling_on_sc=False, needs_layout_passes=False),
    )


def _scatter_kernel(eo_t, col2d, zeros):
    return _scatter_kernel_fn()(eo_t, col2d, zeros)


def _node_body(x_ref, p_ref, u_ref, wnx_ref, wna_ref, wnu_ref, bn1_ref,
               wn2_ref, bn2_ref, wgu_ref, wgm_ref, bg1_ref, wg2_ref, bg2_ref,
               xo_ref, go_ref, acc_ref):
    i = pl.program_id(0)

    @pl.when(i == 0)
    def _init():
        acc_ref[...] = jnp.zeros_like(acc_ref)

    agg = p_ref[0] + p_ref[1]
    cn = jnp.dot(u_ref[...], wnu_ref[...], preferred_element_type=jnp.float32) + bn1_ref[...]
    nh = jnp.maximum(
        jnp.dot(x_ref[...], wnx_ref[...], preferred_element_type=jnp.float32)
        + jnp.dot(agg, wna_ref[...], preferred_element_type=jnp.float32) + cn,
        0.0)
    xo = jnp.dot(nh, wn2_ref[...], preferred_element_type=jnp.float32) + bn2_ref[...]
    xo_ref[...] = xo
    acc_ref[...] += jnp.sum(xo, axis=0, keepdims=True)

    @pl.when(i == pl.num_programs(0) - 1)
    def _globals():
        mean = acc_ref[...] * (1.0 / N)
        gh = jnp.maximum(
            jnp.dot(u_ref[...], wgu_ref[...], preferred_element_type=jnp.float32)
            + jnp.dot(mean, wgm_ref[...], preferred_element_type=jnp.float32)
            + bg1_ref[...],
            0.0)
        go_ref[...] = jnp.dot(gh, wg2_ref[...], preferred_element_type=jnp.float32) + bg2_ref[...]


def _node_global(x, p, u, wnx, wna, wnu, bn1, wn2, bn2, wgu, wgm, bg1, wg2, bg2):
    bn = 2000
    return pl.pallas_call(
        _node_body,
        grid=(N // bn,),
        in_specs=[
            pl.BlockSpec((bn, DN), lambda i: (i, 0)),
            pl.BlockSpec((NC, bn, DE), lambda i: (0, i, 0)),
            pl.BlockSpec((1, DG), lambda i: (0, 0)),
            pl.BlockSpec((DN, L), lambda i: (0, 0)),
            pl.BlockSpec((DE, L), lambda i: (0, 0)),
            pl.BlockSpec((DG, L), lambda i: (0, 0)),
            pl.BlockSpec((1, L), lambda i: (0, 0)),
            pl.BlockSpec((L, DN), lambda i: (0, 0)),
            pl.BlockSpec((1, DN), lambda i: (0, 0)),
            pl.BlockSpec((DG, L), lambda i: (0, 0)),
            pl.BlockSpec((DN, L), lambda i: (0, 0)),
            pl.BlockSpec((1, L), lambda i: (0, 0)),
            pl.BlockSpec((L, DG), lambda i: (0, 0)),
            pl.BlockSpec((1, DG), lambda i: (0, 0)),
        ],
        out_specs=[
            pl.BlockSpec((bn, DN), lambda i: (i, 0)),
            pl.BlockSpec((1, DG), lambda i: (0, 0)),
        ],
        out_shape=[
            jax.ShapeDtypeStruct((N, DN), jnp.float32),
            jax.ShapeDtypeStruct((1, DG), jnp.float32),
        ],
        scratch_shapes=[pltpu.VMEM((1, DN), jnp.float32)],
    )(x, p, u, wnx, wna, wnu, bn1, wn2, bn2, wgu, wgm, bg1, wg2, bg2)


def kernel(x, edge_index, edge_attr, global_attr,
           We1, be1, We2, be2,
           Wn1, bn1, Wn2, bn2,
           Wg1, bg1, Wg2, bg2):
    row2d = edge_index[0].reshape(NCHUNK, CH)
    col2d = edge_index[1].reshape(NCHUNK, CH)

    xs, xd = _node_tables(
        x, We1[:DN], We1[DN:2 * DN], global_attr,
        We1[2 * DN + DE:], be1.reshape(1, L))

    gs, gd = _gather_kernel(xs, xd, row2d, col2d)

    eo_t = _edge_mlp(
        gs, gd, edge_attr.T, We1[2 * DN:2 * DN + DE], We2,
        be2.reshape(DE, 1))
    edge_out = eo_t.T

    zeros = jnp.zeros((ROWS_PER_TILE, DE), jnp.float32)
    partials = _scatter_kernel(eo_t, col2d, zeros)

    x_out, global_out = _node_global(
        x, partials, global_attr,
        Wn1[:DN], Wn1[DN:DN + DE], Wn1[DN + DE:], bn1.reshape(1, L),
        Wn2, bn2.reshape(1, DN),
        Wg1[:DG], Wg1[DG:], bg1.reshape(1, L),
        Wg2, bg2.reshape(1, DG))

    return (x_out, edge_out, global_out)

# --- scband reference (transcript-rebuilt; emitter-appended) ---
"""Pipeline reference for scband-graph-network-meta-layer-25598005084726 (READ-ONLY COPY).

The authoritative reference and input builder live on the scoring server;
editing this copy changes nothing except your own understanding.
"""

import jax, jax.numpy as jnp
import numpy as np

N = 10000
E = 320000
DN = 128
DE = 16
DG = 16
L = 128


def setup_inputs(seed: int = 0) -> dict:
    key = jax.random.key(seed)
    ks = jax.random.split(key, 20)

    x = jax.random.normal(ks[0], (N, DN), dtype=jnp.float32)
    edge_index = jax.random.randint(ks[1], (2, E), 0, N, dtype=jnp.int32)
    edge_attr = jax.random.normal(ks[2], (E, DE), dtype=jnp.float32)
    global_attr = jax.random.normal(ks[3], (1, DG), dtype=jnp.float32)

    def lin(k, fan_in, fan_out):
        return jax.random.normal(k, (fan_in, fan_out), dtype=jnp.float32) / jnp.sqrt(fan_in)

    # EdgeModel MLP: in = src(DN) + dst(DN) + edge(DE) + global(DG) -> L -> DE
    e_in = 2 * DN + DE + DG
    We1 = lin(ks[4], e_in, L); be1 = jnp.zeros((L,), jnp.float32)
    We2 = lin(ks[5], L, DE); be2 = jnp.zeros((DE,), jnp.float32)

    # NodeModel MLP: in = x(DN) + agg_edge(DE) + global(DG) -> L -> DN
    n_in = DN + DE + DG
    Wn1 = lin(ks[6], n_in, L); bn1 = jnp.zeros((L,), jnp.float32)
    Wn2 = lin(ks[7], L, DN); bn2 = jnp.zeros((DN,), jnp.float32)

    # GlobalModel MLP: in = global(DG) + node_mean(DN) -> L -> DG
    g_in = DG + DN
    Wg1 = lin(ks[8], g_in, L); bg1 = jnp.zeros((L,), jnp.float32)
    Wg2 = lin(ks[9], L, DG); bg2 = jnp.zeros((DG,), jnp.float32)

    return {
        "x": x, "edge_index": edge_index, "edge_attr": edge_attr, "global_attr": global_attr,
        "We1": We1, "be1": be1, "We2": We2, "be2": be2,
        "Wn1": Wn1, "bn1": bn1, "Wn2": Wn2, "bn2": bn2,
        "Wg1": Wg1, "bg1": bg1, "Wg2": Wg2, "bg2": bg2,
    }


def reference(x, edge_index, edge_attr, global_attr,
              We1, be1, We2, be2,
              Wn1, bn1, Wn2, bn2,
              Wg1, bg1, Wg2, bg2):
    row = edge_index[0]
    col = edge_index[1]

    # EdgeModel: phi_e(concat(x[row], x[col], edge_attr, u))
    src = jnp.take(x, row, axis=0)
    dst = jnp.take(x, col, axis=0)
    u_e = jnp.broadcast_to(global_attr, (edge_attr.shape[0], global_attr.shape[1]))
    e_feat = jnp.concatenate([src, dst, edge_attr, u_e], axis=1)
    e_h = jax.nn.relu(e_feat @ We1 + be1)
    edge_out = e_h @ We2 + be2  # activate_final=False

    # NodeModel: aggregate incoming edge features at dst, phi_v(concat(x, agg, u))
    agg = jax.ops.segment_sum(edge_out, col, num_segments=x.shape[0])
    u_n = jnp.broadcast_to(global_attr, (x.shape[0], global_attr.shape[1]))
    n_feat = jnp.concatenate([x, agg, u_n], axis=1)
    n_h = jax.nn.relu(n_feat @ Wn1 + bn1)
    x_out = n_h @ Wn2 + bn2

    # GlobalModel: phi_u(concat(u, mean_nodes(x_out)))
    node_mean = jnp.mean(x_out, axis=0, keepdims=True)
    g_feat = jnp.concatenate([global_attr, node_mean], axis=1)
    g_h = jax.nn.relu(g_feat @ Wg1 + bg1)
    global_out = g_h @ Wg2 + bg2

    return (x_out, edge_out, global_out)

if __name__ == "__main__":
    import jax
    _d = setup_inputs()
    print(jax.jit(kernel)(*tuple(_d.values())))

</pallas_src>

<mosaic_0001>
#map = affine_map<(d0, d1) -> (0, 0)>
module attributes {stable_mosaic.version = 14 : i64} {
  func.func @_gather_body(%arg0: i32, %arg1: i32, %arg2: memref<10000x64xi32, #tpu.memory_space<hbm>>, %arg3: memref<10000x64xi32, #tpu.memory_space<hbm>>, %arg4: memref<4000x80xi32, #tpu.memory_space<hbm>>, %arg5: memref<4000x80xi32, #tpu.memory_space<hbm>>, %arg6: memref<160000x128xi32, #tpu.memory_space<hbm>>, %arg7: memref<160000x128xi32, #tpu.memory_space<hbm>>, %arg8: memref<125x80xi32, #tpu.memory_space<vmem>>, %arg9: memref<125x80xi32, #tpu.memory_space<vmem>>, %arg10: memref<4x80x64xi32, #tpu.memory_space<vmem>>, %arg11: memref<4x80x64xi32, #tpu.memory_space<vmem>>, %arg12: memref<4x!tpu.dma_semaphore, #tpu.memory_space<semaphore_mem>>, %arg13: memref<4x!tpu.dma_semaphore, #tpu.memory_space<semaphore_mem>>, %arg14: memref<4x!tpu.dma_semaphore, #tpu.memory_space<semaphore_mem>>, %arg15: memref<4x!tpu.dma_semaphore, #tpu.memory_space<semaphore_mem>>) attributes {dimension_semantics = [#tpu.dimension_semantics<core_parallel>, #tpu.dimension_semantics<subcore_parallel>], iteration_bounds = array<i64: 2, 16>, scalar_prefetch = 0 : i64, scratch_operands = 8 : i64, tpu.core_type = #tpu.core_type<sc_vector_subcore>, window_params = [{transform_indices = #map}, {transform_indices = #map}, {transform_indices = #map}, {transform_indices = #map}, {transform_indices = #map}, {transform_indices = #map}]} {
    %mul3A = arith.constant 2000 : i32
    %mul3A_0 = arith.muli %arg0, %mul3A : i32
    %mul3A_1 = arith.constant 125 : i32
    %mul3A_2 = arith.muli %arg1, %mul3A_1 : i32
    %add3A = arith.addi %mul3A_0, %mul3A_2 : i32
    %mul3A_3 = arith.constant 64 : i32
    %mul3A_4 = arith.muli %arg0, %mul3A_3 : i32
    "tpu.region"() ({
      %run_scoped3A = tpu.sem_alloc : memref<!tpu.dma_semaphore, #tpu.memory_space<semaphore_mem>>
      %dma_start3A_230 = arith.constant 0 : i32
      %dma_start3A_231 = tpu.memref_slice %arg4[%add3A, %dma_start3A_230] : memref<4000x80xi32, #tpu.memory_space<hbm>> -> memref<125x80xi32, #tpu.memory_space<hbm>>
      %dma_start3A_232 = arith.constant 0 : i32
      %dma_start3A_233 = tpu.memref_slice %arg4[%add3A, %dma_start3A_232] : memref<4000x80xi32, #tpu.memory_space<hbm>> -> memref<125x80xi32, #tpu.memory_space<hbm>>
      tpu.enqueue_dma source(%dma_start3A_233 : memref<125x80xi32, #tpu.memory_space<hbm>>) target(%arg8 : memref<125x80xi32, #tpu.memory_space<vmem>>) target_semaphore(%run_scoped3A : memref<!tpu.dma_semaphore, #tpu.memory_space<semaphore_mem>>)
      %dma_wait3A_234 = arith.constant 0 : i32
      %dma_wait3A_235 = tpu.memref_slice %arg4[%add3A, %dma_wait3A_234] : memref<4000x80xi32, #tpu.memory_space<hbm>> -> memref<125x80xi32, #tpu.memory_space<hbm>>
      %dma_wait3A_236 = arith.constant 0 : i32
      %dma_wait3A_237 = tpu.memref_slice %arg4[%add3A, %dma_wait3A_236] : memref<4000x80xi32, #tpu.memory_space<hbm>> -> memref<125x80xi32, #tpu.memory_space<hbm>>
      tpu.wait_dma2 semaphore(%run_scoped3A : memref<!tpu.dma_semaphore, #tpu.memory_space<semaphore_mem>>) src(%dma_wait3A_237 : memref<125x80xi32, #tpu.memory_space<hbm>>) dst(%arg8 : memref<125x80xi32, #tpu.memory_space<vmem>>)
      tpu.yield
    }) : () -> ()
    "tpu.region"() ({
      %run_scoped3A = tpu.sem_alloc : memref<!tpu.dma_semaphore, #tpu.memory_space<semaphore_mem>>
      %dma_start3A_230 = arith.constant 0 : i32
      %dma_start3A_231 = tpu.memref_slice %arg5[%add3A, %dma_start3A_230] : memref<4000x80xi32, #tpu.memory_space<hbm>> -> memref<125x80xi32, #tpu.memory_space<hbm>>
      %dma_start3A_232 = arith.constant 0 : i32
      %dma_start3A_233 = tpu.memref_slice %arg5[%add3A, %dma_start3A_232] : memref<4000x80xi32, #tpu.memory_space<hbm>> -> memref<125x80xi32, #tpu.memory_space<hbm>>
      tpu.enqueue_dma source(%dma_start3A_233 : memref<125x80xi32, #tpu.memory_space<hbm>>) target(%arg9 : memref<125x80xi32, #tpu.memory_space<vmem>>) target_semaphore(%run_scoped3A : memref<!tpu.dma_semaphore, #tpu.memory_space<semaphore_mem>>)
      %dma_wait3A_234 = arith.constant 0 : i32
      %dma_wait3A_235 = tpu.memref_slice %arg5[%add3A, %dma_wait3A_234] : memref<4000x80xi32, #tpu.memory_space<hbm>> -> memref<125x80xi32, #tpu.memory_space<hbm>>
      %dma_wait3A_236 = arith.constant 0 : i32
      %dma_wait3A_237 = tpu.memref_slice %arg5[%add3A, %dma_wait3A_236] : memref<4000x80xi32, #tpu.memory_space<hbm>> -> memref<125x80xi32, #tpu.memory_space<hbm>>
      tpu.wait_dma2 semaphore(%run_scoped3A : memref<!tpu.dma_semaphore, #tpu.memory_space<semaphore_mem>>) src(%dma_wait3A_237 : memref<125x80xi32, #tpu.memory_space<hbm>>) dst(%arg9 : memref<125x80xi32, #tpu.memory_space<vmem>>)
      tpu.yield
    }) : () -> ()
    %dma_start3A = arith.constant 0 : i32
    %dma_start3A_5 = arith.constant 0 : i32
    %dma_start3A_6 = arith.constant 0 : i32
    %dma_start3A_7 = arith.constant 0 : i32
    %dma_start3A_8 = arith.constant 0 : i32
    %dma_start3A_9 = tpu.memref_slice %arg10[%dma_start3A_5, %dma_start3A_7, %dma_start3A_8] : memref<4x80x64xi32, #tpu.memory_space<vmem>> -> memref<1x80x64xi32, #tpu.memory_space<vmem>>
    %dma_start3A_10 = tpu.memref_squeeze %dma_start3A_9 : memref<1x80x64xi32, #tpu.memory_space<vmem>> -> memref<80x64xi32, #tpu.memory_space<vmem>>
    %dma_start3A_11 = arith.constant 0 : i32
    %dma_start3A_12 = tpu.memref_slice %arg8[%dma_start3A, %dma_start3A_11] : memref<125x80xi32, #tpu.memory_space<vmem>> -> memref<1x80xi32, #tpu.memory_space<vmem>>
    %dma_start3A_13 = tpu.memref_squeeze %dma_start3A_12 : memref<1x80xi32, #tpu.memory_space<vmem>> -> memref<80xi32, #tpu.memory_space<vmem>>
    %dma_start3A_14 = arith.constant 0 : i32
    %dma_start3A_15 = arith.constant 0 : i32
    %dma_start3A_16 = tpu.memref_slice %arg2[%dma_start3A_14, %dma_start3A_15] : memref<10000x64xi32, #tpu.memory_space<hbm>> -> memref<10000x64xi32, #tpu.memory_space<hbm>>
    %dma_start3A_17 = tpu.memref_slice %arg12[%dma_start3A_6] : memref<4x!tpu.dma_semaphore, #tpu.memory_space<semaphore_mem>> -> memref<1x!tpu.dma_semaphore, #tpu.memory_space<semaphore_mem>>
    %dma_start3A_18 = tpu.memref_squeeze %dma_start3A_17 : memref<1x!tpu.dma_semaphore, #tpu.memory_space<semaphore_mem>> -> memref<!tpu.dma_semaphore, #tpu.memory_space<semaphore_mem>>
    tpu.enqueue_indirect_dma source(%dma_start3A_16 : memref<10000x64xi32, #tpu.memory_space<hbm>>) target(%dma_start3A_10 : memref<80x64xi32, #tpu.memory_space<vmem>>) offsets(%dma_start3A_13 : memref<80xi32, #tpu.memory_space<vmem>>) semaphore(%dma_start3A_18 : memref<!tpu.dma_semaphore, #tpu.memory_space<semaphore_mem>>)
    %dma_start3A_19 = arith.constant 0 : i32
    %dma_start3A_20 = arith.constant 0 : i32
    %dma_start3A_21 = arith.constant 0 : i32
    %dma_start3A_22 = arith.constant 0 : i32
    %dma_start3A_23 = arith.constant 0 : i32
    %dma_start3A_24 = tpu.memref_slice %arg11[%dma_start3A_20, %dma_start3A_22, %dma_start3A_23] : memref<4x80x64xi32, #tpu.memory_space<vmem>> -> memref<1x80x64xi32, #tpu.memory_space<vmem>>
    %dma_start3A_25 = tpu.memref_squeeze %dma_start3A_24 : memref<1x80x64xi32, #tpu.memory_space<vmem>> -> memref<80x64xi32, #tpu.memory_space<vmem>>
    %dma_start3A_26 = arith.constant 0 : i32
    %dma_start3A_27 = tpu.memref_slice %arg9[%dma_start3A_19, %dma_start3A_26] : memref<125x80xi32, #tpu.memory_space<vmem>> -> memref<1x80xi32, #tpu.memory_space<vmem>>
    %dma_start3A_28 = tpu.memref_squeeze %dma_start3A_27 : memref<1x80xi32, #tpu.memory_space<vmem>> -> memref<80xi32, #tpu.memory_space<vmem>>
    %dma_start3A_29 = arith.constant 0 : i32
    %dma_start3A_30 = arith.constant 0 : i32
    %dma_start3A_31 = tpu.memref_slice %arg3[%dma_start3A_29, %dma_start3A_30] : memref<10000x64xi32, #tpu.memory_space<hbm>> -> memref<10000x64xi32, #tpu.memory_space<hbm>>
    %dma_start3A_32 = tpu.memref_slice %arg13[%dma_start3A_21] : memref<4x!tpu.dma_semaphore, #tpu.memory_space<semaphore_mem>> -> memref<1x!tpu.dma_semaphore, #tpu.memory_space<semaphore_mem>>
    %dma_start3A_33 = tpu.memref_squeeze %dma_start3A_32 : memref<1x!tpu.dma_semaphore, #tpu.memory_space<semaphore_mem>> -> memref<!tpu.dma_semaphore, #tpu.memory_space<semaphore_mem>>
    tpu.enqueue_indirect_dma source(%dma_start3A_31 : memref<10000x64xi32, #tpu.memory_space<hbm>>) target(%dma_start3A_25 : memref<80x64xi32, #tpu.memory_space<vmem>>) offsets(%dma_start3A_28 : memref<80xi32, #tpu.memory_space<vmem>>) semaphore(%dma_start3A_33 : memref<!tpu.dma_semaphore, #tpu.memory_space<semaphore_mem>>)
    %dma_start3A_34 = arith.constant 1 : i32
    %dma_start3A_35 = arith.constant 1 : i32
    %dma_start3A_36 = arith.constant 1 : i32
    %dma_start3A_37 = arith.constant 0 : i32
    %dma_start3A_38 = arith.constant 0 : i32
    %dma_start3A_39 = tpu.memref_slice %arg10[%dma_start3A_35, %dma_start3A_37, %dma_start3A_38] : memref<4x80x64xi32, #tpu.memory_space<vmem>> -> memref<1x80x64xi32, #tpu.memory_space<vmem>>
    %dma_start3A_40 = tpu.memref_squeeze %dma_start3A_39 : memref<1x80x64xi32, #tpu.memory_space<vmem>> -> memref<80x64xi32, #tpu.memory_space<vmem>>
    %dma_start3A_41 = arith.constant 0 : i32
    %dma_start3A_42 = tpu.memref_slice %arg8[%dma_start3A_34, %dma_start3A_41] : memref<125x80xi32, #tpu.memory_space<vmem>> -> memref<1x80xi32, #tpu.memory_space<vmem>>
    %dma_start3A_43 = tpu.memref_squeeze %dma_start3A_42 : memref<1x80xi32, #tpu.memory_space<vmem>> -> memref<80xi32, #tpu.memory_space<vmem>>
    %dma_start3A_44 = arith.constant 0 : i32
    %dma_start3A_45 = arith.constant 0 : i32
    %dma_start3A_46 = tpu.memref_slice %arg2[%dma_start3A_44, %dma_start3A_45] : memref<10000x64xi32, #tpu.memory_space<hbm>> -> memref<10000x64xi32, #tpu.memory_space<hbm>>
    %dma_start3A_47 = tpu.memref_slice %arg12[%dma_start3A_36] : memref<4x!tpu.dma_semaphore, #tpu.memory_space<semaphore_mem>> -> memref<1x!tpu.dma_semaphore, #tpu.memory_space<semaphore_mem>>
    %dma_start3A_48 = tpu.memref_squeeze %dma_start3A_47 : memref<1x!tpu.dma_semaphore, #tpu.memory_space<semaphore_mem>> -> memref<!tpu.dma_semaphore, #tpu.memory_space<semaphore_mem>>
    tpu.enqueue_indirect_dma source(%dma_start3A_46 : memref<10000x64xi32, #tpu.memory_space<hbm>>) target(%dma_start3A_40 : memref<80x64xi32, #tpu.memory_space<vmem>>) offsets(%dma_start3A_43 : memref<80xi32, #tpu.memory_space<vmem>>) semaphore(%dma_start3A_48 : memref<!tpu.dma_semaphore, #tpu.memory_space<semaphore_mem>>)
    %dma_start3A_49 = arith.constant 1 : i32
    %dma_start3A_50 = arith.constant 1 : i32
    %dma_start3A_51 = arith.constant 1 : i32
    %dma_start3A_52 = arith.constant 0 : i32
    %dma_start3A_53 = arith.constant 0 : i32
    %dma_start3A_54 = tpu.memref_slice %arg11[%dma_start3A_50, %dma_start3A_52, %dma_start3A_53] : memref<4x80x64xi32, #tpu.memory_space<vmem>> -> memref<1x80x64xi32, #tpu.memory_space<vmem>>
    %dma_start3A_55 = tpu.memref_squeeze %dma_start3A_54 : memref<1x80x64xi32, #tpu.memory_space<vmem>> -> memref<80x64xi32, #tpu.memory_space<vmem>>
    %dma_start3A_56 = arith.constant 0 : i32
    %dma_start3A_57 = tpu.memref_slice %arg9[%dma_start3A_49, %dma_start3A_56] : memref<125x80xi32, #tpu.memory_space<vmem>> -> memref<1x80xi32, #tpu.memory_space<vmem>>
    %dma_start3A_58 = tpu.memref_squeeze %dma_start3A_57 : memref<1x80xi32, #tpu.memory_space<vmem>> -> memref<80xi32, #tpu.memory_space<vmem>>
    %dma_start3A_59 = arith.constant 0 : i32
    %dma_start3A_60 = arith.constant 0 : i32
    %dma_start3A_61 = tpu.memref_slice %arg3[%dma_start3A_59, %dma_start3A_60] : memref<10000x64xi32, #tpu.memory_space<hbm>> -> memref<10000x64xi32, #tpu.memory_space<hbm>>
    %dma_start3A_62 = tpu.memref_slice %arg13[%dma_start3A_51] : memref<4x!tpu.dma_semaphore, #tpu.memory_space<semaphore_mem>> -> memref<1x!tpu.dma_semaphore, #tpu.memory_space<semaphore_mem>>
    %dma_start3A_63 = tpu.memref_squeeze %dma_start3A_62 : memref<1x!tpu.dma_semaphore, #tpu.memory_space<semaphore_mem>> -> memref<!tpu.dma_semaphore, #tpu.memory_space<semaphore_mem>>
    tpu.enqueue_indirect_dma source(%dma_start3A_61 : memref<10000x64xi32, #tpu.memory_space<hbm>>) target(%dma_start3A_55 : memref<80x64xi32, #tpu.memory_space<vmem>>) offsets(%dma_start3A_58 : memref<80xi32, #tpu.memory_space<vmem>>) semaphore(%dma_start3A_63 : memref<!tpu.dma_semaphore, #tpu.memory_space<semaphore_mem>>)
    %dma_start3A_64 = arith.constant 2 : i32
    %dma_start3A_65 = arith.constant 2 : i32
    %dma_start3A_66 = arith.constant 2 : i32
    %dma_start3A_67 = arith.constant 0 : i32
    %dma_start3A_68 = arith.constant 0 : i32
    %dma_start3A_69 = tpu.memref_slice %arg10[%dma_start3A_65, %dma_start3A_67, %dma_start3A_68] : memref<4x80x64xi32, #tpu.memory_space<vmem>> -> memref<1x80x64xi32, #tpu.memory_space<vmem>>
    %dma_start3A_70 = tpu.memref_squeeze %dma_start3A_69 : memref<1x80x64xi32, #tpu.memory_space<vmem>> -> memref<80x64xi32, #tpu.memory_space<vmem>>
    %dma_start3A_71 = arith.constant 0 : i32
    %dma_start3A_72 = tpu.memref_slice %arg8[%dma_start3A_64, %dma_start3A_71] : memref<125x80xi32, #tpu.memory_space<vmem>> -> memref<1x80xi32, #tpu.memory_space<vmem>>
    %dma_start3A_73 = tpu.memref_squeeze %dma_start3A_72 : memref<1x80xi32, #tpu.memory_space<vmem>> -> memref<80xi32, #tpu.memory_space<vmem>>
    %dma_start3A_74 = arith.constant 0 : i32
    %dma_start3A_75 = arith.constant 0 : i32
    %dma_start3A_76 = tpu.memref_slice %arg2[%dma_start3A_74, %dma_start3A_75] : memref<10000x64xi32, #tpu.memory_space<hbm>> -> memref<10000x64xi32, #tpu.memory_space<hbm>>
    %dma_start3A_77 = tpu.memref_slice %arg12[%dma_start3A_66] : memref<4x!tpu.dma_semaphore, #tpu.memory_space<semaphore_mem>> -> memref<1x!tpu.dma_semaphore, #tpu.memory_space<semaphore_mem>>
    %dma_start3A_78 = tpu.memref_squeeze %dma_start3A_77 : memref<1x!tpu.dma_semaphore, #tpu.memory_space<semaphore_mem>> -> memref<!tpu.dma_semaphore, #tpu.memory_space<semaphore_mem>>
    tpu.enqueue_indirect_dma source(%dma_start3A_76 : memref<10000x64xi32, #tpu.memory_space<hbm>>) target(%dma_start3A_70 : memref<80x64xi32, #tpu.memory_space<vmem>>) offsets(%dma_start3A_73 : memref<80xi32, #tpu.memory_space<vmem>>) semaphore(%dma_start3A_78 : memref<!tpu.dma_semaphore, #tpu.memory_space<semaphore_mem>>)
    %dma_start3A_79 = arith.constant 2 : i32
    %dma_start3A_80 = arith.constant 2 : i32
    %dma_start3A_81 = arith.constant 2 : i32
    %dma_start3A_82 = arith.constant 0 : i32
    %dma_start3A_83 = arith.constant 0 : i32
    %dma_start3A_84 = tpu.memref_slice %arg11[%dma_start3A_80, %dma_start3A_82, %dma_start3A_83] : memref<4x80x64xi32, #tpu.memory_space<vmem>> -> memref<1x80x64xi32, #tpu.memory_space<vmem>>
    %dma_start3A_85 = tpu.memref_squeeze %dma_start3A_84 : memref<1x80x64xi32, #tpu.memory_space<vmem>> -> memref<80x64xi32, #tpu.memory_space<vmem>>
    %dma_start3A_86 = arith.constant 0 : i32
    %dma_start3A_87 = tpu.memref_slice %arg9[%dma_start3A_79, %dma_start3A_86] : memref<125x80xi32, #tpu.memory_space<vmem>> -> memref<1x80xi32, #tpu.memory_space<vmem>>
    %dma_start3A_88 = tpu.memref_squeeze %dma_start3A_87 : memref<1x80xi32, #tpu.memory_space<vmem>> -> memref<80xi32, #tpu.memory_space<vmem>>
    %dma_start3A_89 = arith.constant 0 : i32
    %dma_start3A_90 = arith.constant 0 : i32
    %dma_start3A_91 = tpu.memref_slice %arg3[%dma_start3A_89, %dma_start3A_90] : memref<10000x64xi32, #tpu.memory_space<hbm>> -> memref<10000x64xi32, #tpu.memory_space<hbm>>
    %dma_start3A_92 = tpu.memref_slice %arg13[%dma_start3A_81] : memref<4x!tpu.dma_semaphore, #tpu.memory_space<semaphore_mem>> -> memref<1x!tpu.dma_semaphore, #tpu.memory_space<semaphore_mem>>
    %dma_start3A_93 = tpu.memref_squeeze %dma_start3A_92 : memref<1x!tpu.dma_semaphore, #tpu.memory_space<semaphore_mem>> -> memref<!tpu.dma_semaphore, #tpu.memory_space<semaphore_mem>>
    tpu.enqueue_indirect_dma source(%dma_start3A_91 : memref<10000x64xi32, #tpu.memory_space<hbm>>) target(%dma_start3A_85 : memref<80x64xi32, #tpu.memory_space<vmem>>) offsets(%dma_start3A_88 : memref<80xi32, #tpu.memory_space<vmem>>) semaphore(%dma_start3A_93 : memref<!tpu.dma_semaphore, #tpu.memory_space<semaphore_mem>>)
    %dma_start3A_94 = arith.constant 3 : i32
    %dma_start3A_95 = arith.constant 3 : i32
    %dma_start3A_96 = arith.constant 3 : i32
    %dma_start3A_97 = arith.constant 0 : i32
    %dma_start3A_98 = arith.constant 0 : i32
    %dma_start3A_99 = tpu.memref_slice %arg10[%dma_start3A_95, %dma_start3A_97, %dma_start3A_98] : memref<4x80x64xi32, #tpu.memory_space<vmem>> -> memref<1x80x64xi32, #tpu.memory_space<vmem>>
    %dma_start3A_100 = tpu.memref_squeeze %dma_start3A_99 : memref<1x80x64xi32, #tpu.memory_space<vmem>> -> memref<80x64xi32, #tpu.memory_space<vmem>>
    %dma_start3A_101 = arith.constant 0 : i32
    %dma_start3A_102 = tpu.memref_slice %arg8[%dma_start3A_94, %dma_start3A_101] : memref<125x80xi32, #tpu.memory_space<vmem>> -> memref<1x80xi32, #tpu.memory_space<vmem>>
    %dma_start3A_103 = tpu.memref_squeeze %dma_start3A_102 : memref<1x80xi32, #tpu.memory_space<vmem>> -> memref<80xi32, #tpu.memory_space<vmem>>
    %dma_start3A_104 = arith.constant 0 : i32
    %dma_start3A_105 = arith.constant 0 : i32
    %dma_start3A_106 = tpu.memref_slice %arg2[%dma_start3A_104, %dma_start3A_105] : memref<10000x64xi32, #tpu.memory_space<hbm>> -> memref<10000x64xi32, #tpu.memory_space<hbm>>
    %dma_start3A_107 = tpu.memref_slice %arg12[%dma_start3A_96] : memref<4x!tpu.dma_semaphore, #tpu.memory_space<semaphore_mem>> -> memref<1x!tpu.dma_semaphore, #tpu.memory_space<semaphore_mem>>
    %dma_start3A_108 = tpu.memref_squeeze %dma_start3A_107 : memref<1x!tpu.dma_semaphore, #tpu.memory_space<semaphore_mem>> -> memref<!tpu.dma_semaphore, #tpu.memory_space<semaphore_mem>>
    tpu.enqueue_indirect_dma source(%dma_start3A_106 : memref<10000x64xi32, #tpu.memory_space<hbm>>) target(%dma_start3A_100 : memref<80x64xi32, #tpu.memory_space<vmem>>) offsets(%dma_start3A_103 : memref<80xi32, #tpu.memory_space<vmem>>) semaphore(%dma_start3A_108 : memref<!tpu.dma_semaphore, #tpu.memory_space<semaphore_mem>>)
    %dma_start3A_109 = arith.constant 3 : i32
    %dma_start3A_110 = arith.constant 3 : i32
    %dma_start3A_111 = arith.constant 3 : i32
    %dma_start3A_112 = arith.constant 0 : i32
    %dma_start3A_113 = arith.constant 0 : i32
    %dma_start3A_114 = tpu.memref_slice %arg11[%dma_start3A_110, %dma_start3A_112, %dma_start3A_113] : memref<4x80x64xi32, #tpu.memory_space<vmem>> -> memref<1x80x64xi32, #tpu.memory_space<vmem>>
    %dma_start3A_115 = tpu.memref_squeeze %dma_start3A_114 : memref<1x80x64xi32, #tpu.memory_space<vmem>> -> memref<80x64xi32, #tpu.memory_space<vmem>>
    %dma_start3A_116 = arith.constant 0 : i32
    %dma_start3A_117 = tpu.memref_slice %arg9[%dma_start3A_109, %dma_start3A_116] : memref<125x80xi32, #tpu.memory_space<vmem>> -> memref<1x80xi32, #tpu.memory_space<vmem>>
    %dma_start3A_118 = tpu.memref_squeeze %dma_start3A_117 : memref<1x80xi32, #tpu.memory_space<vmem>> -> memref<80xi32, #tpu.memory_space<vmem>>
    %dma_start3A_119 = arith.constant 0 : i32
    %dma_start3A_120 = arith.constant 0 : i32
    %dma_start3A_121 = tpu.memref_slice %arg3[%dma_start3A_119, %dma_start3A_120] : memref<10000x64xi32, #tpu.memory_space<hbm>> -> memref<10000x64xi32, #tpu.memory_space<hbm>>
    %dma_start3A_122 = tpu.memref_slice %arg13[%dma_start3A_111] : memref<4x!tpu.dma_semaphore, #tpu.memory_space<semaphore_mem>> -> memref<1x!tpu.dma_semaphore, #tpu.memory_space<semaphore_mem>>
    %dma_start3A_123 = tpu.memref_squeeze %dma_start3A_122 : memref<1x!tpu.dma_semaphore, #tpu.memory_space<semaphore_mem>> -> memref<!tpu.dma_semaphore, #tpu.memory_space<semaphore_mem>>
    tpu.enqueue_indirect_dma source(%dma_start3A_121 : memref<10000x64xi32, #tpu.memory_space<hbm>>) target(%dma_start3A_115 : memref<80x64xi32, #tpu.memory_space<vmem>>) offsets(%dma_start3A_118 : memref<80xi32, #tpu.memory_space<vmem>>) semaphore(%dma_start3A_123 : memref<!tpu.dma_semaphore, #tpu.memory_space<semaphore_mem>>)
    %scan3A = arith.constant 0 : i32
    %scan3A_124 = arith.constant 0 : i32
    %scan3A_125 = arith.constant 31 : i32
    %scan3A_126 = arith.addi %scan3A_124, %scan3A_125 : i32
    %scan3A_127 = arith.constant 1 : i32
    scf.for %scan3A_230 = %scan3A_124 to %scan3A_126 step %scan3A_127  : i32 {
      %mul3A_231 = arith.constant 4 : i32
      %mul3A_232 = arith.muli %scan3A_230, %mul3A_231 : i32
      %add3A_233 = arith.constant 0 : i32
      %add3A_234 = arith.addi %mul3A_232, %add3A_233 : i32
      %dma_wait3A_235 = arith.constant 0 : i32
      %dma_wait3A_236 = arith.constant 0 : i32
      %dma_wait3A_237 = arith.constant 0 : i32
      %dma_wait3A_238 = arith.constant 0 : i32
      %dma_wait3A_239 = arith.constant 0 : i32
      %dma_wait3A_240 = tpu.memref_slice %arg10[%dma_wait3A_236, %dma_wait3A_238, %dma_wait3A_239] : memref<4x80x64xi32, #tpu.memory_space<vmem>> -> memref<1x80x64xi32, #tpu.memory_space<vmem>>
      %dma_wait3A_241 = tpu.memref_squeeze %dma_wait3A_240 : memref<1x80x64xi32, #tpu.memory_space<vmem>> -> memref<80x64xi32, #tpu.memory_space<vmem>>
      %dma_wait3A_242 = arith.constant 0 : i32
      %dma_wait3A_243 = tpu.memref_slice %arg8[%dma_wait3A_235, %dma_wait3A_242] : memref<125x80xi32, #tpu.memory_space<vmem>> -> memref<1x80xi32, #tpu.memory_space<vmem>>
      %dma_wait3A_244 = tpu.memref_squeeze %dma_wait3A_243 : memref<1x80xi32, #tpu.memory_space<vmem>> -> memref<80xi32, #tpu.memory_space<vmem>>
      %dma_wait3A_245 = arith.constant 0 : i32
      %dma_wait3A_246 = arith.constant 0 : i32
      %dma_wait3A_247 = tpu.memref_slice %arg2[%dma_wait3A_245, %dma_wait3A_246] : memref<10000x64xi32, #tpu.memory_space<hbm>> -> memref<10000x64xi32, #tpu.memory_space<hbm>>
      %dma_wait3A_248 = tpu.memref_slice %arg12[%dma_wait3A_237] : memref<4x!tpu.dma_semaphore, #tpu.memory_space<semaphore_mem>> -> memref<1x!tpu.dma_semaphore, #tpu.memory_space<semaphore_mem>>
      %dma_wait3A_249 = tpu.memref_squeeze %dma_wait3A_248 : memref<1x!tpu.dma_semaphore, #tpu.memory_space<semaphore_mem>> -> memref<!tpu.dma_semaphore, #tpu.memory_space<semaphore_mem>>
      tpu.wait_indirect_dma semaphore(%dma_wait3A_249 : memref<!tpu.dma_semaphore, #tpu.memory_space<semaphore_mem>>) src(%dma_wait3A_247 : memref<10000x64xi32, #tpu.memory_space<hbm>>) dst(%dma_wait3A_241 : memref<80x64xi32, #tpu.memory_space<vmem>>)
      %dma_wait3A_250 = arith.constant 0 : i32
      %dma_wait3A_251 = arith.constant 0 : i32
      %dma_wait3A_252 = arith.constant 0 : i32
      %dma_wait3A_253 = arith.constant 0 : i32
      %dma_wait3A_254 = arith.constant 0 : i32
      %dma_wait3A_255 = tpu.memref_slice %arg11[%dma_wait3A_251, %dma_wait3A_253, %dma_wait3A_254] : memref<4x80x64xi32, #tpu.memory_space<vmem>> -> memref<1x80x64xi32, #tpu.memory_space<vmem>>
      %dma_wait3A_256 = tpu.memref_squeeze %dma_wait3A_255 : memref<1x80x64xi32, #tpu.memory_space<vmem>> -> memref<80x64xi32, #tpu.memory_space<vmem>>
      %dma_wait3A_257 = arith.constant 0 : i32
      %dma_wait3A_258 = tpu.memref_slice %arg9[%dma_wait3A_250, %dma_wait3A_257] : memref<125x80xi32, #tpu.memory_space<vmem>> -> memref<1x80xi32, #tpu.memory_space<vmem>>
      %dma_wait3A_259 = tpu.memref_squeeze %dma_wait3A_258 : memref<1x80xi32, #tpu.memory_space<vmem>> -> memref<80xi32, #tpu.memory_space<vmem>>
      %dma_wait3A_260 = arith.constant 0 : i32
      %dma_wait3A_261 = arith.constant 0 : i32
      %dma_wait3A_262 = tpu.memref_slice %arg3[%dma_wait3A_260, %dma_wait3A_261] : memref<10000x64xi32, #tpu.memory_space<hbm>> -> memref<10000x64xi32, #tpu.memory_space<hbm>>
      %dma_wait3A_263 = tpu.memref_slice %arg13[%dma_wait3A_252] : memref<4x!tpu.dma_semaphore, #tpu.memory_space<semaphore_mem>> -> memref<1x!tpu.dma_semaphore, #tpu.memory_space<semaphore_mem>>
      %dma_wait3A_264 = tpu.memref_squeeze %dma_wait3A_263 : memref<1x!tpu.dma_semaphore, #tpu.memory_space<semaphore_mem>> -> memref<!tpu.dma_semaphore, #tpu.memory_space<semaphore_mem>>
      tpu.wait_indirect_dma semaphore(%dma_wait3A_264 : memref<!tpu.dma_semaphore, #tpu.memory_space<semaphore_mem>>) src(%dma_wait3A_262 : memref<10000x64xi32, #tpu.memory_space<hbm>>) dst(%dma_wait3A_256 : memref<80x64xi32, #tpu.memory_space<vmem>>)
      %mul3A_265 = arith.constant 10000 : i32
      %mul3A_266 = arith.muli %arg1, %mul3A_265 : i32
      %mul3A_267 = arith.constant 80 : i32
      %mul3A_268 = arith.muli %add3A_234, %mul3A_267 : i32
      %add3A_269 = arith.addi %mul3A_266, %mul3A_268 : i32
      %dma_start3A_270 = arith.constant 0 : i32
      %dma_start3A_271 = arith.constant 0 : i32
      %dma_start3A_272 = arith.constant 0 : i32
      %dma_start3A_273 = arith.constant 0 : i32
      %dma_start3A_274 = tpu.memref_slice %arg10[%dma_start3A_270, %dma_start3A_272, %dma_start3A_273] : memref<4x80x64xi32, #tpu.memory_space<vmem>> -> memref<1x80x64xi32, #tpu.memory_space<vmem>>
      %dma_start3A_275 = tpu.memref_squeeze %dma_start3A_274 : memref<1x80x64xi32, #tpu.memory_space<vmem>> -> memref<80x64xi32, #tpu.memory_space<vmem>>
      %dma_start3A_276 = tpu.memref_slice %arg6[%add3A_269, %mul3A_4] : memref<160000x128xi32, #tpu.memory_space<hbm>> -> memref<80x64xi32, #tpu.memory_space<hbm>>
      %dma_start3A_277 = tpu.memref_slice %arg14[%dma_start3A_271] : memref<4x!tpu.dma_semaphore, #tpu.memory_space<semaphore_mem>> -> memref<1x!tpu.dma_semaphore, #tpu.memory_space<semaphore_mem>>
      %dma_start3A_278 = tpu.memref_squeeze %dma_start3A_277 : memref<1x!tpu.dma_semaphore, #tpu.memory_space<semaphore_mem>> -> memref<!tpu.dma_semaphore, #tpu.memory_space<semaphore_mem>>
      %dma_start3A_279 = tpu.memref_slice %arg6[%add3A_269, %mul3A_4] : memref<160000x128xi32, #tpu.memory_space<hbm>> -> memref<80x64xi32, #tpu.memory_space<hbm>>
      %dma_start3A_280 = arith.constant 0 : i32
      %dma_start3A_281 = arith.constant 0 : i32
      %dma_start3A_282 = tpu.memref_slice %arg10[%dma_start3A_270, %dma_start3A_280, %dma_start3A_281] : memref<4x80x64xi32, #tpu.memory_space<vmem>> -> memref<1x80x64xi32, #tpu.memory_space<vmem>>
      %dma_start3A_283 = tpu.memref_squeeze %dma_start3A_282 : memref<1x80x64xi32, #tpu.memory_space<vmem>> -> memref<80x64xi32, #tpu.memory_space<vmem>>
      tpu.enqueue_dma source(%dma_start3A_283 : memref<80x64xi32, #tpu.memory_space<vmem>>) target(%dma_start3A_279 : memref<80x64xi32, #tpu.memory_space<hbm>>) target_semaphore(%dma_start3A_278 : memref<!tpu.dma_semaphore, #tpu.memory_space<semaphore_mem>>)
      %mul3A_284 = arith.constant 10000 : i32
      %mul3A_285 = arith.muli %arg1, %mul3A_284 : i32
      %mul3A_286 = arith.constant 80 : i32
      %mul3A_287 = arith.muli %add3A_234, %mul3A_286 : i32
      %add3A_288 = arith.addi %mul3A_285, %mul3A_287 : i32
      %dma_start3A_289 = arith.constant 0 : i32
      %dma_start3A_290 = arith.constant 0 : i32
      %dma_start3A_291 = arith.constant 0 : i32
      %dma_start3A_292 = arith.constant 0 : i32
      %dma_start3A_293 = tpu.memref_slice %arg11[%dma_start3A_289, %dma_start3A_291, %dma_start3A_292] : memref<4x80x64xi32, #tpu.memory_space<vmem>> -> memref<1x80x64xi32, #tpu.memory_space<vmem>>
      %dma_start3A_294 = tpu.memref_squeeze %dma_start3A_293 : memref<1x80x64xi32, #tpu.memory_space<vmem>> -> memref<80x64xi32, #tpu.memory_space<vmem>>
      %dma_start3A_295 = tpu.memref_slice %arg7[%add3A_288, %mul3A_4] : memref<160000x128xi32, #tpu.memory_space<hbm>> -> memref<80x64xi32, #tpu.memory_space<hbm>>
      %dma_start3A_296 = tpu.memref_slice %arg15[%dma_start3A_290] : memref<4x!tpu.dma_semaphore, #tpu.memory_space<semaphore_mem>> -> memref<1x!tpu.dma_semaphore, #tpu.memory_space<semaphore_mem>>
      %dma_start3A_297 = tpu.memref_squeeze %dma_start3A_296 : memref<1x!tpu.dma_semaphore, #tpu.memory_space<semaphore_mem>> -> memref<!tpu.dma_semaphore, #tpu.memory_space<semaphore_mem>>
      %dma_start3A_298 = tpu.memref_slice %arg7[%add3A_288, %mul3A_4] : memref<160000x128xi32, #tpu.memory_space<hbm>> -> memref<80x64xi32, #tpu.memory_space<hbm>>
      %dma_start3A_299 = arith.constant 0 : i32
      %dma_start3A_300 = arith.constant 0 : i32
      %dma_start3A_301 = tpu.memref_slice %arg11[%dma_start3A_289, %dma_start3A_299, %dma_start3A_300] : memref<4x80x64xi32, #tpu.memory_space<vmem>> -> memref<1x80x64xi32, #tpu.memory_space<vmem>>
      %dma_start3A_302 = tpu.memref_squeeze %dma_start3A_301 : memref<1x80x64xi32, #tpu.memory_space<vmem>> -> memref<80x64xi32, #tpu.memory_space<vmem>>
      tpu.enqueue_dma source(%dma_start3A_302 : memref<80x64xi32, #tpu.memory_space<vmem>>) target(%dma_start3A_298 : memref<80x64xi32, #tpu.memory_space<hbm>>) target_semaphore(%dma_start3A_297 : memref<!tpu.dma_semaphore, #tpu.memory_space<semaphore_mem>>)
      %mul3A_303 = arith.constant 4 : i32
      %mul3A_304 = arith.muli %scan3A_230, %mul3A_303 : i32
      %add3A_305 = arith.constant 1 : i32
      %add3A_306 = arith.addi %mul3A_304, %add3A_305 : i32
      %dma_wait3A_307 = arith.constant 0 : i32
      %dma_wait3A_308 = arith.constant 1 : i32
      %dma_wait3A_309 = arith.constant 1 : i32
      %dma_wait3A_310 = arith.constant 0 : i32
      %dma_wait3A_311 = arith.constant 0 : i32
      %dma_wait3A_312 = tpu.memref_slice %arg10[%dma_wait3A_308, %dma_wait3A_310, %dma_wait3A_311] : memref<4x80x64xi32, #tpu.memory_space<vmem>> -> memref<1x80x64xi32, #tpu.memory_space<vmem>>
      %dma_wait3A_313 = tpu.memref_squeeze %dma_wait3A_312 : memref<1x80x64xi32, #tpu.memory_space<vmem>> -> memref<80x64xi32, #tpu.memory_space<vmem>>
      %dma_wait3A_314 = arith.constant 0 : i32
      %dma_wait3A_315 = tpu.memref_slice %arg8[%dma_wait3A_307, %dma_wait3A_314] : memref<125x80xi32, #tpu.memory_space<vmem>> -> memref<1x80xi32, #tpu.memory_space<vmem>>
      %dma_wait3A_316 = tpu.memref_squeeze %dma_wait3A_315 : memref<1x80xi32, #tpu.memory_space<vmem>> -> memref<80xi32, #tpu.memory_space<vmem>>
      %dma_wait3A_317 = arith.constant 0 : i32
      %dma_wait3A_318 = arith.constant 0 : i32
      %dma_wait3A_319 = tpu.memref_slice %arg2[%dma_wait3A_317, %dma_wait3A_318] : memref<10000x64xi32, #tpu.memory_space<hbm>> -> memref<10000x64xi32, #tpu.memory_space<hbm>>
      %dma_wait3A_320 = tpu.memref_slice %arg12[%dma_wait3A_309] : memref<4x!tpu.dma_semaphore, #tpu.memory_space<semaphore_mem>> -> memref<1x!tpu.dma_semaphore, #tpu.memory_space<semaphore_mem>>
      %dma_wait3A_321 = tpu.memref_squeeze %dma_wait3A_320 : memref<1x!tpu.dma_semaphore, #tpu.memory_space<semaphore_mem>> -> memref<!tpu.dma_semaphore, #tpu.memory_space<semaphore_mem>>
      tpu.wait_indirect_dma semaphore(%dma_wait3A_321 : memref<!tpu.dma_semaphore, #tpu.memory_space<semaphore_mem>>) src(%dma_wait3A_319 : memref<10000x64xi32, #tpu.memory_space<hbm>>) dst(%dma_wait3A_313 : memref<80x64xi32, #tpu.memory_space<vmem>>)
      %dma_wait3A_322 = arith.constant 0 : i32
      %dma_wait3A_323 = arith.constant 1 : i32
      %dma_wait3A_324 = arith.constant 1 : i32
      %dma_wait3A_325 = arith.constant 0 : i32
      %dma_wait3A_326 = arith.constant 0 : i32
      %dma_wait3A_327 = tpu.memref_slice %arg11[%dma_wait3A_323, %dma_wait3A_325, %dma_wait3A_326] : memref<4x80x64xi32, #tpu.memory_space<vmem>> -> memref<1x80x64xi32, #tpu.memory_space<vmem>>
      %dma_wait3A_328 = tpu.memref_squeeze %dma_wait3A_327 : memref<1x80x64xi32, #tpu.memory_space<vmem>> -> memref<80x64xi32, #tpu.memory_space<vmem>>
      %dma_wait3A_329 = arith.constant 0 : i32
      %dma_wait3A_330 = tpu.memref_slice %arg9[%dma_wait3A_322, %dma_wait3A_329] : memref<125x80xi32, #tpu.memory_space<vmem>> -> memref<1x80xi32, #tpu.memory_space<vmem>>
      %dma_wait3A_331 = tpu.memref_squeeze %dma_wait3A_330 : memref<1x80xi32, #tpu.memory_space<vmem>> -> memref<80xi32, #tpu.memory_space<vmem>>
      %dma_wait3A_332 = arith.constant 0 : i32
      %dma_wait3A_333 = arith.constant 0 : i32
      %dma_wait3A_334 = tpu.memref_slice %arg3[%dma_wait3A_332, %dma_wait3A_333] : memref<10000x64xi32, #tpu.memory_space<hbm>> -> memref<10000x64xi32, #tpu.memory_space<hbm>>
      %dma_wait3A_335 = tpu.memref_slice %arg13[%dma_wait3A_324] : memref<4x!tpu.dma_semaphore, #tpu.memory_space<semaphore_mem>> -> memref<1x!tpu.dma_semaphore, #tpu.memory_space<semaphore_mem>>
      %dma_wait3A_336 = tpu.memref_squeeze %dma_wait3A_335 : memref<1x!tpu.dma_semaphore, #tpu.memory_space<semaphore_mem>> -> memref<!tpu.dma_semaphore, #tpu.memory_space<semaphore_mem>>
      tpu.wait_indirect_dma semaphore(%dma_wait3A_336 : memref<!tpu.dma_semaphore, #tpu.memory_space<semaphore_mem>>) src(%dma_wait3A_334 : memref<10000x64xi32, #tpu.memory_space<hbm>>) dst(%dma_wait3A_328 : memref<80x64xi32, #tpu.memory_space<vmem>>)
      %mul3A_337 = arith.constant 10000 : i32
      %mul3A_338 = arith.muli %arg1, %mul3A_337 : i32
      %mul3A_339 = arith.constant 80 : i32
      %mul3A_340 = arith.muli %add3A_306, %mul3A_339 : i32
      %add3A_341 = arith.addi %mul3A_338, %mul3A_340 : i32
      %dma_start3A_342 = arith.constant 1 : i32
      %dma_start3A_343 = arith.constant 1 : i32
      %dma_start3A_344 = arith.constant 0 : i32
      %dma_start3A_345 = arith.constant 0 : i32
      %dma_start3A_346 = tpu.memref_slice %arg10[%dma_start3A_342, %dma_start3A_344, %dma_start3A_345] : memref<4x80x64xi32, #tpu.memory_space<vmem>> -> memref<1x80x64xi32, #tpu.memory_space<vmem>>
      %dma_start3A_347 = tpu.memref_squeeze %dma_start3A_346 : memref<1x80x64xi32, #tpu.memory_space<vmem>> -> memref<80x64xi32, #tpu.memory_space<vmem>>
      %dma_start3A_348 = tpu.memref_slice %arg6[%add3A_341, %mul3A_4] : memref<160000x128xi32, #tpu.memory_space<hbm>> -> memref<80x64xi32, #tpu.memory_space<hbm>>
      %dma_start3A_349 = tpu.memref_slice %arg14[%dma_start3A_343] : memref<4x!tpu.dma_semaphore, #tpu.memory_space<semaphore_mem>> -> memref<1x!tpu.dma_semaphore, #tpu.memory_space<semaphore_mem>>
      %dma_start3A_350 = tpu.memref_squeeze %dma_start3A_349 : memref<1x!tpu.dma_semaphore, #tpu.memory_space<semaphore_mem>> -> memref<!tpu.dma_semaphore, #tpu.memory_space<semaphore_mem>>
      %dma_start3A_351 = tpu.memref_slice %arg6[%add3A_341, %mul3A_4] : memref<160000x128xi32, #tpu.memory_space<hbm>> -> memref<80x64xi32, #tpu.memory_space<hbm>>
      %dma_start3A_352 = arith.constant 0 : i32
      %dma_start3A_353 = arith.constant 0 : i32
      %dma_start3A_354 = tpu.memref_slice %arg10[%dma_start3A_342, %dma_start3A_352, %dma_start3A_353] : memref<4x80x64xi32, #tpu.memory_space<vmem>> -> memref<1x80x64xi32, #tpu.memory_space<vmem>>
      %dma_start3A_355 = tpu.memref_squeeze %dma_start3A_354 : memref<1x80x64xi32, #tpu.memory_space<vmem>> -> memref<80x64xi32, #tpu.memory_space<vmem>>
      tpu.enqueue_dma source(%dma_start3A_355 : memref<80x64xi32, #tpu.memory_space<vmem>>) target(%dma_start3A_351 : memref<80x64xi32, #tpu.memory_space<hbm>>) target_semaphore(%dma_start3A_350 : memref<!tpu.dma_semaphore, #tpu.memory_space<semaphore_mem>>)
      %mul3A_356 = arith.constant 10000 : i32
      %mul3A_357 = arith.muli %arg1, %mul3A_356 : i32
      %mul3A_358 = arith.constant 80 : i32
      %mul3A_359 = arith.muli %add3A_306, %mul3A_358 : i32
      %add3A_360 = arith.addi %mul3A_357, %mul3A_359 : i32
      %dma_start3A_361 = arith.constant 1 : i32
      %dma_start3A_362 = arith.constant 1 : i32
      %dma_start3A_363 = arith.constant 0 : i32
      %dma_start3A_364 = arith.constant 0 : i32
      %dma_start3A_365 = tpu.memref_slice %arg11[%dma_start3A_361, %dma_start3A_363, %dma_start3A_364] : memref<4x80x64xi32, #tpu.memory_space<vmem>> -> memref<1x80x64xi32, #tpu.memory_space<vmem>>
      %dma_start3A_366 = tpu.memref_squeeze %dma_start3A_365 : memref<1x80x64xi32, #tpu.memory_space<vmem>> -> memref<80x64xi32, #tpu.memory_space<vmem>>
      %dma_start3A_367 = tpu.memref_slice %arg7[%add3A_360, %mul3A_4] : memref<160000x128xi32, #tpu.memory_space<hbm>> -> memref<80x64xi32, #tpu.memory_space<hbm>>
      %dma_start3A_368 = tpu.memref_slice %arg15[%dma_start3A_362] : memref<4x!tpu.dma_semaphore, #tpu.memory_space<semaphore_mem>> -> memref<1x!tpu.dma_semaphore, #tpu.memory_space<semaphore_mem>>
      %dma_start3A_369 = tpu.memref_squeeze %dma_start3A_368 : memref<1x!tpu.dma_semaphore, #tpu.memory_space<semaphore_mem>> -> memref<!tpu.dma_semaphore, #tpu.memory_space<semaphore_mem>>
      %dma_start3A_370 = tpu.memref_slice %arg7[%add3A_360, %mul3A_4] : memref<160000x128xi32, #tpu.memory_space<hbm>> -> memref<80x64xi32, #tpu.memory_space<hbm>>
      %dma_start3A_371 = arith.constant 0 : i32
      %dma_start3A_372 = arith.constant 0 : i32
      %dma_start3A_373 = tpu.memref_slice %arg11[%dma_start3A_361, %dma_start3A_371, %dma_start3A_372] : memref<4x80x64xi32, #tpu.memory_space<vmem>> -> memref<1x80x64xi32, #tpu.memory_space<vmem>>
      %dma_start3A_374 = tpu.memref_squeeze %dma_start3A_373 : memref<1x80x64xi32, #tpu.memory_space<vmem>> -> memref<80x64xi32, #tpu.memory_space<vmem>>
      tpu.enqueue_dma source(%dma_start3A_374 : memref<80x64xi32, #tpu.memory_space<vmem>>) target(%dma_start3A_370 : memref<80x64xi32, #tpu.memory_space<hbm>>) target_semaphore(%dma_start3A_369 : memref<!tpu.dma_semaphore, #tpu.memory_space<semaphore_mem>>)
      %mul3A_375 = arith.constant 4 : i32
      %mul3A_376 = arith.muli %scan3A_230, %mul3A_375 : i32
      %add3A_377 = arith.constant 2 : i32
      %add3A_378 = arith.addi %mul3A_376, %add3A_377 : i32
      %dma_wait3A_379 = arith.constant 0 : i32
      %dma_wait3A_380 = arith.constant 2 : i32
      %dma_wait3A_381 = arith.constant 2 : i32
      %dma_wait3A_382 = arith.constant 0 : i32
      %dma_wait3A_383 = arith.constant 0 : i32
      %dma_wait3A_384 = tpu.memref_slice %arg10[%dma_wait3A_380, %dma_wait3A_382, %dma_wait3A_383] : memref<4x80x64xi32, #tpu.memory_space<vmem>> -> memref<1x80x64xi32, #tpu.memory_space<vmem>>
      %dma_wait3A_385 = tpu.memref_squeeze %dma_wait3A_384 : memref<1x80x64xi32, #tpu.memory_space<vmem>> -> memref<80x64xi32, #tpu.memory_space<vmem>>
      %dma_wait3A_386 = arith.constant 0 : i32
      %dma_wait3A_387 = tpu.memref_slice %arg8[%dma_wait3A_379, %dma_wait3A_386] : memref<125x80xi32, #tpu.memory_space<vmem>> -> memref<1x80xi32, #tpu.memory_space<vmem>>
      %dma_wait3A_388 = tpu.memref_squeeze %dma_wait3A_387 : memref<1x80xi32, #tpu.memory_space<vmem>> -> memref<80xi32, #tpu.memory_space<vmem>>
      %dma_wait3A_389 = arith.constant 0 : i32
      %dma_wait3A_390 = arith.constant 0 : i32
      %dma_wait3A_391 = tpu.memref_slice %arg2[%dma_wait3A_389, %dma_wait3A_390] : memref<10000x64xi32, #tpu.memory_space<hbm>> -> memref<10000x64xi32, #tpu.memory_space<hbm>>
      %dma_wait3A_392 = tpu.memref_slice %arg12[%dma_wait3A_381] : memref<4x!tpu.dma_semaphore, #tpu.memory_space<semaphore_mem>> -> memref<1x!tpu.dma_semaphore, #tpu.memory_space<semaphore_mem>>
      %dma_wait3A_393 = tpu.memref_squeeze %dma_wait3A_392 : memref<1x!tpu.dma_semaphore, #tpu.memory_space<semaphore_mem>> -> memref<!tpu.dma_semaphore, #tpu.memory_space<semaphore_mem>>
      tpu.wait_indirect_dma semaphore(%dma_wait3A_393 : memref<!tpu.dma_semaphore, #tpu.memory_space<semaphore_mem>>) src(%dma_wait3A_391 : memref<10000x64xi32, #tpu.memory_space<hbm>>) dst(%dma_wait3A_385 : memref<80x64xi32, #tpu.memory_space<vmem>>)
      %dma_wait3A_394 = arith.constant 0 : i32
      %dma_wait3A_395 = arith.constant 2 : i32
      %dma_wait3A_396 = arith.constant 2 : i32
      %dma_wait3A_397 = arith.constant 0 : i32
      %dma_wait3A_398 = arith.constant 0 : i32
      %dma_wait3A_399 = tpu.memref_slice %arg11[%dma_wait3A_395, %dma_wait3A_397, %dma_wait3A_398] : memref<4x80x64xi32, #tpu.memory_space<vmem>> -> memref<1x80x64xi32, #tpu.memory_space<vmem>>
      %dma_wait3A_400 = tpu.memref_squeeze %dma_wait3A_399 : memref<1x80x64xi32, #tpu.memory_space<vmem>> -> memref<80x64xi32, #tpu.memory_space<vmem>>
      %dma_wait3A_401 = arith.constant 0 : i32
      %dma_wait3A_402 = tpu.memref_slice %arg9[%dma_wait3A_394, %dma_wait3A_401] : memref<125x80xi32, #tpu.memory_space<vmem>> -> memref<1x80xi32, #tpu.memory_space<vmem>>
      %dma_wait3A_403 = tpu.memref_squeeze %dma_wait3A_402 : memref<1x80xi32, #tpu.memory_space<vmem>> -> memref<80xi32, #tpu.memory_space<vmem>>
      %dma_wait3A_404 = arith.constant 0 : i32
      %dma_wait3A_405 = arith.constant 0 : i32
      %dma_wait3A_406 = tpu.memref_slice %arg3[%dma_wait3A_404, %dma_wait3A_405] : memref<10000x64xi32, #tpu.memory_space<hbm>> -> memref<10000x64xi32, #tpu.memory_space<hbm>>
      %dma_wait3A_407 = tpu.memref_slice %arg13[%dma_wait3A_396] : memref<4x!tpu.dma_semaphore, #tpu.memory_space<semaphore_mem>> -> memref<1x!tpu.dma_semaphore, #tpu.memory_space<semaphore_mem>>
      %dma_wait3A_408 = tpu.memref_squeeze %dma_wait3A_407 : memref<1x!tpu.dma_semaphore, #tpu.memory_space<semaphore_mem>> -> memref<!tpu.dma_semaphore, #tpu.memory_space<semaphore_mem>>
      tpu.wait_indirect_dma semaphore(%dma_wait3A_408 : memref<!tpu.dma_semaphore, #tpu.memory_space<semaphore_mem>>) src(%dma_wait3A_406 : memref<10000x64xi32, #tpu.memory_space<hbm>>) dst(%dma_wait3A_400 : memref<80x64xi32, #tpu.memory_space<vmem>>)
      %mul3A_409 = arith.constant 10000 : i32
      %mul3A_410 = arith.muli %arg1, %mul3A_409 : i32
      %mul3A_411 = arith.constant 80 : i32
      %mul3A_412 = arith.muli %add3A_378, %mul3A_411 : i32
      %add3A_413 = arith.addi %mul3A_410, %mul3A_412 : i32
      %dma_start3A_414 = arith.constant 2 : i32
      %dma_start3A_415 = arith.constant 2 : i32
      %dma_start3A_416 = arith.constant 0 : i32
      %dma_start3A_417 = arith.constant 0 : i32
      %dma_start3A_418 = tpu.memref_slice %arg10[%dma_start3A_414, %dma_start3A_416, %dma_start3A_417] : memref<4x80x64xi32, #tpu.memory_space<vmem>> -> memref<1x80x64xi32, #tpu.memory_space<vmem>>
      %dma_start3A_419 = tpu.memref_squeeze %dma_start3A_418 : memref<1x80x64xi32, #tpu.memory_space<vmem>> -> memref<80x64xi32, #tpu.memory_space<vmem>>
      %dma_start3A_420 = tpu.memref_slice %arg6[%add3A_413, %mul3A_4] : memref<160000x128xi32, #tpu.memory_space<hbm>> -> memref<80x64xi32, #tpu.memory_space<hbm>>
      %dma_start3A_421 = tpu.memref_slice %arg14[%dma_start3A_415] : memref<4x!tpu.dma_semaphore, #tpu.memory_space<semaphore_mem>> -> memref<1x!tpu.dma_semaphore, #tpu.memory_space<semaphore_mem>>
      %dma_start3A_422 = tpu.memref_squeeze %dma_start3A_421 : memref<1x!tpu.dma_semaphore, #tpu.memory_space<semaphore_mem>> -> memref<!tpu.dma_semaphore, #tpu.memory_space<semaphore_mem>>
      %dma_start3A_423 = tpu.memref_slice %arg6[%add3A_413, %mul3A_4] : memref<160000x128xi32, #tpu.memory_space<hbm>> -> memref<80x64xi32, #tpu.memory_space<hbm>>
      %dma_start3A_424 = arith.constant 0 : i32
      %dma_start3A_425 = arith.constant 0 : i32
      %dma_start3A_426 = tpu.memref_slice %arg10[%dma_start3A_414, %dma_start3A_424, %dma_start3A_425] : memref<4x80x64xi32, #tpu.memory_space<vmem>> -> memref<1x80x64xi32, #tpu.memory_space<vmem>>
      %dma_start3A_427 = tpu.memref_squeeze %dma_start3A_426 : memref<1x80x64xi32, #tpu.memory_space<vmem>> -> memref<80x64xi32, #tpu.memory_space<vmem>>
      tpu.enqueue_dma source(%dma_start3A_427 : memref<80x64xi32, #tpu.memory_space<vmem>>) target(%dma_start3A_423 : memref<80x64xi32, #tpu.memory_space<hbm>>) target_semaphore(%dma_start3A_422 : memref<!tpu.dma_semaphore, #tpu.memory_space<semaphore_mem>>)
      %mul3A_428 = arith.constant 10000 : i32
      %mul3A_429 = arith.muli %arg1, %mul3A_428 : i32
      %mul3A_430 = arith.constant 80 : i32
      %mul3A_431 = arith.muli %add3A_378, %mul3A_430 : i32
      %add3A_432 = arith.addi %mul3A_429, %mul3A_431 : i32
      %dma_start3A_433 = arith.constant 2 : i32
      %dma_start3A_434 = arith.constant 2 : i32
      %dma_start3A_435 = arith.constant 0 : i32
      %dma_start3A_436 = arith.constant 0 : i32
      %dma_start3A_437 = tpu.memref_slice %arg11[%dma_start3A_433, %dma_start3A_435, %dma_start3A_436] : memref<4x80x64xi32, #tpu.memory_space<vmem>> -> memref<1x80x64xi32, #tpu.memory_space<vmem>>
      %dma_start3A_438 = tpu.memref_squeeze %dma_start3A_437 : memref<1x80x64xi32, #tpu.memory_space<vmem>> -> memref<80x64xi32, #tpu.memory_space<vmem>>
      %dma_start3A_439 = tpu.memref_slice %arg7[%add3A_432, %mul3A_4] : memref<160000x128xi32, #tpu.memory_space<hbm>> -> memref<80x64xi32, #tpu.memory_space<hbm>>
      %dma_start3A_440 = tpu.memref_slice %arg15[%dma_start3A_434] : memref<4x!tpu.dma_semaphore, #tpu.memory_space<semaphore_mem>> -> memref<1x!tpu.dma_semaphore, #tpu.memory_space<semaphore_mem>>
      %dma_start3A_441 = tpu.memref_squeeze %dma_start3A_440 : memref<1x!tpu.dma_semaphore, #tpu.memory_space<semaphore_mem>> -> memref<!tpu.dma_semaphore, #tpu.memory_space<semaphore_mem>>
      %dma_start3A_442 = tpu.memref_slice %arg7[%add3A_432, %mul3A_4] : memref<160000x128xi32, #tpu.memory_space<hbm>> -> memref<80x64xi32, #tpu.memory_space<hbm>>
      %dma_start3A_443 = arith.constant 0 : i32
      %dma_start3A_444 = arith.constant 0 : i32
      %dma_start3A_445 = tpu.memref_slice %arg11[%dma_start3A_433, %dma_start3A_443, %dma_start3A_444] : memref<4x80x64xi32, #tpu.memory_space<vmem>> -> memref<1x80x64xi32, #tpu.memory_space<vmem>>
      %dma_start3A_446 = tpu.memref_squeeze %dma_start3A_445 : memref<1x80x64xi32, #tpu.memory_space<vmem>> -> memref<80x64xi32, #tpu.memory_space<vmem>>
      tpu.enqueue_dma source(%dma_start3A_446 : memref<80x64xi32, #tpu.memory_space<vmem>>) target(%dma_start3A_442 : memref<80x64xi32, #tpu.memory_space<hbm>>) target_semaphore(%dma_start3A_441 : memref<!tpu.dma_semaphore, #tpu.memory_space<semaphore_mem>>)
      %mul3A_447 = arith.constant 4 : i32
      %mul3A_448 = arith.muli %scan3A_230, %mul3A_447 : i32
      %add3A_449 = arith.constant 3 : i32
      %add3A_450 = arith.addi %mul3A_448, %add3A_449 : i32
      %dma_wait3A_451 = arith.constant 0 : i32
      %dma_wait3A_452 = arith.constant 3 : i32
      %dma_wait3A_453 = arith.constant 3 : i32
      %dma_wait3A_454 = arith.constant 0 : i32
      %dma_wait3A_455 = arith.constant 0 : i32
      %dma_wait3A_456 = tpu.memref_slice %arg10[%dma_wait3A_452, %dma_wait3A_454, %dma_wait3A_455] : memref<4x80x64xi32, #tpu.memory_space<vmem>> -> memref<1x80x64xi32, #tpu.memory_space<vmem>>
      %dma_wait3A_457 = tpu.memref_squeeze %dma_wait3A_456 : memref<1x80x64xi32, #tpu.memory_space<vmem>> -> memref<80x64xi32, #tpu.memory_space<vmem>>
      %dma_wait3A_458 = arith.constant 0 : i32
      %dma_wait3A_459 = tpu.memref_slice %arg8[%dma_wait3A_451, %dma_wait3A_458] : memref<125x80xi32, #tpu.memory_space<vmem>> -> memref<1x80xi32, #tpu.memory_space<vmem>>
      %dma_wait3A_460 = tpu.memref_squeeze %dma_wait3A_459 : memref<1x80xi32, #tpu.memory_space<vmem>> -> memref<80xi32, #tpu.memory_space<vmem>>
      %dma_wait3A_461 = arith.constant 0 : i32
      %dma_wait3A_462 = arith.constant 0 : i32
      %dma_wait3A_463 = tpu.memref_slice %arg2[%dma_wait3A_461, %dma_wait3A_462] : memref<10000x64xi32, #tpu.memory_space<hbm>> -> memref<10000x64xi32, #tpu.memory_space<hbm>>
      %dma_wait3A_464 = tpu.memref_slice %arg12[%dma_wait3A_453] : memref<4x!tpu.dma_semaphore, #tpu.memory_space<semaphore_mem>> -> memref<1x!tpu.dma_semaphore, #tpu.memory_space<semaphore_mem>>
      %dma_wait3A_465 = tpu.memref_squeeze %dma_wait3A_464 : memref<1x!tpu.dma_semaphore, #tpu.memory_space<semaphore_mem>> -> memref<!tpu.dma_semaphore, #tpu.memory_space<semaphore_mem>>
      tpu.wait_indirect_dma semaphore(%dma_wait3A_465 : memref<!tpu.dma_semaphore, #tpu.memory_space<semaphore_mem>>) src(%dma_wait3A_463 : memref<10000x64xi32, #tpu.memory_space<hbm>>) dst(%dma_wait3A_457 : memref<80x64xi32, #tpu.memory_space<vmem>>)
      %dma_wait3A_466 = arith.constant 0 : i32
      %dma_wait3A_467 = arith.constant 3 : i32
      %dma_wait3A_468 = arith.constant 3 : i32
      %dma_wait3A_469 = arith.constant 0 : i32
      %dma_wait3A_470 = arith.constant 0 : i32
      %dma_wait3A_471 = tpu.memref_slice %arg11[%dma_wait3A_467, %dma_wait3A_469, %dma_wait3A_470] : memref<4x80x64xi32, #tpu.memory_space<vmem>> -> memref<1x80x64xi32, #tpu.memory_space<vmem>>
      %dma_wait3A_472 = tpu.memref_squeeze %dma_wait3A_471 : memref<1x80x64xi32, #tpu.memory_space<vmem>> -> memref<80x64xi32, #tpu.memory_space<vmem>>
      %dma_wait3A_473 = arith.constant 0 : i32
      %dma_wait3A_474 = tpu.memref_slice %arg9[%dma_wait3A_466, %dma_wait3A_473] : memref<125x80xi32, #tpu.memory_space<vmem>> -> memref<1x80xi32, #tpu.memory_space<vmem>>
      %dma_wait3A_475 = tpu.memref_squeeze %dma_wait3A_474 : memref<1x80xi32, #tpu.memory_space<vmem>> -> memref<80xi32, #tpu.memory_space<vmem>>
      %dma_wait3A_476 = arith.constant 0 : i32
      %dma_wait3A_477 = arith.constant 0 : i32
      %dma_wait3A_478 = tpu.memref_slice %arg3[%dma_wait3A_476, %dma_wait3A_477] : memref<10000x64xi32, #tpu.memory_space<hbm>> -> memref<10000x64xi32, #tpu.memory_space<hbm>>
      %dma_wait3A_479 = tpu.memref_slice %arg13[%dma_wait3A_468] : memref<4x!tpu.dma_semaphore, #tpu.memory_space<semaphore_mem>> -> memref<1x!tpu.dma_semaphore, #tpu.memory_space<semaphore_mem>>
      %dma_wait3A_480 = tpu.memref_squeeze %dma_wait3A_479 : memref<1x!tpu.dma_semaphore, #tpu.memory_space<semaphore_mem>> -> memref<!tpu.dma_semaphore, #tpu.memory_space<semaphore_mem>>
      tpu.wait_indirect_dma semaphore(%dma_wait3A_480 : memref<!tpu.dma_semaphore, #tpu.memory_space<semaphore_mem>>) src(%dma_wait3A_478 : memref<10000x64xi32, #tpu.memory_space<hbm>>) dst(%dma_wait3A_472 : memref<80x64xi32, #tpu.memory_space<vmem>>)
      %mul3A_481 = arith.constant 10000 : i32
      %mul3A_482 = arith.muli %arg1, %mul3A_481 : i32
      %mul3A_483 = arith.constant 80 : i32
      %mul3A_484 = arith.muli %add3A_450, %mul3A_483 : i32
      %add3A_485 = arith.addi %mul3A_482, %mul3A_484 : i32
      %dma_start3A_486 = arith.constant 3 : i32
      %dma_start3A_487 = arith.constant 3 : i32
      %dma_start3A_488 = arith.constant 0 : i32
      %dma_start3A_489 = arith.constant 0 : i32
      %dma_start3A_490 = tpu.memref_slice %arg10[%dma_start3A_486, %dma_start3A_488, %dma_start3A_489] : memref<4x80x64xi32, #tpu.memory_space<vmem>> -> memref<1x80x64xi32, #tpu.memory_space<vmem>>
      %dma_start3A_491 = tpu.memref_squeeze %dma_start3A_490 : memref<1x80x64xi32, #tpu.memory_space<vmem>> -> memref<80x64xi32, #tpu.memory_space<vmem>>
      %dma_start3A_492 = tpu.memref_slice %arg6[%add3A_485, %mul3A_4] : memref<160000x128xi32, #tpu.memory_space<hbm>> -> memref<80x64xi32, #tpu.memory_space<hbm>>
      %dma_start3A_493 = tpu.memref_slice %arg14[%dma_start3A_487] : memref<4x!tpu.dma_semaphore, #tpu.memory_space<semaphore_mem>> -> memref<1x!tpu.dma_semaphore, #tpu.memory_space<semaphore_mem>>
      %dma_start3A_494 = tpu.memref_squeeze %dma_start3A_493 : memref<1x!tpu.dma_semaphore, #tpu.memory_space<semaphore_mem>> -> memref<!tpu.dma_semaphore, #tpu.memory_space<semaphore_mem>>
      %dma_start3A_495 = tpu.memref_slice %arg6[%add3A_485, %mul3A_4] : memref<160000x128xi32, #tpu.memory_space<hbm>> -> memref<80x64xi32, #tpu.memory_space<hbm>>
      %dma_start3A_496 = arith.constant 0 : i32
      %dma_start3A_497 = arith.constant 0 : i32
      %dma_start3A_498 = tpu.memref_slice %arg10[%dma_start3A_486, %dma_start3A_496, %dma_start3A_497] : memref<4x80x64xi32, #tpu.memory_space<vmem>> -> memref<1x80x64xi32, #tpu.memory_space<vmem>>
      %dma_start3A_499 = tpu.memref_squeeze %dma_start3A_498 : memref<1x80x64xi32, #tpu.memory_space<vmem>> -> memref<80x64xi32, #tpu.memory_space<vmem>>
      tpu.enqueue_dma source(%dma_start3A_499 : memref<80x64xi32, #tpu.memory_space<vmem>>) target(%dma_start3A_495 : memref<80x64xi32, #tpu.memory_space<hbm>>) target_semaphore(%dma_start3A_494 : memref<!tpu.dma_semaphore, #tpu.memory_space<semaphore_mem>>)
      %mul3A_500 = arith.constant 10000 : i32
      %mul3A_501 = arith.muli %arg1, %mul3A_500 : i32
      %mul3A_502 = arith.constant 80 : i32
      %mul3A_503 = arith.muli %add3A_450, %mul3A_502 : i32
      %add3A_504 = arith.addi %mul3A_501, %mul3A_503 : i32
      %dma_start3A_505 = arith.constant 3 : i32
      %dma_start3A_506 = arith.constant 3 : i32
      %dma_start3A_507 = arith.constant 0 : i32
      %dma_start3A_508 = arith.constant 0 : i32
      %dma_start3A_509 = tpu.memref_slice %arg11[%dma_start3A_505, %dma_start3A_507, %dma_start3A_508] : memref<4x80x64xi32, #tpu.memory_space<vmem>> -> memref<1x80x64xi32, #tpu.memory_space<vmem>>
      %dma_start3A_510 = tpu.memref_squeeze %dma_start3A_509 : memref<1x80x64xi32, #tpu.memory_space<vmem>> -> memref<80x64xi32, #tpu.memory_space<vmem>>
      %dma_start3A_511 = tpu.memref_slice %arg7[%add3A_504, %mul3A_4] : memref<160000x128xi32, #tpu.memory_space<hbm>> -> memref<80x64xi32, #tpu.memory_space<hbm>>
      %dma_start3A_512 = tpu.memref_slice %arg15[%dma_start3A_506] : memref<4x!tpu.dma_semaphore, #tpu.memory_space<semaphore_mem>> -> memref<1x!tpu.dma_semaphore, #tpu.memory_space<semaphore_mem>>
      %dma_start3A_513 = tpu.memref_squeeze %dma_start3A_512 : memref<1x!tpu.dma_semaphore, #tpu.memory_space<semaphore_mem>> -> memref<!tpu.dma_semaphore, #tpu.memory_space<semaphore_mem>>
      %dma_start3A_514 = tpu.memref_slice %arg7[%add3A_504, %mul3A_4] : memref<160000x128xi32, #tpu.memory_space<hbm>> -> memref<80x64xi32, #tpu.memory_space<hbm>>
      %dma_start3A_515 = arith.constant 0 : i32
      %dma_start3A_516 = arith.constant 0 : i32
      %dma_start3A_517 = tpu.memref_slice %arg11[%dma_start3A_505, %dma_start3A_515, %dma_start3A_516] : memref<4x80x64xi32, #tpu.memory_space<vmem>> -> memref<1x80x64xi32, #tpu.memory_space<vmem>>
      %dma_start3A_518 = tpu.memref_squeeze %dma_start3A_517 : memref<1x80x64xi32, #tpu.memory_space<vmem>> -> memref<80x64xi32, #tpu.memory_space<vmem>>
      tpu.enqueue_dma source(%dma_start3A_518 : memref<80x64xi32, #tpu.memory_space<vmem>>) target(%dma_start3A_514 : memref<80x64xi32, #tpu.memory_space<hbm>>) target_semaphore(%dma_start3A_513 : memref<!tpu.dma_semaphore, #tpu.memory_space<semaphore_mem>>)
      %mul3A_519 = arith.constant 4 : i32
      %mul3A_520 = arith.muli %scan3A_230, %mul3A_519 : i32
      %add3A_521 = arith.constant 0 : i32
      %add3A_522 = arith.addi %mul3A_520, %add3A_521 : i32
      %add3A_523 = arith.constant 4 : i32
      %add3A_524 = arith.addi %add3A_522, %add3A_523 : i32
      %mul3A_525 = arith.constant 10000 : i32
      %mul3A_526 = arith.muli %arg1, %mul3A_525 : i32
      %add3A_527 = arith.constant 0 : i32
      %add3A_528 = arith.addi %mul3A_526, %add3A_527 : i32
      %dma_wait3A_529 = arith.constant 0 : i32
      %dma_wait3A_530 = arith.constant 0 : i32
      %dma_wait3A_531 = arith.constant 0 : i32
      %dma_wait3A_532 = arith.constant 0 : i32
      %dma_wait3A_533 = tpu.memref_slice %arg10[%dma_wait3A_529, %dma_wait3A_531, %dma_wait3A_532] : memref<4x80x64xi32, #tpu.memory_space<vmem>> -> memref<1x80x64xi32, #tpu.memory_space<vmem>>
      %dma_wait3A_534 = tpu.memref_squeeze %dma_wait3A_533 : memref<1x80x64xi32, #tpu.memory_space<vmem>> -> memref<80x64xi32, #tpu.memory_space<vmem>>
      %dma_wait3A_535 = tpu.memref_slice %arg6[%add3A_528, %mul3A_4] : memref<160000x128xi32, #tpu.memory_space<hbm>> -> memref<80x64xi32, #tpu.memory_space<hbm>>
      %dma_wait3A_536 = tpu.memref_slice %arg14[%dma_wait3A_530] : memref<4x!tpu.dma_semaphore, #tpu.memory_space<semaphore_mem>> -> memref<1x!tpu.dma_semaphore, #tpu.memory_space<semaphore_mem>>
      %dma_wait3A_537 = tpu.memref_squeeze %dma_wait3A_536 : memref<1x!tpu.dma_semaphore, #tpu.memory_space<semaphore_mem>> -> memref<!tpu.dma_semaphore, #tpu.memory_space<semaphore_mem>>
      %dma_wait3A_538 = tpu.memref_slice %arg6[%add3A_528, %mul3A_4] : memref<160000x128xi32, #tpu.memory_space<hbm>> -> memref<80x64xi32, #tpu.memory_space<hbm>>
      %dma_wait3A_539 = arith.constant 0 : i32
      %dma_wait3A_540 = arith.constant 0 : i32
      %dma_wait3A_541 = tpu.memref_slice %arg10[%dma_wait3A_529, %dma_wait3A_539, %dma_wait3A_540] : memref<4x80x64xi32, #tpu.memory_space<vmem>> -> memref<1x80x64xi32, #tpu.memory_space<vmem>>
      %dma_wait3A_542 = tpu.memref_squeeze %dma_wait3A_541 : memref<1x80x64xi32, #tpu.memory_space<vmem>> -> memref<80x64xi32, #tpu.memory_space<vmem>>
      tpu.wait_dma2 semaphore(%dma_wait3A_537 : memref<!tpu.dma_semaphore, #tpu.memory_space<semaphore_mem>>) src(%dma_wait3A_542 : memref<80x64xi32, #tpu.memory_space<vmem>>) dst(%dma_wait3A_538 : memref<80x64xi32, #tpu.memory_space<hbm>>)
      %mul3A_543 = arith.constant 10000 : i32
      %mul3A_544 = arith.muli %arg1, %mul3A_543 : i32
      %add3A_545 = arith.constant 0 : i32
      %add3A_546 = arith.addi %mul3A_544, %add3A_545 : i32
      %dma_wait3A_547 = arith.constant 0 : i32
      %dma_wait3A_548 = arith.constant 0 : i32
      %dma_wait3A_549 = arith.constant 0 : i32
      %dma_wait3A_550 = arith.constant 0 : i32
      %dma_wait3A_551 = tpu.memref_slice %arg11[%dma_wait3A_547, %dma_wait3A_549, %dma_wait3A_550] : memref<4x80x64xi32, #tpu.memory_space<vmem>> -> memref<1x80x64xi32, #tpu.memory_space<vmem>>
      %dma_wait3A_552 = tpu.memref_squeeze %dma_wait3A_551 : memref<1x80x64xi32, #tpu.memory_space<vmem>> -> memref<80x64xi32, #tpu.memory_space<vmem>>
      %dma_wait3A_553 = tpu.memref_slice %arg7[%add3A_546, %mul3A_4] : memref<160000x128xi32, #tpu.memory_space<hbm>> -> memref<80x64xi32, #tpu.memory_space<hbm>>
      %dma_wait3A_554 = tpu.memref_slice %arg15[%dma_wait3A_548] : memref<4x!tpu.dma_semaphore, #tpu.memory_space<semaphore_mem>> -> memref<1x!tpu.dma_semaphore, #tpu.memory_space<semaphore_mem>>
      %dma_wait3A_555 = tpu.memref_squeeze %dma_wait3A_554 : memref<1x!tpu.dma_semaphore, #tpu.memory_space<semaphore_mem>> -> memref<!tpu.dma_semaphore, #tpu.memory_space<semaphore_mem>>
      %dma_wait3A_556 = tpu.memref_slice %arg7[%add3A_546, %mul3A_4] : memref<160000x128xi32, #tpu.memory_space<hbm>> -> memref<80x64xi32, #tpu.memory_space<hbm>>
      %dma_wait3A_557 = arith.constant 0 : i32
      %dma_wait3A_558 = arith.constant 0 : i32
      %dma_wait3A_559 = tpu.memref_slice %arg11[%dma_wait3A_547, %dma_wait3A_557, %dma_wait3A_558] : memref<4x80x64xi32, #tpu.memory_space<vmem>> -> memref<1x80x64xi32, #tpu.memory_space<vmem>>
      %dma_wait3A_560 = tpu.memref_squeeze %dma_wait3A_559 : memref<1x80x64xi32, #tpu.memory_space<vmem>> -> memref<80x64xi32, #tpu.memory_space<vmem>>
      tpu.wait_dma2 semaphore(%dma_wait3A_555 : memref<!tpu.dma_semaphore, #tpu.memory_space<semaphore_mem>>) src(%dma_wait3A_560 : memref<80x64xi32, #tpu.memory_space<vmem>>) dst(%dma_wait3A_556 : memref<80x64xi32, #tpu.memory_space<hbm>>)
      %lt3A = arith.constant 125 : i32
      %lt3A_561 = arith.cmpi slt, %add3A_524, %lt3A : i32
      %convert_element_type3A = arith.extui %lt3A_561 : i1 to i32
      %cond3A = arith.constant 0 : i32
      %cond3A_562 = arith.cmpi ne, %convert_element_type3A, %cond3A : i32
      scf.if %cond3A_562 {
        %dma_start3A_704 = arith.constant 0 : i32
        %dma_start3A_705 = arith.constant 0 : i32
        %dma_start3A_706 = arith.constant 0 : i32
        %dma_start3A_707 = arith.constant 0 : i32
        %dma_start3A_708 = tpu.memref_slice %arg10[%dma_start3A_704, %dma_start3A_706, %dma_start3A_707] : memref<4x80x64xi32, #tpu.memory_space<vmem>> -> memref<1x80x64xi32, #tpu.memory_space<vmem>>
        %dma_start3A_709 = tpu.memref_squeeze %dma_start3A_708 : memref<1x80x64xi32, #tpu.memory_space<vmem>> -> memref<80x64xi32, #tpu.memory_space<vmem>>
        %dma_start3A_710 = arith.constant 0 : i32
        %dma_start3A_711 = tpu.memref_slice %arg8[%add3A_524, %dma_start3A_710] : memref<125x80xi32, #tpu.memory_space<vmem>> -> memref<1x80xi32, #tpu.memory_space<vmem>>
        %dma_start3A_712 = tpu.memref_squeeze %dma_start3A_711 : memref<1x80xi32, #tpu.memory_space<vmem>> -> memref<80xi32, #tpu.memory_space<vmem>>
        %dma_start3A_713 = arith.constant 0 : i32
        %dma_start3A_714 = arith.constant 0 : i32
        %dma_start3A_715 = tpu.memref_slice %arg2[%dma_start3A_713, %dma_start3A_714] : memref<10000x64xi32, #tpu.memory_space<hbm>> -> memref<10000x64xi32, #tpu.memory_space<hbm>>
        %dma_start3A_716 = tpu.memref_slice %arg12[%dma_start3A_705] : memref<4x!tpu.dma_semaphore, #tpu.memory_space<semaphore_mem>> -> memref<1x!tpu.dma_semaphore, #tpu.memory_space<semaphore_mem>>
        %dma_start3A_717 = tpu.memref_squeeze %dma_start3A_716 : memref<1x!tpu.dma_semaphore, #tpu.memory_space<semaphore_mem>> -> memref<!tpu.dma_semaphore, #tpu.memory_space<semaphore_mem>>
        tpu.enqueue_indirect_dma source(%dma_start3A_715 : memref<10000x64xi32, #tpu.memory_space<hbm>>) target(%dma_start3A_709 : memref<80x64xi32, #tpu.memory_space<vmem>>) offsets(%dma_start3A_712 : memref<80xi32, #tpu.memory_space<vmem>>) semaphore(%dma_start3A_717 : memref<!tpu.dma_semaphore, #tpu.memory_space<semaphore_mem>>)
        %dma_start3A_718 = arith.constant 0 : i32
        %dma_start3A_719 = arith.constant 0 : i32
        %dma_start3A_720 = arith.constant 0 : i32
        %dma_start3A_721 = arith.constant 0 : i32
        %dma_start3A_722 = tpu.memref_slice %arg11[%dma_start3A_718, %dma_start3A_720, %dma_start3A_721] : memref<4x80x64xi32, #tpu.memory_space<vmem>> -> memref<1x80x64xi32, #tpu.memory_space<vmem>>
        %dma_start3A_723 = tpu.memref_squeeze %dma_start3A_722 : memref<1x80x64xi32, #tpu.memory_space<vmem>> -> memref<80x64xi32, #tpu.memory_space<vmem>>
        %dma_start3A_724 = arith.constant 0 : i32
        %dma_start3A_725 = tpu.memref_slice %arg9[%add3A_524, %dma_start3A_724] : memref<125x80xi32, #tpu.memory_space<vmem>> -> memref<1x80xi32, #tpu.memory_space<vmem>>
        %dma_start3A_726 = tpu.memref_squeeze %dma_start3A_725 : memref<1x80xi32, #tpu.memory_space<vmem>> -> memref<80xi32, #tpu.memory_space<vmem>>
        %dma_start3A_727 = arith.constant 0 : i32
        %dma_start3A_728 = arith.constant 0 : i32
        %dma_start3A_729 = tpu.memref_slice %arg3[%dma_start3A_727, %dma_start3A_728] : memref<10000x64xi32, #tpu.memory_space<hbm>> -> memref<10000x64xi32, #tpu.memory_space<hbm>>
        %dma_start3A_730 = tpu.memref_slice %arg13[%dma_start3A_719] : memref<4x!tpu.dma_semaphore, #tpu.memory_space<semaphore_mem>> -> memref<1x!tpu.dma_semaphore, #tpu.memory_space<semaphore_mem>>
        %dma_start3A_731 = tpu.memref_squeeze %dma_start3A_730 : memref<1x!tpu.dma_semaphore, #tpu.memory_space<semaphore_mem>> -> memref<!tpu.dma_semaphore, #tpu.memory_space<semaphore_mem>>
        tpu.enqueue_indirect_dma source(%dma_start3A_729 : memref<10000x64xi32, #tpu.memory_space<hbm>>) target(%dma_start3A_723 : memref<80x64xi32, #tpu.memory_space<vmem>>) offsets(%dma_start3A_726 : memref<80xi32, #tpu.memory_space<vmem>>) semaphore(%dma_start3A_731 : memref<!tpu.dma_semaphore, #tpu.memory_space<semaphore_mem>>)
      } else {
      }
      %mul3A_563 = arith.constant 4 : i32
      %mul3A_564 = arith.muli %scan3A_230, %mul3A_563 : i32
      %add3A_565 = arith.constant 1 : i32
      %add3A_566 = arith.addi %mul3A_564, %add3A_565 : i32
      %add3A_567 = arith.constant 4 : i32
      %add3A_568 = arith.addi %add3A_566, %add3A_567 : i32
      %mul3A_569 = arith.constant 10000 : i32
      %mul3A_570 = arith.muli %arg1, %mul3A_569 : i32
      %add3A_571 = arith.constant 0 : i32
      %add3A_572 = arith.addi %mul3A_570, %add3A_571 : i32
      %dma_wait3A_573 = arith.constant 1 : i32
      %dma_wait3A_574 = arith.constant 1 : i32
      %dma_wait3A_575 = arith.constant 0 : i32
      %dma_wait3A_576 = arith.constant 0 : i32
      %dma_wait3A_577 = tpu.memref_slice %arg10[%dma_wait3A_573, %dma_wait3A_575, %dma_wait3A_576] : memref<4x80x64xi32, #tpu.memory_space<vmem>> -> memref<1x80x64xi32, #tpu.memory_space<vmem>>
      %dma_wait3A_578 = tpu.memref_squeeze %dma_wait3A_577 : memref<1x80x64xi32, #tpu.memory_space<vmem>> -> memref<80x64xi32, #tpu.memory_space<vmem>>
      %dma_wait3A_579 = tpu.memref_slice %arg6[%add3A_572, %mul3A_4] : memref<160000x128xi32, #tpu.memory_space<hbm>> -> memref<80x64xi32, #tpu.memory_space<hbm>>
      %dma_wait3A_580 = tpu.memref_slice %arg14[%dma_wait3A_574] : memref<4x!tpu.dma_semaphore, #tpu.memory_space<semaphore_mem>> -> memref<1x!tpu.dma_semaphore, #tpu.memory_space<semaphore_mem>>
      %dma_wait3A_581 = tpu.memref_squeeze %dma_wait3A_580 : memref<1x!tpu.dma_semaphore, #tpu.memory_space<semaphore_mem>> -> memref<!tpu.dma_semaphore, #tpu.memory_space<semaphore_mem>>
      %dma_wait3A_582 = tpu.memref_slice %arg6[%add3A_572, %mul3A_4] : memref<160000x128xi32, #tpu.memory_space<hbm>> -> memref<80x64xi32, #tpu.memory_space<hbm>>
      %dma_wait3A_583 = arith.constant 0 : i32
      %dma_wait3A_584 = arith.constant 0 : i32
      %dma_wait3A_585 = tpu.memref_slice %arg10[%dma_wait3A_573, %dma_wait3A_583, %dma_wait3A_584] : memref<4x80x64xi32, #tpu.memory_space<vmem>> -> memref<1x80x64xi32, #tpu.memory_space<vmem>>
      %dma_wait3A_586 = tpu.memref_squeeze %dma_wait3A_585 : memref<1x80x64xi32, #tpu.memory_space<vmem>> -> memref<80x64xi32, #tpu.memory_space<vmem>>
      tpu.wait_dma2 semaphore(%dma_wait3A_581 : memref<!tpu.dma_semaphore, #tpu.memory_space<semaphore_mem>>) src(%dma_wait3A_586 : memref<80x64xi32, #tpu.memory_space<vmem>>) dst(%dma_wait3A_582 : memref<80x64xi32, #tpu.memory_space<hbm>>)
      %mul3A_587 = arith.constant 10000 : i32
      %mul3A_588 = arith.muli %arg1, %mul3A_587 : i32
      %add3A_589 = arith.constant 0 : i32
      %add3A_590 = arith.addi %mul3A_588, %add3A_589 : i32
      %dma_wait3A_591 = arith.constant 1 : i32
      %dma_wait3A_592 = arith.constant 1 : i32
      %dma_wait3A_593 = arith.constant 0 : i32
      %dma_wait3A_594 = arith.constant 0 : i32
      %dma_wait3A_595 = tpu.memref_slice %arg11[%dma_wait3A_591, %dma_wait3A_593, %dma_wait3A_594] : memref<4x80x64xi32, #tpu.memory_space<vmem>> -> memref<1x80x64xi32, #tpu.memory_space<vmem>>
      %dma_wait3A_596 = tpu.memref_squeeze %dma_wait3A_595 : memref<1x80x64xi32, #tpu.memory_space<vmem>> -> memref<80x64xi32, #tpu.memory_space<vmem>>
      %dma_wait3A_597 = tpu.memref_slice %arg7[%add3A_590, %mul3A_4] : memref<160000x128xi32, #tpu.memory_space<hbm>> -> memref<80x64xi32, #tpu.memory_space<hbm>>
      %dma_wait3A_598 = tpu.memref_slice %arg15[%dma_wait3A_592] : memref<4x!tpu.dma_semaphore, #tpu.memory_space<semaphore_mem>> -> memref<1x!tpu.dma_semaphore, #tpu.memory_space<semaphore_mem>>
      %dma_wait3A_599 = tpu.memref_squeeze %dma_wait3A_598 : memref<1x!tpu.dma_semaphore, #tpu.memory_space<semaphore_mem>> -> memref<!tpu.dma_semaphore, #tpu.memory_space<semaphore_mem>>
      %dma_wait3A_600 = tpu.memref_slice %arg7[%add3A_590, %mul3A_4] : memref<160000x128xi32, #tpu.memory_space<hbm>> -> memref<80x64xi32, #tpu.memory_space<hbm>>
      %dma_wait3A_601 = arith.constant 0 : i32
      %dma_wait3A_602 = arith.constant 0 : i32
      %dma_wait3A_603 = tpu.memref_slice %arg11[%dma_wait3A_591, %dma_wait3A_601, %dma_wait3A_602] : memref<4x80x64xi32, #tpu.memory_space<vmem>> -> memref<1x80x64xi32, #tpu.memory_space<vmem>>
      %dma_wait3A_604 = tpu.memref_squeeze %dma_wait3A_603 : memref<1x80x64xi32, #tpu.memory_space<vmem>> -> memref<80x64xi32, #tpu.memory_space<vmem>>
      tpu.wait_dma2 semaphore(%dma_wait3A_599 : memref<!tpu.dma_semaphore, #tpu.memory_space<semaphore_mem>>) src(%dma_wait3A_604 : memref<80x64xi32, #tpu.memory_space<vmem>>) dst(%dma_wait3A_600 : memref<80x64xi32, #tpu.memory_space<hbm>>)
      %lt3A_605 = arith.constant 125 : i32
      %lt3A_606 = arith.cmpi slt, %add3A_568, %lt3A_605 : i32
      %convert_element_type3A_607 = arith.extui %lt3A_606 : i1 to i32
      %cond3A_608 = arith.constant 0 : i32
      %cond3A_609 = arith.cmpi ne, %convert_element_type3A_607, %cond3A_608 : i32
      scf.if %cond3A_609 {
        %dma_start3A_704 = arith.constant 1 : i32
        %dma_start3A_705 = arith.constant 1 : i32
        %dma_start3A_706 = arith.constant 0 : i32
        %dma_start3A_707 = arith.constant 0 : i32
        %dma_start3A_708 = tpu.memref_slice %arg10[%dma_start3A_704, %dma_start3A_706, %dma_start3A_707] : memref<4x80x64xi32, #tpu.memory_space<vmem>> -> memref<1x80x64xi32, #tpu.memory_space<vmem>>
        %dma_start3A_709 = tpu.memref_squeeze %dma_start3A_708 : memref<1x80x64xi32, #tpu.memory_space<vmem>> -> memref<80x64xi32, #tpu.memory_space<vmem>>
        %dma_start3A_710 = arith.constant 0 : i32
        %dma_start3A_711 = tpu.memref_slice %arg8[%add3A_568, %dma_start3A_710] : memref<125x80xi32, #tpu.memory_space<vmem>> -> memref<1x80xi32, #tpu.memory_space<vmem>>
        %dma_start3A_712 = tpu.memref_squeeze %dma_start3A_711 : memref<1x80xi32, #tpu.memory_space<vmem>> -> memref<80xi32, #tpu.memory_space<vmem>>
        %dma_start3A_713 = arith.constant 0 : i32
        %dma_start3A_714 = arith.constant 0 : i32
        %dma_start3A_715 = tpu.memref_slice %arg2[%dma_start3A_713, %dma_start3A_714] : memref<10000x64xi32, #tpu.memory_space<hbm>> -> memref<10000x64xi32, #tpu.memory_space<hbm>>
        %dma_start3A_716 = tpu.memref_slice %arg12[%dma_start3A_705] : memref<4x!tpu.dma_semaphore, #tpu.memory_space<semaphore_mem>> -> memref<1x!tpu.dma_semaphore, #tpu.memory_space<semaphore_mem>>
        %dma_start3A_717 = tpu.memref_squeeze %dma_start3A_716 : memref<1x!tpu.dma_semaphore, #tpu.memory_space<semaphore_mem>> -> memref<!tpu.dma_semaphore, #tpu.memory_space<semaphore_mem>>
        tpu.enqueue_indirect_dma source(%dma_start3A_715 : memref<10000x64xi32, #tpu.memory_space<hbm>>) target(%dma_start3A_709 : memref<80x64xi32, #tpu.memory_space<vmem>>) offsets(%dma_start3A_712 : memref<80xi32, #tpu.memory_space<vmem>>) semaphore(%dma_start3A_717 : memref<!tpu.dma_semaphore, #tpu.memory_space<semaphore_mem>>)
        %dma_start3A_718 = arith.constant 1 : i32
        %dma_start3A_719 = arith.constant 1 : i32
        %dma_start3A_720 = arith.constant 0 : i32
        %dma_start3A_721 = arith.constant 0 : i32
        %dma_start3A_722 = tpu.memref_slice %arg11[%dma_start3A_718, %dma_start3A_720, %dma_start3A_721] : memref<4x80x64xi32, #tpu.memory_space<vmem>> -> memref<1x80x64xi32, #tpu.memory_space<vmem>>
        %dma_start3A_723 = tpu.memref_squeeze %dma_start3A_722 : memref<1x80x64xi32, #tpu.memory_space<vmem>> -> memref<80x64xi32, #tpu.memory_space<vmem>>
        %dma_start3A_724 = arith.constant 0 : i32
        %dma_start3A_725 = tpu.memref_slice %arg9[%add3A_568, %dma_start3A_724] : memref<125x80xi32, #tpu.memory_space<vmem>> -> memref<1x80xi32, #tpu.memory_space<vmem>>
        %dma_start3A_726 = tpu.memref_squeeze %dma_start3A_725 : memref<1x80xi32, #tpu.memory_space<vmem>> -> memref<80xi32, #tpu.memory_space<vmem>>
        %dma_start3A_727 = arith.constant 0 : i32
        %dma_start3A_728 = arith.constant 0 : i32
        %dma_start3A_729 = tpu.memref_slice %arg3[%dma_start3A_727, %dma_start3A_728] : memref<10000x64xi32, #tpu.memory_space<hbm>> -> memref<10000x64xi32, #tpu.memory_space<hbm>>
        %dma_start3A_730 = tpu.memref_slice %arg13[%dma_start3A_719] : memref<4x!tpu.dma_semaphore, #tpu.memory_space<semaphore_mem>> -> memref<1x!tpu.dma_semaphore, #tpu.memory_space<semaphore_mem>>
        %dma_start3A_731 = tpu.memref_squeeze %dma_start3A_730 : memref<1x!tpu.dma_semaphore, #tpu.memory_space<semaphore_mem>> -> memref<!tpu.dma_semaphore, #tpu.memory_space<semaphore_mem>>
        tpu.enqueue_indirect_dma source(%dma_start3A_729 : memref<10000x64xi32, #tpu.memory_space<hbm>>) target(%dma_start3A_723 : memref<80x64xi32, #tpu.memory_space<vmem>>) offsets(%dma_start3A_726 : memref<80xi32, #tpu.memory_space<vmem>>) semaphore(%dma_start3A_731 : memref<!tpu.dma_semaphore, #tpu.memory_space<semaphore_mem>>)
      } else {
      }
      %mul3A_610 = arith.constant 4 : i32
      %mul3A_611 = arith.muli %scan3A_230, %mul3A_610 : i32
      %add3A_612 = arith.constant 2 : i32
      %add3A_613 = arith.addi %mul3A_611, %add3A_612 : i32
      %add3A_614 = arith.constant 4 : i32
      %add3A_615 = arith.addi %add3A_613, %add3A_614 : i32
      %mul3A_616 = arith.constant 10000 : i32
      %mul3A_617 = arith.muli %arg1, %mul3A_616 : i32
      %add3A_618 = arith.constant 0 : i32
      %add3A_619 = arith.addi %mul3A_617, %add3A_618 : i32
      %dma_wait3A_620 = arith.constant 2 : i32
      %dma_wait3A_621 = arith.constant 2 : i32
      %dma_wait3A_622 = arith.constant 0 : i32
      %dma_wait3A_623 = arith.constant 0 : i32
      %dma_wait3A_624 = tpu.memref_slice %arg10[%dma_wait3A_620, %dma_wait3A_622, %dma_wait3A_623] : memref<4x80x64xi32, #tpu.memory_space<vmem>> -> memref<1x80x64xi32, #tpu.memory_space<vmem>>
      %dma_wait3A_625 = tpu.memref_squeeze %dma_wait3A_624 : memref<1x80x64xi32, #tpu.memory_space<vmem>> -> memref<80x64xi32, #tpu.memory_space<vmem>>
      %dma_wait3A_626 = tpu.memref_slice %arg6[%add3A_619, %mul3A_4] : memref<160000x128xi32, #tpu.memory_space<hbm>> -> memref<80x64xi32, #tpu.memory_space<hbm>>
      %dma_wait3A_627 = tpu.memref_slice %arg14[%dma_wait3A_621] : memref<4x!tpu.dma_semaphore, #tpu.memory_space<semaphore_mem>> -> memref<1x!tpu.dma_semaphore, #tpu.memory_space<semaphore_mem>>
      %dma_wait3A_628 = tpu.memref_squeeze %dma_wait3A_627 : memref<1x!tpu.dma_semaphore, #tpu.memory_space<semaphore_mem>> -> memref<!tpu.dma_semaphore, #tpu.memory_space<semaphore_mem>>
      %dma_wait3A_629 = tpu.memref_slice %arg6[%add3A_619, %mul3A_4] : memref<160000x128xi32, #tpu.memory_space<hbm>> -> memref<80x64xi32, #tpu.memory_space<hbm>>
      %dma_wait3A_630 = arith.constant 0 : i32
      %dma_wait3A_631 = arith.constant 0 : i32
      %dma_wait3A_632 = tpu.memref_slice %arg10[%dma_wait3A_620, %dma_wait3A_630, %dma_wait3A_631] : memref<4x80x64xi32, #tpu.memory_space<vmem>> -> memref<1x80x64xi32, #tpu.memory_space<vmem>>
      %dma_wait3A_633 = tpu.memref_squeeze %dma_wait3A_632 : memref<1x80x64xi32, #tpu.memory_space<vmem>> -> memref<80x64xi32, #tpu.memory_space<vmem>>
      tpu.wait_dma2 semaphore(%dma_wait3A_628 : memref<!tpu.dma_semaphore, #tpu.memory_space<semaphore_mem>>) src(%dma_wait3A_633 : memref<80x64xi32, #tpu.memory_space<vmem>>) dst(%dma_wait3A_629 : memref<80x64xi32, #tpu.memory_space<hbm>>)
      %mul3A_634 = arith.constant 10000 : i32
      %mul3A_635 = arith.muli %arg1, %mul3A_634 : i32
      %add3A_636 = arith.constant 0 : i32
      %add3A_637 = arith.addi %mul3A_635, %add3A_636 : i32
      %dma_wait3A_638 = arith.constant 2 : i32
      %dma_wait3A_639 = arith.constant 2 : i32
      %dma_wait3A_640 = arith.constant 0 : i32
      %dma_wait3A_641 = arith.constant 0 : i32
      %dma_wait3A_642 = tpu.memref_slice %arg11[%dma_wait3A_638, %dma_wait3A_640, %dma_wait3A_641] : memref<4x80x64xi32, #tpu.memory_space<vmem>> -> memref<1x80x64xi32, #tpu.memory_space<vmem>>
      %dma_wait3A_643 = tpu.memref_squeeze %dma_wait3A_642 : memref<1x80x64xi32, #tpu.memory_space<vmem>> -> memref<80x64xi32, #tpu.memory_space<vmem>>
      %dma_wait3A_644 = tpu.memref_slice %arg7[%add3A_637, %mul3A_4] : memref<160000x128xi32, #tpu.memory_space<hbm>> -> memref<80x64xi32, #tpu.memory_space<hbm>>
      %dma_wait3A_645 = tpu.memref_slice %arg15[%dma_wait3A_639] : memref<4x!tpu.dma_semaphore, #tpu.memory_space<semaphore_mem>> -> memref<1x!tpu.dma_semaphore, #tpu.memory_space<semaphore_mem>>
      %dma_wait3A_646 = tpu.memref_squeeze %dma_wait3A_645 : memref<1x!tpu.dma_semaphore, #tpu.memory_space<semaphore_mem>> -> memref<!tpu.dma_semaphore, #tpu.memory_space<semaphore_mem>>
      %dma_wait3A_647 = tpu.memref_slice %arg7[%add3A_637, %mul3A_4] : memref<160000x128xi32, #tpu.memory_space<hbm>> -> memref<80x64xi32, #tpu.memory_space<hbm>>
      %dma_wait3A_648 = arith.constant 0 : i32
      %dma_wait3A_649 = arith.constant 0 : i32
      %dma_wait3A_650 = tpu.memref_slice %arg11[%dma_wait3A_638, %dma_wait3A_648, %dma_wait3A_649] : memref<4x80x64xi32, #tpu.memory_space<vmem>> -> memref<1x80x64xi32, #tpu.memory_space<vmem>>
      %dma_wait3A_651 = tpu.memref_squeeze %dma_wait3A_650 : memref<1x80x64xi32, #tpu.memory_space<vmem>> -> memref<80x64xi32, #tpu.memory_space<vmem>>
      tpu.wait_dma2 semaphore(%dma_wait3A_646 : memref<!tpu.dma_semaphore, #tpu.memory_space<semaphore_mem>>) src(%dma_wait3A_651 : memref<80x64xi32, #tpu.memory_space<vmem>>) dst(%dma_wait3A_647 : memref<80x64xi32, #tpu.memory_space<hbm>>)
      %lt3A_652 = arith.constant 125 : i32
      %lt3A_653 = arith.cmpi slt, %add3A_615, %lt3A_652 : i32
      %convert_element_type3A_654 = arith.extui %lt3A_653 : i1 to i32
      %cond3A_655 = arith.constant 0 : i32
      %cond3A_656 = arith.cmpi ne, %convert_element_type3A_654, %cond3A_655 : i32
      scf.if %cond3A_656 {
        %dma_start3A_704 = arith.constant 2 : i32
        %dma_start3A_705 = arith.constant 2 : i32
        %dma_start3A_706 = arith.constant 0 : i32
        %dma_start3A_707 = arith.constant 0 : i32
        %dma_start3A_708 = tpu.memref_slice %arg10[%dma_start3A_704, %dma_start3A_706, %dma_start3A_707] : memref<4x80x64xi32, #tpu.memory_space<vmem>> -> memref<1x80x64xi32, #tpu.memory_space<vmem>>
        %dma_start3A_709 = tpu.memref_squeeze %dma_start3A_708 : memref<1x80x64xi32, #tpu.memory_space<vmem>> -> memref<80x64xi32, #tpu.memory_space<vmem>>
        %dma_start3A_710 = arith.constant 0 : i32
        %dma_start3A_711 = tpu.memref_slice %arg8[%add3A_615, %dma_start3A_710] : memref<125x80xi32, #tpu.memory_space<vmem>> -> memref<1x80xi32, #tpu.memory_space<vmem>>
        %dma_start3A_712 = tpu.memref_squeeze %dma_start3A_711 : memref<1x80xi32, #tpu.memory_space<vmem>> -> memref<80xi32, #tpu.memory_space<vmem>>
        %dma_start3A_713 = arith.constant 0 : i32
        %dma_start3A_714 = arith.constant 0 : i32
        %dma_start3A_715 = tpu.memref_slice %arg2[%dma_start3A_713, %dma_start3A_714] : memref<10000x64xi32, #tpu.memory_space<hbm>> -> memref<10000x64xi32, #tpu.memory_space<hbm>>
        %dma_start3A_716 = tpu.memref_slice %arg12[%dma_start3A_705] : memref<4x!tpu.dma_semaphore, #tpu.memory_space<semaphore_mem>> -> memref<1x!tpu.dma_semaphore, #tpu.memory_space<semaphore_mem>>
        %dma_start3A_717 = tpu.memref_squeeze %dma_start3A_716 : memref<1x!tpu.dma_semaphore, #tpu.memory_space<semaphore_mem>> -> memref<!tpu.dma_semaphore, #tpu.memory_space<semaphore_mem>>
        tpu.enqueue_indirect_dma source(%dma_start3A_715 : memref<10000x64xi32, #tpu.memory_space<hbm>>) target(%dma_start3A_709 : memref<80x64xi32, #tpu.memory_space<vmem>>) offsets(%dma_start3A_712 : memref<80xi32, #tpu.memory_space<vmem>>) semaphore(%dma_start3A_717 : memref<!tpu.dma_semaphore, #tpu.memory_space<semaphore_mem>>)
        %dma_start3A_718 = arith.constant 2 : i32
        %dma_start3A_719 = arith.constant 2 : i32
        %dma_start3A_720 = arith.constant 0 : i32
        %dma_start3A_721 = arith.constant 0 : i32
        %dma_start3A_722 = tpu.memref_slice %arg11[%dma_start3A_718, %dma_start3A_720, %dma_start3A_721] : memref<4x80x64xi32, #tpu.memory_space<vmem>> -> memref<1x80x64xi32, #tpu.memory_space<vmem>>
        %dma_start3A_723 = tpu.memref_squeeze %dma_start3A_722 : memref<1x80x64xi32, #tpu.memory_space<vmem>> -> memref<80x64xi32, #tpu.memory_space<vmem>>
        %dma_start3A_724 = arith.constant 0 : i32
        %dma_start3A_725 = tpu.memref_slice %arg9[%add3A_615, %dma_start3A_724] : memref<125x80xi32, #tpu.memory_space<vmem>> -> memref<1x80xi32, #tpu.memory_space<vmem>>
        %dma_start3A_726 = tpu.memref_squeeze %dma_start3A_725 : memref<1x80xi32, #tpu.memory_space<vmem>> -> memref<80xi32, #tpu.memory_space<vmem>>
        %dma_start3A_727 = arith.constant 0 : i32
        %dma_start3A_728 = arith.constant 0 : i32
        %dma_start3A_729 = tpu.memref_slice %arg3[%dma_start3A_727, %dma_start3A_728] : memref<10000x64xi32, #tpu.memory_space<hbm>> -> memref<10000x64xi32, #tpu.memory_space<hbm>>
        %dma_start3A_730 = tpu.memref_slice %arg13[%dma_start3A_719] : memref<4x!tpu.dma_semaphore, #tpu.memory_space<semaphore_mem>> -> memref<1x!tpu.dma_semaphore, #tpu.memory_space<semaphore_mem>>
        %dma_start3A_731 = tpu.memref_squeeze %dma_start3A_730 : memref<1x!tpu.dma_semaphore, #tpu.memory_space<semaphore_mem>> -> memref<!tpu.dma_semaphore, #tpu.memory_space<semaphore_mem>>
        tpu.enqueue_indirect_dma source(%dma_start3A_729 : memref<10000x64xi32, #tpu.memory_space<hbm>>) target(%dma_start3A_723 : memref<80x64xi32, #tpu.memory_space<vmem>>) offsets(%dma_start3A_726 : memref<80xi32, #tpu.memory_space<vmem>>) semaphore(%dma_start3A_731 : memref<!tpu.dma_semaphore, #tpu.memory_space<semaphore_mem>>)
      } else {
      }
      %mul3A_657 = arith.constant 4 : i32
      %mul3A_658 = arith.muli %scan3A_230, %mul3A_657 : i32
      %add3A_659 = arith.constant 3 : i32
      %add3A_660 = arith.addi %mul3A_658, %add3A_659 : i32
      %add3A_661 = arith.constant 4 : i32
      %add3A_662 = arith.addi %add3A_660, %add3A_661 : i32
      %mul3A_663 = arith.constant 10000 : i32
      %mul3A_664 = arith.muli %arg1, %mul3A_663 : i32
      %add3A_665 = arith.constant 0 : i32
      %add3A_666 = arith.addi %mul3A_664, %add3A_665 : i32
      %dma_wait3A_667 = arith.constant 3 : i32
      %dma_wait3A_668 = arith.constant 3 : i32
      %dma_wait3A_669 = arith.constant 0 : i32
      %dma_wait3A_670 = arith.constant 0 : i32
      %dma_wait3A_671 = tpu.memref_slice %arg10[%dma_wait3A_667, %dma_wait3A_669, %dma_wait3A_670] : memref<4x80x64xi32, #tpu.memory_space<vmem>> -> memref<1x80x64xi32, #tpu.memory_space<vmem>>
      %dma_wait3A_672 = tpu.memref_squeeze %dma_wait3A_671 : memref<1x80x64xi32, #tpu.memory_space<vmem>> -> memref<80x64xi32, #tpu.memory_space<vmem>>
      %dma_wait3A_673 = tpu.memref_slice %arg6[%add3A_666, %mul3A_4] : memref<160000x128xi32, #tpu.memory_space<hbm>> -> memref<80x64xi32, #tpu.memory_space<hbm>>
      %dma_wait3A_674 = tpu.memref_slice %arg14[%dma_wait3A_668] : memref<4x!tpu.dma_semaphore, #tpu.memory_space<semaphore_mem>> -> memref<1x!tpu.dma_semaphore, #tpu.memory_space<semaphore_mem>>
      %dma_wait3A_675 = tpu.memref_squeeze %dma_wait3A_674 : memref<1x!tpu.dma_semaphore, #tpu.memory_space<semaphore_mem>> -> memref<!tpu.dma_semaphore, #tpu.memory_space<semaphore_mem>>
      %dma_wait3A_676 = tpu.memref_slice %arg6[%add3A_666, %mul3A_4] : memref<160000x128xi32, #tpu.memory_space<hbm>> -> memref<80x64xi32, #tpu.memory_space<hbm>>
      %dma_wait3A_677 = arith.constant 0 : i32
      %dma_wait3A_678 = arith.constant 0 : i32
      %dma_wait3A_679 = tpu.memref_slice %arg10[%dma_wait3A_667, %dma_wait3A_677, %dma_wait3A_678] : memref<4x80x64xi32, #tpu.memory_space<vmem>> -> memref<1x80x64xi32, #tpu.memory_space<vmem>>
      %dma_wait3A_680 = tpu.memref_squeeze %dma_wait3A_679 : memref<1x80x64xi32, #tpu.memory_space<vmem>> -> memref<80x64xi32, #tpu.memory_space<vmem>>
      tpu.wait_dma2 semaphore(%dma_wait3A_675 : memref<!tpu.dma_semaphore, #tpu.memory_space<semaphore_mem>>) src(%dma_wait3A_680 : memref<80x64xi32, #tpu.memory_space<vmem>>) dst(%dma_wait3A_676 : memref<80x64xi32, #tpu.memory_space<hbm>>)
      %mul3A_681 = arith.constant 10000 : i32
      %mul3A_682 = arith.muli %arg1, %mul3A_681 : i32
      %add3A_683 = arith.constant 0 : i32
      %add3A_684 = arith.addi %mul3A_682, %add3A_683 : i32
      %dma_wait3A_685 = arith.constant 3 : i32
      %dma_wait3A_686 = arith.constant 3 : i32
      %dma_wait3A_687 = arith.constant 0 : i32
      %dma_wait3A_688 = arith.constant 0 : i32
      %dma_wait3A_689 = tpu.memref_slice %arg11[%dma_wait3A_685, %dma_wait3A_687, %dma_wait3A_688] : memref<4x80x64xi32, #tpu.memory_space<vmem>> -> memref<1x80x64xi32, #tpu.memory_space<vmem>>
      %dma_wait3A_690 = tpu.memref_squeeze %dma_wait3A_689 : memref<1x80x64xi32, #tpu.memory_space<vmem>> -> memref<80x64xi32, #tpu.memory_space<vmem>>
      %dma_wait3A_691 = tpu.memref_slice %arg7[%add3A_684, %mul3A_4] : memref<160000x128xi32, #tpu.memory_space<hbm>> -> memref<80x64xi32, #tpu.memory_space<hbm>>
      %dma_wait3A_692 = tpu.memref_slice %arg15[%dma_wait3A_686] : memref<4x!tpu.dma_semaphore, #tpu.memory_space<semaphore_mem>> -> memref<1x!tpu.dma_semaphore, #tpu.memory_space<semaphore_mem>>
      %dma_wait3A_693 = tpu.memref_squeeze %dma_wait3A_692 : memref<1x!tpu.dma_semaphore, #tpu.memory_space<semaphore_mem>> -> memref<!tpu.dma_semaphore, #tpu.memory_space<semaphore_mem>>
      %dma_wait3A_694 = tpu.memref_slice %arg7[%add3A_684, %mul3A_4] : memref<160000x128xi32, #tpu.memory_space<hbm>> -> memref<80x64xi32, #tpu.memory_space<hbm>>
      %dma_wait3A_695 = arith.constant 0 : i32
      %dma_wait3A_696 = arith.constant 0 : i32
      %dma_wait3A_697 = tpu.memref_slice %arg11[%dma_wait3A_685, %dma_wait3A_695, %dma_wait3A_696] : memref<4x80x64xi32, #tpu.memory_space<vmem>> -> memref<1x80x64xi32, #tpu.memory_space<vmem>>
      %dma_wait3A_698 = tpu.memref_squeeze %dma_wait3A_697 : memref<1x80x64xi32, #tpu.memory_space<vmem>> -> memref<80x64xi32, #tpu.memory_space<vmem>>
      tpu.wait_dma2 semaphore(%dma_wait3A_693 : memref<!tpu.dma_semaphore, #tpu.memory_space<semaphore_mem>>) src(%dma_wait3A_698 : memref<80x64xi32, #tpu.memory_space<vmem>>) dst(%dma_wait3A_694 : memref<80x64xi32, #tpu.memory_space<hbm>>)
      %lt3A_699 = arith.constant 125 : i32
      %lt3A_700 = arith.cmpi slt, %add3A_662, %lt3A_699 : i32
      %convert_element_type3A_701 = arith.extui %lt3A_700 : i1 to i32
      %cond3A_702 = arith.constant 0 : i32
      %cond3A_703 = arith.cmpi ne, %convert_element_type3A_701, %cond3A_702 : i32
      scf.if %cond3A_703 {
        %dma_start3A_704 = arith.constant 3 : i32
        %dma_start3A_705 = arith.constant 3 : i32
        %dma_start3A_706 = arith.constant 0 : i32
        %dma_start3A_707 = arith.constant 0 : i32
        %dma_start3A_708 = tpu.memref_slice %arg10[%dma_start3A_704, %dma_start3A_706, %dma_start3A_707] : memref<4x80x64xi32, #tpu.memory_space<vmem>> -> memref<1x80x64xi32, #tpu.memory_space<vmem>>
        %dma_start3A_709 = tpu.memref_squeeze %dma_start3A_708 : memref<1x80x64xi32, #tpu.memory_space<vmem>> -> memref<80x64xi32, #tpu.memory_space<vmem>>
        %dma_start3A_710 = arith.constant 0 : i32
        %dma_start3A_711 = tpu.memref_slice %arg8[%add3A_662, %dma_start3A_710] : memref<125x80xi32, #tpu.memory_space<vmem>> -> memref<1x80xi32, #tpu.memory_space<vmem>>
        %dma_start3A_712 = tpu.memref_squeeze %dma_start3A_711 : memref<1x80xi32, #tpu.memory_space<vmem>> -> memref<80xi32, #tpu.memory_space<vmem>>
        %dma_start3A_713 = arith.constant 0 : i32
        %dma_start3A_714 = arith.constant 0 : i32
        %dma_start3A_715 = tpu.memref_slice %arg2[%dma_start3A_713, %dma_start3A_714] : memref<10000x64xi32, #tpu.memory_space<hbm>> -> memref<10000x64xi32, #tpu.memory_space<hbm>>
        %dma_start3A_716 = tpu.memref_slice %arg12[%dma_start3A_705] : memref<4x!tpu.dma_semaphore, #tpu.memory_space<semaphore_mem>> -> memref<1x!tpu.dma_semaphore, #tpu.memory_space<semaphore_mem>>
        %dma_start3A_717 = tpu.memref_squeeze %dma_start3A_716 : memref<1x!tpu.dma_semaphore, #tpu.memory_space<semaphore_mem>> -> memref<!tpu.dma_semaphore, #tpu.memory_space<semaphore_mem>>
        tpu.enqueue_indirect_dma source(%dma_start3A_715 : memref<10000x64xi32, #tpu.memory_space<hbm>>) target(%dma_start3A_709 : memref<80x64xi32, #tpu.memory_space<vmem>>) offsets(%dma_start3A_712 : memref<80xi32, #tpu.memory_space<vmem>>) semaphore(%dma_start3A_717 : memref<!tpu.dma_semaphore, #tpu.memory_space<semaphore_mem>>)
        %dma_start3A_718 = arith.constant 3 : i32
        %dma_start3A_719 = arith.constant 3 : i32
        %dma_start3A_720 = arith.constant 0 : i32
        %dma_start3A_721 = arith.constant 0 : i32
        %dma_start3A_722 = tpu.memref_slice %arg11[%dma_start3A_718, %dma_start3A_720, %dma_start3A_721] : memref<4x80x64xi32, #tpu.memory_space<vmem>> -> memref<1x80x64xi32, #tpu.memory_space<vmem>>
        %dma_start3A_723 = tpu.memref_squeeze %dma_start3A_722 : memref<1x80x64xi32, #tpu.memory_space<vmem>> -> memref<80x64xi32, #tpu.memory_space<vmem>>
        %dma_start3A_724 = arith.constant 0 : i32
        %dma_start3A_725 = tpu.memref_slice %arg9[%add3A_662, %dma_start3A_724] : memref<125x80xi32, #tpu.memory_space<vmem>> -> memref<1x80xi32, #tpu.memory_space<vmem>>
        %dma_start3A_726 = tpu.memref_squeeze %dma_start3A_725 : memref<1x80xi32, #tpu.memory_space<vmem>> -> memref<80xi32, #tpu.memory_space<vmem>>
        %dma_start3A_727 = arith.constant 0 : i32
        %dma_start3A_728 = arith.constant 0 : i32
        %dma_start3A_729 = tpu.memref_slice %arg3[%dma_start3A_727, %dma_start3A_728] : memref<10000x64xi32, #tpu.memory_space<hbm>> -> memref<10000x64xi32, #tpu.memory_space<hbm>>
        %dma_start3A_730 = tpu.memref_slice %arg13[%dma_start3A_719] : memref<4x!tpu.dma_semaphore, #tpu.memory_space<semaphore_mem>> -> memref<1x!tpu.dma_semaphore, #tpu.memory_space<semaphore_mem>>
        %dma_start3A_731 = tpu.memref_squeeze %dma_start3A_730 : memref<1x!tpu.dma_semaphore, #tpu.memory_space<semaphore_mem>> -> memref<!tpu.dma_semaphore, #tpu.memory_space<semaphore_mem>>
        tpu.enqueue_indirect_dma source(%dma_start3A_729 : memref<10000x64xi32, #tpu.memory_space<hbm>>) target(%dma_start3A_723 : memref<80x64xi32, #tpu.memory_space<vmem>>) offsets(%dma_start3A_726 : memref<80xi32, #tpu.memory_space<vmem>>) semaphore(%dma_start3A_731 : memref<!tpu.dma_semaphore, #tpu.memory_space<semaphore_mem>>)
      } else {
      }
    }
    %scan3A_128 = arith.constant 31 : i32
    %dma_wait3A = arith.constant 0 : i32
    %dma_wait3A_129 = arith.constant 0 : i32
    %dma_wait3A_130 = arith.constant 0 : i32
    %dma_wait3A_131 = arith.constant 0 : i32
    %dma_wait3A_132 = arith.constant 0 : i32
    %dma_wait3A_133 = tpu.memref_slice %arg10[%dma_wait3A_129, %dma_wait3A_131, %dma_wait3A_132] : memref<4x80x64xi32, #tpu.memory_space<vmem>> -> memref<1x80x64xi32, #tpu.memory_space<vmem>>
    %dma_wait3A_134 = tpu.memref_squeeze %dma_wait3A_133 : memref<1x80x64xi32, #tpu.memory_space<vmem>> -> memref<80x64xi32, #tpu.memory_space<vmem>>
    %dma_wait3A_135 = arith.constant 0 : i32
    %dma_wait3A_136 = tpu.memref_slice %arg8[%dma_wait3A, %dma_wait3A_135] : memref<125x80xi32, #tpu.memory_space<vmem>> -> memref<1x80xi32, #tpu.memory_space<vmem>>
    %dma_wait3A_137 = tpu.memref_squeeze %dma_wait3A_136 : memref<1x80xi32, #tpu.memory_space<vmem>> -> memref<80xi32, #tpu.memory_space<vmem>>
    %dma_wait3A_138 = arith.constant 0 : i32
    %dma_wait3A_139 = arith.constant 0 : i32
    %dma_wait3A_140 = tpu.memref_slice %arg2[%dma_wait3A_138, %dma_wait3A_139] : memref<10000x64xi32, #tpu.memory_space<hbm>> -> memref<10000x64xi32, #tpu.memory_space<hbm>>
    %dma_wait3A_141 = tpu.memref_slice %arg12[%dma_wait3A_130] : memref<4x!tpu.dma_semaphore, #tpu.memory_space<semaphore_mem>> -> memref<1x!tpu.dma_semaphore, #tpu.memory_space<semaphore_mem>>
    %dma_wait3A_142 = tpu.memref_squeeze %dma_wait3A_141 : memref<1x!tpu.dma_semaphore, #tpu.memory_space<semaphore_mem>> -> memref<!tpu.dma_semaphore, #tpu.memory_space<semaphore_mem>>
    tpu.wait_indirect_dma semaphore(%dma_wait3A_142 : memref<!tpu.dma_semaphore, #tpu.memory_space<semaphore_mem>>) src(%dma_wait3A_140 : memref<10000x64xi32, #tpu.memory_space<hbm>>) dst(%dma_wait3A_134 : memref<80x64xi32, #tpu.memory_space<vmem>>)
    %dma_wait3A_143 = arith.constant 0 : i32
    %dma_wait3A_144 = arith.constant 0 : i32
    %dma_wait3A_145 = arith.constant 0 : i32
    %dma_wait3A_146 = arith.constant 0 : i32
    %dma_wait3A_147 = arith.constant 0 : i32
    %dma_wait3A_148 = tpu.memref_slice %arg11[%dma_wait3A_144, %dma_wait3A_146, %dma_wait3A_147] : memref<4x80x64xi32, #tpu.memory_space<vmem>> -> memref<1x80x64xi32, #tpu.memory_space<vmem>>
    %dma_wait3A_149 = tpu.memref_squeeze %dma_wait3A_148 : memref<1x80x64xi32, #tpu.memory_space<vmem>> -> memref<80x64xi32, #tpu.memory_space<vmem>>
    %dma_wait3A_150 = arith.constant 0 : i32
    %dma_wait3A_151 = tpu.memref_slice %arg9[%dma_wait3A_143, %dma_wait3A_150] : memref<125x80xi32, #tpu.memory_space<vmem>> -> memref<1x80xi32, #tpu.memory_space<vmem>>
    %dma_wait3A_152 = tpu.memref_squeeze %dma_wait3A_151 : memref<1x80xi32, #tpu.memory_space<vmem>> -> memref<80xi32, #tpu.memory_space<vmem>>
    %dma_wait3A_153 = arith.constant 0 : i32
    %dma_wait3A_154 = arith.constant 0 : i32
    %dma_wait3A_155 = tpu.memref_slice %arg3[%dma_wait3A_153, %dma_wait3A_154] : memref<10000x64xi32, #tpu.memory_space<hbm>> -> memref<10000x64xi32, #tpu.memory_space<hbm>>
    %dma_wait3A_156 = tpu.memref_slice %arg13[%dma_wait3A_145] : memref<4x!tpu.dma_semaphore, #tpu.memory_space<semaphore_mem>> -> memref<1x!tpu.dma_semaphore, #tpu.memory_space<semaphore_mem>>
    %dma_wait3A_157 = tpu.memref_squeeze %dma_wait3A_156 : memref<1x!tpu.dma_semaphore, #tpu.memory_space<semaphore_mem>> -> memref<!tpu.dma_semaphore, #tpu.memory_space<semaphore_mem>>
    tpu.wait_indirect_dma semaphore(%dma_wait3A_157 : memref<!tpu.dma_semaphore, #tpu.memory_space<semaphore_mem>>) src(%dma_wait3A_155 : memref<10000x64xi32, #tpu.memory_space<hbm>>) dst(%dma_wait3A_149 : memref<80x64xi32, #tpu.memory_space<vmem>>)
    %mul3A_158 = arith.constant 10000 : i32
    %mul3A_159 = arith.muli %arg1, %mul3A_158 : i32
    %add3A_160 = arith.constant 9920 : i32
    %add3A_161 = arith.addi %mul3A_159, %add3A_160 : i32
    %dma_start3A_162 = arith.constant 0 : i32
    %dma_start3A_163 = arith.constant 0 : i32
    %dma_start3A_164 = arith.constant 0 : i32
    %dma_start3A_165 = arith.constant 0 : i32
    %dma_start3A_166 = tpu.memref_slice %arg10[%dma_start3A_162, %dma_start3A_164, %dma_start3A_165] : memref<4x80x64xi32, #tpu.memory_space<vmem>> -> memref<1x80x64xi32, #tpu.memory_space<vmem>>
    %dma_start3A_167 = tpu.memref_squeeze %dma_start3A_166 : memref<1x80x64xi32, #tpu.memory_space<vmem>> -> memref<80x64xi32, #tpu.memory_space<vmem>>
    %dma_start3A_168 = tpu.memref_slice %arg6[%add3A_161, %mul3A_4] : memref<160000x128xi32, #tpu.memory_space<hbm>> -> memref<80x64xi32, #tpu.memory_space<hbm>>
    %dma_start3A_169 = tpu.memref_slice %arg14[%dma_start3A_163] : memref<4x!tpu.dma_semaphore, #tpu.memory_space<semaphore_mem>> -> memref<1x!tpu.dma_semaphore, #tpu.memory_space<semaphore_mem>>
    %dma_start3A_170 = tpu.memref_squeeze %dma_start3A_169 : memref<1x!tpu.dma_semaphore, #tpu.memory_space<semaphore_mem>> -> memref<!tpu.dma_semaphore, #tpu.memory_space<semaphore_mem>>
    %dma_start3A_171 = tpu.memref_slice %arg6[%add3A_161, %mul3A_4] : memref<160000x128xi32, #tpu.memory_space<hbm>> -> memref<80x64xi32, #tpu.memory_space<hbm>>
    %dma_start3A_172 = arith.constant 0 : i32
    %dma_start3A_173 = arith.constant 0 : i32
    %dma_start3A_174 = tpu.memref_slice %arg10[%dma_start3A_162, %dma_start3A_172, %dma_start3A_173] : memref<4x80x64xi32, #tpu.memory_space<vmem>> -> memref<1x80x64xi32, #tpu.memory_space<vmem>>
    %dma_start3A_175 = tpu.memref_squeeze %dma_start3A_174 : memref<1x80x64xi32, #tpu.memory_space<vmem>> -> memref<80x64xi32, #tpu.memory_space<vmem>>
    tpu.enqueue_dma source(%dma_start3A_175 : memref<80x64xi32, #tpu.memory_space<vmem>>) target(%dma_start3A_171 : memref<80x64xi32, #tpu.memory_space<hbm>>) target_semaphore(%dma_start3A_170 : memref<!tpu.dma_semaphore, #tpu.memory_space<semaphore_mem>>)
    %mul3A_176 = arith.constant 10000 : i32
    %mul3A_177 = arith.muli %arg1, %mul3A_176 : i32
    %add3A_178 = arith.constant 9920 : i32
    %add3A_179 = arith.addi %mul3A_177, %add3A_178 : i32
    %dma_start3A_180 = arith.constant 0 : i32
    %dma_start3A_181 = arith.constant 0 : i32
    %dma_start3A_182 = arith.constant 0 : i32
    %dma_start3A_183 = arith.constant 0 : i32
    %dma_start3A_184 = tpu.memref_slice %arg11[%dma_start3A_180, %dma_start3A_182, %dma_start3A_183] : memref<4x80x64xi32, #tpu.memory_space<vmem>> -> memref<1x80x64xi32, #tpu.memory_space<vmem>>
    %dma_start3A_185 = tpu.memref_squeeze %dma_start3A_184 : memref<1x80x64xi32, #tpu.memory_space<vmem>> -> memref<80x64xi32, #tpu.memory_space<vmem>>
    %dma_start3A_186 = tpu.memref_slice %arg7[%add3A_179, %mul3A_4] : memref<160000x128xi32, #tpu.memory_space<hbm>> -> memref<80x64xi32, #tpu.memory_space<hbm>>
    %dma_start3A_187 = tpu.memref_slice %arg15[%dma_start3A_181] : memref<4x!tpu.dma_semaphore, #tpu.memory_space<semaphore_mem>> -> memref<1x!tpu.dma_semaphore, #tpu.memory_space<semaphore_mem>>
    %dma_start3A_188 = tpu.memref_squeeze %dma_start3A_187 : memref<1x!tpu.dma_semaphore, #tpu.memory_space<semaphore_mem>> -> memref<!tpu.dma_semaphore, #tpu.memory_space<semaphore_mem>>
    %dma_start3A_189 = tpu.memref_slice %arg7[%add3A_179, %mul3A_4] : memref<160000x128xi32, #tpu.memory_space<hbm>> -> memref<80x64xi32, #tpu.memory_space<hbm>>
    %dma_start3A_190 = arith.constant 0 : i32
    %dma_start3A_191 = arith.constant 0 : i32
    %dma_start3A_192 = tpu.memref_slice %arg11[%dma_start3A_180, %dma_start3A_190, %dma_start3A_191] : memref<4x80x64xi32, #tpu.memory_space<vmem>> -> memref<1x80x64xi32, #tpu.memory_space<vmem>>
    %dma_start3A_193 = tpu.memref_squeeze %dma_start3A_192 : memref<1x80x64xi32, #tpu.memory_space<vmem>> -> memref<80x64xi32, #tpu.memory_space<vmem>>
    tpu.enqueue_dma source(%dma_start3A_193 : memref<80x64xi32, #tpu.memory_space<vmem>>) target(%dma_start3A_189 : memref<80x64xi32, #tpu.memory_space<hbm>>) target_semaphore(%dma_start3A_188 : memref<!tpu.dma_semaphore, #tpu.memory_space<semaphore_mem>>)
    %mul3A_194 = arith.constant 10000 : i32
    %mul3A_195 = arith.muli %arg1, %mul3A_194 : i32
    %add3A_196 = arith.constant 0 : i32
    %add3A_197 = arith.addi %mul3A_195, %add3A_196 : i32
    %dma_wait3A_198 = arith.constant 0 : i32
    %dma_wait3A_199 = arith.constant 0 : i32
    %dma_wait3A_200 = arith.constant 0 : i32
    %dma_wait3A_201 = arith.constant 0 : i32
    %dma_wait3A_202 = tpu.memref_slice %arg10[%dma_wait3A_198, %dma_wait3A_200, %dma_wait3A_201] : memref<4x80x64xi32, #tpu.memory_space<vmem>> -> memref<1x80x64xi32, #tpu.memory_space<vmem>>
    %dma_wait3A_203 = tpu.memref_squeeze %dma_wait3A_202 : memref<1x80x64xi32, #tpu.memory_space<vmem>> -> memref<80x64xi32, #tpu.memory_space<vmem>>
    %dma_wait3A_204 = tpu.memref_slice %arg6[%add3A_197, %mul3A_4] : memref<160000x128xi32, #tpu.memory_space<hbm>> -> memref<80x64xi32, #tpu.memory_space<hbm>>
    %dma_wait3A_205 = tpu.memref_slice %arg14[%dma_wait3A_199] : memref<4x!tpu.dma_semaphore, #tpu.memory_space<semaphore_mem>> -> memref<1x!tpu.dma_semaphore, #tpu.memory_space<semaphore_mem>>
    %dma_wait3A_206 = tpu.memref_squeeze %dma_wait3A_205 : memref<1x!tpu.dma_semaphore, #tpu.memory_space<semaphore_mem>> -> memref<!tpu.dma_semaphore, #tpu.memory_space<semaphore_mem>>
    %dma_wait3A_207 = tpu.memref_slice %arg6[%add3A_197, %mul3A_4] : memref<160000x128xi32, #tpu.memory_space<hbm>> -> memref<80x64xi32, #tpu.memory_space<hbm>>
    %dma_wait3A_208 = arith.constant 0 : i32
    %dma_wait3A_209 = arith.constant 0 : i32
    %dma_wait3A_210 = tpu.memref_slice %arg10[%dma_wait3A_198, %dma_wait3A_208, %dma_wait3A_209] : memref<4x80x64xi32, #tpu.memory_space<vmem>> -> memref<1x80x64xi32, #tpu.memory_space<vmem>>
    %dma_wait3A_211 = tpu.memref_squeeze %dma_wait3A_210 : memref<1x80x64xi32, #tpu.memory_space<vmem>> -> memref<80x64xi32, #tpu.memory_space<vmem>>
    tpu.wait_dma2 semaphore(%dma_wait3A_206 : memref<!tpu.dma_semaphore, #tpu.memory_space<semaphore_mem>>) src(%dma_wait3A_211 : memref<80x64xi32, #tpu.memory_space<vmem>>) dst(%dma_wait3A_207 : memref<80x64xi32, #tpu.memory_space<hbm>>)
    %mul3A_212 = arith.constant 10000 : i32
    %mul3A_213 = arith.muli %arg1, %mul3A_212 : i32
    %add3A_214 = arith.constant 0 : i32
    %add3A_215 = arith.addi %mul3A_213, %add3A_214 : i32
    %dma_wait3A_216 = arith.constant 0 : i32
    %dma_wait3A_217 = arith.constant 0 : i32
    %dma_wait3A_218 = arith.constant 0 : i32
    %dma_wait3A_219 = arith.constant 0 : i32
    %dma_wait3A_220 = tpu.memref_slice %arg11[%dma_wait3A_216, %dma_wait3A_218, %dma_wait3A_219] : memref<4x80x64xi32, #tpu.memory_space<vmem>> -> memref<1x80x64xi32, #tpu.memory_space<vmem>>
    %dma_wait3A_221 = tpu.memref_squeeze %dma_wait3A_220 : memref<1x80x64xi32, #tpu.memory_space<vmem>> -> memref<80x64xi32, #tpu.memory_space<vmem>>
    %dma_wait3A_222 = tpu.memref_slice %arg7[%add3A_215, %mul3A_4] : memref<160000x128xi32, #tpu.memory_space<hbm>> -> memref<80x64xi32, #tpu.memory_space<hbm>>
    %dma_wait3A_223 = tpu.memref_slice %arg15[%dma_wait3A_217] : memref<4x!tpu.dma_semaphore, #tpu.memory_space<semaphore_mem>> -> memref<1x!tpu.dma_semaphore, #tpu.memory_space<semaphore_mem>>
    %dma_wait3A_224 = tpu.memref_squeeze %dma_wait3A_223 : memref<1x!tpu.dma_semaphore, #tpu.memory_space<semaphore_mem>> -> memref<!tpu.dma_semaphore, #tpu.memory_space<semaphore_mem>>
    %dma_wait3A_225 = tpu.memref_slice %arg7[%add3A_215, %mul3A_4] : memref<160000x128xi32, #tpu.memory_space<hbm>> -> memref<80x64xi32, #tpu.memory_space<hbm>>
    %dma_wait3A_226 = arith.constant 0 : i32
    %dma_wait3A_227 = arith.constant 0 : i32
    %dma_wait3A_228 = tpu.memref_slice %arg11[%dma_wait3A_216, %dma_wait3A_226, %dma_wait3A_227] : memref<4x80x64xi32, #tpu.memory_space<vmem>> -> memref<1x80x64xi32, #tpu.memory_space<vmem>>
    %dma_wait3A_229 = tpu.memref_squeeze %dma_wait3A_228 : memref<1x80x64xi32, #tpu.memory_space<vmem>> -> memref<80x64xi32, #tpu.memory_space<vmem>>
    tpu.wait_dma2 semaphore(%dma_wait3A_224 : memref<!tpu.dma_semaphore, #tpu.memory_space<semaphore_mem>>) src(%dma_wait3A_229 : memref<80x64xi32, #tpu.memory_space<vmem>>) dst(%dma_wait3A_225 : memref<80x64xi32, #tpu.memory_space<hbm>>)
    return
  }
}

#map = affine_map<(d0, d1) -> (0, 0)>
#map1 = affine_map<(d0, d1) -> (0, 0, 0)>
module attributes {stable_mosaic.version = 14 : i64} {
  func.func @_scatter_body(%arg0: i32, %arg1: i32, %arg2: memref<16x320000xf32, #tpu.memory_space<hbm>>, %arg3: memref<4000x80xi32, #tpu.memory_space<hbm>>, %arg4: memref<625x16xf32, #tpu.memory_space<hbm>>, %arg5: memref<2x10000x16xf32, #tpu.memory_space<hbm>>, %arg6: memref<125x80xi32, #tpu.memory_space<vmem>>, %arg7: memref<16x80xf32, #tpu.memory_space<vmem>>, %arg8: memref<16x80xf32, #tpu.memory_space<vmem>>, %arg9: memref<80x16xf32, #tpu.memory_space<vmem>>, %arg10: memref<80x16xf32, #tpu.memory_space<vmem>>, %arg11: memref<10000x16xf32, #tpu.memory_space<vmem_shared>>, %arg12: memref<2x!tpu.dma_semaphore, #tpu.memory_space<semaphore_mem>>, %arg13: memref<2x!tpu.dma_semaphore, #tpu.memory_space<semaphore_mem>>) attributes {dimension_semantics = [#tpu.dimension_semantics<core_parallel>, #tpu.dimension_semantics<subcore_parallel>], iteration_bounds = array<i64: 2, 16>, scalar_prefetch = 0 : i64, scratch_operands = 8 : i64, tpu.core_type = #tpu.core_type<sc_vector_subcore>, window_params = [{transform_indices = #map}, {transform_indices = #map}, {transform_indices = #map}, {transform_indices = #map1}]} {
    %mul3A = arith.constant 625 : i32
    %mul3A_0 = arith.muli %arg1, %mul3A : i32
    "tpu.region"() ({
      %run_scoped3A = tpu.sem_alloc : memref<!tpu.dma_semaphore, #tpu.memory_space<semaphore_mem>>
      %dma_start3A_77 = arith.constant 0 : i32
      %dma_start3A_78 = tpu.memref_slice %arg11[%mul3A_0, %dma_start3A_77] : memref<10000x16xf32, #tpu.memory_space<vmem_shared>> -> memref<625x16xf32, #tpu.memory_space<vmem_shared>>
      tpu.enqueue_dma source(%arg4 : memref<625x16xf32, #tpu.memory_space<hbm>>) target(%dma_start3A_78 : memref<625x16xf32, #tpu.memory_space<vmem_shared>>) target_semaphore(%run_scoped3A : memref<!tpu.dma_semaphore, #tpu.memory_space<semaphore_mem>>)
      %dma_wait3A_79 = arith.constant 0 : i32
      %dma_wait3A_80 = tpu.memref_slice %arg11[%mul3A_0, %dma_wait3A_79] : memref<10000x16xf32, #tpu.memory_space<vmem_shared>> -> memref<625x16xf32, #tpu.memory_space<vmem_shared>>
      tpu.wait_dma2 semaphore(%run_scoped3A : memref<!tpu.dma_semaphore, #tpu.memory_space<semaphore_mem>>) src(%arg4 : memref<625x16xf32, #tpu.memory_space<hbm>>) dst(%dma_wait3A_80 : memref<625x16xf32, #tpu.memory_space<vmem_shared>>)
      tpu.yield
    }) : () -> ()
    %barrier3A = arith.constant 0 : index
    tpu.barrier barrier_id(%barrier3A)
    %mul3A_1 = arith.constant 16 : i32
    %mul3A_2 = arith.muli %arg0, %mul3A_1 : i32
    %add3A = arith.addi %mul3A_2, %arg1 : i32
    %mul3A_3 = arith.constant 125 : i32
    %mul3A_4 = arith.muli %add3A, %mul3A_3 : i32
    "tpu.region"() ({
      %run_scoped3A = tpu.sem_alloc : memref<!tpu.dma_semaphore, #tpu.memory_space<semaphore_mem>>
      %dma_start3A_77 = arith.constant 0 : i32
      %dma_start3A_78 = tpu.memref_slice %arg3[%mul3A_4, %dma_start3A_77] : memref<4000x80xi32, #tpu.memory_space<hbm>> -> memref<125x80xi32, #tpu.memory_space<hbm>>
      %dma_start3A_79 = arith.constant 0 : i32
      %dma_start3A_80 = tpu.memref_slice %arg3[%mul3A_4, %dma_start3A_79] : memref<4000x80xi32, #tpu.memory_space<hbm>> -> memref<125x80xi32, #tpu.memory_space<hbm>>
      tpu.enqueue_dma source(%dma_start3A_80 : memref<125x80xi32, #tpu.memory_space<hbm>>) target(%arg6 : memref<125x80xi32, #tpu.memory_space<vmem>>) target_semaphore(%run_scoped3A : memref<!tpu.dma_semaphore, #tpu.memory_space<semaphore_mem>>)
      %dma_wait3A_81 = arith.constant 0 : i32
      %dma_wait3A_82 = tpu.memref_slice %arg3[%mul3A_4, %dma_wait3A_81] : memref<4000x80xi32, #tpu.memory_space<hbm>> -> memref<125x80xi32, #tpu.memory_space<hbm>>
      %dma_wait3A_83 = arith.constant 0 : i32
      %dma_wait3A_84 = tpu.memref_slice %arg3[%mul3A_4, %dma_wait3A_83] : memref<4000x80xi32, #tpu.memory_space<hbm>> -> memref<125x80xi32, #tpu.memory_space<hbm>>
      tpu.wait_dma2 semaphore(%run_scoped3A : memref<!tpu.dma_semaphore, #tpu.memory_space<semaphore_mem>>) src(%dma_wait3A_84 : memref<125x80xi32, #tpu.memory_space<hbm>>) dst(%arg6 : memref<125x80xi32, #tpu.memory_space<vmem>>)
      tpu.yield
    }) : () -> ()
    %iota3A = tpu.iota {dimensions = array<i32: 0>} : vector<16xi32>
    %add3A_5 = arith.constant 0 : i32
    %add3A_6 = arith.addi %mul3A_4, %add3A_5 : i32
    %mul3A_7 = arith.constant 80 : i32
    %mul3A_8 = arith.muli %add3A_6, %mul3A_7 : i32
    %dma_start3A = arith.constant 0 : i32
    %dma_start3A_9 = arith.constant 0 : i32
    %dma_start3A_10 = tpu.memref_slice %arg2[%dma_start3A_9, %mul3A_8] : memref<16x320000xf32, #tpu.memory_space<hbm>> -> memref<16x80xf32, #tpu.memory_space<hbm>>
    %dma_start3A_11 = tpu.memref_slice %arg12[%dma_start3A] : memref<2x!tpu.dma_semaphore, #tpu.memory_space<semaphore_mem>> -> memref<1x!tpu.dma_semaphore, #tpu.memory_space<semaphore_mem>>
    %dma_start3A_12 = tpu.memref_squeeze %dma_start3A_11 : memref<1x!tpu.dma_semaphore, #tpu.memory_space<semaphore_mem>> -> memref<!tpu.dma_semaphore, #tpu.memory_space<semaphore_mem>>
    %dma_start3A_13 = arith.constant 0 : i32
    %dma_start3A_14 = tpu.memref_slice %arg2[%dma_start3A_13, %mul3A_8] : memref<16x320000xf32, #tpu.memory_space<hbm>> -> memref<16x80xf32, #tpu.memory_space<hbm>>
    tpu.enqueue_dma source(%dma_start3A_14 : memref<16x80xf32, #tpu.memory_space<hbm>>) target(%arg7 : memref<16x80xf32, #tpu.memory_space<vmem>>) target_semaphore(%dma_start3A_12 : memref<!tpu.dma_semaphore, #tpu.memory_space<semaphore_mem>>)
    %scan3A = arith.constant 0 : i32
    %scan3A_15 = arith.constant 0 : i32
    %scan3A_16 = arith.constant 62 : i32
    %scan3A_17 = arith.addi %scan3A_15, %scan3A_16 : i32
    %scan3A_18 = arith.constant 1 : i32
    scf.for %scan3A_77 = %scan3A_15 to %scan3A_17 step %scan3A_18  : i32 {
      %mul3A_78 = arith.constant 2 : i32
      %mul3A_79 = arith.muli %mul3A_78, %scan3A_77 : i32
      %add3A_80 = arith.constant 0 : i32
      %add3A_81 = arith.addi %mul3A_79, %add3A_80 : i32
      %add3A_82 = arith.constant 1 : i32
      %add3A_83 = arith.addi %add3A_81, %add3A_82 : i32
      %add3A_84 = arith.addi %mul3A_4, %add3A_83 : i32
      %mul3A_85 = arith.constant 80 : i32
      %mul3A_86 = arith.muli %add3A_84, %mul3A_85 : i32
      %dma_start3A_87 = arith.constant 1 : i32
      %dma_start3A_88 = arith.constant 0 : i32
      %dma_start3A_89 = tpu.memref_slice %arg2[%dma_start3A_88, %mul3A_86] : memref<16x320000xf32, #tpu.memory_space<hbm>> -> memref<16x80xf32, #tpu.memory_space<hbm>>
      %dma_start3A_90 = tpu.memref_slice %arg12[%dma_start3A_87] : memref<2x!tpu.dma_semaphore, #tpu.memory_space<semaphore_mem>> -> memref<1x!tpu.dma_semaphore, #tpu.memory_space<semaphore_mem>>
      %dma_start3A_91 = tpu.memref_squeeze %dma_start3A_90 : memref<1x!tpu.dma_semaphore, #tpu.memory_space<semaphore_mem>> -> memref<!tpu.dma_semaphore, #tpu.memory_space<semaphore_mem>>
      %dma_start3A_92 = arith.constant 0 : i32
      %dma_start3A_93 = tpu.memref_slice %arg2[%dma_start3A_92, %mul3A_86] : memref<16x320000xf32, #tpu.memory_space<hbm>> -> memref<16x80xf32, #tpu.memory_space<hbm>>
      tpu.enqueue_dma source(%dma_start3A_93 : memref<16x80xf32, #tpu.memory_space<hbm>>) target(%arg8 : memref<16x80xf32, #tpu.memory_space<vmem>>) target_semaphore(%dma_start3A_91 : memref<!tpu.dma_semaphore, #tpu.memory_space<semaphore_mem>>)
      %dma_wait3A_94 = arith.constant 0 : i32
      %dma_wait3A_95 = arith.constant 0 : i32
      %dma_wait3A_96 = arith.constant 0 : i32
      %dma_wait3A_97 = tpu.memref_slice %arg2[%dma_wait3A_95, %dma_wait3A_96] : memref<16x320000xf32, #tpu.memory_space<hbm>> -> memref<16x80xf32, #tpu.memory_space<hbm>>
      %dma_wait3A_98 = tpu.memref_slice %arg12[%dma_wait3A_94] : memref<2x!tpu.dma_semaphore, #tpu.memory_space<semaphore_mem>> -> memref<1x!tpu.dma_semaphore, #tpu.memory_space<semaphore_mem>>
      %dma_wait3A_99 = tpu.memref_squeeze %dma_wait3A_98 : memref<1x!tpu.dma_semaphore, #tpu.memory_space<semaphore_mem>> -> memref<!tpu.dma_semaphore, #tpu.memory_space<semaphore_mem>>
      %dma_wait3A_100 = arith.constant 0 : i32
      %dma_wait3A_101 = arith.constant 0 : i32
      %dma_wait3A_102 = tpu.memref_slice %arg2[%dma_wait3A_100, %dma_wait3A_101] : memref<16x320000xf32, #tpu.memory_space<hbm>> -> memref<16x80xf32, #tpu.memory_space<hbm>>
      tpu.wait_dma2 semaphore(%dma_wait3A_99 : memref<!tpu.dma_semaphore, #tpu.memory_space<semaphore_mem>>) src(%dma_wait3A_102 : memref<16x80xf32, #tpu.memory_space<hbm>>) dst(%arg7 : memref<16x80xf32, #tpu.memory_space<vmem>>)
      %ge3A = arith.constant 2 : i32
      %ge3A_103 = arith.cmpi sge, %add3A_81, %ge3A : i32
      %convert_element_type3A = arith.extui %ge3A_103 : i1 to i32
      %cond3A = arith.constant 0 : i32
      %cond3A_104 = arith.cmpi ne, %convert_element_type3A, %cond3A : i32
      scf.if %cond3A_104 {
        %dma_wait3A_165 = arith.constant 0 : i32
        %dma_wait3A_166 = arith.constant 0 : i32
        %dma_wait3A_167 = arith.constant 0 : i32
        %dma_wait3A_168 = tpu.memref_slice %arg6[%dma_wait3A_165, %dma_wait3A_167] : memref<125x80xi32, #tpu.memory_space<vmem>> -> memref<1x80xi32, #tpu.memory_space<vmem>>
        %dma_wait3A_169 = tpu.memref_squeeze %dma_wait3A_168 : memref<1x80xi32, #tpu.memory_space<vmem>> -> memref<80xi32, #tpu.memory_space<vmem>>
        %dma_wait3A_170 = arith.constant 0 : i32
        %dma_wait3A_171 = arith.constant 0 : i32
        %dma_wait3A_172 = tpu.memref_slice %arg11[%dma_wait3A_170, %dma_wait3A_171] : memref<10000x16xf32, #tpu.memory_space<vmem_shared>> -> memref<10000x16xf32, #tpu.memory_space<vmem_shared>>
        %dma_wait3A_173 = tpu.memref_slice %arg13[%dma_wait3A_166] : memref<2x!tpu.dma_semaphore, #tpu.memory_space<semaphore_mem>> -> memref<1x!tpu.dma_semaphore, #tpu.memory_space<semaphore_mem>>
        %dma_wait3A_174 = tpu.memref_squeeze %dma_wait3A_173 : memref<1x!tpu.dma_semaphore, #tpu.memory_space<semaphore_mem>> -> memref<!tpu.dma_semaphore, #tpu.memory_space<semaphore_mem>>
        tpu.wait_indirect_dma semaphore(%dma_wait3A_174 : memref<!tpu.dma_semaphore, #tpu.memory_space<semaphore_mem>>) src(%arg9 : memref<80x16xf32, #tpu.memory_space<vmem>>) dst(%dma_wait3A_172 : memref<10000x16xf32, #tpu.memory_space<vmem_shared>>)
      } else {
      }
      %scan3A_105 = arith.constant 0 : i32
      %scan3A_106 = arith.constant 0 : i32
      %scan3A_107 = arith.constant 5 : i32
      %scan3A_108 = arith.addi %scan3A_106, %scan3A_107 : i32
      %scan3A_109 = arith.constant 1 : i32
      scf.for %scan3A_165 = %scan3A_106 to %scan3A_108 step %scan3A_109  : i32 {
        %mul3A_166 = arith.constant 16 : i32
        %mul3A_167 = arith.muli %scan3A_165, %mul3A_166 : i32
        %add3A_168 = arith.constant 0 : i32
        %add3A_169 = arith.addi %mul3A_167, %add3A_168 : i32
        %broadcast_in_dim3A = arith.constant 0 : i32
        %broadcast_in_dim3A_170 = vector.broadcast %broadcast_in_dim3A : i32 to vector<16xi32>
        %add3A_171 = vector.broadcast %add3A_169 : i32 to vector<16xi32>
        %add3A_172 = arith.addi %broadcast_in_dim3A_170, %add3A_171 : vector<16xi32>
        %gather3A = tpu.vector_load_idx %arg7[%iota3A, %add3A_172] : memref<16x80xf32, #tpu.memory_space<vmem>>[vector<16xi32>, vector<16xi32>], vector<16xf32>,
        %swap3A = arith.index_cast %add3A_169 : i32 to index
        %swap3A_173 = arith.constant 0 : index
        %swap3A_174 = tpu.vector_load %arg9[%swap3A, %swap3A_173] {strides = array<i32>} : memref<80x16xf32, #tpu.memory_space<vmem>>, vector<16xf32>,
        tpu.vector_store %arg9[%swap3A, %swap3A_173], %gather3A {strides = array<i32>} : memref<80x16xf32, #tpu.memory_space<vmem>>, vector<16xf32>,
        %mul3A_175 = arith.constant 16 : i32
        %mul3A_176 = arith.muli %scan3A_165, %mul3A_175 : i32
        %add3A_177 = arith.constant 1 : i32
        %add3A_178 = arith.addi %mul3A_176, %add3A_177 : i32
        %broadcast_in_dim3A_179 = arith.constant 0 : i32
        %broadcast_in_dim3A_180 = vector.broadcast %broadcast_in_dim3A_179 : i32 to vector<16xi32>
        %add3A_181 = vector.broadcast %add3A_178 : i32 to vector<16xi32>
        %add3A_182 = arith.addi %broadcast_in_dim3A_180, %add3A_181 : vector<16xi32>
        %gather3A_183 = tpu.vector_load_idx %arg7[%iota3A, %add3A_182] : memref<16x80xf32, #tpu.memory_space<vmem>>[vector<16xi32>, vector<16xi32>], vector<16xf32>,
        %swap3A_184 = arith.index_cast %add3A_178 : i32 to index
        %swap3A_185 = arith.constant 0 : index
        %swap3A_186 = tpu.vector_load %arg9[%swap3A_184, %swap3A_185] {strides = array<i32>} : memref<80x16xf32, #tpu.memory_space<vmem>>, vector<16xf32>,
        tpu.vector_store %arg9[%swap3A_184, %swap3A_185], %gather3A_183 {strides = array<i32>} : memref<80x16xf32, #tpu.memory_space<vmem>>, vector<16xf32>,
        %mul3A_187 = arith.constant 16 : i32
        %mul3A_188 = arith.muli %scan3A_165, %mul3A_187 : i32
        %add3A_189 = arith.constant 2 : i32
        %add3A_190 = arith.addi %mul3A_188, %add3A_189 : i32
        %broadcast_in_dim3A_191 = arith.constant 0 : i32
        %broadcast_in_dim3A_192 = vector.broadcast %broadcast_in_dim3A_191 : i32 to vector<16xi32>
        %add3A_193 = vector.broadcast %add3A_190 : i32 to vector<16xi32>
        %add3A_194 = arith.addi %broadcast_in_dim3A_192, %add3A_193 : vector<16xi32>
        %gather3A_195 = tpu.vector_load_idx %arg7[%iota3A, %add3A_194] : memref<16x80xf32, #tpu.memory_space<vmem>>[vector<16xi32>, vector<16xi32>], vector<16xf32>,
        %swap3A_196 = arith.index_cast %add3A_190 : i32 to index
        %swap3A_197 = arith.constant 0 : index
        %swap3A_198 = tpu.vector_load %arg9[%swap3A_196, %swap3A_197] {strides = array<i32>} : memref<80x16xf32, #tpu.memory_space<vmem>>, vector<16xf32>,
        tpu.vector_store %arg9[%swap3A_196, %swap3A_197], %gather3A_195 {strides = array<i32>} : memref<80x16xf32, #tpu.memory_space<vmem>>, vector<16xf32>,
        %mul3A_199 = arith.constant 16 : i32
        %mul3A_200 = arith.muli %scan3A_165, %mul3A_199 : i32
        %add3A_201 = arith.constant 3 : i32
        %add3A_202 = arith.addi %mul3A_200, %add3A_201 : i32
        %broadcast_in_dim3A_203 = arith.constant 0 : i32
        %broadcast_in_dim3A_204 = vector.broadcast %broadcast_in_dim3A_203 : i32 to vector<16xi32>
        %add3A_205 = vector.broadcast %add3A_202 : i32 to vector<16xi32>
        %add3A_206 = arith.addi %broadcast_in_dim3A_204, %add3A_205 : vector<16xi32>
        %gather3A_207 = tpu.vector_load_idx %arg7[%iota3A, %add3A_206] : memref<16x80xf32, #tpu.memory_space<vmem>>[vector<16xi32>, vector<16xi32>], vector<16xf32>,
        %swap3A_208 = arith.index_cast %add3A_202 : i32 to index
        %swap3A_209 = arith.constant 0 : index
        %swap3A_210 = tpu.vector_load %arg9[%swap3A_208, %swap3A_209] {strides = array<i32>} : memref<80x16xf32, #tpu.memory_space<vmem>>, vector<16xf32>,
        tpu.vector_store %arg9[%swap3A_208, %swap3A_209], %gather3A_207 {strides = array<i32>} : memref<80x16xf32, #tpu.memory_space<vmem>>, vector<16xf32>,
        %mul3A_211 = arith.constant 16 : i32
        %mul3A_212 = arith.muli %scan3A_165, %mul3A_211 : i32
        %add3A_213 = arith.constant 4 : i32
        %add3A_214 = arith.addi %mul3A_212, %add3A_213 : i32
        %broadcast_in_dim3A_215 = arith.constant 0 : i32
        %broadcast_in_dim3A_216 = vector.broadcast %broadcast_in_dim3A_215 : i32 to vector<16xi32>
        %add3A_217 = vector.broadcast %add3A_214 : i32 to vector<16xi32>
        %add3A_218 = arith.addi %broadcast_in_dim3A_216, %add3A_217 : vector<16xi32>
        %gather3A_219 = tpu.vector_load_idx %arg7[%iota3A, %add3A_218] : memref<16x80xf32, #tpu.memory_space<vmem>>[vector<16xi32>, vector<16xi32>], vector<16xf32>,
        %swap3A_220 = arith.index_cast %add3A_214 : i32 to index
        %swap3A_221 = arith.constant 0 : index
        %swap3A_222 = tpu.vector_load %arg9[%swap3A_220, %swap3A_221] {strides = array<i32>} : memref<80x16xf32, #tpu.memory_space<vmem>>, vector<16xf32>,
        tpu.vector_store %arg9[%swap3A_220, %swap3A_221], %gather3A_219 {strides = array<i32>} : memref<80x16xf32, #tpu.memory_space<vmem>>, vector<16xf32>,
        %mul3A_223 = arith.constant 16 : i32
        %mul3A_224 = arith.muli %scan3A_165, %mul3A_223 : i32
        %add3A_225 = arith.constant 5 : i32
        %add3A_226 = arith.addi %mul3A_224, %add3A_225 : i32
        %broadcast_in_dim3A_227 = arith.constant 0 : i32
        %broadcast_in_dim3A_228 = vector.broadcast %broadcast_in_dim3A_227 : i32 to vector<16xi32>
        %add3A_229 = vector.broadcast %add3A_226 : i32 to vector<16xi32>
        %add3A_230 = arith.addi %broadcast_in_dim3A_228, %add3A_229 : vector<16xi32>
        %gather3A_231 = tpu.vector_load_idx %arg7[%iota3A, %add3A_230] : memref<16x80xf32, #tpu.memory_space<vmem>>[vector<16xi32>, vector<16xi32>], vector<16xf32>,
        %swap3A_232 = arith.index_cast %add3A_226 : i32 to index
        %swap3A_233 = arith.constant 0 : index
        %swap3A_234 = tpu.vector_load %arg9[%swap3A_232, %swap3A_233] {strides = array<i32>} : memref<80x16xf32, #tpu.memory_space<vmem>>, vector<16xf32>,
        tpu.vector_store %arg9[%swap3A_232, %swap3A_233], %gather3A_231 {strides = array<i32>} : memref<80x16xf32, #tpu.memory_space<vmem>>, vector<16xf32>,
        %mul3A_235 = arith.constant 16 : i32
        %mul3A_236 = arith.muli %scan3A_165, %mul3A_235 : i32
        %add3A_237 = arith.constant 6 : i32
        %add3A_238 = arith.addi %mul3A_236, %add3A_237 : i32
        %broadcast_in_dim3A_239 = arith.constant 0 : i32
        %broadcast_in_dim3A_240 = vector.broadcast %broadcast_in_dim3A_239 : i32 to vector<16xi32>
        %add3A_241 = vector.broadcast %add3A_238 : i32 to vector<16xi32>
        %add3A_242 = arith.addi %broadcast_in_dim3A_240, %add3A_241 : vector<16xi32>
        %gather3A_243 = tpu.vector_load_idx %arg7[%iota3A, %add3A_242] : memref<16x80xf32, #tpu.memory_space<vmem>>[vector<16xi32>, vector<16xi32>], vector<16xf32>,
        %swap3A_244 = arith.index_cast %add3A_238 : i32 to index
        %swap3A_245 = arith.constant 0 : index
        %swap3A_246 = tpu.vector_load %arg9[%swap3A_244, %swap3A_245] {strides = array<i32>} : memref<80x16xf32, #tpu.memory_space<vmem>>, vector<16xf32>,
        tpu.vector_store %arg9[%swap3A_244, %swap3A_245], %gather3A_243 {strides = array<i32>} : memref<80x16xf32, #tpu.memory_space<vmem>>, vector<16xf32>,
        %mul3A_247 = arith.constant 16 : i32
        %mul3A_248 = arith.muli %scan3A_165, %mul3A_247 : i32
        %add3A_249 = arith.constant 7 : i32
        %add3A_250 = arith.addi %mul3A_248, %add3A_249 : i32
        %broadcast_in_dim3A_251 = arith.constant 0 : i32
        %broadcast_in_dim3A_252 = vector.broadcast %broadcast_in_dim3A_251 : i32 to vector<16xi32>
        %add3A_253 = vector.broadcast %add3A_250 : i32 to vector<16xi32>
        %add3A_254 = arith.addi %broadcast_in_dim3A_252, %add3A_253 : vector<16xi32>
        %gather3A_255 = tpu.vector_load_idx %arg7[%iota3A, %add3A_254] : memref<16x80xf32, #tpu.memory_space<vmem>>[vector<16xi32>, vector<16xi32>], vector<16xf32>,
        %swap3A_256 = arith.index_cast %add3A_250 : i32 to index
        %swap3A_257 = arith.constant 0 : index
        %swap3A_258 = tpu.vector_load %arg9[%swap3A_256, %swap3A_257] {strides = array<i32>} : memref<80x16xf32, #tpu.memory_space<vmem>>, vector<16xf32>,
        tpu.vector_store %arg9[%swap3A_256, %swap3A_257], %gather3A_255 {strides = array<i32>} : memref<80x16xf32, #tpu.memory_space<vmem>>, vector<16xf32>,
        %mul3A_259 = arith.constant 16 : i32
        %mul3A_260 = arith.muli %scan3A_165, %mul3A_259 : i32
        %add3A_261 = arith.constant 8 : i32
        %add3A_262 = arith.addi %mul3A_260, %add3A_261 : i32
        %broadcast_in_dim3A_263 = arith.constant 0 : i32
        %broadcast_in_dim3A_264 = vector.broadcast %broadcast_in_dim3A_263 : i32 to vector<16xi32>
        %add3A_265 = vector.broadcast %add3A_262 : i32 to vector<16xi32>
        %add3A_266 = arith.addi %broadcast_in_dim3A_264, %add3A_265 : vector<16xi32>
        %gather3A_267 = tpu.vector_load_idx %arg7[%iota3A, %add3A_266] : memref<16x80xf32, #tpu.memory_space<vmem>>[vector<16xi32>, vector<16xi32>], vector<16xf32>,
        %swap3A_268 = arith.index_cast %add3A_262 : i32 to index
        %swap3A_269 = arith.constant 0 : index
        %swap3A_270 = tpu.vector_load %arg9[%swap3A_268, %swap3A_269] {strides = array<i32>} : memref<80x16xf32, #tpu.memory_space<vmem>>, vector<16xf32>,
        tpu.vector_store %arg9[%swap3A_268, %swap3A_269], %gather3A_267 {strides = array<i32>} : memref<80x16xf32, #tpu.memory_space<vmem>>, vector<16xf32>,
        %mul3A_271 = arith.constant 16 : i32
        %mul3A_272 = arith.muli %scan3A_165, %mul3A_271 : i32
        %add3A_273 = arith.constant 9 : i32
        %add3A_274 = arith.addi %mul3A_272, %add3A_273 : i32
        %broadcast_in_dim3A_275 = arith.constant 0 : i32
        %broadcast_in_dim3A_276 = vector.broadcast %broadcast_in_dim3A_275 : i32 to vector<16xi32>
        %add3A_277 = vector.broadcast %add3A_274 : i32 to vector<16xi32>
        %add3A_278 = arith.addi %broadcast_in_dim3A_276, %add3A_277 : vector<16xi32>
        %gather3A_279 = tpu.vector_load_idx %arg7[%iota3A, %add3A_278] : memref<16x80xf32, #tpu.memory_space<vmem>>[vector<16xi32>, vector<16xi32>], vector<16xf32>,
        %swap3A_280 = arith.index_cast %add3A_274 : i32 to index
        %swap3A_281 = arith.constant 0 : index
        %swap3A_282 = tpu.vector_load %arg9[%swap3A_280, %swap3A_281] {strides = array<i32>} : memref<80x16xf32, #tpu.memory_space<vmem>>, vector<16xf32>,
        tpu.vector_store %arg9[%swap3A_280, %swap3A_281], %gather3A_279 {strides = array<i32>} : memref<80x16xf32, #tpu.memory_space<vmem>>, vector<16xf32>,
        %mul3A_283 = arith.constant 16 : i32
        %mul3A_284 = arith.muli %scan3A_165, %mul3A_283 : i32
        %add3A_285 = arith.constant 10 : i32
        %add3A_286 = arith.addi %mul3A_284, %add3A_285 : i32
        %broadcast_in_dim3A_287 = arith.constant 0 : i32
        %broadcast_in_dim3A_288 = vector.broadcast %broadcast_in_dim3A_287 : i32 to vector<16xi32>
        %add3A_289 = vector.broadcast %add3A_286 : i32 to vector<16xi32>
        %add3A_290 = arith.addi %broadcast_in_dim3A_288, %add3A_289 : vector<16xi32>
        %gather3A_291 = tpu.vector_load_idx %arg7[%iota3A, %add3A_290] : memref<16x80xf32, #tpu.memory_space<vmem>>[vector<16xi32>, vector<16xi32>], vector<16xf32>,
        %swap3A_292 = arith.index_cast %add3A_286 : i32 to index
        %swap3A_293 = arith.constant 0 : index
        %swap3A_294 = tpu.vector_load %arg9[%swap3A_292, %swap3A_293] {strides = array<i32>} : memref<80x16xf32, #tpu.memory_space<vmem>>, vector<16xf32>,
        tpu.vector_store %arg9[%swap3A_292, %swap3A_293], %gather3A_291 {strides = array<i32>} : memref<80x16xf32, #tpu.memory_space<vmem>>, vector<16xf32>,
        %mul3A_295 = arith.constant 16 : i32
        %mul3A_296 = arith.muli %scan3A_165, %mul3A_295 : i32
        %add3A_297 = arith.constant 11 : i32
        %add3A_298 = arith.addi %mul3A_296, %add3A_297 : i32
        %broadcast_in_dim3A_299 = arith.constant 0 : i32
        %broadcast_in_dim3A_300 = vector.broadcast %broadcast_in_dim3A_299 : i32 to vector<16xi32>
        %add3A_301 = vector.broadcast %add3A_298 : i32 to vector<16xi32>
        %add3A_302 = arith.addi %broadcast_in_dim3A_300, %add3A_301 : vector<16xi32>
        %gather3A_303 = tpu.vector_load_idx %arg7[%iota3A, %add3A_302] : memref<16x80xf32, #tpu.memory_space<vmem>>[vector<16xi32>, vector<16xi32>], vector<16xf32>,
        %swap3A_304 = arith.index_cast %add3A_298 : i32 to index
        %swap3A_305 = arith.constant 0 : index
        %swap3A_306 = tpu.vector_load %arg9[%swap3A_304, %swap3A_305] {strides = array<i32>} : memref<80x16xf32, #tpu.memory_space<vmem>>, vector<16xf32>,
        tpu.vector_store %arg9[%swap3A_304, %swap3A_305], %gather3A_303 {strides = array<i32>} : memref<80x16xf32, #tpu.memory_space<vmem>>, vector<16xf32>,
        %mul3A_307 = arith.constant 16 : i32
        %mul3A_308 = arith.muli %scan3A_165, %mul3A_307 : i32
        %add3A_309 = arith.constant 12 : i32
        %add3A_310 = arith.addi %mul3A_308, %add3A_309 : i32
        %broadcast_in_dim3A_311 = arith.constant 0 : i32
        %broadcast_in_dim3A_312 = vector.broadcast %broadcast_in_dim3A_311 : i32 to vector<16xi32>
        %add3A_313 = vector.broadcast %add3A_310 : i32 to vector<16xi32>
        %add3A_314 = arith.addi %broadcast_in_dim3A_312, %add3A_313 : vector<16xi32>
        %gather3A_315 = tpu.vector_load_idx %arg7[%iota3A, %add3A_314] : memref<16x80xf32, #tpu.memory_space<vmem>>[vector<16xi32>, vector<16xi32>], vector<16xf32>,
        %swap3A_316 = arith.index_cast %add3A_310 : i32 to index
        %swap3A_317 = arith.constant 0 : index
        %swap3A_318 = tpu.vector_load %arg9[%swap3A_316, %swap3A_317] {strides = array<i32>} : memref<80x16xf32, #tpu.memory_space<vmem>>, vector<16xf32>,
        tpu.vector_store %arg9[%swap3A_316, %swap3A_317], %gather3A_315 {strides = array<i32>} : memref<80x16xf32, #tpu.memory_space<vmem>>, vector<16xf32>,
        %mul3A_319 = arith.constant 16 : i32
        %mul3A_320 = arith.muli %scan3A_165, %mul3A_319 : i32
        %add3A_321 = arith.constant 13 : i32
        %add3A_322 = arith.addi %mul3A_320, %add3A_321 : i32
        %broadcast_in_dim3A_323 = arith.constant 0 : i32
        %broadcast_in_dim3A_324 = vector.broadcast %broadcast_in_dim3A_323 : i32 to vector<16xi32>
        %add3A_325 = vector.broadcast %add3A_322 : i32 to vector<16xi32>
        %add3A_326 = arith.addi %broadcast_in_dim3A_324, %add3A_325 : vector<16xi32>
        %gather3A_327 = tpu.vector_load_idx %arg7[%iota3A, %add3A_326] : memref<16x80xf32, #tpu.memory_space<vmem>>[vector<16xi32>, vector<16xi32>], vector<16xf32>,
        %swap3A_328 = arith.index_cast %add3A_322 : i32 to index
        %swap3A_329 = arith.constant 0 : index
        %swap3A_330 = tpu.vector_load %arg9[%swap3A_328, %swap3A_329] {strides = array<i32>} : memref<80x16xf32, #tpu.memory_space<vmem>>, vector<16xf32>,
        tpu.vector_store %arg9[%swap3A_328, %swap3A_329], %gather3A_327 {strides = array<i32>} : memref<80x16xf32, #tpu.memory_space<vmem>>, vector<16xf32>,
        %mul3A_331 = arith.constant 16 : i32
        %mul3A_332 = arith.muli %scan3A_165, %mul3A_331 : i32
        %add3A_333 = arith.constant 14 : i32
        %add3A_334 = arith.addi %mul3A_332, %add3A_333 : i32
        %broadcast_in_dim3A_335 = arith.constant 0 : i32
        %broadcast_in_dim3A_336 = vector.broadcast %broadcast_in_dim3A_335 : i32 to vector<16xi32>
        %add3A_337 = vector.broadcast %add3A_334 : i32 to vector<16xi32>
        %add3A_338 = arith.addi %broadcast_in_dim3A_336, %add3A_337 : vector<16xi32>
        %gather3A_339 = tpu.vector_load_idx %arg7[%iota3A, %add3A_338] : memref<16x80xf32, #tpu.memory_space<vmem>>[vector<16xi32>, vector<16xi32>], vector<16xf32>,
        %swap3A_340 = arith.index_cast %add3A_334 : i32 to index
        %swap3A_341 = arith.constant 0 : index
        %swap3A_342 = tpu.vector_load %arg9[%swap3A_340, %swap3A_341] {strides = array<i32>} : memref<80x16xf32, #tpu.memory_space<vmem>>, vector<16xf32>,
        tpu.vector_store %arg9[%swap3A_340, %swap3A_341], %gather3A_339 {strides = array<i32>} : memref<80x16xf32, #tpu.memory_space<vmem>>, vector<16xf32>,
        %mul3A_343 = arith.constant 16 : i32
        %mul3A_344 = arith.muli %scan3A_165, %mul3A_343 : i32
        %add3A_345 = arith.constant 15 : i32
        %add3A_346 = arith.addi %mul3A_344, %add3A_345 : i32
        %broadcast_in_dim3A_347 = arith.constant 0 : i32
        %broadcast_in_dim3A_348 = vector.broadcast %broadcast_in_dim3A_347 : i32 to vector<16xi32>
        %add3A_349 = vector.broadcast %add3A_346 : i32 to vector<16xi32>
        %add3A_350 = arith.addi %broadcast_in_dim3A_348, %add3A_349 : vector<16xi32>
        %gather3A_351 = tpu.vector_load_idx %arg7[%iota3A, %add3A_350] : memref<16x80xf32, #tpu.memory_space<vmem>>[vector<16xi32>, vector<16xi32>], vector<16xf32>,
        %swap3A_352 = arith.index_cast %add3A_346 : i32 to index
        %swap3A_353 = arith.constant 0 : index
        %swap3A_354 = tpu.vector_load %arg9[%swap3A_352, %swap3A_353] {strides = array<i32>} : memref<80x16xf32, #tpu.memory_space<vmem>>, vector<16xf32>,
        tpu.vector_store %arg9[%swap3A_352, %swap3A_353], %gather3A_351 {strides = array<i32>} : memref<80x16xf32, #tpu.memory_space<vmem>>, vector<16xf32>,
      }
      %scan3A_110 = arith.constant 5 : i32
      %dma_start3A_111 = arith.constant 0 : i32
      %dma_start3A_112 = arith.constant 0 : i32
      %dma_start3A_113 = tpu.memref_slice %arg6[%add3A_81, %dma_start3A_112] : memref<125x80xi32, #tpu.memory_space<vmem>> -> memref<1x80xi32, #tpu.memory_space<vmem>>
      %dma_start3A_114 = tpu.memref_squeeze %dma_start3A_113 : memref<1x80xi32, #tpu.memory_space<vmem>> -> memref<80xi32, #tpu.memory_space<vmem>>
      %dma_start3A_115 = arith.constant 0 : i32
      %dma_start3A_116 = arith.constant 0 : i32
      %dma_start3A_117 = tpu.memref_slice %arg11[%dma_start3A_115, %dma_start3A_116] : memref<10000x16xf32, #tpu.memory_space<vmem_shared>> -> memref<10000x16xf32, #tpu.memory_space<vmem_shared>>
      %dma_start3A_118 = tpu.memref_slice %arg13[%dma_start3A_111] : memref<2x!tpu.dma_semaphore, #tpu.memory_space<semaphore_mem>> -> memref<1x!tpu.dma_semaphore, #tpu.memory_space<semaphore_mem>>
      %dma_start3A_119 = tpu.memref_squeeze %dma_start3A_118 : memref<1x!tpu.dma_semaphore, #tpu.memory_space<semaphore_mem>> -> memref<!tpu.dma_semaphore, #tpu.memory_space<semaphore_mem>>
      tpu.enqueue_indirect_dma source(%arg9 : memref<80x16xf32, #tpu.memory_space<vmem>>) target(%dma_start3A_117 : memref<10000x16xf32, #tpu.memory_space<vmem_shared>>) offsets(%dma_start3A_114 : memref<80xi32, #tpu.memory_space<vmem>>) semaphore(%dma_start3A_119 : memref<!tpu.dma_semaphore, #tpu.memory_space<semaphore_mem>>) {add = true}
      %mul3A_120 = arith.constant 2 : i32
      %mul3A_121 = arith.muli %mul3A_120, %scan3A_77 : i32
      %add3A_122 = arith.constant 1 : i32
      %add3A_123 = arith.addi %mul3A_121, %add3A_122 : i32
      %add3A_124 = arith.constant 1 : i32
      %add3A_125 = arith.addi %add3A_123, %add3A_124 : i32
      %add3A_126 = arith.addi %mul3A_4, %add3A_125 : i32
      %mul3A_127 = arith.constant 80 : i32
      %mul3A_128 = arith.muli %add3A_126, %mul3A_127 : i32
      %dma_start3A_129 = arith.constant 0 : i32
      %dma_start3A_130 = arith.constant 0 : i32
      %dma_start3A_131 = tpu.memref_slice %arg2[%dma_start3A_130, %mul3A_128] : memref<16x320000xf32, #tpu.memory_space<hbm>> -> memref<16x80xf32, #tpu.memory_space<hbm>>
      %dma_start3A_132 = tpu.memref_slice %arg12[%dma_start3A_129] : memref<2x!tpu.dma_semaphore, #tpu.memory_space<semaphore_mem>> -> memref<1x!tpu.dma_semaphore, #tpu.memory_space<semaphore_mem>>
      %dma_start3A_133 = tpu.memref_squeeze %dma_start3A_132 : memref<1x!tpu.dma_semaphore, #tpu.memory_space<semaphore_mem>> -> memref<!tpu.dma_semaphore, #tpu.memory_space<semaphore_mem>>
      %dma_start3A_134 = arith.constant 0 : i32
      %dma_start3A_135 = tpu.memref_slice %arg2[%dma_start3A_134, %mul3A_128] : memref<16x320000xf32, #tpu.memory_space<hbm>> -> memref<16x80xf32, #tpu.memory_space<hbm>>
      tpu.enqueue_dma source(%dma_start3A_135 : memref<16x80xf32, #tpu.memory_space<hbm>>) target(%arg7 : memref<16x80xf32, #tpu.memory_space<vmem>>) target_semaphore(%dma_start3A_133 : memref<!tpu.dma_semaphore, #tpu.memory_space<semaphore_mem>>)
      %dma_wait3A_136 = arith.constant 1 : i32
      %dma_wait3A_137 = arith.constant 0 : i32
      %dma_wait3A_138 = arith.constant 0 : i32
      %dma_wait3A_139 = tpu.memref_slice %arg2[%dma_wait3A_137, %dma_wait3A_138] : memref<16x320000xf32, #tpu.memory_space<hbm>> -> memref<16x80xf32, #tpu.memory_space<hbm>>
      %dma_wait3A_140 = tpu.memref_slice %arg12[%dma_wait3A_136] : memref<2x!tpu.dma_semaphore, #tpu.memory_space<semaphore_mem>> -> memref<1x!tpu.dma_semaphore, #tpu.memory_space<semaphore_mem>>
      %dma_wait3A_141 = tpu.memref_squeeze %dma_wait3A_140 : memref<1x!tpu.dma_semaphore, #tpu.memory_space<semaphore_mem>> -> memref<!tpu.dma_semaphore, #tpu.memory_space<semaphore_mem>>
      %dma_wait3A_142 = arith.constant 0 : i32
      %dma_wait3A_143 = arith.constant 0 : i32
      %dma_wait3A_144 = tpu.memref_slice %arg2[%dma_wait3A_142, %dma_wait3A_143] : memref<16x320000xf32, #tpu.memory_space<hbm>> -> memref<16x80xf32, #tpu.memory_space<hbm>>
      tpu.wait_dma2 semaphore(%dma_wait3A_141 : memref<!tpu.dma_semaphore, #tpu.memory_space<semaphore_mem>>) src(%dma_wait3A_144 : memref<16x80xf32, #tpu.memory_space<hbm>>) dst(%arg8 : memref<16x80xf32, #tpu.memory_space<vmem>>)
      %ge3A_145 = arith.constant 2 : i32
      %ge3A_146 = arith.cmpi sge, %add3A_123, %ge3A_145 : i32
      %convert_element_type3A_147 = arith.extui %ge3A_146 : i1 to i32
      %cond3A_148 = arith.constant 0 : i32
      %cond3A_149 = arith.cmpi ne, %convert_element_type3A_147, %cond3A_148 : i32
      scf.if %cond3A_149 {
        %dma_wait3A_165 = arith.constant 0 : i32
        %dma_wait3A_166 = arith.constant 1 : i32
        %dma_wait3A_167 = arith.constant 0 : i32
        %dma_wait3A_168 = tpu.memref_slice %arg6[%dma_wait3A_165, %dma_wait3A_167] : memref<125x80xi32, #tpu.memory_space<vmem>> -> memref<1x80xi32, #tpu.memory_space<vmem>>
        %dma_wait3A_169 = tpu.memref_squeeze %dma_wait3A_168 : memref<1x80xi32, #tpu.memory_space<vmem>> -> memref<80xi32, #tpu.memory_space<vmem>>
        %dma_wait3A_170 = arith.constant 0 : i32
        %dma_wait3A_171 = arith.constant 0 : i32
        %dma_wait3A_172 = tpu.memref_slice %arg11[%dma_wait3A_170, %dma_wait3A_171] : memref<10000x16xf32, #tpu.memory_space<vmem_shared>> -> memref<10000x16xf32, #tpu.memory_space<vmem_shared>>
        %dma_wait3A_173 = tpu.memref_slice %arg13[%dma_wait3A_166] : memref<2x!tpu.dma_semaphore, #tpu.memory_space<semaphore_mem>> -> memref<1x!tpu.dma_semaphore, #tpu.memory_space<semaphore_mem>>
        %dma_wait3A_174 = tpu.memref_squeeze %dma_wait3A_173 : memref<1x!tpu.dma_semaphore, #tpu.memory_space<semaphore_mem>> -> memref<!tpu.dma_semaphore, #tpu.memory_space<semaphore_mem>>
        tpu.wait_indirect_dma semaphore(%dma_wait3A_174 : memref<!tpu.dma_semaphore, #tpu.memory_space<semaphore_mem>>) src(%arg10 : memref<80x16xf32, #tpu.memory_space<vmem>>) dst(%dma_wait3A_172 : memref<10000x16xf32, #tpu.memory_space<vmem_shared>>)
      } else {
      }
      %scan3A_150 = arith.constant 0 : i32
      %scan3A_151 = arith.constant 0 : i32
      %scan3A_152 = arith.constant 5 : i32
      %scan3A_153 = arith.addi %scan3A_151, %scan3A_152 : i32
      %scan3A_154 = arith.constant 1 : i32
      scf.for %scan3A_165 = %scan3A_151 to %scan3A_153 step %scan3A_154  : i32 {
        %mul3A_166 = arith.constant 16 : i32
        %mul3A_167 = arith.muli %scan3A_165, %mul3A_166 : i32
        %add3A_168 = arith.constant 0 : i32
        %add3A_169 = arith.addi %mul3A_167, %add3A_168 : i32
        %broadcast_in_dim3A = arith.constant 0 : i32
        %broadcast_in_dim3A_170 = vector.broadcast %broadcast_in_dim3A : i32 to vector<16xi32>
        %add3A_171 = vector.broadcast %add3A_169 : i32 to vector<16xi32>
        %add3A_172 = arith.addi %broadcast_in_dim3A_170, %add3A_171 : vector<16xi32>
        %gather3A = tpu.vector_load_idx %arg8[%iota3A, %add3A_172] : memref<16x80xf32, #tpu.memory_space<vmem>>[vector<16xi32>, vector<16xi32>], vector<16xf32>,
        %swap3A = arith.index_cast %add3A_169 : i32 to index
        %swap3A_173 = arith.constant 0 : index
        %swap3A_174 = tpu.vector_load %arg10[%swap3A, %swap3A_173] {strides = array<i32>} : memref<80x16xf32, #tpu.memory_space<vmem>>, vector<16xf32>,
        tpu.vector_store %arg10[%swap3A, %swap3A_173], %gather3A {strides = array<i32>} : memref<80x16xf32, #tpu.memory_space<vmem>>, vector<16xf32>,
        %mul3A_175 = arith.constant 16 : i32
        %mul3A_176 = arith.muli %scan3A_165, %mul3A_175 : i32
        %add3A_177 = arith.constant 1 : i32
        %add3A_178 = arith.addi %mul3A_176, %add3A_177 : i32
        %broadcast_in_dim3A_179 = arith.constant 0 : i32
        %broadcast_in_dim3A_180 = vector.broadcast %broadcast_in_dim3A_179 : i32 to vector<16xi32>
        %add3A_181 = vector.broadcast %add3A_178 : i32 to vector<16xi32>
        %add3A_182 = arith.addi %broadcast_in_dim3A_180, %add3A_181 : vector<16xi32>
        %gather3A_183 = tpu.vector_load_idx %arg8[%iota3A, %add3A_182] : memref<16x80xf32, #tpu.memory_space<vmem>>[vector<16xi32>, vector<16xi32>], vector<16xf32>,
        %swap3A_184 = arith.index_cast %add3A_178 : i32 to index
        %swap3A_185 = arith.constant 0 : index
        %swap3A_186 = tpu.vector_load %arg10[%swap3A_184, %swap3A_185] {strides = array<i32>} : memref<80x16xf32, #tpu.memory_space<vmem>>, vector<16xf32>,
        tpu.vector_store %arg10[%swap3A_184, %swap3A_185], %gather3A_183 {strides = array<i32>} : memref<80x16xf32, #tpu.memory_space<vmem>>, vector<16xf32>,
        %mul3A_187 = arith.constant 16 : i32
        %mul3A_188 = arith.muli %scan3A_165, %mul3A_187 : i32
        %add3A_189 = arith.constant 2 : i32
        %add3A_190 = arith.addi %mul3A_188, %add3A_189 : i32
        %broadcast_in_dim3A_191 = arith.constant 0 : i32
        %broadcast_in_dim3A_192 = vector.broadcast %broadcast_in_dim3A_191 : i32 to vector<16xi32>
        %add3A_193 = vector.broadcast %add3A_190 : i32 to vector<16xi32>
        %add3A_194 = arith.addi %broadcast_in_dim3A_192, %add3A_193 : vector<16xi32>
        %gather3A_195 = tpu.vector_load_idx %arg8[%iota3A, %add3A_194] : memref<16x80xf32, #tpu.memory_space<vmem>>[vector<16xi32>, vector<16xi32>], vector<16xf32>,
        %swap3A_196 = arith.index_cast %add3A_190 : i32 to index
        %swap3A_197 = arith.constant 0 : index
        %swap3A_198 = tpu.vector_load %arg10[%swap3A_196, %swap3A_197] {strides = array<i32>} : memref<80x16xf32, #tpu.memory_space<vmem>>, vector<16xf32>,
        tpu.vector_store %arg10[%swap3A_196, %swap3A_197], %gather3A_195 {strides = array<i32>} : memref<80x16xf32, #tpu.memory_space<vmem>>, vector<16xf32>,
        %mul3A_199 = arith.constant 16 : i32
        %mul3A_200 = arith.muli %scan3A_165, %mul3A_199 : i32
        %add3A_201 = arith.constant 3 : i32
        %add3A_202 = arith.addi %mul3A_200, %add3A_201 : i32
        %broadcast_in_dim3A_203 = arith.constant 0 : i32
        %broadcast_in_dim3A_204 = vector.broadcast %broadcast_in_dim3A_203 : i32 to vector<16xi32>
        %add3A_205 = vector.broadcast %add3A_202 : i32 to vector<16xi32>
        %add3A_206 = arith.addi %broadcast_in_dim3A_204, %add3A_205 : vector<16xi32>
        %gather3A_207 = tpu.vector_load_idx %arg8[%iota3A, %add3A_206] : memref<16x80xf32, #tpu.memory_space<vmem>>[vector<16xi32>, vector<16xi32>], vector<16xf32>,
        %swap3A_208 = arith.index_cast %add3A_202 : i32 to index
        %swap3A_209 = arith.constant 0 : index
        %swap3A_210 = tpu.vector_load %arg10[%swap3A_208, %swap3A_209] {strides = array<i32>} : memref<80x16xf32, #tpu.memory_space<vmem>>, vector<16xf32>,
        tpu.vector_store %arg10[%swap3A_208, %swap3A_209], %gather3A_207 {strides = array<i32>} : memref<80x16xf32, #tpu.memory_space<vmem>>, vector<16xf32>,
        %mul3A_211 = arith.constant 16 : i32
        %mul3A_212 = arith.muli %scan3A_165, %mul3A_211 : i32
        %add3A_213 = arith.constant 4 : i32
        %add3A_214 = arith.addi %mul3A_212, %add3A_213 : i32
        %broadcast_in_dim3A_215 = arith.constant 0 : i32
        %broadcast_in_dim3A_216 = vector.broadcast %broadcast_in_dim3A_215 : i32 to vector<16xi32>
        %add3A_217 = vector.broadcast %add3A_214 : i32 to vector<16xi32>
        %add3A_218 = arith.addi %broadcast_in_dim3A_216, %add3A_217 : vector<16xi32>
        %gather3A_219 = tpu.vector_load_idx %arg8[%iota3A, %add3A_218] : memref<16x80xf32, #tpu.memory_space<vmem>>[vector<16xi32>, vector<16xi32>], vector<16xf32>,
        %swap3A_220 = arith.index_cast %add3A_214 : i32 to index
        %swap3A_221 = arith.constant 0 : index
        %swap3A_222 = tpu.vector_load %arg10[%swap3A_220, %swap3A_221] {strides = array<i32>} : memref<80x16xf32, #tpu.memory_space<vmem>>, vector<16xf32>,
        tpu.vector_store %arg10[%swap3A_220, %swap3A_221], %gather3A_219 {strides = array<i32>} : memref<80x16xf32, #tpu.memory_space<vmem>>, vector<16xf32>,
        %mul3A_223 = arith.constant 16 : i32
        %mul3A_224 = arith.muli %scan3A_165, %mul3A_223 : i32
        %add3A_225 = arith.constant 5 : i32
        %add3A_226 = arith.addi %mul3A_224, %add3A_225 : i32
        %broadcast_in_dim3A_227 = arith.constant 0 : i32
        %broadcast_in_dim3A_228 = vector.broadcast %broadcast_in_dim3A_227 : i32 to vector<16xi32>
        %add3A_229 = vector.broadcast %add3A_226 : i32 to vector<16xi32>
        %add3A_230 = arith.addi %broadcast_in_dim3A_228, %add3A_229 : vector<16xi32>
        %gather3A_231 = tpu.vector_load_idx %arg8[%iota3A, %add3A_230] : memref<16x80xf32, #tpu.memory_space<vmem>>[vector<16xi32>, vector<16xi32>], vector<16xf32>,
        %swap3A_232 = arith.index_cast %add3A_226 : i32 to index
        %swap3A_233 = arith.constant 0 : index
        %swap3A_234 = tpu.vector_load %arg10[%swap3A_232, %swap3A_233] {strides = array<i32>} : memref<80x16xf32, #tpu.memory_space<vmem>>, vector<16xf32>,
        tpu.vector_store %arg10[%swap3A_232, %swap3A_233], %gather3A_231 {strides = array<i32>} : memref<80x16xf32, #tpu.memory_space<vmem>>, vector<16xf32>,
        %mul3A_235 = arith.constant 16 : i32
        %mul3A_236 = arith.muli %scan3A_165, %mul3A_235 : i32
        %add3A_237 = arith.constant 6 : i32
        %add3A_238 = arith.addi %mul3A_236, %add3A_237 : i32
        %broadcast_in_dim3A_239 = arith.constant 0 : i32
        %broadcast_in_dim3A_240 = vector.broadcast %broadcast_in_dim3A_239 : i32 to vector<16xi32>
        %add3A_241 = vector.broadcast %add3A_238 : i32 to vector<16xi32>
        %add3A_242 = arith.addi %broadcast_in_dim3A_240, %add3A_241 : vector<16xi32>
        %gather3A_243 = tpu.vector_load_idx %arg8[%iota3A, %add3A_242] : memref<16x80xf32, #tpu.memory_space<vmem>>[vector<16xi32>, vector<16xi32>], vector<16xf32>,
        %swap3A_244 = arith.index_cast %add3A_238 : i32 to index
        %swap3A_245 = arith.constant 0 : index
        %swap3A_246 = tpu.vector_load %arg10[%swap3A_244, %swap3A_245] {strides = array<i32>} : memref<80x16xf32, #tpu.memory_space<vmem>>, vector<16xf32>,
        tpu.vector_store %arg10[%swap3A_244, %swap3A_245], %gather3A_243 {strides = array<i32>} : memref<80x16xf32, #tpu.memory_space<vmem>>, vector<16xf32>,
        %mul3A_247 = arith.constant 16 : i32
        %mul3A_248 = arith.muli %scan3A_165, %mul3A_247 : i32
        %add3A_249 = arith.constant 7 : i32
        %add3A_250 = arith.addi %mul3A_248, %add3A_249 : i32
        %broadcast_in_dim3A_251 = arith.constant 0 : i32
        %broadcast_in_dim3A_252 = vector.broadcast %broadcast_in_dim3A_251 : i32 to vector<16xi32>
        %add3A_253 = vector.broadcast %add3A_250 : i32 to vector<16xi32>
        %add3A_254 = arith.addi %broadcast_in_dim3A_252, %add3A_253 : vector<16xi32>
        %gather3A_255 = tpu.vector_load_idx %arg8[%iota3A, %add3A_254] : memref<16x80xf32, #tpu.memory_space<vmem>>[vector<16xi32>, vector<16xi32>], vector<16xf32>,
        %swap3A_256 = arith.index_cast %add3A_250 : i32 to index
        %swap3A_257 = arith.constant 0 : index
        %swap3A_258 = tpu.vector_load %arg10[%swap3A_256, %swap3A_257] {strides = array<i32>} : memref<80x16xf32, #tpu.memory_space<vmem>>, vector<16xf32>,
        tpu.vector_store %arg10[%swap3A_256, %swap3A_257], %gather3A_255 {strides = array<i32>} : memref<80x16xf32, #tpu.memory_space<vmem>>, vector<16xf32>,
        %mul3A_259 = arith.constant 16 : i32
        %mul3A_260 = arith.muli %scan3A_165, %mul3A_259 : i32
        %add3A_261 = arith.constant 8 : i32
        %add3A_262 = arith.addi %mul3A_260, %add3A_261 : i32
        %broadcast_in_dim3A_263 = arith.constant 0 : i32
        %broadcast_in_dim3A_264 = vector.broadcast %broadcast_in_dim3A_263 : i32 to vector<16xi32>
        %add3A_265 = vector.broadcast %add3A_262 : i32 to vector<16xi32>
        %add3A_266 = arith.addi %broadcast_in_dim3A_264, %add3A_265 : vector<16xi32>
        %gather3A_267 = tpu.vector_load_idx %arg8[%iota3A, %add3A_266] : memref<16x80xf32, #tpu.memory_space<vmem>>[vector<16xi32>, vector<16xi32>], vector<16xf32>,
        %swap3A_268 = arith.index_cast %add3A_262 : i32 to index
        %swap3A_269 = arith.constant 0 : index
        %swap3A_270 = tpu.vector_load %arg10[%swap3A_268, %swap3A_269] {strides = array<i32>} : memref<80x16xf32, #tpu.memory_space<vmem>>, vector<16xf32>,
        tpu.vector_store %arg10[%swap3A_268, %swap3A_269], %gather3A_267 {strides = array<i32>} : memref<80x16xf32, #tpu.memory_space<vmem>>, vector<16xf32>,
        %mul3A_271 = arith.constant 16 : i32
        %mul3A_272 = arith.muli %scan3A_165, %mul3A_271 : i32
        %add3A_273 = arith.constant 9 : i32
        %add3A_274 = arith.addi %mul3A_272, %add3A_273 : i32
        %broadcast_in_dim3A_275 = arith.constant 0 : i32
        %broadcast_in_dim3A_276 = vector.broadcast %broadcast_in_dim3A_275 : i32 to vector<16xi32>
        %add3A_277 = vector.broadcast %add3A_274 : i32 to vector<16xi32>
        %add3A_278 = arith.addi %broadcast_in_dim3A_276, %add3A_277 : vector<16xi32>
        %gather3A_279 = tpu.vector_load_idx %arg8[%iota3A, %add3A_278] : memref<16x80xf32, #tpu.memory_space<vmem>>[vector<16xi32>, vector<16xi32>], vector<16xf32>,
        %swap3A_280 = arith.index_cast %add3A_274 : i32 to index
        %swap3A_281 = arith.constant 0 : index
        %swap3A_282 = tpu.vector_load %arg10[%swap3A_280, %swap3A_281] {strides = array<i32>} : memref<80x16xf32, #tpu.memory_space<vmem>>, vector<16xf32>,
        tpu.vector_store %arg10[%swap3A_280, %swap3A_281], %gather3A_279 {strides = array<i32>} : memref<80x16xf32, #tpu.memory_space<vmem>>, vector<16xf32>,
        %mul3A_283 = arith.constant 16 : i32
        %mul3A_284 = arith.muli %scan3A_165, %mul3A_283 : i32
        %add3A_285 = arith.constant 10 : i32
        %add3A_286 = arith.addi %mul3A_284, %add3A_285 : i32
        %broadcast_in_dim3A_287 = arith.constant 0 : i32
        %broadcast_in_dim3A_288 = vector.broadcast %broadcast_in_dim3A_287 : i32 to vector<16xi32>
        %add3A_289 = vector.broadcast %add3A_286 : i32 to vector<16xi32>
        %add3A_290 = arith.addi %broadcast_in_dim3A_288, %add3A_289 : vector<16xi32>
        %gather3A_291 = tpu.vector_load_idx %arg8[%iota3A, %add3A_290] : memref<16x80xf32, #tpu.memory_space<vmem>>[vector<16xi32>, vector<16xi32>], vector<16xf32>,
        %swap3A_292 = arith.index_cast %add3A_286 : i32 to index
        %swap3A_293 = arith.constant 0 : index
        %swap3A_294 = tpu.vector_load %arg10[%swap3A_292, %swap3A_293] {strides = array<i32>} : memref<80x16xf32, #tpu.memory_space<vmem>>, vector<16xf32>,
        tpu.vector_store %arg10[%swap3A_292, %swap3A_293], %gather3A_291 {strides = array<i32>} : memref<80x16xf32, #tpu.memory_space<vmem>>, vector<16xf32>,
        %mul3A_295 = arith.constant 16 : i32
        %mul3A_296 = arith.muli %scan3A_165, %mul3A_295 : i32
        %add3A_297 = arith.constant 11 : i32
        %add3A_298 = arith.addi %mul3A_296, %add3A_297 : i32
        %broadcast_in_dim3A_299 = arith.constant 0 : i32
        %broadcast_in_dim3A_300 = vector.broadcast %broadcast_in_dim3A_299 : i32 to vector<16xi32>
        %add3A_301 = vector.broadcast %add3A_298 : i32 to vector<16xi32>
        %add3A_302 = arith.addi %broadcast_in_dim3A_300, %add3A_301 : vector<16xi32>
        %gather3A_303 = tpu.vector_load_idx %arg8[%iota3A, %add3A_302] : memref<16x80xf32, #tpu.memory_space<vmem>>[vector<16xi32>, vector<16xi32>], vector<16xf32>,
        %swap3A_304 = arith.index_cast %add3A_298 : i32 to index
        %swap3A_305 = arith.constant 0 : index
        %swap3A_306 = tpu.vector_load %arg10[%swap3A_304, %swap3A_305] {strides = array<i32>} : memref<80x16xf32, #tpu.memory_space<vmem>>, vector<16xf32>,
        tpu.vector_store %arg10[%swap3A_304, %swap3A_305], %gather3A_303 {strides = array<i32>} : memref<80x16xf32, #tpu.memory_space<vmem>>, vector<16xf32>,
        %mul3A_307 = arith.constant 16 : i32
        %mul3A_308 = arith.muli %scan3A_165, %mul3A_307 : i32
        %add3A_309 = arith.constant 12 : i32
        %add3A_310 = arith.addi %mul3A_308, %add3A_309 : i32
        %broadcast_in_dim3A_311 = arith.constant 0 : i32
        %broadcast_in_dim3A_312 = vector.broadcast %broadcast_in_dim3A_311 : i32 to vector<16xi32>
        %add3A_313 = vector.broadcast %add3A_310 : i32 to vector<16xi32>
        %add3A_314 = arith.addi %broadcast_in_dim3A_312, %add3A_313 : vector<16xi32>
        %gather3A_315 = tpu.vector_load_idx %arg8[%iota3A, %add3A_314] : memref<16x80xf32, #tpu.memory_space<vmem>>[vector<16xi32>, vector<16xi32>], vector<16xf32>,
        %swap3A_316 = arith.index_cast %add3A_310 : i32 to index
        %swap3A_317 = arith.constant 0 : index
        %swap3A_318 = tpu.vector_load %arg10[%swap3A_316, %swap3A_317] {strides = array<i32>} : memref<80x16xf32, #tpu.memory_space<vmem>>, vector<16xf32>,
        tpu.vector_store %arg10[%swap3A_316, %swap3A_317], %gather3A_315 {strides = array<i32>} : memref<80x16xf32, #tpu.memory_space<vmem>>, vector<16xf32>,
        %mul3A_319 = arith.constant 16 : i32
        %mul3A_320 = arith.muli %scan3A_165, %mul3A_319 : i32
        %add3A_321 = arith.constant 13 : i32
        %add3A_322 = arith.addi %mul3A_320, %add3A_321 : i32
        %broadcast_in_dim3A_323 = arith.constant 0 : i32
        %broadcast_in_dim3A_324 = vector.broadcast %broadcast_in_dim3A_323 : i32 to vector<16xi32>
        %add3A_325 = vector.broadcast %add3A_322 : i32 to vector<16xi32>
        %add3A_326 = arith.addi %broadcast_in_dim3A_324, %add3A_325 : vector<16xi32>
        %gather3A_327 = tpu.vector_load_idx %arg8[%iota3A, %add3A_326] : memref<16x80xf32, #tpu.memory_space<vmem>>[vector<16xi32>, vector<16xi32>], vector<16xf32>,
        %swap3A_328 = arith.index_cast %add3A_322 : i32 to index
        %swap3A_329 = arith.constant 0 : index
        %swap3A_330 = tpu.vector_load %arg10[%swap3A_328, %swap3A_329] {strides = array<i32>} : memref<80x16xf32, #tpu.memory_space<vmem>>, vector<16xf32>,
        tpu.vector_store %arg10[%swap3A_328, %swap3A_329], %gather3A_327 {strides = array<i32>} : memref<80x16xf32, #tpu.memory_space<vmem>>, vector<16xf32>,
        %mul3A_331 = arith.constant 16 : i32
        %mul3A_332 = arith.muli %scan3A_165, %mul3A_331 : i32
        %add3A_333 = arith.constant 14 : i32
        %add3A_334 = arith.addi %mul3A_332, %add3A_333 : i32
        %broadcast_in_dim3A_335 = arith.constant 0 : i32
        %broadcast_in_dim3A_336 = vector.broadcast %broadcast_in_dim3A_335 : i32 to vector<16xi32>
        %add3A_337 = vector.broadcast %add3A_334 : i32 to vector<16xi32>
        %add3A_338 = arith.addi %broadcast_in_dim3A_336, %add3A_337 : vector<16xi32>
        %gather3A_339 = tpu.vector_load_idx %arg8[%iota3A, %add3A_338] : memref<16x80xf32, #tpu.memory_space<vmem>>[vector<16xi32>, vector<16xi32>], vector<16xf32>,
        %swap3A_340 = arith.index_cast %add3A_334 : i32 to index
        %swap3A_341 = arith.constant 0 : index
        %swap3A_342 = tpu.vector_load %arg10[%swap3A_340, %swap3A_341] {strides = array<i32>} : memref<80x16xf32, #tpu.memory_space<vmem>>, vector<16xf32>,
        tpu.vector_store %arg10[%swap3A_340, %swap3A_341], %gather3A_339 {strides = array<i32>} : memref<80x16xf32, #tpu.memory_space<vmem>>, vector<16xf32>,
        %mul3A_343 = arith.constant 16 : i32
        %mul3A_344 = arith.muli %scan3A_165, %mul3A_343 : i32
        %add3A_345 = arith.constant 15 : i32
        %add3A_346 = arith.addi %mul3A_344, %add3A_345 : i32
        %broadcast_in_dim3A_347 = arith.constant 0 : i32
        %broadcast_in_dim3A_348 = vector.broadcast %broadcast_in_dim3A_347 : i32 to vector<16xi32>
        %add3A_349 = vector.broadcast %add3A_346 : i32 to vector<16xi32>
        %add3A_350 = arith.addi %broadcast_in_dim3A_348, %add3A_349 : vector<16xi32>
        %gather3A_351 = tpu.vector_load_idx %arg8[%iota3A, %add3A_350] : memref<16x80xf32, #tpu.memory_space<vmem>>[vector<16xi32>, vector<16xi32>], vector<16xf32>,
        %swap3A_352 = arith.index_cast %add3A_346 : i32 to index
        %swap3A_353 = arith.constant 0 : index
        %swap3A_354 = tpu.vector_load %arg10[%swap3A_352, %swap3A_353] {strides = array<i32>} : memref<80x16xf32, #tpu.memory_space<vmem>>, vector<16xf32>,
        tpu.vector_store %arg10[%swap3A_352, %swap3A_353], %gather3A_351 {strides = array<i32>} : memref<80x16xf32, #tpu.memory_space<vmem>>, vector<16xf32>,
      }
      %scan3A_155 = arith.constant 5 : i32
      %dma_start3A_156 = arith.constant 1 : i32
      %dma_start3A_157 = arith.constant 0 : i32
      %dma_start3A_158 = tpu.memref_slice %arg6[%add3A_123, %dma_start3A_157] : memref<125x80xi32, #tpu.memory_space<vmem>> -> memref<1x80xi32, #tpu.memory_space<vmem>>
      %dma_start3A_159 = tpu.memref_squeeze %dma_start3A_158 : memref<1x80xi32, #tpu.memory_space<vmem>> -> memref<80xi32, #tpu.memory_space<vmem>>
      %dma_start3A_160 = arith.constant 0 : i32
      %dma_start3A_161 = arith.constant 0 : i32
      %dma_start3A_162 = tpu.memref_slice %arg11[%dma_start3A_160, %dma_start3A_161] : memref<10000x16xf32, #tpu.memory_space<vmem_shared>> -> memref<10000x16xf32, #tpu.memory_space<vmem_shared>>
      %dma_start3A_163 = tpu.memref_slice %arg13[%dma_start3A_156] : memref<2x!tpu.dma_semaphore, #tpu.memory_space<semaphore_mem>> -> memref<1x!tpu.dma_semaphore, #tpu.memory_space<semaphore_mem>>
      %dma_start3A_164 = tpu.memref_squeeze %dma_start3A_163 : memref<1x!tpu.dma_semaphore, #tpu.memory_space<semaphore_mem>> -> memref<!tpu.dma_semaphore, #tpu.memory_space<semaphore_mem>>
      tpu.enqueue_indirect_dma source(%arg10 : memref<80x16xf32, #tpu.memory_space<vmem>>) target(%dma_start3A_162 : memref<10000x16xf32, #tpu.memory_space<vmem_shared>>) offsets(%dma_start3A_159 : memref<80xi32, #tpu.memory_space<vmem>>) semaphore(%dma_start3A_164 : memref<!tpu.dma_semaphore, #tpu.memory_space<semaphore_mem>>) {add = true}
    }
    %scan3A_19 = arith.constant 62 : i32
    %dma_wait3A = arith.constant 0 : i32
    %dma_wait3A_20 = arith.constant 0 : i32
    %dma_wait3A_21 = arith.constant 0 : i32
    %dma_wait3A_22 = tpu.memref_slice %arg2[%dma_wait3A_20, %dma_wait3A_21] : memref<16x320000xf32, #tpu.memory_space<hbm>> -> memref<16x80xf32, #tpu.memory_space<hbm>>
    %dma_wait3A_23 = tpu.memref_slice %arg12[%dma_wait3A] : memref<2x!tpu.dma_semaphore, #tpu.memory_space<semaphore_mem>> -> memref<1x!tpu.dma_semaphore, #tpu.memory_space<semaphore_mem>>
    %dma_wait3A_24 = tpu.memref_squeeze %dma_wait3A_23 : memref<1x!tpu.dma_semaphore, #tpu.memory_space<semaphore_mem>> -> memref<!tpu.dma_semaphore, #tpu.memory_space<semaphore_mem>>
    %dma_wait3A_25 = arith.constant 0 : i32
    %dma_wait3A_26 = arith.constant 0 : i32
    %dma_wait3A_27 = tpu.memref_slice %arg2[%dma_wait3A_25, %dma_wait3A_26] : memref<16x320000xf32, #tpu.memory_space<hbm>> -> memref<16x80xf32, #tpu.memory_space<hbm>>
    tpu.wait_dma2 semaphore(%dma_wait3A_24 : memref<!tpu.dma_semaphore, #tpu.memory_space<semaphore_mem>>) src(%dma_wait3A_27 : memref<16x80xf32, #tpu.memory_space<hbm>>) dst(%arg7 : memref<16x80xf32, #tpu.memory_space<vmem>>)
    %dma_wait3A_28 = arith.constant 0 : i32
    %dma_wait3A_29 = arith.constant 0 : i32
    %dma_wait3A_30 = arith.constant 0 : i32
    %dma_wait3A_31 = tpu.memref_slice %arg6[%dma_wait3A_28, %dma_wait3A_30] : memref<125x80xi32, #tpu.memory_space<vmem>> -> memref<1x80xi32, #tpu.memory_space<vmem>>
    %dma_wait3A_32 = tpu.memref_squeeze %dma_wait3A_31 : memref<1x80xi32, #tpu.memory_space<vmem>> -> memref<80xi32, #tpu.memory_space<vmem>>
    %dma_wait3A_33 = arith.constant 0 : i32
    %dma_wait3A_34 = arith.constant 0 : i32
    %dma_wait3A_35 = tpu.memref_slice %arg11[%dma_wait3A_33, %dma_wait3A_34] : memref<10000x16xf32, #tpu.memory_space<vmem_shared>> -> memref<10000x16xf32, #tpu.memory_space<vmem_shared>>
    %dma_wait3A_36 = tpu.memref_slice %arg13[%dma_wait3A_29] : memref<2x!tpu.dma_semaphore, #tpu.memory_space<semaphore_mem>> -> memref<1x!tpu.dma_semaphore, #tpu.memory_space<semaphore_mem>>
    %dma_wait3A_37 = tpu.memref_squeeze %dma_wait3A_36 : memref<1x!tpu.dma_semaphore, #tpu.memory_space<semaphore_mem>> -> memref<!tpu.dma_semaphore, #tpu.memory_space<semaphore_mem>>
    tpu.wait_indirect_dma semaphore(%dma_wait3A_37 : memref<!tpu.dma_semaphore, #tpu.memory_space<semaphore_mem>>) src(%arg9 : memref<80x16xf32, #tpu.memory_space<vmem>>) dst(%dma_wait3A_35 : memref<10000x16xf32, #tpu.memory_space<vmem_shared>>)
    %scan3A_38 = arith.constant 0 : i32
    %scan3A_39 = arith.constant 0 : i32
    %scan3A_40 = arith.constant 5 : i32
    %scan3A_41 = arith.addi %scan3A_39, %scan3A_40 : i32
    %scan3A_42 = arith.constant 1 : i32
    scf.for %scan3A_77 = %scan3A_39 to %scan3A_41 step %scan3A_42  : i32 {
      %mul3A_78 = arith.constant 16 : i32
      %mul3A_79 = arith.muli %scan3A_77, %mul3A_78 : i32
      %add3A_80 = arith.constant 0 : i32
      %add3A_81 = arith.addi %mul3A_79, %add3A_80 : i32
      %broadcast_in_dim3A = arith.constant 0 : i32
      %broadcast_in_dim3A_82 = vector.broadcast %broadcast_in_dim3A : i32 to vector<16xi32>
      %add3A_83 = vector.broadcast %add3A_81 : i32 to vector<16xi32>
      %add3A_84 = arith.addi %broadcast_in_dim3A_82, %add3A_83 : vector<16xi32>
      %gather3A = tpu.vector_load_idx %arg7[%iota3A, %add3A_84] : memref<16x80xf32, #tpu.memory_space<vmem>>[vector<16xi32>, vector<16xi32>], vector<16xf32>,
      %swap3A = arith.index_cast %add3A_81 : i32 to index
      %swap3A_85 = arith.constant 0 : index
      %swap3A_86 = tpu.vector_load %arg9[%swap3A, %swap3A_85] {strides = array<i32>} : memref<80x16xf32, #tpu.memory_space<vmem>>, vector<16xf32>,
      tpu.vector_store %arg9[%swap3A, %swap3A_85], %gather3A {strides = array<i32>} : memref<80x16xf32, #tpu.memory_space<vmem>>, vector<16xf32>,
      %mul3A_87 = arith.constant 16 : i32
      %mul3A_88 = arith.muli %scan3A_77, %mul3A_87 : i32
      %add3A_89 = arith.constant 1 : i32
      %add3A_90 = arith.addi %mul3A_88, %add3A_89 : i32
      %broadcast_in_dim3A_91 = arith.constant 0 : i32
      %broadcast_in_dim3A_92 = vector.broadcast %broadcast_in_dim3A_91 : i32 to vector<16xi32>
      %add3A_93 = vector.broadcast %add3A_90 : i32 to vector<16xi32>
      %add3A_94 = arith.addi %broadcast_in_dim3A_92, %add3A_93 : vector<16xi32>
      %gather3A_95 = tpu.vector_load_idx %arg7[%iota3A, %add3A_94] : memref<16x80xf32, #tpu.memory_space<vmem>>[vector<16xi32>, vector<16xi32>], vector<16xf32>,
      %swap3A_96 = arith.index_cast %add3A_90 : i32 to index
      %swap3A_97 = arith.constant 0 : index
      %swap3A_98 = tpu.vector_load %arg9[%swap3A_96, %swap3A_97] {strides = array<i32>} : memref<80x16xf32, #tpu.memory_space<vmem>>, vector<16xf32>,
      tpu.vector_store %arg9[%swap3A_96, %swap3A_97], %gather3A_95 {strides = array<i32>} : memref<80x16xf32, #tpu.memory_space<vmem>>, vector<16xf32>,
      %mul3A_99 = arith.constant 16 : i32
      %mul3A_100 = arith.muli %scan3A_77, %mul3A_99 : i32
      %add3A_101 = arith.constant 2 : i32
      %add3A_102 = arith.addi %mul3A_100, %add3A_101 : i32
      %broadcast_in_dim3A_103 = arith.constant 0 : i32
      %broadcast_in_dim3A_104 = vector.broadcast %broadcast_in_dim3A_103 : i32 to vector<16xi32>
      %add3A_105 = vector.broadcast %add3A_102 : i32 to vector<16xi32>
      %add3A_106 = arith.addi %broadcast_in_dim3A_104, %add3A_105 : vector<16xi32>
      %gather3A_107 = tpu.vector_load_idx %arg7[%iota3A, %add3A_106] : memref<16x80xf32, #tpu.memory_space<vmem>>[vector<16xi32>, vector<16xi32>], vector<16xf32>,
      %swap3A_108 = arith.index_cast %add3A_102 : i32 to index
      %swap3A_109 = arith.constant 0 : index
      %swap3A_110 = tpu.vector_load %arg9[%swap3A_108, %swap3A_109] {strides = array<i32>} : memref<80x16xf32, #tpu.memory_space<vmem>>, vector<16xf32>,
      tpu.vector_store %arg9[%swap3A_108, %swap3A_109], %gather3A_107 {strides = array<i32>} : memref<80x16xf32, #tpu.memory_space<vmem>>, vector<16xf32>,
      %mul3A_111 = arith.constant 16 : i32
      %mul3A_112 = arith.muli %scan3A_77, %mul3A_111 : i32
      %add3A_113 = arith.constant 3 : i32
      %add3A_114 = arith.addi %mul3A_112, %add3A_113 : i32
      %broadcast_in_dim3A_115 = arith.constant 0 : i32
      %broadcast_in_dim3A_116 = vector.broadcast %broadcast_in_dim3A_115 : i32 to vector<16xi32>
      %add3A_117 = vector.broadcast %add3A_114 : i32 to vector<16xi32>
      %add3A_118 = arith.addi %broadcast_in_dim3A_116, %add3A_117 : vector<16xi32>
      %gather3A_119 = tpu.vector_load_idx %arg7[%iota3A, %add3A_118] : memref<16x80xf32, #tpu.memory_space<vmem>>[vector<16xi32>, vector<16xi32>], vector<16xf32>,
      %swap3A_120 = arith.index_cast %add3A_114 : i32 to index
      %swap3A_121 = arith.constant 0 : index
      %swap3A_122 = tpu.vector_load %arg9[%swap3A_120, %swap3A_121] {strides = array<i32>} : memref<80x16xf32, #tpu.memory_space<vmem>>, vector<16xf32>,
      tpu.vector_store %arg9[%swap3A_120, %swap3A_121], %gather3A_119 {strides = array<i32>} : memref<80x16xf32, #tpu.memory_space<vmem>>, vector<16xf32>,
      %mul3A_123 = arith.constant 16 : i32
      %mul3A_124 = arith.muli %scan3A_77, %mul3A_123 : i32
      %add3A_125 = arith.constant 4 : i32
      %add3A_126 = arith.addi %mul3A_124, %add3A_125 : i32
      %broadcast_in_dim3A_127 = arith.constant 0 : i32
      %broadcast_in_dim3A_128 = vector.broadcast %broadcast_in_dim3A_127 : i32 to vector<16xi32>
      %add3A_129 = vector.broadcast %add3A_126 : i32 to vector<16xi32>
      %add3A_130 = arith.addi %broadcast_in_dim3A_128, %add3A_129 : vector<16xi32>
      %gather3A_131 = tpu.vector_load_idx %arg7[%iota3A, %add3A_130] : memref<16x80xf32, #tpu.memory_space<vmem>>[vector<16xi32>, vector<16xi32>], vector<16xf32>,
      %swap3A_132 = arith.index_cast %add3A_126 : i32 to index
      %swap3A_133 = arith.constant 0 : index
      %swap3A_134 = tpu.vector_load %arg9[%swap3A_132, %swap3A_133] {strides = array<i32>} : memref<80x16xf32, #tpu.memory_space<vmem>>, vector<16xf32>,
      tpu.vector_store %arg9[%swap3A_132, %swap3A_133], %gather3A_131 {strides = array<i32>} : memref<80x16xf32, #tpu.memory_space<vmem>>, vector<16xf32>,
      %mul3A_135 = arith.constant 16 : i32
      %mul3A_136 = arith.muli %scan3A_77, %mul3A_135 : i32
      %add3A_137 = arith.constant 5 : i32
      %add3A_138 = arith.addi %mul3A_136, %add3A_137 : i32
      %broadcast_in_dim3A_139 = arith.constant 0 : i32
      %broadcast_in_dim3A_140 = vector.broadcast %broadcast_in_dim3A_139 : i32 to vector<16xi32>
      %add3A_141 = vector.broadcast %add3A_138 : i32 to vector<16xi32>
      %add3A_142 = arith.addi %broadcast_in_dim3A_140, %add3A_141 : vector<16xi32>
      %gather3A_143 = tpu.vector_load_idx %arg7[%iota3A, %add3A_142] : memref<16x80xf32, #tpu.memory_space<vmem>>[vector<16xi32>, vector<16xi32>], vector<16xf32>,
      %swap3A_144 = arith.index_cast %add3A_138 : i32 to index
      %swap3A_145 = arith.constant 0 : index
      %swap3A_146 = tpu.vector_load %arg9[%swap3A_144, %swap3A_145] {strides = array<i32>} : memref<80x16xf32, #tpu.memory_space<vmem>>, vector<16xf32>,
      tpu.vector_store %arg9[%swap3A_144, %swap3A_145], %gather3A_143 {strides = array<i32>} : memref<80x16xf32, #tpu.memory_space<vmem>>, vector<16xf32>,
      %mul3A_147 = arith.constant 16 : i32
      %mul3A_148 = arith.muli %scan3A_77, %mul3A_147 : i32
      %add3A_149 = arith.constant 6 : i32
      %add3A_150 = arith.addi %mul3A_148, %add3A_149 : i32
      %broadcast_in_dim3A_151 = arith.constant 0 : i32
      %broadcast_in_dim3A_152 = vector.broadcast %broadcast_in_dim3A_151 : i32 to vector<16xi32>
      %add3A_153 = vector.broadcast %add3A_150 : i32 to vector<16xi32>
      %add3A_154 = arith.addi %broadcast_in_dim3A_152, %add3A_153 : vector<16xi32>
      %gather3A_155 = tpu.vector_load_idx %arg7[%iota3A, %add3A_154] : memref<16x80xf32, #tpu.memory_space<vmem>>[vector<16xi32>, vector<16xi32>], vector<16xf32>,
      %swap3A_156 = arith.index_cast %add3A_150 : i32 to index
      %swap3A_157 = arith.constant 0 : index
      %swap3A_158 = tpu.vector_load %arg9[%swap3A_156, %swap3A_157] {strides = array<i32>} : memref<80x16xf32, #tpu.memory_space<vmem>>, vector<16xf32>,
      tpu.vector_store %arg9[%swap3A_156, %swap3A_157], %gather3A_155 {strides = array<i32>} : memref<80x16xf32, #tpu.memory_space<vmem>>, vector<16xf32>,
      %mul3A_159 = arith.constant 16 : i32
      %mul3A_160 = arith.muli %scan3A_77, %mul3A_159 : i32
      %add3A_161 = arith.constant 7 : i32
      %add3A_162 = arith.addi %mul3A_160, %add3A_161 : i32
      %broadcast_in_dim3A_163 = arith.constant 0 : i32
      %broadcast_in_dim3A_164 = vector.broadcast %broadcast_in_dim3A_163 : i32 to vector<16xi32>
      %add3A_165 = vector.broadcast %add3A_162 : i32 to vector<16xi32>
      %add3A_166 = arith.addi %broadcast_in_dim3A_164, %add3A_165 : vector<16xi32>
      %gather3A_167 = tpu.vector_load_idx %arg7[%iota3A, %add3A_166] : memref<16x80xf32, #tpu.memory_space<vmem>>[vector<16xi32>, vector<16xi32>], vector<16xf32>,
      %swap3A_168 = arith.index_cast %add3A_162 : i32 to index
      %swap3A_169 = arith.constant 0 : index
      %swap3A_170 = tpu.vector_load %arg9[%swap3A_168, %swap3A_169] {strides = array<i32>} : memref<80x16xf32, #tpu.memory_space<vmem>>, vector<16xf32>,
      tpu.vector_store %arg9[%swap3A_168, %swap3A_169], %gather3A_167 {strides = array<i32>} : memref<80x16xf32, #tpu.memory_space<vmem>>, vector<16xf32>,
      %mul3A_171 = arith.constant 16 : i32
      %mul3A_172 = arith.muli %scan3A_77, %mul3A_171 : i32
      %add3A_173 = arith.constant 8 : i32
      %add3A_174 = arith.addi %mul3A_172, %add3A_173 : i32
      %broadcast_in_dim3A_175 = arith.constant 0 : i32
      %broadcast_in_dim3A_176 = vector.broadcast %broadcast_in_dim3A_175 : i32 to vector<16xi32>
      %add3A_177 = vector.broadcast %add3A_174 : i32 to vector<16xi32>
      %add3A_178 = arith.addi %broadcast_in_dim3A_176, %add3A_177 : vector<16xi32>
      %gather3A_179 = tpu.vector_load_idx %arg7[%iota3A, %add3A_178] : memref<16x80xf32, #tpu.memory_space<vmem>>[vector<16xi32>, vector<16xi32>], vector<16xf32>,
      %swap3A_180 = arith.index_cast %add3A_174 : i32 to index
      %swap3A_181 = arith.constant 0 : index
      %swap3A_182 = tpu.vector_load %arg9[%swap3A_180, %swap3A_181] {strides = array<i32>} : memref<80x16xf32, #tpu.memory_space<vmem>>, vector<16xf32>,
      tpu.vector_store %arg9[%swap3A_180, %swap3A_181], %gather3A_179 {strides = array<i32>} : memref<80x16xf32, #tpu.memory_space<vmem>>, vector<16xf32>,
      %mul3A_183 = arith.constant 16 : i32
      %mul3A_184 = arith.muli %scan3A_77, %mul3A_183 : i32
      %add3A_185 = arith.constant 9 : i32
      %add3A_186 = arith.addi %mul3A_184, %add3A_185 : i32
      %broadcast_in_dim3A_187 = arith.constant 0 : i32
      %broadcast_in_dim3A_188 = vector.broadcast %broadcast_in_dim3A_187 : i32 to vector<16xi32>
      %add3A_189 = vector.broadcast %add3A_186 : i32 to vector<16xi32>
      %add3A_190 = arith.addi %broadcast_in_dim3A_188, %add3A_189 : vector<16xi32>
      %gather3A_191 = tpu.vector_load_idx %arg7[%iota3A, %add3A_190] : memref<16x80xf32, #tpu.memory_space<vmem>>[vector<16xi32>, vector<16xi32>], vector<16xf32>,
      %swap3A_192 = arith.index_cast %add3A_186 : i32 to index
      %swap3A_193 = arith.constant 0 : index
      %swap3A_194 = tpu.vector_load %arg9[%swap3A_192, %swap3A_193] {strides = array<i32>} : memref<80x16xf32, #tpu.memory_space<vmem>>, vector<16xf32>,
      tpu.vector_store %arg9[%swap3A_192, %swap3A_193], %gather3A_191 {strides = array<i32>} : memref<80x16xf32, #tpu.memory_space<vmem>>, vector<16xf32>,
      %mul3A_195 = arith.constant 16 : i32
      %mul3A_196 = arith.muli %scan3A_77, %mul3A_195 : i32
      %add3A_197 = arith.constant 10 : i32
      %add3A_198 = arith.addi %mul3A_196, %add3A_197 : i32
      %broadcast_in_dim3A_199 = arith.constant 0 : i32
      %broadcast_in_dim3A_200 = vector.broadcast %broadcast_in_dim3A_199 : i32 to vector<16xi32>
      %add3A_201 = vector.broadcast %add3A_198 : i32 to vector<16xi32>
      %add3A_202 = arith.addi %broadcast_in_dim3A_200, %add3A_201 : vector<16xi32>
      %gather3A_203 = tpu.vector_load_idx %arg7[%iota3A, %add3A_202] : memref<16x80xf32, #tpu.memory_space<vmem>>[vector<16xi32>, vector<16xi32>], vector<16xf32>,
      %swap3A_204 = arith.index_cast %add3A_198 : i32 to index
      %swap3A_205 = arith.constant 0 : index
      %swap3A_206 = tpu.vector_load %arg9[%swap3A_204, %swap3A_205] {strides = array<i32>} : memref<80x16xf32, #tpu.memory_space<vmem>>, vector<16xf32>,
      tpu.vector_store %arg9[%swap3A_204, %swap3A_205], %gather3A_203 {strides = array<i32>} : memref<80x16xf32, #tpu.memory_space<vmem>>, vector<16xf32>,
      %mul3A_207 = arith.constant 16 : i32
      %mul3A_208 = arith.muli %scan3A_77, %mul3A_207 : i32
      %add3A_209 = arith.constant 11 : i32
      %add3A_210 = arith.addi %mul3A_208, %add3A_209 : i32
      %broadcast_in_dim3A_211 = arith.constant 0 : i32
      %broadcast_in_dim3A_212 = vector.broadcast %broadcast_in_dim3A_211 : i32 to vector<16xi32>
      %add3A_213 = vector.broadcast %add3A_210 : i32 to vector<16xi32>
      %add3A_214 = arith.addi %broadcast_in_dim3A_212, %add3A_213 : vector<16xi32>
      %gather3A_215 = tpu.vector_load_idx %arg7[%iota3A, %add3A_214] : memref<16x80xf32, #tpu.memory_space<vmem>>[vector<16xi32>, vector<16xi32>], vector<16xf32>,
      %swap3A_216 = arith.index_cast %add3A_210 : i32 to index
      %swap3A_217 = arith.constant 0 : index
      %swap3A_218 = tpu.vector_load %arg9[%swap3A_216, %swap3A_217] {strides = array<i32>} : memref<80x16xf32, #tpu.memory_space<vmem>>, vector<16xf32>,
      tpu.vector_store %arg9[%swap3A_216, %swap3A_217], %gather3A_215 {strides = array<i32>} : memref<80x16xf32, #tpu.memory_space<vmem>>, vector<16xf32>,
      %mul3A_219 = arith.constant 16 : i32
      %mul3A_220 = arith.muli %scan3A_77, %mul3A_219 : i32
      %add3A_221 = arith.constant 12 : i32
      %add3A_222 = arith.addi %mul3A_220, %add3A_221 : i32
      %broadcast_in_dim3A_223 = arith.constant 0 : i32
      %broadcast_in_dim3A_224 = vector.broadcast %broadcast_in_dim3A_223 : i32 to vector<16xi32>
      %add3A_225 = vector.broadcast %add3A_222 : i32 to vector<16xi32>
      %add3A_226 = arith.addi %broadcast_in_dim3A_224, %add3A_225 : vector<16xi32>
      %gather3A_227 = tpu.vector_load_idx %arg7[%iota3A, %add3A_226] : memref<16x80xf32, #tpu.memory_space<vmem>>[vector<16xi32>, vector<16xi32>], vector<16xf32>,
      %swap3A_228 = arith.index_cast %add3A_222 : i32 to index
      %swap3A_229 = arith.constant 0 : index
      %swap3A_230 = tpu.vector_load %arg9[%swap3A_228, %swap3A_229] {strides = array<i32>} : memref<80x16xf32, #tpu.memory_space<vmem>>, vector<16xf32>,
      tpu.vector_store %arg9[%swap3A_228, %swap3A_229], %gather3A_227 {strides = array<i32>} : memref<80x16xf32, #tpu.memory_space<vmem>>, vector<16xf32>,
      %mul3A_231 = arith.constant 16 : i32
      %mul3A_232 = arith.muli %scan3A_77, %mul3A_231 : i32
      %add3A_233 = arith.constant 13 : i32
      %add3A_234 = arith.addi %mul3A_232, %add3A_233 : i32
      %broadcast_in_dim3A_235 = arith.constant 0 : i32
      %broadcast_in_dim3A_236 = vector.broadcast %broadcast_in_dim3A_235 : i32 to vector<16xi32>
      %add3A_237 = vector.broadcast %add3A_234 : i32 to vector<16xi32>
      %add3A_238 = arith.addi %broadcast_in_dim3A_236, %add3A_237 : vector<16xi32>
      %gather3A_239 = tpu.vector_load_idx %arg7[%iota3A, %add3A_238] : memref<16x80xf32, #tpu.memory_space<vmem>>[vector<16xi32>, vector<16xi32>], vector<16xf32>,
      %swap3A_240 = arith.index_cast %add3A_234 : i32 to index
      %swap3A_241 = arith.constant 0 : index
      %swap3A_242 = tpu.vector_load %arg9[%swap3A_240, %swap3A_241] {strides = array<i32>} : memref<80x16xf32, #tpu.memory_space<vmem>>, vector<16xf32>,
      tpu.vector_store %arg9[%swap3A_240, %swap3A_241], %gather3A_239 {strides = array<i32>} : memref<80x16xf32, #tpu.memory_space<vmem>>, vector<16xf32>,
      %mul3A_243 = arith.constant 16 : i32
      %mul3A_244 = arith.muli %scan3A_77, %mul3A_243 : i32
      %add3A_245 = arith.constant 14 : i32
      %add3A_246 = arith.addi %mul3A_244, %add3A_245 : i32
      %broadcast_in_dim3A_247 = arith.constant 0 : i32
      %broadcast_in_dim3A_248 = vector.broadcast %broadcast_in_dim3A_247 : i32 to vector<16xi32>
      %add3A_249 = vector.broadcast %add3A_246 : i32 to vector<16xi32>
      %add3A_250 = arith.addi %broadcast_in_dim3A_248, %add3A_249 : vector<16xi32>
      %gather3A_251 = tpu.vector_load_idx %arg7[%iota3A, %add3A_250] : memref<16x80xf32, #tpu.memory_space<vmem>>[vector<16xi32>, vector<16xi32>], vector<16xf32>,
      %swap3A_252 = arith.index_cast %add3A_246 : i32 to index
      %swap3A_253 = arith.constant 0 : index
      %swap3A_254 = tpu.vector_load %arg9[%swap3A_252, %swap3A_253] {strides = array<i32>} : memref<80x16xf32, #tpu.memory_space<vmem>>, vector<16xf32>,
      tpu.vector_store %arg9[%swap3A_252, %swap3A_253], %gather3A_251 {strides = array<i32>} : memref<80x16xf32, #tpu.memory_space<vmem>>, vector<16xf32>,
      %mul3A_255 = arith.constant 16 : i32
      %mul3A_256 = arith.muli %scan3A_77, %mul3A_255 : i32
      %add3A_257 = arith.constant 15 : i32
      %add3A_258 = arith.addi %mul3A_256, %add3A_257 : i32
      %broadcast_in_dim3A_259 = arith.constant 0 : i32
      %broadcast_in_dim3A_260 = vector.broadcast %broadcast_in_dim3A_259 : i32 to vector<16xi32>
      %add3A_261 = vector.broadcast %add3A_258 : i32 to vector<16xi32>
      %add3A_262 = arith.addi %broadcast_in_dim3A_260, %add3A_261 : vector<16xi32>
      %gather3A_263 = tpu.vector_load_idx %arg7[%iota3A, %add3A_262] : memref<16x80xf32, #tpu.memory_space<vmem>>[vector<16xi32>, vector<16xi32>], vector<16xf32>,
      %swap3A_264 = arith.index_cast %add3A_258 : i32 to index
      %swap3A_265 = arith.constant 0 : index
      %swap3A_266 = tpu.vector_load %arg9[%swap3A_264, %swap3A_265] {strides = array<i32>} : memref<80x16xf32, #tpu.memory_space<vmem>>, vector<16xf32>,
      tpu.vector_store %arg9[%swap3A_264, %swap3A_265], %gather3A_263 {strides = array<i32>} : memref<80x16xf32, #tpu.memory_space<vmem>>, vector<16xf32>,
    }
    %scan3A_43 = arith.constant 5 : i32
    %dma_start3A_44 = arith.constant 124 : i32
    %dma_start3A_45 = arith.constant 0 : i32
    %dma_start3A_46 = arith.constant 0 : i32
    %dma_start3A_47 = tpu.memref_slice %arg6[%dma_start3A_44, %dma_start3A_46] : memref<125x80xi32, #tpu.memory_space<vmem>> -> memref<1x80xi32, #tpu.memory_space<vmem>>
    %dma_start3A_48 = tpu.memref_squeeze %dma_start3A_47 : memref<1x80xi32, #tpu.memory_space<vmem>> -> memref<80xi32, #tpu.memory_space<vmem>>
    %dma_start3A_49 = arith.constant 0 : i32
    %dma_start3A_50 = arith.constant 0 : i32
    %dma_start3A_51 = tpu.memref_slice %arg11[%dma_start3A_49, %dma_start3A_50] : memref<10000x16xf32, #tpu.memory_space<vmem_shared>> -> memref<10000x16xf32, #tpu.memory_space<vmem_shared>>
    %dma_start3A_52 = tpu.memref_slice %arg13[%dma_start3A_45] : memref<2x!tpu.dma_semaphore, #tpu.memory_space<semaphore_mem>> -> memref<1x!tpu.dma_semaphore, #tpu.memory_space<semaphore_mem>>
    %dma_start3A_53 = tpu.memref_squeeze %dma_start3A_52 : memref<1x!tpu.dma_semaphore, #tpu.memory_space<semaphore_mem>> -> memref<!tpu.dma_semaphore, #tpu.memory_space<semaphore_mem>>
    tpu.enqueue_indirect_dma source(%arg9 : memref<80x16xf32, #tpu.memory_space<vmem>>) target(%dma_start3A_51 : memref<10000x16xf32, #tpu.memory_space<vmem_shared>>) offsets(%dma_start3A_48 : memref<80xi32, #tpu.memory_space<vmem>>) semaphore(%dma_start3A_53 : memref<!tpu.dma_semaphore, #tpu.memory_space<semaphore_mem>>) {add = true}
    %dma_wait3A_54 = arith.constant 0 : i32
    %dma_wait3A_55 = arith.constant 1 : i32
    %dma_wait3A_56 = arith.constant 0 : i32
    %dma_wait3A_57 = tpu.memref_slice %arg6[%dma_wait3A_54, %dma_wait3A_56] : memref<125x80xi32, #tpu.memory_space<vmem>> -> memref<1x80xi32, #tpu.memory_space<vmem>>
    %dma_wait3A_58 = tpu.memref_squeeze %dma_wait3A_57 : memref<1x80xi32, #tpu.memory_space<vmem>> -> memref<80xi32, #tpu.memory_space<vmem>>
    %dma_wait3A_59 = arith.constant 0 : i32
    %dma_wait3A_60 = arith.constant 0 : i32
    %dma_wait3A_61 = tpu.memref_slice %arg11[%dma_wait3A_59, %dma_wait3A_60] : memref<10000x16xf32, #tpu.memory_space<vmem_shared>> -> memref<10000x16xf32, #tpu.memory_space<vmem_shared>>
    %dma_wait3A_62 = tpu.memref_slice %arg13[%dma_wait3A_55] : memref<2x!tpu.dma_semaphore, #tpu.memory_space<semaphore_mem>> -> memref<1x!tpu.dma_semaphore, #tpu.memory_space<semaphore_mem>>
    %dma_wait3A_63 = tpu.memref_squeeze %dma_wait3A_62 : memref<1x!tpu.dma_semaphore, #tpu.memory_space<semaphore_mem>> -> memref<!tpu.dma_semaphore, #tpu.memory_space<semaphore_mem>>
    tpu.wait_indirect_dma semaphore(%dma_wait3A_63 : memref<!tpu.dma_semaphore, #tpu.memory_space<semaphore_mem>>) src(%arg10 : memref<80x16xf32, #tpu.memory_space<vmem>>) dst(%dma_wait3A_61 : memref<10000x16xf32, #tpu.memory_space<vmem_shared>>)
    %dma_wait3A_64 = arith.constant 0 : i32
    %dma_wait3A_65 = arith.constant 0 : i32
    %dma_wait3A_66 = arith.constant 0 : i32
    %dma_wait3A_67 = tpu.memref_slice %arg6[%dma_wait3A_64, %dma_wait3A_66] : memref<125x80xi32, #tpu.memory_space<vmem>> -> memref<1x80xi32, #tpu.memory_space<vmem>>
    %dma_wait3A_68 = tpu.memref_squeeze %dma_wait3A_67 : memref<1x80xi32, #tpu.memory_space<vmem>> -> memref<80xi32, #tpu.memory_space<vmem>>
    %dma_wait3A_69 = arith.constant 0 : i32
    %dma_wait3A_70 = arith.constant 0 : i32
    %dma_wait3A_71 = tpu.memref_slice %arg11[%dma_wait3A_69, %dma_wait3A_70] : memref<10000x16xf32, #tpu.memory_space<vmem_shared>> -> memref<10000x16xf32, #tpu.memory_space<vmem_shared>>
    %dma_wait3A_72 = tpu.memref_slice %arg13[%dma_wait3A_65] : memref<2x!tpu.dma_semaphore, #tpu.memory_space<semaphore_mem>> -> memref<1x!tpu.dma_semaphore, #tpu.memory_space<semaphore_mem>>
    %dma_wait3A_73 = tpu.memref_squeeze %dma_wait3A_72 : memref<1x!tpu.dma_semaphore, #tpu.memory_space<semaphore_mem>> -> memref<!tpu.dma_semaphore, #tpu.memory_space<semaphore_mem>>
    tpu.wait_indirect_dma semaphore(%dma_wait3A_73 : memref<!tpu.dma_semaphore, #tpu.memory_space<semaphore_mem>>) src(%arg9 : memref<80x16xf32, #tpu.memory_space<vmem>>) dst(%dma_wait3A_71 : memref<10000x16xf32, #tpu.memory_space<vmem_shared>>)
    %barrier3A_74 = arith.constant 0 : index
    tpu.barrier barrier_id(%barrier3A_74)
    %mul3A_75 = arith.constant 625 : i32
    %mul3A_76 = arith.muli %arg1, %mul3A_75 : i32
    "tpu.region"() ({
      %run_scoped3A = tpu.sem_alloc : memref<!tpu.dma_semaphore, #tpu.memory_space<semaphore_mem>>
      %dma_start3A_77 = arith.constant 0 : i32
      %dma_start3A_78 = arith.constant 0 : i32
      %dma_start3A_79 = tpu.memref_slice %arg5[%arg0, %dma_start3A_77, %dma_start3A_78] : memref<2x10000x16xf32, #tpu.memory_space<hbm>> -> memref<1x10000x16xf32, #tpu.memory_space<hbm>>
      %dma_start3A_80 = tpu.memref_squeeze %dma_start3A_79 : memref<1x10000x16xf32, #tpu.memory_space<hbm>> -> memref<10000x16xf32, #tpu.memory_space<hbm>>
      %dma_start3A_81 = arith.constant 0 : i32
      %dma_start3A_82 = tpu.memref_slice %dma_start3A_80[%mul3A_76, %dma_start3A_81] : memref<10000x16xf32, #tpu.memory_space<hbm>> -> memref<625x16xf32, #tpu.memory_space<hbm>>
      %dma_start3A_83 = arith.constant 0 : i32
      %dma_start3A_84 = tpu.memref_slice %arg11[%mul3A_76, %dma_start3A_83] : memref<10000x16xf32, #tpu.memory_space<vmem_shared>> -> memref<625x16xf32, #tpu.memory_space<vmem_shared>>
      tpu.enqueue_dma source(%dma_start3A_84 : memref<625x16xf32, #tpu.memory_space<vmem_shared>>) target(%dma_start3A_82 : memref<625x16xf32, #tpu.memory_space<hbm>>) target_semaphore(%run_scoped3A : memref<!tpu.dma_semaphore, #tpu.memory_space<semaphore_mem>>)
      %dma_wait3A_85 = arith.constant 0 : i32
      %dma_wait3A_86 = arith.constant 0 : i32
      %dma_wait3A_87 = tpu.memref_slice %arg5[%arg0, %dma_wait3A_85, %dma_wait3A_86] : memref<2x10000x16xf32, #tpu.memory_space<hbm>> -> memref<1x10000x16xf32, #tpu.memory_space<hbm>>
      %dma_wait3A_88 = tpu.memref_squeeze %dma_wait3A_87 : memref<1x10000x16xf32, #tpu.memory_space<hbm>> -> memref<10000x16xf32, #tpu.memory_space<hbm>>
      %dma_wait3A_89 = arith.constant 0 : i32
      %dma_wait3A_90 = tpu.memref_slice %dma_wait3A_88[%mul3A_76, %dma_wait3A_89] : memref<10000x16xf32, #tpu.memory_space<hbm>> -> memref<625x16xf32, #tpu.memory_space<hbm>>
      %dma_wait3A_91 = arith.constant 0 : i32
      %dma_wait3A_92 = tpu.memref_slice %arg11[%mul3A_76, %dma_wait3A_91] : memref<10000x16xf32, #tpu.memory_space<vmem_shared>> -> memref<625x16xf32, #tpu.memory_space<vmem_shared>>
      tpu.wait_dma2 semaphore(%run_scoped3A : memref<!tpu.dma_semaphore, #tpu.memory_space<semaphore_mem>>) src(%dma_wait3A_92 : memref<625x16xf32, #tpu.memory_space<vmem_shared>>) dst(%dma_wait3A_90 : memref<625x16xf32, #tpu.memory_space<hbm>>)
      tpu.yield
    }) : () -> ()
    return
  }
}

module attributes {stable_mosaic.version = 14 : i64} {
  func.func @_tables_body(%arg0: i32, %arg1: memref<2000x128xf32, #tpu.memory_space<vmem>>, %arg2: memref<128x128xf32, #tpu.memory_space<vmem>>, %arg3: memref<128x128xf32, #tpu.memory_space<vmem>>, %arg4: memref<1x16xf32, #tpu.memory_space<vmem>>, %arg5: memref<16x128xf32, #tpu.memory_space<vmem>>, %arg6: memref<1x128xf32, #tpu.memory_space<vmem>>, %arg7: memref<2000x64xi32, #tpu.memory_space<vmem>>, %arg8: memref<2000x64xi32, #tpu.memory_space<vmem>>) attributes {dimension_semantics = [#tpu.dimension_semantics<arbitrary>], iteration_bounds = array<i64: 5>, scalar_prefetch = 0 : i64, scratch_operands = 0 : i64, tpu.core_type = #tpu.core_type<tc>, window_params = [{transform_indices = @transform_0, window_bounds = array<i64: 2000, 128>}, {pipeline_mode = #tpu.pipeline_mode<synchronous>, transform_indices = @transform_1, window_bounds = array<i64: 128, 128>}, {pipeline_mode = #tpu.pipeline_mode<synchronous>, transform_indices = @transform_2, window_bounds = array<i64: 128, 128>}, {pipeline_mode = #tpu.pipeline_mode<synchronous>, transform_indices = @transform_3, window_bounds = array<i64: 1, 16>}, {pipeline_mode = #tpu.pipeline_mode<synchronous>, transform_indices = @transform_4, window_bounds = array<i64: 16, 128>}, {pipeline_mode = #tpu.pipeline_mode<synchronous>, transform_indices = @transform_5, window_bounds = array<i64: 1, 128>}, {transform_indices = @transform_6, window_bounds = array<i64: 2000, 64>}, {transform_indices = @transform_7, window_bounds = array<i64: 2000, 64>}]} {
    %get3A = arith.constant 0 : index
    %get3A_0 = arith.constant 0 : index
    %get3A_1 = vector.load %arg1[%get3A, %get3A_0] : memref<2000x128xf32, #tpu.memory_space<vmem>>, vector<2000x128xf32>
    %get3A_2 = arith.constant 0 : index
    %get3A_3 = arith.constant 0 : index
    %get3A_4 = vector.load %arg2[%get3A_2, %get3A_3] : memref<128x128xf32, #tpu.memory_space<vmem>>, vector<128x128xf32>
    %dot_general3A = arith.constant dense<0.000000e+00> : vector<2000x128xf32>
    %dot_general3A_5 = tpu.matmul %get3A_1, %get3A_4, %dot_general3A {dimension_numbers = #tpu.dot_dimension_numbers<[1], [0], [0], [1], [0, 0, 1, 1], [], []>, transpose_lhs_hint = false} : vector<2000x128xf32>, vector<128x128xf32>, vector<2000x128xf32> -> vector<2000x128xf32>
    %slice3A = vector.extract_strided_slice %dot_general3A_5 {offsets = [0, 0], sizes = [2000, 64], strides = [1, 1]} : vector<2000x128xf32> to vector<2000x64xf32>
    %convert_element_type3A = arith.truncf %slice3A : vector<2000x64xf32> to vector<2000x64xbf16>
    %bitcast_convert_type3A = tpu.bitcast %convert_element_type3A : vector<2000x64xbf16> -> vector<2000x64xi16>
    %slice3A_6 = vector.extract_strided_slice %dot_general3A_5 {offsets = [0, 64], sizes = [2000, 64], strides = [1, 1]} : vector<2000x128xf32> to vector<2000x64xf32>
    %convert_element_type3A_7 = arith.truncf %slice3A_6 : vector<2000x64xf32> to vector<2000x64xbf16>
    %bitcast_convert_type3A_8 = tpu.bitcast %convert_element_type3A_7 : vector<2000x64xbf16> -> vector<2000x64xi16>
    %convert_element_type3A_9 = arith.extsi %bitcast_convert_type3A_8 : vector<2000x64xi16> to vector<2000x64xi32>
    %shift_left3A = arith.constant 16 : i32
    %shift_left3A_10 = vector.broadcast %shift_left3A : i32 to vector<2000x64xi32>
    %shift_left3A_11 = arith.shli %convert_element_type3A_9, %shift_left3A_10 : vector<2000x64xi32>
    %convert_element_type3A_12 = arith.extsi %bitcast_convert_type3A : vector<2000x64xi16> to vector<2000x64xi32>
    %and3A = arith.constant 65535 : i32
    %and3A_13 = vector.broadcast %and3A : i32 to vector<2000x64xi32>
    %and3A_14 = arith.andi %convert_element_type3A_12, %and3A_13 : vector<2000x64xi32>
    %or3A = arith.ori %shift_left3A_11, %and3A_14 : vector<2000x64xi32>
    %swap3A = arith.constant 0 : index
    %swap3A_15 = arith.constant 0 : index
    %swap3A_16 = vector.load %arg7[%swap3A, %swap3A_15] : memref<2000x64xi32, #tpu.memory_space<vmem>>, vector<2000x64xi32>
    tpu.vector_store %arg7[%swap3A, %swap3A_15], %or3A {strides = array<i32>} : memref<2000x64xi32, #tpu.memory_space<vmem>>, vector<2000x64xi32>,
    %get3A_17 = arith.constant 0 : index
    %get3A_18 = arith.constant 0 : index
    %get3A_19 = vector.load %arg4[%get3A_17, %get3A_18] : memref<1x16xf32, #tpu.memory_space<vmem>>, vector<1x16xf32>
    %get3A_20 = arith.constant 0 : index
    %get3A_21 = arith.constant 0 : index
    %get3A_22 = vector.load %arg5[%get3A_20, %get3A_21] : memref<16x128xf32, #tpu.memory_space<vmem>>, vector<16x128xf32>
    %dot_general3A_23 = arith.constant dense<0.000000e+00> : vector<1x128xf32>
    %dot_general3A_24 = tpu.matmul %get3A_19, %get3A_22, %dot_general3A_23 {dimension_numbers = #tpu.dot_dimension_numbers<[1], [0], [0], [1], [0, 0, 1, 1], [], []>, transpose_lhs_hint = false} : vector<1x16xf32>, vector<16x128xf32>, vector<1x128xf32> -> vector<1x128xf32>
    %get3A_25 = arith.constant 0 : index
    %get3A_26 = arith.constant 0 : index
    %get3A_27 = vector.load %arg6[%get3A_25, %get3A_26] : memref<1x128xf32, #tpu.memory_space<vmem>>, vector<1x128xf32>
    %add3A = arith.addf %dot_general3A_24, %get3A_27 : vector<1x128xf32>
    %get3A_28 = arith.constant 0 : index
    %get3A_29 = arith.constant 0 : index
    %get3A_30 = vector.load %arg3[%get3A_28, %get3A_29] : memref<128x128xf32, #tpu.memory_space<vmem>>, vector<128x128xf32>
    %dot_general3A_31 = arith.constant dense<0.000000e+00> : vector<2000x128xf32>
    %dot_general3A_32 = tpu.matmul %get3A_1, %get3A_30, %dot_general3A_31 {dimension_numbers = #tpu.dot_dimension_numbers<[1], [0], [0], [1], [0, 0, 1, 1], [], []>, transpose_lhs_hint = false} : vector<2000x128xf32>, vector<128x128xf32>, vector<2000x128xf32> -> vector<2000x128xf32>
    %add3A_33 = vector.broadcast %add3A : vector<1x128xf32> to vector<2000x128xf32>
    %add3A_34 = arith.addf %dot_general3A_32, %add3A_33 : vector<2000x128xf32>
    %slice3A_35 = vector.extract_strided_slice %add3A_34 {offsets = [0, 0], sizes = [2000, 64], strides = [1, 1]} : vector<2000x128xf32> to vector<2000x64xf32>
    %convert_element_type3A_36 = arith.truncf %slice3A_35 : vector<2000x64xf32> to vector<2000x64xbf16>
    %bitcast_convert_type3A_37 = tpu.bitcast %convert_element_type3A_36 : vector<2000x64xbf16> -> vector<2000x64xi16>
    %slice3A_38 = vector.extract_strided_slice %add3A_34 {offsets = [0, 64], sizes = [2000, 64], strides = [1, 1]} : vector<2000x128xf32> to vector<2000x64xf32>
    %convert_element_type3A_39 = arith.truncf %slice3A_38 : vector<2000x64xf32> to vector<2000x64xbf16>
    %bitcast_convert_type3A_40 = tpu.bitcast %convert_element_type3A_39 : vector<2000x64xbf16> -> vector<2000x64xi16>
    %convert_element_type3A_41 = arith.extsi %bitcast_convert_type3A_40 : vector<2000x64xi16> to vector<2000x64xi32>
    %shift_left3A_42 = arith.constant 16 : i32
    %shift_left3A_43 = vector.broadcast %shift_left3A_42 : i32 to vector<2000x64xi32>
    %shift_left3A_44 = arith.shli %convert_element_type3A_41, %shift_left3A_43 : vector<2000x64xi32>
    %convert_element_type3A_45 = arith.extsi %bitcast_convert_type3A_37 : vector<2000x64xi16> to vector<2000x64xi32>
    %and3A_46 = arith.constant 65535 : i32
    %and3A_47 = vector.broadcast %and3A_46 : i32 to vector<2000x64xi32>
    %and3A_48 = arith.andi %convert_element_type3A_45, %and3A_47 : vector<2000x64xi32>
    %or3A_49 = arith.ori %shift_left3A_44, %and3A_48 : vector<2000x64xi32>
    %swap3A_50 = arith.constant 0 : index
    %swap3A_51 = arith.constant 0 : index
    %swap3A_52 = vector.load %arg8[%swap3A_50, %swap3A_51] : memref<2000x64xi32, #tpu.memory_space<vmem>>, vector<2000x64xi32>
    tpu.vector_store %arg8[%swap3A_50, %swap3A_51], %or3A_49 {strides = array<i32>} : memref<2000x64xi32, #tpu.memory_space<vmem>>, vector<2000x64xi32>,
    return
  }
  func.func @transform_0(%arg0: i32) -> (i32, i32) {
    %c0_i32 = arith.constant 0 : i32
    %c0_i32_0 = arith.constant 0 : i32
    return %arg0, %c0_i32 : i32, i32
  }
  func.func @transform_1(%arg0: i32) -> (i32, i32) {
    %c0_i32 = arith.constant 0 : i32
    %c0_i32_0 = arith.constant 0 : i32
    %c0_i32_1 = arith.constant 0 : i32
    return %c0_i32, %c0_i32_0 : i32, i32
  }
  func.func @transform_2(%arg0: i32) -> (i32, i32) {
    %c0_i32 = arith.constant 0 : i32
    %c0_i32_0 = arith.constant 0 : i32
    %c0_i32_1 = arith.constant 0 : i32
    return %c0_i32, %c0_i32_0 : i32, i32
  }
  func.func @transform_3(%arg0: i32) -> (i32, i32) {
    %c0_i32 = arith.constant 0 : i32
    %c0_i32_0 = arith.constant 0 : i32
    %c0_i32_1 = arith.constant 0 : i32
    return %c0_i32, %c0_i32_0 : i32, i32
  }
  func.func @transform_4(%arg0: i32) -> (i32, i32) {
    %c0_i32 = arith.constant 0 : i32
    %c0_i32_0 = arith.constant 0 : i32
    %c0_i32_1 = arith.constant 0 : i32
    return %c0_i32, %c0_i32_0 : i32, i32
  }
  func.func @transform_5(%arg0: i32) -> (i32, i32) {
    %c0_i32 = arith.constant 0 : i32
    %c0_i32_0 = arith.constant 0 : i32
    %c0_i32_1 = arith.constant 0 : i32
    return %c0_i32, %c0_i32_0 : i32, i32
  }
  func.func @transform_6(%arg0: i32) -> (i32, i32) {
    %c0_i32 = arith.constant 0 : i32
    %c0_i32_0 = arith.constant 0 : i32
    return %arg0, %c0_i32 : i32, i32
  }
  func.func @transform_7(%arg0: i32) -> (i32, i32) {
    %c0_i32 = arith.constant 0 : i32
    %c0_i32_0 = arith.constant 0 : i32
    return %arg0, %c0_i32 : i32, i32
  }
}

module attributes {stable_mosaic.version = 14 : i64} {
  func.func @_edge_body(%arg0: i32, %arg1: memref<3200x128xi32, #tpu.memory_space<vmem>>, %arg2: memref<3200x128xi32, #tpu.memory_space<vmem>>, %arg3: memref<16x3200xf32, #tpu.memory_space<vmem>>, %arg4: memref<16x128xf32, #tpu.memory_space<vmem>>, %arg5: memref<128x16xf32, #tpu.memory_space<vmem>>, %arg6: memref<16x1xf32, #tpu.memory_space<vmem>>, %arg7: memref<16x3200xf32, #tpu.memory_space<vmem>>) attributes {dimension_semantics = [#tpu.dimension_semantics<arbitrary>], iteration_bounds = array<i64: 100>, scalar_prefetch = 0 : i64, scratch_operands = 0 : i64, tpu.core_type = #tpu.core_type<tc>, window_params = [{transform_indices = @transform_0, window_bounds = array<i64: 3200, 128>}, {transform_indices = @transform_1, window_bounds = array<i64: 3200, 128>}, {transform_indices = @transform_2, window_bounds = array<i64: 16, 3200>}, {pipeline_mode = #tpu.pipeline_mode<synchronous>, transform_indices = @transform_3, window_bounds = array<i64: 16, 128>}, {pipeline_mode = #tpu.pipeline_mode<synchronous>, transform_indices = @transform_4, window_bounds = array<i64: 128, 16>}, {pipeline_mode = #tpu.pipeline_mode<synchronous>, transform_indices = @transform_5, window_bounds = array<i64: 16, 1>}, {transform_indices = @transform_6, window_bounds = array<i64: 16, 3200>}]} {
    %ge3A = arith.constant 50 : i32
    %ge3A_0 = arith.cmpi sge, %arg0, %ge3A : i32
    %get3A = arith.constant 0 : index
    %get3A_1 = arith.constant 0 : index
    %get3A_2 = vector.load %arg1[%get3A, %get3A_1] : memref<3200x128xi32, #tpu.memory_space<vmem>>, vector<3200x128xi32>
    %shift_left3A = arith.constant 16 : i32
    %shift_left3A_3 = vector.broadcast %shift_left3A : i32 to vector<3200x128xi32>
    %shift_left3A_4 = arith.shli %get3A_2, %shift_left3A_3 : vector<3200x128xi32>
    %bitcast_convert_type3A = tpu.bitcast %shift_left3A_4 : vector<3200x128xi32> -> vector<3200x128xf32>
    %and3A = arith.constant -65536 : i32
    %and3A_5 = vector.broadcast %and3A : i32 to vector<3200x128xi32>
    %and3A_6 = arith.andi %get3A_2, %and3A_5 : vector<3200x128xi32>
    %bitcast_convert_type3A_7 = tpu.bitcast %and3A_6 : vector<3200x128xi32> -> vector<3200x128xf32>
    %slice3A = vector.extract_strided_slice %bitcast_convert_type3A {offsets = [0, 64], sizes = [3200, 64], strides = [1, 1]} : vector<3200x128xf32> to vector<3200x64xf32>
    %slice3A_8 = vector.extract_strided_slice %bitcast_convert_type3A {offsets = [0, 0], sizes = [3200, 64], strides = [1, 1]} : vector<3200x128xf32> to vector<3200x64xf32>
    %select_n3A = arith.select %ge3A_0, %slice3A, %slice3A_8 : vector<3200x64xf32>
    %slice3A_9 = vector.extract_strided_slice %bitcast_convert_type3A_7 {offsets = [0, 64], sizes = [3200, 64], strides = [1, 1]} : vector<3200x128xf32> to vector<3200x64xf32>
    %slice3A_10 = vector.extract_strided_slice %bitcast_convert_type3A_7 {offsets = [0, 0], sizes = [3200, 64], strides = [1, 1]} : vector<3200x128xf32> to vector<3200x64xf32>
    %select_n3A_11 = arith.select %ge3A_0, %slice3A_9, %slice3A_10 : vector<3200x64xf32>
    %concatenate3A = tpu.concatenate %select_n3A, %select_n3A_11 in 1 : vector<3200x64xf32>, vector<3200x64xf32> -> vector<3200x128xf32>
    %get3A_12 = arith.constant 0 : index
    %get3A_13 = arith.constant 0 : index
    %get3A_14 = vector.load %arg2[%get3A_12, %get3A_13] : memref<3200x128xi32, #tpu.memory_space<vmem>>, vector<3200x128xi32>
    %shift_left3A_15 = arith.constant 16 : i32
    %shift_left3A_16 = vector.broadcast %shift_left3A_15 : i32 to vector<3200x128xi32>
    %shift_left3A_17 = arith.shli %get3A_14, %shift_left3A_16 : vector<3200x128xi32>
    %bitcast_convert_type3A_18 = tpu.bitcast %shift_left3A_17 : vector<3200x128xi32> -> vector<3200x128xf32>
    %and3A_19 = arith.constant -65536 : i32
    %and3A_20 = vector.broadcast %and3A_19 : i32 to vector<3200x128xi32>
    %and3A_21 = arith.andi %get3A_14, %and3A_20 : vector<3200x128xi32>
    %bitcast_convert_type3A_22 = tpu.bitcast %and3A_21 : vector<3200x128xi32> -> vector<3200x128xf32>
    %slice3A_23 = vector.extract_strided_slice %bitcast_convert_type3A_18 {offsets = [0, 64], sizes = [3200, 64], strides = [1, 1]} : vector<3200x128xf32> to vector<3200x64xf32>
    %slice3A_24 = vector.extract_strided_slice %bitcast_convert_type3A_18 {offsets = [0, 0], sizes = [3200, 64], strides = [1, 1]} : vector<3200x128xf32> to vector<3200x64xf32>
    %select_n3A_25 = arith.select %ge3A_0, %slice3A_23, %slice3A_24 : vector<3200x64xf32>
    %slice3A_26 = vector.extract_strided_slice %bitcast_convert_type3A_22 {offsets = [0, 64], sizes = [3200, 64], strides = [1, 1]} : vector<3200x128xf32> to vector<3200x64xf32>
    %slice3A_27 = vector.extract_strided_slice %bitcast_convert_type3A_22 {offsets = [0, 0], sizes = [3200, 64], strides = [1, 1]} : vector<3200x128xf32> to vector<3200x64xf32>
    %select_n3A_28 = arith.select %ge3A_0, %slice3A_26, %slice3A_27 : vector<3200x64xf32>
    %concatenate3A_29 = tpu.concatenate %select_n3A_25, %select_n3A_28 in 1 : vector<3200x64xf32>, vector<3200x64xf32> -> vector<3200x128xf32>
    %add3A = arith.addf %concatenate3A, %concatenate3A_29 : vector<3200x128xf32>
    %get3A_30 = arith.constant 0 : index
    %get3A_31 = arith.constant 0 : index
    %get3A_32 = vector.load %arg3[%get3A_30, %get3A_31] : memref<16x3200xf32, #tpu.memory_space<vmem>>, vector<16x3200xf32>
    %get3A_33 = arith.constant 0 : index
    %get3A_34 = arith.constant 0 : index
    %get3A_35 = vector.load %arg4[%get3A_33, %get3A_34] : memref<16x128xf32, #tpu.memory_space<vmem>>, vector<16x128xf32>
    %dot_general3A = arith.constant dense<0.000000e+00> : vector<3200x128xf32>
    %dot_general3A_36 = tpu.matmul %get3A_32, %get3A_35, %dot_general3A {dimension_numbers = #tpu.dot_dimension_numbers<[0], [0], [1], [1], [0, 1, 1, 1], [], []>, transpose_lhs_hint = false} : vector<16x3200xf32>, vector<16x128xf32>, vector<3200x128xf32> -> vector<3200x128xf32>
    %add3A_37 = arith.addf %add3A, %dot_general3A_36 : vector<3200x128xf32>
    %max3A = arith.constant 0.000000e+00 : f32
    %max3A_38 = vector.broadcast %max3A : f32 to vector<3200x128xf32>
    %max3A_39 = arith.maximumf %add3A_37, %max3A_38 : vector<3200x128xf32>
    %get3A_40 = arith.constant 0 : index
    %get3A_41 = arith.constant 0 : index
    %get3A_42 = vector.load %arg5[%get3A_40, %get3A_41] : memref<128x16xf32, #tpu.memory_space<vmem>>, vector<128x16xf32>
    %dot_general3A_43 = arith.constant dense<0.000000e+00> : vector<16x3200xf32>
    %dot_general3A_44 = tpu.matmul %get3A_42, %max3A_39, %dot_general3A_43 {dimension_numbers = #tpu.dot_dimension_numbers<[0], [1], [1], [0], [0, 1, 1, 0], [], []>, transpose_lhs_hint = false} : vector<128x16xf32>, vector<3200x128xf32>, vector<16x3200xf32> -> vector<16x3200xf32>
    %get3A_45 = arith.constant 0 : index
    %get3A_46 = arith.constant 0 : index
    %get3A_47 = vector.load %arg6[%get3A_45, %get3A_46] : memref<16x1xf32, #tpu.memory_space<vmem>>, vector<16x1xf32>
    %add3A_48 = vector.broadcast %get3A_47 : vector<16x1xf32> to vector<16x3200xf32>
    %add3A_49 = arith.addf %dot_general3A_44, %add3A_48 : vector<16x3200xf32>
    %swap3A = arith.constant 0 : index
    %swap3A_50 = arith.constant 0 : index
    %swap3A_51 = vector.load %arg7[%swap3A, %swap3A_50] : memref<16x3200xf32, #tpu.memory_space<vmem>>, vector<16x3200xf32>
    tpu.vector_store %arg7[%swap3A, %swap3A_50], %add3A_49 {strides = array<i32>} : memref<16x3200xf32, #tpu.memory_space<vmem>>, vector<16x3200xf32>,
    return
  }
  func.func @transform_0(%arg0: i32) -> (i32, i32) {
    %jit3A = arith.constant 50 : i32
    %eq3A = arith.constant 0 : i32
    %eq3A_0 = arith.cmpi eq, %jit3A, %eq3A : i32
    %jit3A_1 = arith.constant 1 : i32
    %select_n3A = arith.select %eq3A_0, %jit3A_1, %jit3A : i32
    %rem3A = arith.remsi %arg0, %select_n3A : i32
    %ne3A = arith.constant 0 : i32
    %ne3A_2 = arith.cmpi ne, %rem3A, %ne3A : i32
    %lt3A = arith.constant 0 : i32
    %lt3A_3 = arith.cmpi slt, %rem3A, %lt3A : i32
    %lt3A_4 = arith.constant 0 : i32
    %lt3A_5 = arith.cmpi slt, %select_n3A, %lt3A_4 : i32
    %ne3A_6 = arith.xori %lt3A_3, %lt3A_5 : i1
    %and3A = arith.andi %ne3A_6, %ne3A_2 : i1
    %add3A = arith.addi %rem3A, %select_n3A : i32
    %select_n3A_7 = arith.select %and3A, %add3A, %rem3A : i32
    %c0_i32 = arith.constant 0 : i32
    %c0_i32_8 = arith.constant 0 : i32
    return %select_n3A_7, %c0_i32 : i32, i32
  }
  func.func @transform_1(%arg0: i32) -> (i32, i32) {
    %jit3A = arith.constant 50 : i32
    %eq3A = arith.constant 0 : i32
    %eq3A_0 = arith.cmpi eq, %jit3A, %eq3A : i32
    %jit3A_1 = arith.constant 1 : i32
    %select_n3A = arith.select %eq3A_0, %jit3A_1, %jit3A : i32
    %rem3A = arith.remsi %arg0, %select_n3A : i32
    %ne3A = arith.constant 0 : i32
    %ne3A_2 = arith.cmpi ne, %rem3A, %ne3A : i32
    %lt3A = arith.constant 0 : i32
    %lt3A_3 = arith.cmpi slt, %rem3A, %lt3A : i32
    %lt3A_4 = arith.constant 0 : i32
    %lt3A_5 = arith.cmpi slt, %select_n3A, %lt3A_4 : i32
    %ne3A_6 = arith.xori %lt3A_3, %lt3A_5 : i1
    %and3A = arith.andi %ne3A_6, %ne3A_2 : i1
    %add3A = arith.addi %rem3A, %select_n3A : i32
    %select_n3A_7 = arith.select %and3A, %add3A, %rem3A : i32
    %c0_i32 = arith.constant 0 : i32
    %c0_i32_8 = arith.constant 0 : i32
    return %select_n3A_7, %c0_i32 : i32, i32
  }
  func.func @transform_2(%arg0: i32) -> (i32, i32) {
    %c0_i32 = arith.constant 0 : i32
    %c0_i32_0 = arith.constant 0 : i32
    return %c0_i32, %arg0 : i32, i32
  }
  func.func @transform_3(%arg0: i32) -> (i32, i32) {
    %c0_i32 = arith.constant 0 : i32
    %c0_i32_0 = arith.constant 0 : i32
    %c0_i32_1 = arith.constant 0 : i32
    return %c0_i32, %c0_i32_0 : i32, i32
  }
  func.func @transform_4(%arg0: i32) -> (i32, i32) {
    %c0_i32 = arith.constant 0 : i32
    %c0_i32_0 = arith.constant 0 : i32
    %c0_i32_1 = arith.constant 0 : i32
    return %c0_i32, %c0_i32_0 : i32, i32
  }
  func.func @transform_5(%arg0: i32) -> (i32, i32) {
    %c0_i32 = arith.constant 0 : i32
    %c0_i32_0 = arith.constant 0 : i32
    %c0_i32_1 = arith.constant 0 : i32
    return %c0_i32, %c0_i32_0 : i32, i32
  }
  func.func @transform_6(%arg0: i32) -> (i32, i32) {
    %c0_i32 = arith.constant 0 : i32
    %c0_i32_0 = arith.constant 0 : i32
    return %c0_i32, %arg0 : i32, i32
  }
}

module attributes {stable_mosaic.version = 14 : i64} {
  func.func @_node_body(%arg0: i32, %arg1: memref<2000x128xf32, #tpu.memory_space<vmem>>, %arg2: memref<2x2000x16xf32, #tpu.memory_space<vmem>>, %arg3: memref<1x16xf32, #tpu.memory_space<vmem>>, %arg4: memref<128x128xf32, #tpu.memory_space<vmem>>, %arg5: memref<16x128xf32, #tpu.memory_space<vmem>>, %arg6: memref<16x128xf32, #tpu.memory_space<vmem>>, %arg7: memref<1x128xf32, #tpu.memory_space<vmem>>, %arg8: memref<128x128xf32, #tpu.memory_space<vmem>>, %arg9: memref<1x128xf32, #tpu.memory_space<vmem>>, %arg10: memref<16x128xf32, #tpu.memory_space<vmem>>, %arg11: memref<128x128xf32, #tpu.memory_space<vmem>>, %arg12: memref<1x128xf32, #tpu.memory_space<vmem>>, %arg13: memref<128x16xf32, #tpu.memory_space<vmem>>, %arg14: memref<1x16xf32, #tpu.memory_space<vmem>>, %arg15: memref<2000x128xf32, #tpu.memory_space<vmem>>, %arg16: memref<1x16xf32, #tpu.memory_space<vmem>>, %arg17: memref<1x128xf32, #tpu.memory_space<vmem>>) attributes {dimension_semantics = [#tpu.dimension_semantics<arbitrary>], iteration_bounds = array<i64: 5>, scalar_prefetch = 0 : i64, scratch_operands = 1 : i64, tpu.core_type = #tpu.core_type<tc>, window_params = [{transform_indices = @transform_0, window_bounds = array<i64: 2000, 128>}, {transform_indices = @transform_1, window_bounds = array<i64: 2, 2000, 16>}, {pipeline_mode = #tpu.pipeline_mode<synchronous>, transform_indices = @transform_2, window_bounds = array<i64: 1, 16>}, {pipeline_mode = #tpu.pipeline_mode<synchronous>, transform_indices = @transform_3, window_bounds = array<i64: 128, 128>}, {pipeline_mode = #tpu.pipeline_mode<synchronous>, transform_indices = @transform_4, window_bounds = array<i64: 16, 128>}, {pipeline_mode = #tpu.pipeline_mode<synchronous>, transform_indices = @transform_5, window_bounds = array<i64: 16, 128>}, {pipeline_mode = #tpu.pipeline_mode<synchronous>, transform_indices = @transform_6, window_bounds = array<i64: 1, 128>}, {pipeline_mode = #tpu.pipeline_mode<synchronous>, transform_indices = @transform_7, window_bounds = array<i64: 128, 128>}, {pipeline_mode = #tpu.pipeline_mode<synchronous>, transform_indices = @transform_8, window_bounds = array<i64: 1, 128>}, {pipeline_mode = #tpu.pipeline_mode<synchronous>, transform_indices = @transform_9, window_bounds = array<i64: 16, 128>}, {pipeline_mode = #tpu.pipeline_mode<synchronous>, transform_indices = @transform_10, window_bounds = array<i64: 128, 128>}, {pipeline_mode = #tpu.pipeline_mode<synchronous>, transform_indices = @transform_11, window_bounds = array<i64: 1, 128>}, {pipeline_mode = #tpu.pipeline_mode<synchronous>, transform_indices = @transform_12, window_bounds = array<i64: 128, 16>}, {pipeline_mode = #tpu.pipeline_mode<synchronous>, transform_indices = @transform_13, window_bounds = array<i64: 1, 16>}, {transform_indices = @transform_14, window_bounds = array<i64: 2000, 128>}, {pipeline_mode = #tpu.pipeline_mode<synchronous>, transform_indices = @transform_15, window_bounds = array<i64: 1, 16>}]} {
    %eq3A = arith.constant 0 : i32
    %eq3A_0 = arith.cmpi eq, %arg0, %eq3A : i32
    %convert_element_type3A = arith.extui %eq3A_0 : i1 to i32
    %cond3A = arith.constant 0 : i32
    %cond3A_1 = arith.cmpi ne, %convert_element_type3A, %cond3A : i32
    scf.if %cond3A_1 {
      %broadcast_in_dim3A_65 = arith.constant 0.000000e+00 : f32
      %broadcast_in_dim3A_66 = vector.broadcast %broadcast_in_dim3A_65 : f32 to vector<1x128xf32>
      %swap3A_67 = arith.constant 0 : index
      %swap3A_68 = arith.constant 0 : index
      %swap3A_69 = vector.load %arg17[%swap3A_67, %swap3A_68] : memref<1x128xf32, #tpu.memory_space<vmem>>, vector<1x128xf32>
      tpu.vector_store %arg17[%swap3A_67, %swap3A_68], %broadcast_in_dim3A_66 {strides = array<i32>} : memref<1x128xf32, #tpu.memory_space<vmem>>, vector<1x128xf32>,
    } else {
    }
    %get3A = arith.constant 0 : index
    %get3A_2 = arith.constant 0 : index
    %get3A_3 = arith.constant 0 : index
    %get3A_4 = vector.load %arg2[%get3A, %get3A_2, %get3A_3] : memref<2x2000x16xf32, #tpu.memory_space<vmem>>, vector<1x2000x16xf32>
    %get3A_5 = vector.shape_cast %get3A_4 : vector<1x2000x16xf32> to vector<2000x16xf32>
    %get3A_6 = arith.constant 1 : index
    %get3A_7 = arith.constant 0 : index
    %get3A_8 = arith.constant 0 : index
    %get3A_9 = vector.load %arg2[%get3A_6, %get3A_7, %get3A_8] : memref<2x2000x16xf32, #tpu.memory_space<vmem>>, vector<1x2000x16xf32>
    %get3A_10 = vector.shape_cast %get3A_9 : vector<1x2000x16xf32> to vector<2000x16xf32>
    %add3A = arith.addf %get3A_5, %get3A_10 : vector<2000x16xf32>
    %get3A_11 = arith.constant 0 : index
    %get3A_12 = arith.constant 0 : index
    %get3A_13 = vector.load %arg3[%get3A_11, %get3A_12] : memref<1x16xf32, #tpu.memory_space<vmem>>, vector<1x16xf32>
    %get3A_14 = arith.constant 0 : index
    %get3A_15 = arith.constant 0 : index
    %get3A_16 = vector.load %arg6[%get3A_14, %get3A_15] : memref<16x128xf32, #tpu.memory_space<vmem>>, vector<16x128xf32>
    %dot_general3A = arith.constant dense<0.000000e+00> : vector<1x128xf32>
    %dot_general3A_17 = tpu.matmul %get3A_13, %get3A_16, %dot_general3A {dimension_numbers = #tpu.dot_dimension_numbers<[1], [0], [0], [1], [0, 0, 1, 1], [], []>, transpose_lhs_hint = false} : vector<1x16xf32>, vector<16x128xf32>, vector<1x128xf32> -> vector<1x128xf32>
    %get3A_18 = arith.constant 0 : index
    %get3A_19 = arith.constant 0 : index
    %get3A_20 = vector.load %arg7[%get3A_18, %get3A_19] : memref<1x128xf32, #tpu.memory_space<vmem>>, vector<1x128xf32>
    %add3A_21 = arith.addf %dot_general3A_17, %get3A_20 : vector<1x128xf32>
    %get3A_22 = arith.constant 0 : index
    %get3A_23 = arith.constant 0 : index
    %get3A_24 = vector.load %arg1[%get3A_22, %get3A_23] : memref<2000x128xf32, #tpu.memory_space<vmem>>, vector<2000x128xf32>
    %get3A_25 = arith.constant 0 : index
    %get3A_26 = arith.constant 0 : index
    %get3A_27 = vector.load %arg4[%get3A_25, %get3A_26] : memref<128x128xf32, #tpu.memory_space<vmem>>, vector<128x128xf32>
    %dot_general3A_28 = arith.constant dense<0.000000e+00> : vector<2000x128xf32>
    %dot_general3A_29 = tpu.matmul %get3A_24, %get3A_27, %dot_general3A_28 {dimension_numbers = #tpu.dot_dimension_numbers<[1], [0], [0], [1], [0, 0, 1, 1], [], []>, transpose_lhs_hint = false} : vector<2000x128xf32>, vector<128x128xf32>, vector<2000x128xf32> -> vector<2000x128xf32>
    %get3A_30 = arith.constant 0 : index
    %get3A_31 = arith.constant 0 : index
    %get3A_32 = vector.load %arg5[%get3A_30, %get3A_31] : memref<16x128xf32, #tpu.memory_space<vmem>>, vector<16x128xf32>
    %dot_general3A_33 = arith.constant dense<0.000000e+00> : vector<2000x128xf32>
    %dot_general3A_34 = tpu.matmul %add3A, %get3A_32, %dot_general3A_33 {dimension_numbers = #tpu.dot_dimension_numbers<[1], [0], [0], [1], [0, 0, 1, 1], [], []>, transpose_lhs_hint = false} : vector<2000x16xf32>, vector<16x128xf32>, vector<2000x128xf32> -> vector<2000x128xf32>
    %add3A_35 = arith.addf %dot_general3A_29, %dot_general3A_34 : vector<2000x128xf32>
    %add3A_36 = vector.broadcast %add3A_21 : vector<1x128xf32> to vector<2000x128xf32>
    %add3A_37 = arith.addf %add3A_35, %add3A_36 : vector<2000x128xf32>
    %max3A = arith.constant 0.000000e+00 : f32
    %max3A_38 = vector.broadcast %max3A : f32 to vector<2000x128xf32>
    %max3A_39 = arith.maximumf %add3A_37, %max3A_38 : vector<2000x128xf32>
    %get3A_40 = arith.constant 0 : index
    %get3A_41 = arith.constant 0 : index
    %get3A_42 = vector.load %arg8[%get3A_40, %get3A_41] : memref<128x128xf32, #tpu.memory_space<vmem>>, vector<128x128xf32>
    %dot_general3A_43 = arith.constant dense<0.000000e+00> : vector<2000x128xf32>
    %dot_general3A_44 = tpu.matmul %max3A_39, %get3A_42, %dot_general3A_43 {dimension_numbers = #tpu.dot_dimension_numbers<[1], [0], [0], [1], [0, 0, 1, 1], [], []>, transpose_lhs_hint = false} : vector<2000x128xf32>, vector<128x128xf32>, vector<2000x128xf32> -> vector<2000x128xf32>
    %get3A_45 = arith.constant 0 : index
    %get3A_46 = arith.constant 0 : index
    %get3A_47 = vector.load %arg9[%get3A_45, %get3A_46] : memref<1x128xf32, #tpu.memory_space<vmem>>, vector<1x128xf32>
    %add3A_48 = vector.broadcast %get3A_47 : vector<1x128xf32> to vector<2000x128xf32>
    %add3A_49 = arith.addf %dot_general3A_44, %add3A_48 : vector<2000x128xf32>
    %swap3A = arith.constant 0 : index
    %swap3A_50 = arith.constant 0 : index
    %swap3A_51 = vector.load %arg15[%swap3A, %swap3A_50] : memref<2000x128xf32, #tpu.memory_space<vmem>>, vector<2000x128xf32>
    tpu.vector_store %arg15[%swap3A, %swap3A_50], %add3A_49 {strides = array<i32>} : memref<2000x128xf32, #tpu.memory_space<vmem>>, vector<2000x128xf32>,
    %get3A_52 = arith.constant 0 : index
    %get3A_53 = arith.constant 0 : index
    %get3A_54 = vector.load %arg17[%get3A_52, %get3A_53] : memref<1x128xf32, #tpu.memory_space<vmem>>, vector<1x128xf32>
    %reduce_sum3A = arith.constant dense<0.000000e+00> : vector<128xf32>
    %reduce_sum3A_55 = vector.multi_reduction <add>, %add3A_49, %reduce_sum3A [0] : vector<2000x128xf32> to vector<128xf32>
    %broadcast_in_dim3A = vector.shape_cast %reduce_sum3A_55 : vector<128xf32> to vector<1x128xf32>
    %add3A_56 = arith.addf %get3A_54, %broadcast_in_dim3A : vector<1x128xf32>
    %swap3A_57 = arith.constant 0 : index
    %swap3A_58 = arith.constant 0 : index
    %swap3A_59 = vector.load %arg17[%swap3A_57, %swap3A_58] : memref<1x128xf32, #tpu.memory_space<vmem>>, vector<1x128xf32>
    tpu.vector_store %arg17[%swap3A_57, %swap3A_58], %add3A_56 {strides = array<i32>} : memref<1x128xf32, #tpu.memory_space<vmem>>, vector<1x128xf32>,
    %eq3A_60 = arith.constant 4 : i32
    %eq3A_61 = arith.cmpi eq, %arg0, %eq3A_60 : i32
    %convert_element_type3A_62 = arith.extui %eq3A_61 : i1 to i32
    %cond3A_63 = arith.constant 0 : i32
    %cond3A_64 = arith.cmpi ne, %convert_element_type3A_62, %cond3A_63 : i32
    scf.if %cond3A_64 {
      %get3A_65 = arith.constant 0 : index
      %get3A_66 = arith.constant 0 : index
      %get3A_67 = vector.load %arg17[%get3A_65, %get3A_66] : memref<1x128xf32, #tpu.memory_space<vmem>>, vector<1x128xf32>
      %mul3A = arith.constant 9.99999974E-5 : f32
      %mul3A_68 = vector.broadcast %mul3A : f32 to vector<1x128xf32>
      %mul3A_69 = arith.mulf %get3A_67, %mul3A_68 : vector<1x128xf32>
      %get3A_70 = arith.constant 0 : index
      %get3A_71 = arith.constant 0 : index
      %get3A_72 = vector.load %arg3[%get3A_70, %get3A_71] : memref<1x16xf32, #tpu.memory_space<vmem>>, vector<1x16xf32>
      %get3A_73 = arith.constant 0 : index
      %get3A_74 = arith.constant 0 : index
      %get3A_75 = vector.load %arg10[%get3A_73, %get3A_74] : memref<16x128xf32, #tpu.memory_space<vmem>>, vector<16x128xf32>
      %dot_general3A_76 = arith.constant dense<0.000000e+00> : vector<1x128xf32>
      %dot_general3A_77 = tpu.matmul %get3A_72, %get3A_75, %dot_general3A_76 {dimension_numbers = #tpu.dot_dimension_numbers<[1], [0], [0], [1], [0, 0, 1, 1], [], []>, transpose_lhs_hint = false} : vector<1x16xf32>, vector<16x128xf32>, vector<1x128xf32> -> vector<1x128xf32>
      %get3A_78 = arith.constant 0 : index
      %get3A_79 = arith.constant 0 : index
      %get3A_80 = vector.load %arg11[%get3A_78, %get3A_79] : memref<128x128xf32, #tpu.memory_space<vmem>>, vector<128x128xf32>
      %dot_general3A_81 = arith.constant dense<0.000000e+00> : vector<1x128xf32>
      %dot_general3A_82 = tpu.matmul %mul3A_69, %get3A_80, %dot_general3A_81 {dimension_numbers = #tpu.dot_dimension_numbers<[1], [0], [0], [1], [0, 0, 1, 1], [], []>, transpose_lhs_hint = false} : vector<1x128xf32>, vector<128x128xf32>, vector<1x128xf32> -> vector<1x128xf32>
      %add3A_83 = arith.addf %dot_general3A_77, %dot_general3A_82 : vector<1x128xf32>
      %get3A_84 = arith.constant 0 : index
      %get3A_85 = arith.constant 0 : index
      %get3A_86 = vector.load %arg12[%get3A_84, %get3A_85] : memref<1x128xf32, #tpu.memory_space<vmem>>, vector<1x128xf32>
      %add3A_87 = arith.addf %add3A_83, %get3A_86 : vector<1x128xf32>
      %max3A_88 = arith.constant 0.000000e+00 : f32
      %max3A_89 = vector.broadcast %max3A_88 : f32 to vector<1x128xf32>
      %max3A_90 = arith.maximumf %add3A_87, %max3A_89 : vector<1x128xf32>
      %get3A_91 = arith.constant 0 : index
      %get3A_92 = arith.constant 0 : index
      %get3A_93 = vector.load %arg13[%get3A_91, %get3A_92] : memref<128x16xf32, #tpu.memory_space<vmem>>, vector<128x16xf32>
      %dot_general3A_94 = arith.constant dense<0.000000e+00> : vector<1x16xf32>
      %dot_general3A_95 = tpu.matmul %max3A_90, %get3A_93, %dot_general3A_94 {dimension_numbers = #tpu.dot_dimension_numbers<[1], [0], [0], [1], [0, 0, 1, 1], [], []>, transpose_lhs_hint = false} : vector<1x128xf32>, vector<128x16xf32>, vector<1x16xf32> -> vector<1x16xf32>
      %get3A_96 = arith.constant 0 : index
      %get3A_97 = arith.constant 0 : index
      %get3A_98 = vector.load %arg14[%get3A_96, %get3A_97] : memref<1x16xf32, #tpu.memory_space<vmem>>, vector<1x16xf32>
      %add3A_99 = arith.addf %dot_general3A_95, %get3A_98 : vector<1x16xf32>
      %swap3A_100 = arith.constant 0 : index
      %swap3A_101 = arith.constant 0 : index
      %swap3A_102 = vector.load %arg16[%swap3A_100, %swap3A_101] : memref<1x16xf32, #tpu.memory_space<vmem>>, vector<1x16xf32>
      tpu.vector_store %arg16[%swap3A_100, %swap3A_101], %add3A_99 {strides = array<i32>} : memref<1x16xf32, #tpu.memory_space<vmem>>, vector<1x16xf32>,
    } else {
    }
    return
  }
  func.func @transform_0(%arg0: i32) -> (i32, i32) {
    %c0_i32 = arith.constant 0 : i32
    %c0_i32_0 = arith.constant 0 : i32
    return %arg0, %c0_i32 : i32, i32
  }
  func.func @transform_1(%arg0: i32) -> (i32, i32, i32) {
    %c0_i32 = arith.constant 0 : i32
    %c0_i32_0 = arith.constant 0 : i32
    %c0_i32_1 = arith.constant 0 : i32
    return %c0_i32, %arg0, %c0_i32_0 : i32, i32, i32
  }
  func.func @transform_2(%arg0: i32) -> (i32, i32) {
    %c0_i32 = arith.constant 0 : i32
    %c0_i32_0 = arith.constant 0 : i32
    %c0_i32_1 = arith.constant 0 : i32
    return %c0_i32, %c0_i32_0 : i32, i32
  }
  func.func @transform_3(%arg0: i32) -> (i32, i32) {
    %c0_i32 = arith.constant 0 : i32
    %c0_i32_0 = arith.constant 0 : i32
    %c0_i32_1 = arith.constant 0 : i32
    return %c0_i32, %c0_i32_0 : i32, i32
  }
  func.func @transform_4(%arg0: i32) -> (i32, i32) {
    %c0_i32 = arith.constant 0 : i32
    %c0_i32_0 = arith.constant 0 : i32
    %c0_i32_1 = arith.constant 0 : i32
    return %c0_i32, %c0_i32_0 : i32, i32
  }
  func.func @transform_5(%arg0: i32) -> (i32, i32) {
    %c0_i32 = arith.constant 0 : i32
    %c0_i32_0 = arith.constant 0 : i32
    %c0_i32_1 = arith.constant 0 : i32
    return %c0_i32, %c0_i32_0 : i32, i32
  }
  func.func @transform_6(%arg0: i32) -> (i32, i32) {
    %c0_i32 = arith.constant 0 : i32
    %c0_i32_0 = arith.constant 0 : i32
    %c0_i32_1 = arith.constant 0 : i32
    return %c0_i32, %c0_i32_0 : i32, i32
  }
  func.func @transform_7(%arg0: i32) -> (i32, i32) {
    %c0_i32 = arith.constant 0 : i32
    %c0_i32_0 = arith.constant 0 : i32
    %c0_i32_1 = arith.constant 0 : i32
    return %c0_i32, %c0_i32_0 : i32, i32
  }
  func.func @transform_8(%arg0: i32) -> (i32, i32) {
    %c0_i32 = arith.constant 0 : i32
    %c0_i32_0 = arith.constant 0 : i32
    %c0_i32_1 = arith.constant 0 : i32
    return %c0_i32, %c0_i32_0 : i32, i32
  }
  func.func @transform_9(%arg0: i32) -> (i32, i32) {
    %c0_i32 = arith.constant 0 : i32
    %c0_i32_0 = arith.constant 0 : i32
    %c0_i32_1 = arith.constant 0 : i32
    return %c0_i32, %c0_i32_0 : i32, i32
  }
  func.func @transform_10(%arg0: i32) -> (i32, i32) {
    %c0_i32 = arith.constant 0 : i32
    %c0_i32_0 = arith.constant 0 : i32
    %c0_i32_1 = arith.constant 0 : i32
    return %c0_i32, %c0_i32_0 : i32, i32
  }
  func.func @transform_11(%arg0: i32) -> (i32, i32) {
    %c0_i32 = arith.constant 0 : i32
    %c0_i32_0 = arith.constant 0 : i32
    %c0_i32_1 = arith.constant 0 : i32
    return %c0_i32, %c0_i32_0 : i32, i32
  }
  func.func @transform_12(%arg0: i32) -> (i32, i32) {
    %c0_i32 = arith.constant 0 : i32
    %c0_i32_0 = arith.constant 0 : i32
    %c0_i32_1 = arith.constant 0 : i32
    return %c0_i32, %c0_i32_0 : i32, i32
  }
  func.func @transform_13(%arg0: i32) -> (i32, i32) {
    %c0_i32 = arith.constant 0 : i32
    %c0_i32_0 = arith.constant 0 : i32
    %c0_i32_1 = arith.constant 0 : i32
    return %c0_i32, %c0_i32_0 : i32, i32
  }
  func.func @transform_14(%arg0: i32) -> (i32, i32) {
    %c0_i32 = arith.constant 0 : i32
    %c0_i32_0 = arith.constant 0 : i32
    return %arg0, %c0_i32 : i32, i32
  }
  func.func @transform_15(%arg0: i32) -> (i32, i32) {
    %c0_i32 = arith.constant 0 : i32
    %c0_i32_0 = arith.constant 0 : i32
    %c0_i32_1 = arith.constant 0 : i32
    return %c0_i32, %c0_i32_0 : i32, i32
  }
}

</mosaic_0001>

<sc_bundles>
// kernel: kernel.10.cloned.1.call-start
scs
__scs_entry_jumppad:
0x0: {  	(pc) =	sbr.rel $0x88, $3  }
0x1: {  	(tag) =	ssettag $0x0;
	lr =	simm.s32 $0x1  }
0x2: {  	[smem:$0x3F91] =	sst lr;
	_ =	strace $0xD0000000  }
0x3: {  	_ = 	snop  }
0x4: {  	_ = 	snop  }
0x5: {  	_ = 	snop  }
0x6: {  	_ = 	snop  }
0x7: {  	_ = 	snop  }
__scs_overlays_trampoline_lowered:
0x8: {  	[smem:$0x3FA0] =	sst s0  }
0x9: {  	[smem:$0x3FA1] =	sst s1  }
0xa: {  	[smem:$0x3FA2] =	sst s2  }
0xb: {  	[smem:$0x3FA3] =	sst s3  }
0xc: {  	[smem:$0x3FA4] =	sst s4  }
0xd: {  	[smem:$0x3FA5] =	sst s5  }
0xe: {  	[smem:$0x3FA6] =	sst s6  }
0xf: {  	[smem:$0x3FA7] =	sst s7  }
0x10: {  	[smem:$0x3FA8] =	sst s8  }
0x11: {  	[smem:$0x3FA9] =	sst s9;
	s0 =	simm.s32 @!p0 $0x0  }
0x12: {  	s1 =	sld [smem:$0x3F8F];
	s0 =	simm.s32 @p0 $0x1  }
0x13: {  	[smem:$0x3FAA] =	sst s0;
	s0 =	simm.s32 @!p1 $0x0  }
0x14: {  	s2 =	sld [smem:$0x3F8E];
	s0 =	simm.s32 @p1 $0x1  }
0x15: {  	[smem:$0x3FAB] =	sst s0;
	s0 =	simm.s32 @!p2 $0x0  }
0x16: {  	s3 =	sld [smem:$0x3FDB];
	s0 =	simm.s32 @p2 $0x1  }
0x17: {  	s4 =	simm.s32 $0x1BF5;
	[smem:$0x3FAD] =	sst s0  }
0x18: {  	s0 =	sld [smem:$0x3F90];
	_ =	swait.ge [sflag:s4], $0x0  }
0x19: {  	s7 =	sld [smem:$0x3F91]  }
0x1a: {  	s8 =	sadd.s32 $0xFFFFE003, lr  }
0x1b: {  	s9 =	sadd.s32 $0xFFFFFEF7, lr;
	s5 =	simm.s32 $0xFFFFFFFF;
	p2 =	slt.u32 s8, $0xFFFFF086  }
0x1c: {  	p1 =	slt.u32 s9, $0xF7A;
	s5 =	simm.s32 @!p2 $0x0  }
0x1d: {  	s5 =	simm.s32 @p1 $0x1;
	p0 =	seq.s32 s7, s2  }
0x1e: {  	s7 =	smul.u32 @!p0 $0xF7A, s2;
	p2 =	seq.s32 @!p0 s5, $0x0  }
0x1f: {  	s9 =	smul.u32 $0xF7A, s1;
	s8 =	simm.s32 @!p0 $0x1BF5;
	p2 =	por !p2, p0  }
0x20: {  	[sflag:s8] =	ssyncset.s32 @!p0 $0xFFFFF086;
	s6 =	sadd.s32 @!p0 s3, s7;
	s7 =	simm.s32 @!p0 $0x108  }
0x21: {  	s3 =	sadd.s32 s3, s9;
	s6 =	sadd.s32 @!p0 $0x88, s6;
	s7 =	simm.s32 @p2 $0x1082  }
0x22: {  	[simem:s7], [sflag:s8] =	dma.local @!p0 [hbm:s6], $0xF7A  }
0x23: {  	s9 =	sor.u32 $0xD0000000, s2;
	s6 =	simm.s32 $0x108;
	_ =	swait.ge @!p0 [sflag:s8], $0x0  }
0x24: {  	s3 =	sadd.s32 $0x88, s3;
	s6 =	simm.s32 @!p1 $0x1082;
	[sflag:s4] =	ssyncset.s32 $0xFFFFF086  }
0x25: {  	[simem:s6], [sflag:s4] =	dma.local [hbm:s3], $0xF7A  }
0x26: {  	[smem:$0x3F91] =	sst s1;
	(tag) =	ssettag s2;
	_ =	strace s9  }
0x27: {  	s1 =	sld [smem:$0x3FA1]  }
0x28: {  	s2 =	sld [smem:$0x3FA2]  }
0x29: {  	s4 =	sld [smem:$0x3FA4]  }
0x2a: {  	p0 =	seq.s32 s5, $0x0;
	s5 =	sld [smem:$0x3FA5]  }
0x2b: {  	s6 =	sld [smem:$0x3FA6]  }
0x2c: {  	s7 =	sld [smem:$0x3FA7]  }
0x2d: {  	s3 =	simm.s32 $0x108;
	s8 =	sld [smem:$0x3FA8]  }
0x2e: {  	s3 =	simm.s32 @!p0 $0x1082;
	s9 =	sld [smem:$0x3FA9]  }
0x2f: {  	lr =	sadd.s32 s0, s3;
	s0 =	sld [smem:$0x3FA0]  }
0x30: {  	s3 =	sld [smem:$0x3FA3]  }
0x31: {  	[smem:$0x3FAC] =	sst s10  }
0x32: {  	s10 =	sld [smem:$0x3FAA];
	_ =	sdelay $0x3  }
0x33: {  	p0 =	seq.s32 s10, $0x1;
	s10 =	sld [smem:$0x3FAC];
	_ =	sdelay $0x3  }
0x34: {  	[smem:$0x3FAC] =	sst s10  }
0x35: {  	s10 =	sld [smem:$0x3FAB];
	_ =	sdelay $0x3  }
0x36: {  	p1 =	seq.s32 s10, $0x1;
	s10 =	sld [smem:$0x3FAC];
	_ =	sdelay $0x3  }
0x37: {  	[smem:$0x3FAC] =	sst s10  }
0x38: {  	s10 =	sld [smem:$0x3FAD]  }
0x39: {  	_ = 	snop;
	(pc) =	sbr.ind lr, $3  }
0x3a: {  	_ = 	snop  }
0x3b: {  	_ = 	snop  }
0x3c: {  	p2 =	seq.s32 s10, $0x1;
	s10 =	sld [smem:$0x3FAC]  }
0x3d: {  	_ =	shalt  }
0x3e: {  	_ =	shalt  }
0x3f: {  	_ =	shalt  }
0x40: {  	_ =	shalt  }
0x41: {  	_ =	shalt  }
0x42: {  	_ =	shalt  }
0x43: {  	_ =	shalt  }
0x44: {  	_ =	shalt  }
0x45: {  	_ =	shalt  }
0x46: {  	_ =	shalt  }
0x47: {  	_ =	shalt  }
0x48: {  	_ =	shalt  }
0x49: {  	_ =	shalt  }
0x4a: {  	_ =	shalt  }
0x4b: {  	_ =	shalt  }
0x4c: {  	_ =	shalt  }
0x4d: {  	_ =	shalt  }
0x4e: {  	_ =	shalt  }
0x4f: {  	_ =	shalt  }
0x50: {  	_ =	shalt  }
0x51: {  	_ =	shalt  }
0x52: {  	_ =	shalt  }
0x53: {  	_ =	shalt  }
0x54: {  	_ =	shalt  }
0x55: {  	_ =	shalt  }
0x56: {  	_ =	shalt  }
0x57: {  	_ =	shalt  }
0x58: {  	_ =	shalt  }
0x59: {  	_ =	shalt  }
0x5a: {  	_ =	shalt  }
0x5b: {  	_ =	shalt  }
0x5c: {  	_ =	shalt  }
0x5d: {  	_ =	shalt  }
0x5e: {  	_ =	shalt  }
0x5f: {  	_ =	shalt  }
0x60: {  	_ =	shalt  }
0x61: {  	_ =	shalt  }
0x62: {  	_ =	shalt  }
0x63: {  	_ =	shalt  }
0x64: {  	_ =	shalt  }
0x65: {  	_ =	shalt  }
0x66: {  	_ =	shalt  }
0x67: {  	_ =	shalt  }
0x68: {  	_ =	shalt  }
0x69: {  	_ =	shalt  }
0x6a: {  	_ =	shalt  }
0x6b: {  	_ =	shalt  }
0x6c: {  	_ =	shalt  }
0x6d: {  	_ =	shalt  }
0x6e: {  	_ =	shalt  }
0x6f: {  	_ =	shalt  }
0x70: {  	_ =	shalt  }
0x71: {  	_ =	shalt  }
0x72: {  	_ =	shalt  }
0x73: {  	_ =	shalt  }
0x74: {  	_ =	shalt  }
0x75: {  	_ =	shalt  }
0x76: {  	_ =	shalt  }
0x77: {  	_ =	shalt  }
0x78: {  	_ =	shalt  }
0x79: {  	_ =	shalt  }
0x7a: {  	_ =	shalt  }
0x7b: {  	_ =	shalt  }
0x7c: {  	_ =	shalt  }
0x7d: {  	_ =	shalt  }
0x7e: {  	_ =	shalt  }
0x7f: {  	_ =	shalt  }
0x80: {  	_ =	shalt  }
0x81: {  	_ =	shalt  }
0x82: {  	_ =	shalt  }
0x83: {  	_ =	shalt  }
0x84: {  	_ =	shalt  }
0x85: {  	_ =	shalt  }
0x86: {  	_ =	shalt  }
0x87: {  	_ =	shalt  }
.Lfunc_end0:
.L_simem_size_0:
called_computation.1_lowered:
.L_overlay_start_0:
0x88: {  	s2 =	sld [smem:$0x3FD9]  }
0x89: {  	s3 =	sld [smem:$0x3FFE];
	_ =	sdelay $0x1  }
0x8a: {  	s1 =	srdreg.scid  }
0x8b: {  	s0 =	sand.u32 $0x1, s1  }
0x8c: {  	s14 =	sshll.u32 s0, $0xA;
	s2 =	sadd.s32 s3, s2  }
0x8d: {  	s2 =	sadd.s32 s2, s14  }
0x8e: {  	[smem:$0x3FB8] =	sst s2  }
0x8f: {  	_ = 	snop  }
0x90: {  	s2 =	sld [smem:$0x3FD0];
	_ =	sdelay $0x2  }
0x91: {  	s15 =	simm.s32 $0xA;
	s4 =	simm.s32 $0x10  }
0x92: {  	[smem:s4], [sflag:s15] =	dma.local [hbm:s2], $0x1  }
0x93: {  	_ =	swait.eq [sflag:s15], $0x1  }
0x94: {  	[sflag:s15] =	ssyncset.done $0x0  }
0x95: {  	[sflag:s15] =	ssyncadd.s32 $0xFFFFFFFF  }
0x96: {  	s16 =	sld [smem:$0x10];
	(tm) =	ssettm $0x1  }
0x97: {  	s17 =	sld [smem:$0x3FFB];
	_ =	sdelay $0x3  }
0x98: {  	_ =	strace s17  }
0x99: {  	s3 =	sld [smem:$0x3FFC];
	_ =	sdelay $0x3  }
0x9a: {  	_ =	strace s3  }
0x9b: {  	s3 =	sld [smem:$0x3FFD];
	_ =	sdelay $0x3  }
0x9c: {  	_ =	strace s3  }
0x9d: {  	_ =	strace $0x8FFFFFFF  }
0x9e: {  	s18 =	sld [smem:$0x3FDB];
	_ =	sdelay $0x1  }
0x9f: {  	s19 =	simm.s32 $_scs_section_size  }
0xa0: {  	s5 =	simm.s32 $_size__tile_overlayer_lowered;
	s6 =	simm.s32 $_tile_overlayer_lowered  }
0xa1: {  	s22 =	simm.s32 $0x1BFF;
	s21 =	sshll.u32 s6, $0x1;
	s3 =	sadd.s32 s19, s18  }
0xa2: {  	s7 =	simm.s32 $0x0;
	s20 =	sshll.u32 s5, $0x1;
	s5 =	sadd.s32 s21, s3  }
0xa3: {  	[timem:s7], [sflag:s22] =	dma.local [hbm:s5], s20  }
0xa4: {  	_ =	swait.ge [sflag:s22], s20  }
0xa5: {  	s4 =	ssub.s32 $0x0, s20;
	[sflag:s22] =	ssyncset.done $0x0  }
0xa6: {  	[sflag:s22] =	ssyncadd.s32 s4;
	_ =	sdelay $0x1  }
0xa7: {  	s23 =	simm.s32 $0x1B8B  }
0xa8: {  	_ =	swait.ge [sflag:s23], $0x1  }
0xa9: {  	[sflag:s23] =	ssyncset.done $0x0  }
0xaa: {  	s25 =	simm.s32 $0x1B8E;
	s24 =	sld [smem:$0x3FFE];
	[sflag:s23] =	ssyncadd.s32 $0xFFFFFFFF  }
0xab: {  	s26 =	simm.s32 $execute0_lowered;
	[smem:$0x3FD2] =	sst s25  }
0xac: {  	s5 =	sshll.u32 s26, $0x1;
	_ =	strace $0x80000049;
	[dreg:$0x1] =	wrdreg $0xFFFFFFFF  }
0xad: {  	s28 =	simm.s32 $_size_execute0_lowered;
	s3 =	sadd.s32 s3, s5;
	[dreg:$0x0] =	wrdreg $0x0  }
0xae: {  	s5 =	sshll.u32 s28, $0x1;
	[dreg:$0x2] =	wrdreg s3  }
0xaf: {  	[dreg:$0x3] =	wrdreg s5  }
0xb0: {  	[dreg:$0x4] =	wrdreg $0xC0  }
0xb1: {  	_ =	task [dreg:s7], $0x5FFFF  }
0xb2: {  	[dreg:$0x1] =	wrdreg $0xFFFFFFFF  }
0xb3: {  	[dreg:$0x0] =	wrdreg $0x60  }
0xb4: {  	[dreg:$0x2] =	wrdreg s24  }
0xb5: {  	[dreg:$0x3] =	wrdreg s16  }
0xb6: {  	[dreg:$0x4] =	wrdreg $0x3B100  }
0xb7: {  	[dreg:$0x5] =	wrdreg $0x9  }
0xb8: {  	_ =	task.clear_ibuf [dreg:s7], $0x6FFFF;
	_ =	strace $0x90000049  }
0xb9: {  	s29 =	simm.s32 $0x9;
	_ =	strace $0x8000004B  }
0xba: {  	_ =	swait.ge [sflag:s29], $0x1  }
0xbb: {  	[sflag:s29] =	ssyncadd.s32 $0xFFFFFFFF  }
0xbc: {  	_ =	strace $0x9000004B  }
0xbd: {  	_ =	sfence  }
0xbe: {  	s30 =	sld [smem:$0x0];
	_ =	sdelay $0x2  }
0xbf: {  	s31 =	sshll.u32 s1, $0xD;
	s1 =	sshrl.u32 s1, $0x2  }
0xc0: {  	s3 =	sand.u32 $0x4000, s31;
	s1 =	sadd.s32 s1, s30  }
0xc1: {  	s0 =	sor.u32 s3, s0;
	s1 =	sshll.u32 s1, $0x11  }
0xc2: {  	s0 =	sor.u32 s1, s0  }
0xc3: {  	s0 =	sadd.s32 $0x8F2B, s0  }
0xc4: {  	[sflag:s0] =	ssyncadd.remote.s32 $0x1  }
0xc5: {  	_ =	sfence.sel $0xFFFF  }
0xc6: {  	[dreg:$0x0] =	wrdreg $0xFFFFFFFF;
	(pc) =	sbr.abs _section_cstart, $3  }
0xc7: {  	[dreg:$0x1] =	wrdreg $0xFFFFFFFF  }
0xc8: {  	_ =	task.clear_ibuf [dreg:s7], $0x2FFFF;
	_ =	strace $0x9FFFFFFF  }
0xc9: {  	(tm) =	ssettm $0x7FFFFFFF  }
tec
execute0_lowered:
.L_overlay_start_1:
0x0: {  	(tag) =	ssettag $0x1  }
0x1: {  	s0 =	rddreg [dreg:$0x0]  }
0x2: {  	s1 =	srdreg.scid;
	s11 =	rddreg [dreg:$0x1]  }
0x3: {  	s2 =	rddreg [dreg:$0x2];
	s10 =	stileid.u32  }
0x4: {  	s3 =	simm.s32 $0x0;
	s14 =	simm.s32 $0x50;
	s15 =	simm.s32 $0x4E200  }
0x5: {  	s16 =	simm.s32 $0x2710;
	s17 =	simm.s32 $0x2C10;
	s18 =	simm.s32 $0x1  }
0x6: {  	s19 =	simm.s32 $0x3110;
	s20 =	simm.s32 $0x2;
	s21 =	simm.s32 $0x3610  }
0x7: {  	s22 =	simm.s32 $0x3;
	s25 =	simm.s32 $0x4;
	s26 =	simm.s32 $0x0  }
0x8: {  	s1 =	sand.u32 $0x1, s1;
	[smem:$0x7FF] =	sst s3;
	s5 =	sadd.s32 $0x4800, s0  }
0x9: {  	s12 =	smul.u32 $0x2710, s10;
	s31 =	sshll.u32 s10, $0x6;
	s4 =	sshll.u32 s1, $0x4  }
0xa: {  	_ =	strace $0x8000004A;
	s7 =	ssub.s32 $0x2, s1;
	s1 =	smul.u32 $0x4E20, s1  }
0xb: {  	v0 =	vlaneseq.u32;
	s6 =	sor.u32 s10, s4;
	s4 =	sadd.s32 $0x18400, s0;
	s30 =	sshrl.u32 s7, $0x1  }
0xc: {  	v0 =	vmul.u32 $0x50, v0;
	s13 =	sadd.s32 s12, s2;
	s23 =	sshrl.u32 s12, $0x3;
	s9 =	smul.u32 $0x4E2, s6  }
0xd: {  	v1 =	vimm.s32 $0x0;
	vm0 =	vcmask $0x300;
	s6 =	smul.u32 $0x7D, s6;
	s1 =	sadd.s32 s11, s1;
	s12 =	sshrl.u32 s13, $0x3  }
0xe: {  	v1 =	vsel vm0, $0x3, v1;
	v2 =	vor.u32 $0x1, v0;
	s13 =	simm.s32 $0x5;
	s24 =	sadd.s32 s23, s1;
	s8 =	sadd.s32 s9, s0  }
0xf: {  	v3 =	vor.u32 $0x2, v0;
	v4 =	vor.u32 $0x3, v0;
	v5 =	vor.u32 $0x4, v0;
	s0 =	ssub.s32 s7, s30;
	s7 =	sor.u32 $0x1C05, s31;
	s9 =	sadd.s32 s4, s9  }
0x10: {  	v6 =	vor.u32 $0x5, v0;
	v7 =	vor.u32 $0x6, v0;
	v8 =	vor.u32 $0x7, v0;
	s10 =	sadd.s32 $0x2, s6;
	s8 =	sadd.s32 $0xE600, s8;
	s11 =	smax.u32 s0, $0x1  }
.LBB2_1:
0x11: {  	[spmem:s12], [sflag:s7] =	dma.local [hbm:s5], $0x4E2  }
0x12: {  	_ =	swait.ge [sflag:s13], $0x4E2  }
0x13: {  	[sflag:s13] =	ssyncset.done $0x0  }
0x14: {  	[sflag:s13] =	ssyncadd.s32 $0xFFFFFB1E  }
0x15: {  	[bflag:$0x0] =	sbarrier.arrive $0xFFFF  }
0x16: {  	[tilespmem:s3], [sflag:$0x5] =	stream.linear.gather [hbm4b:s8+s3], $0x2710, $0x38;
	[tilespmem:$0x6220] =	vst v63  }
0x17: {  	_ =	swait.ge [sflag:s13], $0x2710  }
0x18: {  	[sflag:s13] =	ssyncset.done $0x0  }
0x19: {  	s28 =	simm.s32 $0x0;
	[sflag:s13] =	ssyncadd.s32 $0xFFFFD8F0  }
0x1a: {  	[tilespmem:s16], [sflag:$0x1] =	stream.strided.gather [hbm4b:s9+s14], $0x500, s15, s14, $0x38;
	[tilespmem:$0x6220] =	vst v63  }
.LBB2_2:
0x1b: {  	s29 =	sshllo.u32 s28, $0x1  }
0x1c: {  	s1 =	simm.s32 $0x0;
	s0 =	sadd.s32 s6, s29  }
0x1d: {  	v9 =	vmov s1;
	s0 =	smul.u32 $0xA, s0  }
0x1e: {  	v9 =	vshrl.u32 v9, $0x3  }
0x1f: {  	v9 =	vshll.u32 v9, v1;
	s0 =	sadd.s32 s4, s0  }
0x20: {  	v9 =	vbroadcast v9, $0x0;
	[tilespmem:s17], [sflag:$0x2] =	stream.strided.gather [hbm4b:s0+s14], $0x500, s15, s14, $0x38;
	[tilespmem:$0x6220] =	vst v63  }
0x21: {  	_ =	swait.ge [sflag:s18], $0x500  }
0x22: {  	p0 =	seq.s32 s28, $0x0;
	s23 =	simm.s32 $0x1;
	v9 =	vadd.s32 v0, v9;
	[sflag:s18] =	ssyncset.done $0x0  }
0x23: {  	s1 =	simm.s32 @!p0 $0x3;
	v10 =	vmov s23;
	[sflag:s18] =	ssyncadd.s32 $0xFFFFFB00  }
0x24: {  	v10 =	vshrl.u32 v10, $0x3;
	_ =	swait.ge @!p0 [sflag:s1], $0x500  }
0x25: {  	v10 =	vshll.u32 v10, v1;
	[sflag:s1] =	ssyncset.done @!p0 $0x0  }
0x26: {  	v10 =	vbroadcast v10, $0x0;
	[sflag:s1] =	ssyncadd.s32 @!p0 $0xFFFFFB00  }
0x27: {  	v9 =	vld.idx.msk [tilespmem:v9+s16+$0x0], $0xffff  }
0x28: {  	v10 =	vadd.s32 v2, v10;
	s1 =	simm.s32 $0x2  }
0x29: {  	v11 =	vmov s1  }
0x2a: {  	v11 =	vshrl.u32 v11, $0x3  }
0x2b: {  	s31 =	simm.s32 $0x3190;
	v11 =	vshll.u32 v11, v1  }
0x2c: {  	[tilespmem:s31+$0xFFFFFF80] =	vst v9;
	v9 =	vbroadcast v11, $0x0  }
0x2d: {  	v10 =	vld.idx.msk [tilespmem:v10+s16+$0x0], $0xffff  }
0x2e: {  	s23 =	simm.s32 $0x3;
	v9 =	vadd.s32 v3, v9  }
0x2f: {  	v11 =	vmov s23  }
0x30: {  	v11 =	vshrl.u32 v11, $0x3  }
0x31: {  	v11 =	vshll.u32 v11, v1  }
0x32: {  	[tilespmem:s31+$0xFFFFFF90] =	vst v10;
	v10 =	vbroadcast v11, $0x0  }
0x33: {  	v9 =	vld.idx.msk [tilespmem:v9+s16+$0x0], $0xffff  }
0x34: {  	s1 =	simm.s32 $0x4;
	v10 =	vadd.s32 v4, v10  }
0x35: {  	v11 =	vmov s1  }
0x36: {  	v11 =	vshrl.u32 v11, $0x3  }
0x37: {  	v11 =	vshll.u32 v11, v1  }
0x38: {  	[tilespmem:s31+$0xFFFFFFA0] =	vst v9;
	v9 =	vbroadcast v11, $0x0  }
0x39: {  	v10 =	vld.idx.msk [tilespmem:v10+s16+$0x0], $0xffff  }
0x3a: {  	s23 =	simm.s32 $0x5;
	v9 =	vadd.s32 v5, v9  }
0x3b: {  	v11 =	vmov s23  }
0x3c: {  	v11 =	vshrl.u32 v11, $0x3  }
0x3d: {  	v11 =	vshll.u32 v11, v1  }
0x3e: {  	[tilespmem:s31+$0xFFFFFFB0] =	vst v10;
	v10 =	vbroadcast v11, $0x0  }
0x3f: {  	v9 =	vld.idx.msk [tilespmem:v9+s16+$0x0], $0xffff  }
0x40: {  	s1 =	simm.s32 $0x6;
	v10 =	vadd.s32 v6, v10  }
0x41: {  	v11 =	vmov s1  }
0x42: {  	v11 =	vshrl.u32 v11, $0x3  }
0x43: {  	v11 =	vshll.u32 v11, v1  }
0x44: {  	[tilespmem:s31+$0xFFFFFFC0] =	vst v9;
	v9 =	vbroadcast v11, $0x0  }
0x45: {  	v10 =	vld.idx.msk [tilespmem:v10+s16+$0x0], $0xffff  }
0x46: {  	s23 =	simm.s32 $0x7;
	v9 =	vadd.s32 v7, v9  }
0x47: {  	v11 =	vmov s23  }
0x48: {  	v11 =	vshrl.u32 v11, $0x3  }
0x49: {  	v11 =	vshll.u32 v11, v1  }
0x4a: {  	[tilespmem:s31+$0xFFFFFFD0] =	vst v10;
	v10 =	vbroadcast v11, $0x0  }
0x4b: {  	v9 =	vld.idx.msk [tilespmem:v9+s16+$0x0], $0xffff  }
0x4c: {  	s1 =	simm.s32 $0x8;
	v10 =	vadd.s32 v8, v10  }
0x4d: {  	v11 =	vmov s1  }
0x4e: {  	v11 =	vshrl.u32 v11, $0x3  }
0x4f: {  	v11 =	vshll.u32 v11, v1  }
0x50: {  	[tilespmem:s31+$0xFFFFFFE0] =	vst v9;
	v9 =	vbroadcast v11, $0x0  }
0x51: {  	v10 =	vld.idx.msk [tilespmem:v10+s16+$0x0], $0xffff  }
0x52: {  	s23 =	simm.s32 $0x9;
	v9 =	vadd.s32 v0, v9  }
0x53: {  	v11 =	vmov s23  }
0x54: {  	v11 =	vshrl.u32 v11, $0x3  }
0x55: {  	v11 =	vshll.u32 v11, v1  }
0x56: {  	[tilespmem:s31+$0xFFFFFFF0] =	vst v10;
	v10 =	vbroadcast v11, $0x0  }
0x57: {  	v9 =	vld.idx.msk [tilespmem:v9+s16+$0x0], $0xffff  }
0x58: {  	s1 =	simm.s32 $0xA;
	v10 =	vadd.s32 v2, v10  }
0x59: {  	v11 =	vmov s1  }
0x5a: {  	v11 =	vshrl.u32 v11, $0x3  }
0x5b: {  	v11 =	vshll.u32 v11, v1  }
0x5c: {  	[tilespmem:s31+$0x0] =	vst v9;
	v9 =	vbroadcast v11, $0x0  }
0x5d: {  	v10 =	vld.idx.msk [tilespmem:v10+s16+$0x0], $0xffff  }
0x5e: {  	s23 =	simm.s32 $0xB;
	v9 =	vadd.s32 v3, v9  }
0x5f: {  	v11 =	vmov s23  }
0x60: {  	v11 =	vshrl.u32 v11, $0x3  }
0x61: {  	v11 =	vshll.u32 v11, v1  }
0x62: {  	[tilespmem:s31+$0x10] =	vst v10;
	v10 =	vbroadcast v11, $0x0  }
0x63: {  	v9 =	vld.idx.msk [tilespmem:v9+s16+$0x0], $0xffff  }
0x64: {  	s1 =	simm.s32 $0xC;
	v10 =	vadd.s32 v4, v10  }
0x65: {  	v11 =	vmov s1  }
0x66: {  	v11 =	vshrl.u32 v11, $0x3  }
0x67: {  	v11 =	vshll.u32 v11, v1  }
0x68: {  	[tilespmem:s31+$0x20] =	vst v9;
	v9 =	vbroadcast v11, $0x0  }
0x69: {  	v10 =	vld.idx.msk [tilespmem:v10+s16+$0x0], $0xffff  }
0x6a: {  	s23 =	simm.s32 $0xD;
	v9 =	vadd.s32 v5, v9  }
0x6b: {  	v11 =	vmov s23  }
0x6c: {  	v11 =	vshrl.u32 v11, $0x3  }
0x6d: {  	v11 =	vshll.u32 v11, v1  }
0x6e: {  	[tilespmem:s31+$0x30] =	vst v10;
	v10 =	vbroadcast v11, $0x0  }
0x6f: {  	v9 =	vld.idx.msk [tilespmem:v9+s16+$0x0], $0xffff  }
0x70: {  	s1 =	simm.s32 $0xE;
	v10 =	vadd.s32 v6, v10  }
0x71: {  	v11 =	vmov s1  }
0x72: {  	v11 =	vshrl.u32 v11, $0x3  }
0x73: {  	v11 =	vshll.u32 v11, v1  }
0x74: {  	[tilespmem:s31+$0x40] =	vst v9;
	v9 =	vbroadcast v11, $0x0  }
0x75: {  	v10 =	vld.idx.msk [tilespmem:v10+s16+$0x0], $0xffff  }
0x76: {  	s23 =	simm.s32 $0xF;
	v9 =	vadd.s32 v7, v9  }
0x77: {  	v11 =	vmov s23  }
0x78: {  	v11 =	vshrl.u32 v11, $0x3  }
0x79: {  	v11 =	vshll.u32 v11, v1  }
0x7a: {  	v11 =	vbroadcast v11, $0x0;
	[tilespmem:s31+$0x50] =	vst v10  }
0x7b: {  	v9 =	vld.idx.msk [tilespmem:v9+s16+$0x0], $0xffff  }
0x7c: {  	s30 =	sshll.u32 s28, $0x1;
	v10 =	vadd.s32 v8, v11  }
0x7d: {  	s0 =	simm.s32 $0x1F;
	s1 =	simm.s32 $0x2F;
	s23 =	simm.s32 $0x10  }
.LBB2_3:
0x7e: {  	p1 =	sne.s32 s1, $0x4F;
	v11 =	vmov s23  }
0x7f: {  	v11 =	vshrl.u32 v11, $0x3  }
0x80: {  	v11 =	vshll.u32 v11, v1;
	[tilespmem:s31+$0x60] =	vst v9  }
0x81: {  	v9 =	vbroadcast v11, $0x0;
	v10 =	vld.idx.msk [tilespmem:v10+s16+$0x0], $0xffff;
	_ =	sdelay $0x1  }
0x82: {  	v9 =	vadd.s32 v0, v9  }
0x83: {  	s23 =	sadd.s32 $0xFFFFFFF2, s0  }
0x84: {  	v11 =	vmov s23  }
0x85: {  	v11 =	vshrl.u32 v11, $0x3  }
0x86: {  	v11 =	vshll.u32 v11, v1;
	[tilespmem:s31+$0x70] =	vst v10  }
0x87: {  	v10 =	vbroadcast v11, $0x0;
	v9 =	vld.idx.msk [tilespmem:v9+s16+$0x0], $0xffff;
	_ =	sdelay $0x1  }
0x88: {  	v10 =	vadd.s32 v2, v10  }
0x89: {  	s23 =	sadd.s32 $0xFFFFFFF3, s0  }
0x8a: {  	v11 =	vmov s23  }
0x8b: {  	s31 =	sadd.s32 $0x100, s31;
	v11 =	vshrl.u32 v11, $0x3  }
0x8c: {  	[tilespmem:s31+$0xFFFFFF80] =	vst v9;
	v9 =	vshll.u32 v11, v1  }
0x8d: {  	v10 =	vld.idx.msk [tilespmem:v10+s16+$0x0], $0xffff;
	v9 =	vbroadcast v9, $0x0;
	_ =	sdelay $0x1  }
0x8e: {  	v9 =	vadd.s32 v3, v9  }
0x8f: {  	s23 =	sadd.s32 $0xFFFFFFF4, s0  }
0x90: {  	v11 =	vmov s23  }
0x91: {  	v11 =	vshrl.u32 v11, $0x3  }
0x92: {  	[tilespmem:s31+$0xFFFFFF90] =	vst v10;
	v10 =	vshll.u32 v11, v1  }
0x93: {  	v9 =	vld.idx.msk [tilespmem:v9+s16+$0x0], $0xffff;
	v10 =	vbroadcast v10, $0x0;
	_ =	sdelay $0x1  }
0x94: {  	v10 =	vadd.s32 v4, v10  }
0x95: {  	s23 =	sadd.s32 $0xFFFFFFF5, s0  }
0x96: {  	v11 =	vmov s23  }
0x97: {  	v11 =	vshrl.u32 v11, $0x3  }
0x98: {  	[tilespmem:s31+$0xFFFFFFA0] =	vst v9;
	v9 =	vshll.u32 v11, v1  }
0x99: {  	v10 =	vld.idx.msk [tilespmem:v10+s16+$0x0], $0xffff;
	v9 =	vbroadcast v9, $0x0;
	_ =	sdelay $0x1  }
0x9a: {  	v9 =	vadd.s32 v5, v9  }
0x9b: {  	s23 =	sadd.s32 $0xFFFFFFF6, s0  }
0x9c: {  	v11 =	vmov s23  }
0x9d: {  	v11 =	vshrl.u32 v11, $0x3  }
0x9e: {  	[tilespmem:s31+$0xFFFFFFB0] =	vst v10;
	v10 =	vshll.u32 v11, v1  }
0x9f: {  	v9 =	vld.idx.msk [tilespmem:v9+s16+$0x0], $0xffff;
	v10 =	vbroadcast v10, $0x0;
	_ =	sdelay $0x1  }
0xa0: {  	v10 =	vadd.s32 v6, v10  }
0xa1: {  	s23 =	sadd.s32 $0xFFFFFFF7, s0  }
0xa2: {  	v11 =	vmov s23  }
0xa3: {  	v11 =	vshrl.u32 v11, $0x3  }
0xa4: {  	[tilespmem:s31+$0xFFFFFFC0] =	vst v9;
	v9 =	vshll.u32 v11, v1  }
0xa5: {  	v10 =	vld.idx.msk [tilespmem:v10+s16+$0x0], $0xffff;
	v9 =	vbroadcast v9, $0x0;
	_ =	sdelay $0x1  }
0xa6: {  	v9 =	vadd.s32 v7, v9  }
0xa7: {  	s23 =	sadd.s32 $0xFFFFFFF8, s0  }
0xa8: {  	v11 =	vmov s23  }
0xa9: {  	v11 =	vshrl.u32 v11, $0x3  }
0xaa: {  	[tilespmem:s31+$0xFFFFFFD0] =	vst v10;
	v10 =	vshll.u32 v11, v1  }
0xab: {  	v9 =	vld.idx.msk [tilespmem:v9+s16+$0x0], $0xffff;
	v10 =	vbroadcast v10, $0x0;
	_ =	sdelay $0x1  }
0xac: {  	v10 =	vadd.s32 v8, v10  }
0xad: {  	s23 =	sadd.s32 $0xFFFFFFF9, s0  }
0xae: {  	v11 =	vmov s23  }
0xaf: {  	v11 =	vshrl.u32 v11, $0x3  }
0xb0: {  	[tilespmem:s31+$0xFFFFFFE0] =	vst v9;
	v9 =	vshll.u32 v11, v1  }
0xb1: {  	v10 =	vld.idx.msk [tilespmem:v10+s16+$0x0], $0xffff;
	v9 =	vbroadcast v9, $0x0;
	_ =	sdelay $0x1  }
0xb2: {  	v9 =	vadd.s32 v0, v9  }
0xb3: {  	s23 =	sadd.s32 $0xFFFFFFFA, s0  }
0xb4: {  	v11 =	vmov s23  }
0xb5: {  	v11 =	vshrl.u32 v11, $0x3  }
0xb6: {  	[tilespmem:s31+$0xFFFFFFF0] =	vst v10;
	v10 =	vshll.u32 v11, v1  }
0xb7: {  	v9 =	vld.idx.msk [tilespmem:v9+s16+$0x0], $0xffff;
	v10 =	vbroadcast v10, $0x0;
	_ =	sdelay $0x1  }
0xb8: {  	v10 =	vadd.s32 v2, v10  }
0xb9: {  	s23 =	sadd.s32 $0xFFFFFFFB, s0  }
0xba: {  	v11 =	vmov s23  }
0xbb: {  	v11 =	vshrl.u32 v11, $0x3  }
0xbc: {  	[tilespmem:s31+$0x0] =	vst v9;
	v9 =	vshll.u32 v11, v1  }
0xbd: {  	v10 =	vld.idx.msk [tilespmem:v10+s16+$0x0], $0xffff;
	v9 =	vbroadcast v9, $0x0;
	_ =	sdelay $0x1  }
0xbe: {  	v9 =	vadd.s32 v3, v9  }
0xbf: {  	s23 =	sadd.s32 $0xFFFFFFFC, s0  }
0xc0: {  	v11 =	vmov s23  }
0xc1: {  	v11 =	vshrl.u32 v11, $0x3  }
0xc2: {  	[tilespmem:s31+$0x10] =	vst v10;
	v10 =	vshll.u32 v11, v1  }
0xc3: {  	v9 =	vld.idx.msk [tilespmem:v9+s16+$0x0], $0xffff;
	v10 =	vbroadcast v10, $0x0;
	_ =	sdelay $0x1  }
0xc4: {  	v10 =	vadd.s32 v4, v10  }
0xc5: {  	s23 =	sadd.s32 $0xFFFFFFFD, s0  }
0xc6: {  	v11 =	vmov s23  }
0xc7: {  	v11 =	vshrl.u32 v11, $0x3  }
0xc8: {  	[tilespmem:s31+$0x20] =	vst v9;
	v9 =	vshll.u32 v11, v1  }
0xc9: {  	v10 =	vld.idx.msk [tilespmem:v10+s16+$0x0], $0xffff;
	v9 =	vbroadcast v9, $0x0;
	_ =	sdelay $0x1  }
0xca: {  	v9 =	vadd.s32 v5, v9  }
0xcb: {  	s23 =	sadd.s32 $0xFFFFFFFE, s0  }
0xcc: {  	v11 =	vmov s23  }
0xcd: {  	v11 =	vshrl.u32 v11, $0x3  }
0xce: {  	[tilespmem:s31+$0x30] =	vst v10;
	v10 =	vshll.u32 v11, v1  }
0xcf: {  	v9 =	vld.idx.msk [tilespmem:v9+s16+$0x0], $0xffff;
	v10 =	vbroadcast v10, $0x0;
	_ =	sdelay $0x1  }
0xd0: {  	v10 =	vadd.s32 v6, v10  }
0xd1: {  	s23 =	sadd.s32 $0xFFFFFFFF, s0  }
0xd2: {  	v11 =	vmov s23  }
0xd3: {  	v11 =	vshrl.u32 v11, $0x3  }
0xd4: {  	[tilespmem:s31+$0x40] =	vst v9;
	v9 =	vshll.u32 v11, v1  }
0xd5: {  	v10 =	vld.idx.msk [tilespmem:v10+s16+$0x0], $0xffff;
	v9 =	vbroadcast v9, $0x0;
	_ =	sdelay $0x1  }
0xd6: {  	v9 =	vadd.s32 v7, v9;
	_ =	sdelay $0x1  }
0xd7: {  	v11 =	vmov s0;
	s0 =	smov.u32 s1  }
0xd8: {  	v11 =	vshrl.u32 v11, $0x3  }
.Ltmp0:
0xd9: {  	[tilespmem:s31+$0x50] =	vst v10;
	v10 =	vshll.u32 v11, v1;
	(pc) =	sbr.rel @p1 .LBB2_3-.Ltmp0, $3  }
0xda: {  	v9 =	vld.idx.msk [tilespmem:v9+s16+$0x0], $0xffff;
	v10 =	vbroadcast v10, $0x0;
	_ =	sdelay $0x1  }
0xdb: {  	v10 =	vadd.s32 v8, v10  }
0xdc: {  	s1 =	sadd.s32 $0x10, s1;
	s23 =	sadd.s32 $0xFFFFFFF1, s0  }
0xdd: {  	v11 =	vmov s23  }
0xde: {  	v11 =	vshrl.u32 v11, $0x3  }
0xdf: {  	v11 =	vshll.u32 v11, v1  }
0xe0: {  	[tilespmem:s31+$0x60] =	vst v9;
	v9 =	vbroadcast v11, $0x0  }
0xe1: {  	v10 =	vld.idx.msk [tilespmem:v10+s16+$0x0], $0xffff  }
0xe2: {  	s1 =	sadd.s32 $0xFFFFFFF2, s0;
	v9 =	vadd.s32 v0, v9  }
0xe3: {  	v11 =	vmov s1  }
0xe4: {  	v11 =	vshrl.u32 v11, $0x3  }
0xe5: {  	v11 =	vshll.u32 v11, v1  }
0xe6: {  	[tilespmem:s31+$0x70] =	vst v10;
	v10 =	vbroadcast v11, $0x0  }
0xe7: {  	v9 =	vld.idx.msk [tilespmem:v9+s16+$0x0], $0xffff  }
0xe8: {  	s23 =	sadd.s32 $0xFFFFFFF3, s0;
	v10 =	vadd.s32 v2, v10  }
0xe9: {  	v11 =	vmov s23  }
0xea: {  	v11 =	vshrl.u32 v11, $0x3  }
0xeb: {  	s1 =	sadd.s32 $0x100, s31;
	v11 =	vshll.u32 v11, v1  }
0xec: {  	[tilespmem:s1+$0xFFFFFF80] =	vst v9;
	v9 =	vbroadcast v11, $0x0  }
0xed: {  	v10 =	vld.idx.msk [tilespmem:v10+s16+$0x0], $0xffff  }
0xee: {  	s31 =	sadd.s32 $0xFFFFFFF4, s0;
	v9 =	vadd.s32 v3, v9  }
0xef: {  	v11 =	vmov s31  }
0xf0: {  	v11 =	vshrl.u32 v11, $0x3  }
0xf1: {  	v11 =	vshll.u32 v11, v1  }
0xf2: {  	[tilespmem:s1+$0xFFFFFF90] =	vst v10;
	v10 =	vbroadcast v11, $0x0  }
0xf3: {  	v9 =	vld.idx.msk [tilespmem:v9+s16+$0x0], $0xffff  }
0xf4: {  	s31 =	sadd.s32 $0xFFFFFFF5, s0;
	v10 =	vadd.s32 v4, v10  }
0xf5: {  	v11 =	vmov s31  }
0xf6: {  	v11 =	vshrl.u32 v11, $0x3  }
0xf7: {  	v11 =	vshll.u32 v11, v1  }
0xf8: {  	[tilespmem:s1+$0xFFFFFFA0] =	vst v9;
	v9 =	vbroadcast v11, $0x0  }
0xf9: {  	v10 =	vld.idx.msk [tilespmem:v10+s16+$0x0], $0xffff  }
0xfa: {  	s31 =	sadd.s32 $0xFFFFFFF6, s0;
	v9 =	vadd.s32 v5, v9  }
0xfb: {  	v11 =	vmov s31  }
0xfc: {  	v11 =	vshrl.u32 v11, $0x3  }
0xfd: {  	v11 =	vshll.u32 v11, v1  }
0xfe: {  	[tilespmem:s1+$0xFFFFFFB0] =	vst v10;
	v10 =	vbroadcast v11, $0x0  }
0xff: {  	v9 =	vld.idx.msk [tilespmem:v9+s16+$0x0], $0xffff  }
0x100: {  	s31 =	sadd.s32 $0xFFFFFFF7, s0;
	v10 =	vadd.s32 v6, v10  }
0x101: {  	v11 =	vmov s31  }
0x102: {  	v11 =	vshrl.u32 v11, $0x3  }
0x103: {  	v11 =	vshll.u32 v11, v1  }
0x104: {  	[tilespmem:s1+$0xFFFFFFC0] =	vst v9;
	v9 =	vbroadcast v11, $0x0  }
0x105: {  	v10 =	vld.idx.msk [tilespmem:v10+s16+$0x0], $0xffff  }
0x106: {  	s31 =	sadd.s32 $0xFFFFFFF8, s0;
	v9 =	vadd.s32 v7, v9  }
0x107: {  	v11 =	vmov s31  }
0x108: {  	v11 =	vshrl.u32 v11, $0x3  }
0x109: {  	v11 =	vshll.u32 v11, v1  }
0x10a: {  	[tilespmem:s1+$0xFFFFFFD0] =	vst v10;
	v10 =	vbroadcast v11, $0x0  }
0x10b: {  	v9 =	vld.idx.msk [tilespmem:v9+s16+$0x0], $0xffff  }
0x10c: {  	s31 =	sadd.s32 $0xFFFFFFF9, s0;
	v10 =	vadd.s32 v8, v10  }
0x10d: {  	v11 =	vmov s31  }
0x10e: {  	v11 =	vshrl.u32 v11, $0x3  }
0x10f: {  	v11 =	vshll.u32 v11, v1  }
0x110: {  	[tilespmem:s1+$0xFFFFFFE0] =	vst v9;
	v9 =	vbroadcast v11, $0x0  }
0x111: {  	v10 =	vld.idx.msk [tilespmem:v10+s16+$0x0], $0xffff  }
0x112: {  	s31 =	sadd.s32 $0xFFFFFFFA, s0;
	v9 =	vadd.s32 v0, v9  }
0x113: {  	v11 =	vmov s31  }
0x114: {  	v11 =	vshrl.u32 v11, $0x3  }
0x115: {  	v11 =	vshll.u32 v11, v1  }
0x116: {  	[tilespmem:s1+$0xFFFFFFF0] =	vst v10;
	v10 =	vbroadcast v11, $0x0  }
0x117: {  	v9 =	vld.idx.msk [tilespmem:v9+s16+$0x0], $0xffff  }
0x118: {  	s31 =	sadd.s32 $0xFFFFFFFB, s0;
	v10 =	vadd.s32 v2, v10  }
0x119: {  	v11 =	vmov s31  }
0x11a: {  	v11 =	vshrl.u32 v11, $0x3  }
0x11b: {  	v11 =	vshll.u32 v11, v1  }
0x11c: {  	[tilespmem:s1+$0x0] =	vst v9;
	v9 =	vbroadcast v11, $0x0  }
0x11d: {  	v10 =	vld.idx.msk [tilespmem:v10+s16+$0x0], $0xffff  }
0x11e: {  	s31 =	sadd.s32 $0xFFFFFFFC, s0;
	v9 =	vadd.s32 v3, v9  }
0x11f: {  	v11 =	vmov s31  }
0x120: {  	v11 =	vshrl.u32 v11, $0x3  }
0x121: {  	v11 =	vshll.u32 v11, v1  }
0x122: {  	[tilespmem:s1+$0x10] =	vst v10;
	v10 =	vbroadcast v11, $0x0  }
0x123: {  	v9 =	vld.idx.msk [tilespmem:v9+s16+$0x0], $0xffff  }
0x124: {  	s31 =	sadd.s32 $0xFFFFFFFD, s0;
	v10 =	vadd.s32 v4, v10  }
0x125: {  	v11 =	vmov s31  }
0x126: {  	v11 =	vshrl.u32 v11, $0x3  }
0x127: {  	v11 =	vshll.u32 v11, v1  }
0x128: {  	[tilespmem:s1+$0x20] =	vst v9;
	v9 =	vbroadcast v11, $0x0  }
0x129: {  	v10 =	vld.idx.msk [tilespmem:v10+s16+$0x0], $0xffff  }
0x12a: {  	s31 =	sadd.s32 $0xFFFFFFFE, s0;
	v9 =	vadd.s32 v5, v9  }
0x12b: {  	v11 =	vmov s31  }
0x12c: {  	v11 =	vshrl.u32 v11, $0x3  }
0x12d: {  	v11 =	vshll.u32 v11, v1  }
0x12e: {  	[tilespmem:s1+$0x30] =	vst v10;
	v10 =	vbroadcast v11, $0x0  }
0x12f: {  	v9 =	vld.idx.msk [tilespmem:v9+s16+$0x0], $0xffff  }
0x130: {  	s31 =	sadd.s32 $0xFFFFFFFF, s0;
	v10 =	vadd.s32 v6, v10  }
0x131: {  	v11 =	vmov s31  }
0x132: {  	v11 =	vshrl.u32 v11, $0x3  }
0x133: {  	v11 =	vshll.u32 v11, v1  }
0x134: {  	[tilespmem:s1+$0x40] =	vst v9;
	v9 =	vbroadcast v11, $0x0  }
0x135: {  	v10 =	vld.idx.msk [tilespmem:v10+s16+$0x0], $0xffff  }
0x136: {  	v9 =	vadd.s32 v7, v9  }
0x137: {  	v11 =	vmov s0  }
0x138: {  	v11 =	vshrl.u32 v11, $0x3  }
0x139: {  	v11 =	vshll.u32 v11, v1  }
0x13a: {  	[tilespmem:s1+$0x50] =	vst v10;
	v10 =	vbroadcast v11, $0x0  }
0x13b: {  	v9 =	vld.idx.msk [tilespmem:v9+s16+$0x0], $0xffff  }
0x13c: {  	v10 =	vadd.s32 v8, v10;
	_ =	sdelay $0x3  }
0x13d: {  	[tilespmem:s1+$0x60] =	vst v9  }
0x13e: {  	v9 =	vld.idx.msk [tilespmem:v10+s16+$0x0], $0xffff;
	_ =	sdelay $0x2  }
0x13f: {  	s23 =	smul.u32 $0x280, s28  }
0x140: {  	s31 =	sadd.s32 s30, s10;
	s30 =	simm.s32 $0x0  }
0x141: {  	s31 =	smul.u32 $0xA, s31;
	s0 =	sshra.s32 s23, $0x2;
	[tilespmem:s1+$0x70] =	vst v9;
	v9 =	vmov s30  }
0x142: {  	[spmem:s2] =	stream.indirect.scatter.add.f32 [tilespmem:s19], [sflag:$0x3], $0x10, s0, s14, $0xb8;
	v9 =	vshrl.u32 v9, $0x3;
	[tilespmem:$0x6220] =	vst v63  }
0x143: {  	s23 =	sadd.s32 s4, s31;
	v9 =	vshll.u32 v9, v1  }
0x144: {  	[tilespmem:s16], [sflag:$0x1] =	stream.strided.gather [hbm4b:s23+s14], $0x500, s15, s14, $0x38;
	v9 =	vbroadcast v9, $0x0;
	[tilespmem:$0x6220] =	vst v63  }
0x145: {  	_ =	swait.ge [sflag:s20], $0x500  }
0x146: {  	s31 =	simm.s32 $0x1;
	[sflag:s20] =	ssyncset.done $0x0;
	v9 =	vadd.s32 v0, v9  }
0x147: {  	v10 =	vmov s31;
	s1 =	simm.s32 @!p0 $0x4;
	[sflag:s20] =	ssyncadd.s32 $0xFFFFFB00  }
0x148: {  	v10 =	vshrl.u32 v10, $0x3;
	_ =	swait.ge @!p0 [sflag:s1], $0x500  }
0x149: {  	v10 =	vshll.u32 v10, v1;
	[sflag:s1] =	ssyncset.done @!p0 $0x0  }
0x14a: {  	v10 =	vbroadcast v10, $0x0;
	[sflag:s1] =	ssyncadd.s32 @!p0 $0xFFFFFB00  }
0x14b: {  	v9 =	vld.idx.msk [tilespmem:v9+s17+$0x0], $0xffff  }
0x14c: {  	v10 =	vadd.s32 v2, v10;
	s23 =	simm.s32 $0x2  }
0x14d: {  	v11 =	vmov s23  }
0x14e: {  	v11 =	vshrl.u32 v11, $0x3  }
0x14f: {  	s30 =	simm.s32 $0x3690;
	v11 =	vshll.u32 v11, v1  }
0x150: {  	[tilespmem:s30+$0xFFFFFF80] =	vst v9;
	v9 =	vbroadcast v11, $0x0  }
0x151: {  	v10 =	vld.idx.msk [tilespmem:v10+s17+$0x0], $0xffff  }
0x152: {  	s31 =	simm.s32 $0x3;
	v9 =	vadd.s32 v3, v9  }
0x153: {  	v11 =	vmov s31  }
0x154: {  	v11 =	vshrl.u32 v11, $0x3  }
0x155: {  	v11 =	vshll.u32 v11, v1  }
0x156: {  	[tilespmem:s30+$0xFFFFFF90] =	vst v10;
	v10 =	vbroadcast v11, $0x0  }
0x157: {  	v9 =	vld.idx.msk [tilespmem:v9+s17+$0x0], $0xffff  }
0x158: {  	s1 =	simm.s32 $0x4;
	v10 =	vadd.s32 v4, v10  }
0x159: {  	v11 =	vmov s1  }
0x15a: {  	v11 =	vshrl.u32 v11, $0x3  }
0x15b: {  	v11 =	vshll.u32 v11, v1  }
0x15c: {  	[tilespmem:s30+$0xFFFFFFA0] =	vst v9;
	v9 =	vbroadcast v11, $0x0  }
0x15d: {  	v10 =	vld.idx.msk [tilespmem:v10+s17+$0x0], $0xffff  }
0x15e: {  	s23 =	simm.s32 $0x5;
	v9 =	vadd.s32 v5, v9  }
0x15f: {  	v11 =	vmov s23  }
0x160: {  	v11 =	vshrl.u32 v11, $0x3  }
0x161: {  	v11 =	vshll.u32 v11, v1  }
0x162: {  	[tilespmem:s30+$0xFFFFFFB0] =	vst v10;
	v10 =	vbroadcast v11, $0x0  }
0x163: {  	v9 =	vld.idx.msk [tilespmem:v9+s17+$0x0], $0xffff  }
0x164: {  	s31 =	simm.s32 $0x6;
	v10 =	vadd.s32 v6, v10  }
0x165: {  	v11 =	vmov s31  }
0x166: {  	v11 =	vshrl.u32 v11, $0x3  }
0x167: {  	v11 =	vshll.u32 v11, v1  }
0x168: {  	[tilespmem:s30+$0xFFFFFFC0] =	vst v9;
	v9 =	vbroadcast v11, $0x0  }
0x169: {  	v10 =	vld.idx.msk [tilespmem:v10+s17+$0x0], $0xffff  }
0x16a: {  	s1 =	simm.s32 $0x7;
	v9 =	vadd.s32 v7, v9  }
0x16b: {  	v11 =	vmov s1  }
0x16c: {  	v11 =	vshrl.u32 v11, $0x3  }
0x16d: {  	v11 =	vshll.u32 v11, v1  }
0x16e: {  	[tilespmem:s30+$0xFFFFFFD0] =	vst v10;
	v10 =	vbroadcast v11, $0x0  }
0x16f: {  	v9 =	vld.idx.msk [tilespmem:v9+s17+$0x0], $0xffff  }
0x170: {  	s23 =	simm.s32 $0x8;
	v10 =	vadd.s32 v8, v10  }
0x171: {  	v11 =	vmov s23  }
0x172: {  	v11 =	vshrl.u32 v11, $0x3  }
0x173: {  	v11 =	vshll.u32 v11, v1  }
0x174: {  	[tilespmem:s30+$0xFFFFFFE0] =	vst v9;
	v9 =	vbroadcast v11, $0x0  }
0x175: {  	v10 =	vld.idx.msk [tilespmem:v10+s17+$0x0], $0xffff  }
0x176: {  	s31 =	simm.s32 $0x9;
	v9 =	vadd.s32 v0, v9  }
0x177: {  	v11 =	vmov s31  }
0x178: {  	v11 =	vshrl.u32 v11, $0x3  }
0x179: {  	v11 =	vshll.u32 v11, v1  }
0x17a: {  	[tilespmem:s30+$0xFFFFFFF0] =	vst v10;
	v10 =	vbroadcast v11, $0x0  }
0x17b: {  	v9 =	vld.idx.msk [tilespmem:v9+s17+$0x0], $0xffff  }
0x17c: {  	s1 =	simm.s32 $0xA;
	v10 =	vadd.s32 v2, v10  }
0x17d: {  	v11 =	vmov s1  }
0x17e: {  	v11 =	vshrl.u32 v11, $0x3  }
0x17f: {  	v11 =	vshll.u32 v11, v1  }
0x180: {  	[tilespmem:s30+$0x0] =	vst v9;
	v9 =	vbroadcast v11, $0x0  }
0x181: {  	v10 =	vld.idx.msk [tilespmem:v10+s17+$0x0], $0xffff  }
0x182: {  	s23 =	simm.s32 $0xB;
	v9 =	vadd.s32 v3, v9  }
0x183: {  	v11 =	vmov s23  }
0x184: {  	v11 =	vshrl.u32 v11, $0x3  }
0x185: {  	v11 =	vshll.u32 v11, v1  }
0x186: {  	[tilespmem:s30+$0x10] =	vst v10;
	v10 =	vbroadcast v11, $0x0  }
0x187: {  	v9 =	vld.idx.msk [tilespmem:v9+s17+$0x0], $0xffff  }
0x188: {  	s31 =	simm.s32 $0xC;
	v10 =	vadd.s32 v4, v10  }
0x189: {  	v11 =	vmov s31  }
0x18a: {  	v11 =	vshrl.u32 v11, $0x3  }
0x18b: {  	v11 =	vshll.u32 v11, v1  }
0x18c: {  	[tilespmem:s30+$0x20] =	vst v9;
	v9 =	vbroadcast v11, $0x0  }
0x18d: {  	v10 =	vld.idx.msk [tilespmem:v10+s17+$0x0], $0xffff  }
0x18e: {  	s1 =	simm.s32 $0xD;
	v9 =	vadd.s32 v5, v9  }
0x18f: {  	v11 =	vmov s1  }
0x190: {  	v11 =	vshrl.u32 v11, $0x3  }
0x191: {  	v11 =	vshll.u32 v11, v1  }
0x192: {  	[tilespmem:s30+$0x30] =	vst v10;
	v10 =	vbroadcast v11, $0x0  }
0x193: {  	v9 =	vld.idx.msk [tilespmem:v9+s17+$0x0], $0xffff  }
0x194: {  	s23 =	simm.s32 $0xE;
	v10 =	vadd.s32 v6, v10  }
0x195: {  	v11 =	vmov s23  }
0x196: {  	v11 =	vshrl.u32 v11, $0x3  }
0x197: {  	v11 =	vshll.u32 v11, v1  }
0x198: {  	[tilespmem:s30+$0x40] =	vst v9;
	v9 =	vbroadcast v11, $0x0  }
0x199: {  	v10 =	vld.idx.msk [tilespmem:v10+s17+$0x0], $0xffff  }
0x19a: {  	s31 =	simm.s32 $0xF;
	v9 =	vadd.s32 v7, v9  }
0x19b: {  	v11 =	vmov s31  }
0x19c: {  	v11 =	vshrl.u32 v11, $0x3  }
0x19d: {  	v11 =	vshll.u32 v11, v1  }
0x19e: {  	v11 =	vbroadcast v11, $0x0;
	[tilespmem:s30+$0x50] =	vst v10  }
0x19f: {  	v9 =	vld.idx.msk [tilespmem:v9+s17+$0x0], $0xffff  }
0x1a0: {  	v10 =	vadd.s32 v8, v11  }
0x1a1: {  	s0 =	simm.s32 $0x1F;
	s1 =	simm.s32 $0x2F;
	s23 =	simm.s32 $0x10  }
.LBB2_5:
0x1a2: {  	p0 =	sne.s32 s1, $0x4F;
	v11 =	vmov s23  }
0x1a3: {  	v11 =	vshrl.u32 v11, $0x3  }
0x1a4: {  	v11 =	vshll.u32 v11, v1;
	[tilespmem:s30+$0x60] =	vst v9  }
0x1a5: {  	v9 =	vbroadcast v11, $0x0;
	v10 =	vld.idx.msk [tilespmem:v10+s17+$0x0], $0xffff;
	_ =	sdelay $0x1  }
0x1a6: {  	v9 =	vadd.s32 v0, v9  }
0x1a7: {  	s23 =	sadd.s32 $0xFFFFFFF2, s0  }
0x1a8: {  	v11 =	vmov s23  }
0x1a9: {  	v11 =	vshrl.u32 v11, $0x3  }
0x1aa: {  	v11 =	vshll.u32 v11, v1;
	[tilespmem:s30+$0x70] =	vst v10  }
0x1ab: {  	v10 =	vbroadcast v11, $0x0;
	v9 =	vld.idx.msk [tilespmem:v9+s17+$0x0], $0xffff;
	_ =	sdelay $0x1  }
0x1ac: {  	v10 =	vadd.s32 v2, v10  }
0x1ad: {  	s23 =	sadd.s32 $0xFFFFFFF3, s0  }
0x1ae: {  	v11 =	vmov s23  }
0x1af: {  	s30 =	sadd.s32 $0x100, s30;
	v11 =	vshrl.u32 v11, $0x3  }
0x1b0: {  	[tilespmem:s30+$0xFFFFFF80] =	vst v9;
	v9 =	vshll.u32 v11, v1  }
0x1b1: {  	v10 =	vld.idx.msk [tilespmem:v10+s17+$0x0], $0xffff;
	v9 =	vbroadcast v9, $0x0;
	_ =	sdelay $0x1  }
0x1b2: {  	v9 =	vadd.s32 v3, v9  }
0x1b3: {  	s23 =	sadd.s32 $0xFFFFFFF4, s0  }
0x1b4: {  	v11 =	vmov s23  }
0x1b5: {  	v11 =	vshrl.u32 v11, $0x3  }
0x1b6: {  	[tilespmem:s30+$0xFFFFFF90] =	vst v10;
	v10 =	vshll.u32 v11, v1  }
0x1b7: {  	v9 =	vld.idx.msk [tilespmem:v9+s17+$0x0], $0xffff;
	v10 =	vbroadcast v10, $0x0;
	_ =	sdelay $0x1  }
0x1b8: {  	v10 =	vadd.s32 v4, v10  }
0x1b9: {  	s23 =	sadd.s32 $0xFFFFFFF5, s0  }
0x1ba: {  	v11 =	vmov s23  }
0x1bb: {  	v11 =	vshrl.u32 v11, $0x3  }
0x1bc: {  	[tilespmem:s30+$0xFFFFFFA0] =	vst v9;
	v9 =	vshll.u32 v11, v1  }
0x1bd: {  	v10 =	vld.idx.msk [tilespmem:v10+s17+$0x0], $0xffff;
	v9 =	vbroadcast v9, $0x0;
	_ =	sdelay $0x1  }
0x1be: {  	v9 =	vadd.s32 v5, v9  }
0x1bf: {  	s23 =	sadd.s32 $0xFFFFFFF6, s0  }
0x1c0: {  	v11 =	vmov s23  }
0x1c1: {  	v11 =	vshrl.u32 v11, $0x3  }
0x1c2: {  	[tilespmem:s30+$0xFFFFFFB0] =	vst v10;
	v10 =	vshll.u32 v11, v1  }
0x1c3: {  	v9 =	vld.idx.msk [tilespmem:v9+s17+$0x0], $0xffff;
	v10 =	vbroadcast v10, $0x0;
	_ =	sdelay $0x1  }
0x1c4: {  	v10 =	vadd.s32 v6, v10  }
0x1c5: {  	s23 =	sadd.s32 $0xFFFFFFF7, s0  }
0x1c6: {  	v11 =	vmov s23  }
0x1c7: {  	v11 =	vshrl.u32 v11, $0x3  }
0x1c8: {  	[tilespmem:s30+$0xFFFFFFC0] =	vst v9;
	v9 =	vshll.u32 v11, v1  }
0x1c9: {  	v10 =	vld.idx.msk [tilespmem:v10+s17+$0x0], $0xffff;
	v9 =	vbroadcast v9, $0x0;
	_ =	sdelay $0x1  }
0x1ca: {  	v9 =	vadd.s32 v7, v9  }
0x1cb: {  	s23 =	sadd.s32 $0xFFFFFFF8, s0  }
0x1cc: {  	v11 =	vmov s23  }
0x1cd: {  	v11 =	vshrl.u32 v11, $0x3  }
0x1ce: {  	[tilespmem:s30+$0xFFFFFFD0] =	vst v10;
	v10 =	vshll.u32 v11, v1  }
0x1cf: {  	v9 =	vld.idx.msk [tilespmem:v9+s17+$0x0], $0xffff;
	v10 =	vbroadcast v10, $0x0;
	_ =	sdelay $0x1  }
0x1d0: {  	v10 =	vadd.s32 v8, v10  }
0x1d1: {  	s23 =	sadd.s32 $0xFFFFFFF9, s0  }
0x1d2: {  	v11 =	vmov s23  }
0x1d3: {  	v11 =	vshrl.u32 v11, $0x3  }
0x1d4: {  	[tilespmem:s30+$0xFFFFFFE0] =	vst v9;
	v9 =	vshll.u32 v11, v1  }
0x1d5: {  	v10 =	vld.idx.msk [tilespmem:v10+s17+$0x0], $0xffff;
	v9 =	vbroadcast v9, $0x0;
	_ =	sdelay $0x1  }
0x1d6: {  	v9 =	vadd.s32 v0, v9  }
0x1d7: {  	s23 =	sadd.s32 $0xFFFFFFFA, s0  }
0x1d8: {  	v11 =	vmov s23  }
0x1d9: {  	v11 =	vshrl.u32 v11, $0x3  }
0x1da: {  	[tilespmem:s30+$0xFFFFFFF0] =	vst v10;
	v10 =	vshll.u32 v11, v1  }
0x1db: {  	v9 =	vld.idx.msk [tilespmem:v9+s17+$0x0], $0xffff;
	v10 =	vbroadcast v10, $0x0;
	_ =	sdelay $0x1  }
0x1dc: {  	v10 =	vadd.s32 v2, v10  }
0x1dd: {  	s23 =	sadd.s32 $0xFFFFFFFB, s0  }
0x1de: {  	v11 =	vmov s23  }
0x1df: {  	v11 =	vshrl.u32 v11, $0x3  }
0x1e0: {  	[tilespmem:s30+$0x0] =	vst v9;
	v9 =	vshll.u32 v11, v1  }
0x1e1: {  	v10 =	vld.idx.msk [tilespmem:v10+s17+$0x0], $0xffff;
	v9 =	vbroadcast v9, $0x0;
	_ =	sdelay $0x1  }
0x1e2: {  	v9 =	vadd.s32 v3, v9  }
0x1e3: {  	s23 =	sadd.s32 $0xFFFFFFFC, s0  }
0x1e4: {  	v11 =	vmov s23  }
0x1e5: {  	v11 =	vshrl.u32 v11, $0x3  }
0x1e6: {  	[tilespmem:s30+$0x10] =	vst v10;
	v10 =	vshll.u32 v11, v1  }
0x1e7: {  	v9 =	vld.idx.msk [tilespmem:v9+s17+$0x0], $0xffff;
	v10 =	vbroadcast v10, $0x0;
	_ =	sdelay $0x1  }
0x1e8: {  	v10 =	vadd.s32 v4, v10  }
0x1e9: {  	s23 =	sadd.s32 $0xFFFFFFFD, s0  }
0x1ea: {  	v11 =	vmov s23  }
0x1eb: {  	v11 =	vshrl.u32 v11, $0x3  }
0x1ec: {  	[tilespmem:s30+$0x20] =	vst v9;
	v9 =	vshll.u32 v11, v1  }
0x1ed: {  	v10 =	vld.idx.msk [tilespmem:v10+s17+$0x0], $0xffff;
	v9 =	vbroadcast v9, $0x0;
	_ =	sdelay $0x1  }
0x1ee: {  	v9 =	vadd.s32 v5, v9  }
0x1ef: {  	s23 =	sadd.s32 $0xFFFFFFFE, s0  }
0x1f0: {  	v11 =	vmov s23  }
0x1f1: {  	v11 =	vshrl.u32 v11, $0x3  }
0x1f2: {  	[tilespmem:s30+$0x30] =	vst v10;
	v10 =	vshll.u32 v11, v1  }
0x1f3: {  	v9 =	vld.idx.msk [tilespmem:v9+s17+$0x0], $0xffff;
	v10 =	vbroadcast v10, $0x0;
	_ =	sdelay $0x1  }
0x1f4: {  	v10 =	vadd.s32 v6, v10  }
0x1f5: {  	s23 =	sadd.s32 $0xFFFFFFFF, s0  }
0x1f6: {  	v11 =	vmov s23  }
0x1f7: {  	v11 =	vshrl.u32 v11, $0x3  }
0x1f8: {  	[tilespmem:s30+$0x40] =	vst v9;
	v9 =	vshll.u32 v11, v1  }
0x1f9: {  	v10 =	vld.idx.msk [tilespmem:v10+s17+$0x0], $0xffff;
	v9 =	vbroadcast v9, $0x0;
	_ =	sdelay $0x1  }
0x1fa: {  	v9 =	vadd.s32 v7, v9;
	_ =	sdelay $0x1  }
0x1fb: {  	v11 =	vmov s0;
	s0 =	smov.u32 s1  }
0x1fc: {  	v11 =	vshrl.u32 v11, $0x3  }
.Ltmp1:
0x1fd: {  	[tilespmem:s30+$0x50] =	vst v10;
	v10 =	vshll.u32 v11, v1;
	(pc) =	sbr.rel @p0 .LBB2_5-.Ltmp1, $3  }
0x1fe: {  	v9 =	vld.idx.msk [tilespmem:v9+s17+$0x0], $0xffff;
	v10 =	vbroadcast v10, $0x0;
	_ =	sdelay $0x1  }
0x1ff: {  	v10 =	vadd.s32 v8, v10  }
0x200: {  	s1 =	sadd.s32 $0x10, s1;
	s23 =	sadd.s32 $0xFFFFFFF1, s0  }
0x201: {  	v11 =	vmov s23  }
0x202: {  	v11 =	vshrl.u32 v11, $0x3  }
0x203: {  	v11 =	vshll.u32 v11, v1  }
0x204: {  	[tilespmem:s30+$0x60] =	vst v9;
	v9 =	vbroadcast v11, $0x0  }
0x205: {  	v10 =	vld.idx.msk [tilespmem:v10+s17+$0x0], $0xffff  }
0x206: {  	s1 =	sadd.s32 $0xFFFFFFF2, s0;
	v9 =	vadd.s32 v0, v9  }
0x207: {  	v11 =	vmov s1  }
0x208: {  	v11 =	vshrl.u32 v11, $0x3  }
0x209: {  	v11 =	vshll.u32 v11, v1  }
0x20a: {  	[tilespmem:s30+$0x70] =	vst v10;
	v10 =	vbroadcast v11, $0x0  }
0x20b: {  	v9 =	vld.idx.msk [tilespmem:v9+s17+$0x0], $0xffff  }
0x20c: {  	s23 =	sadd.s32 $0xFFFFFFF3, s0;
	v10 =	vadd.s32 v2, v10  }
0x20d: {  	v11 =	vmov s23  }
0x20e: {  	v11 =	vshrl.u32 v11, $0x3  }
0x20f: {  	s1 =	sadd.s32 $0x100, s30;
	v11 =	vshll.u32 v11, v1  }
0x210: {  	[tilespmem:s1+$0xFFFFFF80] =	vst v9;
	v9 =	vbroadcast v11, $0x0  }
0x211: {  	v10 =	vld.idx.msk [tilespmem:v10+s17+$0x0], $0xffff  }
0x212: {  	s31 =	sadd.s32 $0xFFFFFFF4, s0;
	v9 =	vadd.s32 v3, v9  }
0x213: {  	v11 =	vmov s31  }
0x214: {  	v11 =	vshrl.u32 v11, $0x3  }
0x215: {  	v11 =	vshll.u32 v11, v1  }
0x216: {  	[tilespmem:s1+$0xFFFFFF90] =	vst v10;
	v10 =	vbroadcast v11, $0x0  }
0x217: {  	v9 =	vld.idx.msk [tilespmem:v9+s17+$0x0], $0xffff  }
0x218: {  	s30 =	sadd.s32 $0xFFFFFFF5, s0;
	v10 =	vadd.s32 v4, v10  }
0x219: {  	v11 =	vmov s30  }
0x21a: {  	v11 =	vshrl.u32 v11, $0x3  }
0x21b: {  	v11 =	vshll.u32 v11, v1  }
0x21c: {  	[tilespmem:s1+$0xFFFFFFA0] =	vst v9;
	v9 =	vbroadcast v11, $0x0  }
0x21d: {  	v10 =	vld.idx.msk [tilespmem:v10+s17+$0x0], $0xffff  }
0x21e: {  	s31 =	sadd.s32 $0xFFFFFFF6, s0;
	v9 =	vadd.s32 v5, v9  }
0x21f: {  	v11 =	vmov s31  }
0x220: {  	v11 =	vshrl.u32 v11, $0x3  }
0x221: {  	v11 =	vshll.u32 v11, v1  }
0x222: {  	[tilespmem:s1+$0xFFFFFFB0] =	vst v10;
	v10 =	vbroadcast v11, $0x0  }
0x223: {  	v9 =	vld.idx.msk [tilespmem:v9+s17+$0x0], $0xffff  }
0x224: {  	s30 =	sadd.s32 $0xFFFFFFF7, s0;
	v10 =	vadd.s32 v6, v10  }
0x225: {  	v11 =	vmov s30  }
0x226: {  	v11 =	vshrl.u32 v11, $0x3  }
0x227: {  	v11 =	vshll.u32 v11, v1  }
0x228: {  	[tilespmem:s1+$0xFFFFFFC0] =	vst v9;
	v9 =	vbroadcast v11, $0x0  }
0x229: {  	v10 =	vld.idx.msk [tilespmem:v10+s17+$0x0], $0xffff  }
0x22a: {  	s31 =	sadd.s32 $0xFFFFFFF8, s0;
	v9 =	vadd.s32 v7, v9  }
0x22b: {  	v11 =	vmov s31  }
0x22c: {  	v11 =	vshrl.u32 v11, $0x3  }
0x22d: {  	v11 =	vshll.u32 v11, v1  }
0x22e: {  	[tilespmem:s1+$0xFFFFFFD0] =	vst v10;
	v10 =	vbroadcast v11, $0x0  }
0x22f: {  	v9 =	vld.idx.msk [tilespmem:v9+s17+$0x0], $0xffff  }
0x230: {  	s30 =	sadd.s32 $0xFFFFFFF9, s0;
	v10 =	vadd.s32 v8, v10  }
0x231: {  	v11 =	vmov s30  }
0x232: {  	v11 =	vshrl.u32 v11, $0x3  }
0x233: {  	v11 =	vshll.u32 v11, v1  }
0x234: {  	[tilespmem:s1+$0xFFFFFFE0] =	vst v9;
	v9 =	vbroadcast v11, $0x0  }
0x235: {  	v10 =	vld.idx.msk [tilespmem:v10+s17+$0x0], $0xffff  }
0x236: {  	s31 =	sadd.s32 $0xFFFFFFFA, s0;
	v9 =	vadd.s32 v0, v9  }
0x237: {  	v11 =	vmov s31  }
0x238: {  	v11 =	vshrl.u32 v11, $0x3  }
0x239: {  	v11 =	vshll.u32 v11, v1  }
0x23a: {  	[tilespmem:s1+$0xFFFFFFF0] =	vst v10;
	v10 =	vbroadcast v11, $0x0  }
0x23b: {  	v9 =	vld.idx.msk [tilespmem:v9+s17+$0x0], $0xffff  }
0x23c: {  	s30 =	sadd.s32 $0xFFFFFFFB, s0;
	v10 =	vadd.s32 v2, v10  }
0x23d: {  	v11 =	vmov s30  }
0x23e: {  	v11 =	vshrl.u32 v11, $0x3  }
0x23f: {  	v11 =	vshll.u32 v11, v1  }
0x240: {  	[tilespmem:s1+$0x0] =	vst v9;
	v9 =	vbroadcast v11, $0x0  }
0x241: {  	v10 =	vld.idx.msk [tilespmem:v10+s17+$0x0], $0xffff  }
0x242: {  	s31 =	sadd.s32 $0xFFFFFFFC, s0;
	v9 =	vadd.s32 v3, v9  }
0x243: {  	v11 =	vmov s31  }
0x244: {  	v11 =	vshrl.u32 v11, $0x3  }
0x245: {  	v11 =	vshll.u32 v11, v1  }
0x246: {  	[tilespmem:s1+$0x10] =	vst v10;
	v10 =	vbroadcast v11, $0x0  }
0x247: {  	v9 =	vld.idx.msk [tilespmem:v9+s17+$0x0], $0xffff  }
0x248: {  	s30 =	sadd.s32 $0xFFFFFFFD, s0;
	v10 =	vadd.s32 v4, v10  }
0x249: {  	v11 =	vmov s30  }
0x24a: {  	v11 =	vshrl.u32 v11, $0x3  }
0x24b: {  	v11 =	vshll.u32 v11, v1  }
0x24c: {  	[tilespmem:s1+$0x20] =	vst v9;
	v9 =	vbroadcast v11, $0x0  }
0x24d: {  	v10 =	vld.idx.msk [tilespmem:v10+s17+$0x0], $0xffff  }
0x24e: {  	s31 =	sadd.s32 $0xFFFFFFFE, s0;
	v9 =	vadd.s32 v5, v9  }
0x24f: {  	v11 =	vmov s31  }
0x250: {  	v11 =	vshrl.u32 v11, $0x3  }
0x251: {  	v11 =	vshll.u32 v11, v1  }
0x252: {  	[tilespmem:s1+$0x30] =	vst v10;
	v10 =	vbroadcast v11, $0x0  }
0x253: {  	v9 =	vld.idx.msk [tilespmem:v9+s17+$0x0], $0xffff  }
0x254: {  	s30 =	sadd.s32 $0xFFFFFFFF, s0;
	v10 =	vadd.s32 v6, v10  }
0x255: {  	v11 =	vmov s30  }
0x256: {  	v11 =	vshrl.u32 v11, $0x3  }
0x257: {  	v11 =	vshll.u32 v11, v1  }
0x258: {  	[tilespmem:s1+$0x40] =	vst v9;
	v9 =	vbroadcast v11, $0x0  }
0x259: {  	v10 =	vld.idx.msk [tilespmem:v10+s17+$0x0], $0xffff  }
0x25a: {  	v9 =	vadd.s32 v7, v9  }
0x25b: {  	v11 =	vmov s0  }
0x25c: {  	v11 =	vshrl.u32 v11, $0x3  }
0x25d: {  	v11 =	vshll.u32 v11, v1  }
0x25e: {  	[tilespmem:s1+$0x50] =	vst v10;
	v10 =	vbroadcast v11, $0x0  }
0x25f: {  	v9 =	vld.idx.msk [tilespmem:v9+s17+$0x0], $0xffff  }
0x260: {  	v10 =	vadd.s32 v8, v10;
	_ =	sdelay $0x3  }
0x261: {  	[tilespmem:s1+$0x60] =	vst v9  }
0x262: {  	s28 =	sadd.s32 $0x1, s28;
	v9 =	vld.idx.msk [tilespmem:v10+s17+$0x0], $0xffff  }
0x263: {  	p0 =	sne.s32 s28, $0x3E  }
.Ltmp2:
0x264: {  	_ = 	snop;
	(pc) =	sbr.rel @p0 .LBB2_2-.Ltmp2, $3  }
0x265: {  	s31 =	smul.u32 $0x140, s29;
	_ =	sdelay $0x1  }
0x266: {  	s0 =	sshra.s32 s31, $0x2;
	[tilespmem:s1+$0x70] =	vst v9  }
0x267: {  	[spmem:s2] =	stream.indirect.scatter.add.f32 [tilespmem:s21], [sflag:$0x4], $0x10, s0, s14, $0xb8;
	[tilespmem:$0x6220] =	vst v63  }
0x268: {  	s0 =	simm.s32 $0x0  }
0x269: {  	v9 =	vmov s0  }
0x26a: {  	v9 =	vshrl.u32 v9, $0x3  }
0x26b: {  	v9 =	vshll.u32 v9, v1  }
0x26c: {  	v9 =	vbroadcast v9, $0x0  }
0x26d: {  	_ =	swait.ge [sflag:s18], $0x500  }
0x26e: {  	s1 =	simm.s32 $0x1;
	[sflag:s18] =	ssyncset.done $0x0;
	v9 =	vadd.s32 v0, v9  }
0x26f: {  	v10 =	vmov s1;
	[sflag:s18] =	ssyncadd.s32 $0xFFFFFB00  }
0x270: {  	v10 =	vshrl.u32 v10, $0x3;
	_ =	swait.ge [sflag:s22], $0x500  }
0x271: {  	v10 =	vshll.u32 v10, v1;
	[sflag:s22] =	ssyncset.done $0x0  }
0x272: {  	v10 =	vbroadcast v10, $0x0;
	[sflag:s22] =	ssyncadd.s32 $0xFFFFFB00  }
0x273: {  	v9 =	vld.idx.msk [tilespmem:v9+s16+$0x0], $0xffff  }
0x274: {  	s23 =	simm.s32 $0x2;
	v10 =	vadd.s32 v2, v10  }
0x275: {  	v11 =	vmov s23  }
0x276: {  	v11 =	vshrl.u32 v11, $0x3  }
0x277: {  	s28 =	simm.s32 $0x3190;
	v11 =	vshll.u32 v11, v1  }
0x278: {  	[tilespmem:s28+$0xFFFFFF80] =	vst v9;
	v9 =	vbroadcast v11, $0x0  }
0x279: {  	v10 =	vld.idx.msk [tilespmem:v10+s16+$0x0], $0xffff  }
0x27a: {  	s29 =	simm.s32 $0x3;
	v9 =	vadd.s32 v3, v9  }
0x27b: {  	v11 =	vmov s29  }
0x27c: {  	v11 =	vshrl.u32 v11, $0x3  }
0x27d: {  	v11 =	vshll.u32 v11, v1  }
0x27e: {  	[tilespmem:s28+$0xFFFFFF90] =	vst v10;
	v10 =	vbroadcast v11, $0x0  }
0x27f: {  	v9 =	vld.idx.msk [tilespmem:v9+s16+$0x0], $0xffff  }
0x280: {  	s30 =	simm.s32 $0x4;
	v10 =	vadd.s32 v4, v10  }
0x281: {  	v11 =	vmov s30  }
0x282: {  	v11 =	vshrl.u32 v11, $0x3  }
0x283: {  	v11 =	vshll.u32 v11, v1  }
0x284: {  	[tilespmem:s28+$0xFFFFFFA0] =	vst v9;
	v9 =	vbroadcast v11, $0x0  }
0x285: {  	v10 =	vld.idx.msk [tilespmem:v10+s16+$0x0], $0xffff  }
0x286: {  	s31 =	simm.s32 $0x5;
	v9 =	vadd.s32 v5, v9  }
0x287: {  	v11 =	vmov s31  }
0x288: {  	v11 =	vshrl.u32 v11, $0x3  }
0x289: {  	v11 =	vshll.u32 v11, v1  }
0x28a: {  	[tilespmem:s28+$0xFFFFFFB0] =	vst v10;
	v10 =	vbroadcast v11, $0x0  }
0x28b: {  	v9 =	vld.idx.msk [tilespmem:v9+s16+$0x0], $0xffff  }
0x28c: {  	s1 =	simm.s32 $0x6;
	v10 =	vadd.s32 v6, v10  }
0x28d: {  	v11 =	vmov s1  }
0x28e: {  	v11 =	vshrl.u32 v11, $0x3  }
0x28f: {  	v11 =	vshll.u32 v11, v1  }
0x290: {  	[tilespmem:s28+$0xFFFFFFC0] =	vst v9;
	v9 =	vbroadcast v11, $0x0  }
0x291: {  	v10 =	vld.idx.msk [tilespmem:v10+s16+$0x0], $0xffff  }
0x292: {  	s23 =	simm.s32 $0x7;
	v9 =	vadd.s32 v7, v9  }
0x293: {  	v11 =	vmov s23  }
0x294: {  	v11 =	vshrl.u32 v11, $0x3  }
0x295: {  	v11 =	vshll.u32 v11, v1  }
0x296: {  	[tilespmem:s28+$0xFFFFFFD0] =	vst v10;
	v10 =	vbroadcast v11, $0x0  }
0x297: {  	v9 =	vld.idx.msk [tilespmem:v9+s16+$0x0], $0xffff  }
0x298: {  	s29 =	simm.s32 $0x8;
	v10 =	vadd.s32 v8, v10  }
0x299: {  	v11 =	vmov s29  }
0x29a: {  	v11 =	vshrl.u32 v11, $0x3  }
0x29b: {  	v11 =	vshll.u32 v11, v1  }
0x29c: {  	[tilespmem:s28+$0xFFFFFFE0] =	vst v9;
	v9 =	vbroadcast v11, $0x0  }
0x29d: {  	v10 =	vld.idx.msk [tilespmem:v10+s16+$0x0], $0xffff  }
0x29e: {  	s30 =	simm.s32 $0x9;
	v9 =	vadd.s32 v0, v9  }
0x29f: {  	v11 =	vmov s30  }
0x2a0: {  	v11 =	vshrl.u32 v11, $0x3  }
0x2a1: {  	v11 =	vshll.u32 v11, v1  }
0x2a2: {  	[tilespmem:s28+$0xFFFFFFF0] =	vst v10;
	v10 =	vbroadcast v11, $0x0  }
0x2a3: {  	v9 =	vld.idx.msk [tilespmem:v9+s16+$0x0], $0xffff  }
0x2a4: {  	s31 =	simm.s32 $0xA;
	v10 =	vadd.s32 v2, v10  }
0x2a5: {  	v11 =	vmov s31  }
0x2a6: {  	v11 =	vshrl.u32 v11, $0x3  }
0x2a7: {  	v11 =	vshll.u32 v11, v1  }
0x2a8: {  	[tilespmem:s28+$0x0] =	vst v9;
	v9 =	vbroadcast v11, $0x0  }
0x2a9: {  	v10 =	vld.idx.msk [tilespmem:v10+s16+$0x0], $0xffff  }
0x2aa: {  	s1 =	simm.s32 $0xB;
	v9 =	vadd.s32 v3, v9  }
0x2ab: {  	v11 =	vmov s1  }
0x2ac: {  	v11 =	vshrl.u32 v11, $0x3  }
0x2ad: {  	v11 =	vshll.u32 v11, v1  }
0x2ae: {  	[tilespmem:s28+$0x10] =	vst v10;
	v10 =	vbroadcast v11, $0x0  }
0x2af: {  	v9 =	vld.idx.msk [tilespmem:v9+s16+$0x0], $0xffff  }
0x2b0: {  	s23 =	simm.s32 $0xC;
	v10 =	vadd.s32 v4, v10  }
0x2b1: {  	v11 =	vmov s23  }
0x2b2: {  	v11 =	vshrl.u32 v11, $0x3  }
0x2b3: {  	v11 =	vshll.u32 v11, v1  }
0x2b4: {  	[tilespmem:s28+$0x20] =	vst v9;
	v9 =	vbroadcast v11, $0x0  }
0x2b5: {  	v10 =	vld.idx.msk [tilespmem:v10+s16+$0x0], $0xffff  }
0x2b6: {  	s29 =	simm.s32 $0xD;
	v9 =	vadd.s32 v5, v9  }
0x2b7: {  	v11 =	vmov s29  }
0x2b8: {  	v11 =	vshrl.u32 v11, $0x3  }
0x2b9: {  	v11 =	vshll.u32 v11, v1  }
0x2ba: {  	[tilespmem:s28+$0x30] =	vst v10;
	v10 =	vbroadcast v11, $0x0  }
0x2bb: {  	v9 =	vld.idx.msk [tilespmem:v9+s16+$0x0], $0xffff  }
0x2bc: {  	s30 =	simm.s32 $0xE;
	v10 =	vadd.s32 v6, v10  }
0x2bd: {  	v11 =	vmov s30  }
0x2be: {  	v11 =	vshrl.u32 v11, $0x3  }
0x2bf: {  	v11 =	vshll.u32 v11, v1  }
0x2c0: {  	[tilespmem:s28+$0x40] =	vst v9;
	v9 =	vbroadcast v11, $0x0  }
0x2c1: {  	v10 =	vld.idx.msk [tilespmem:v10+s16+$0x0], $0xffff  }
0x2c2: {  	s31 =	simm.s32 $0xF;
	v9 =	vadd.s32 v7, v9  }
0x2c3: {  	v11 =	vmov s31  }
0x2c4: {  	v11 =	vshrl.u32 v11, $0x3  }
0x2c5: {  	v11 =	vshll.u32 v11, v1  }
0x2c6: {  	v11 =	vbroadcast v11, $0x0;
	[tilespmem:s28+$0x50] =	vst v10  }
0x2c7: {  	v9 =	vld.idx.msk [tilespmem:v9+s16+$0x0], $0xffff  }
0x2c8: {  	v10 =	vadd.s32 v8, v11  }
0x2c9: {  	s0 =	simm.s32 $0x1F;
	s1 =	simm.s32 $0x2F;
	s23 =	simm.s32 $0x10  }
.LBB2_8:
0x2ca: {  	p0 =	sne.s32 s1, $0x4F;
	v11 =	vmov s23  }
0x2cb: {  	v11 =	vshrl.u32 v11, $0x3  }
0x2cc: {  	v11 =	vshll.u32 v11, v1;
	[tilespmem:s28+$0x60] =	vst v9  }
0x2cd: {  	v9 =	vbroadcast v11, $0x0;
	v10 =	vld.idx.msk [tilespmem:v10+s16+$0x0], $0xffff;
	_ =	sdelay $0x1  }
0x2ce: {  	v9 =	vadd.s32 v0, v9  }
0x2cf: {  	s23 =	sadd.s32 $0xFFFFFFF2, s0  }
0x2d0: {  	v11 =	vmov s23  }
0x2d1: {  	v11 =	vshrl.u32 v11, $0x3  }
0x2d2: {  	v11 =	vshll.u32 v11, v1;
	[tilespmem:s28+$0x70] =	vst v10  }
0x2d3: {  	v10 =	vbroadcast v11, $0x0;
	v9 =	vld.idx.msk [tilespmem:v9+s16+$0x0], $0xffff;
	_ =	sdelay $0x1  }
0x2d4: {  	v10 =	vadd.s32 v2, v10  }
0x2d5: {  	s23 =	sadd.s32 $0xFFFFFFF3, s0  }
0x2d6: {  	v11 =	vmov s23  }
0x2d7: {  	s28 =	sadd.s32 $0x100, s28;
	v11 =	vshrl.u32 v11, $0x3  }
0x2d8: {  	[tilespmem:s28+$0xFFFFFF80] =	vst v9;
	v9 =	vshll.u32 v11, v1  }
0x2d9: {  	v10 =	vld.idx.msk [tilespmem:v10+s16+$0x0], $0xffff;
	v9 =	vbroadcast v9, $0x0;
	_ =	sdelay $0x1  }
0x2da: {  	v9 =	vadd.s32 v3, v9  }
0x2db: {  	s23 =	sadd.s32 $0xFFFFFFF4, s0  }
0x2dc: {  	v11 =	vmov s23  }
0x2dd: {  	v11 =	vshrl.u32 v11, $0x3  }
0x2de: {  	[tilespmem:s28+$0xFFFFFF90] =	vst v10;
	v10 =	vshll.u32 v11, v1  }
0x2df: {  	v9 =	vld.idx.msk [tilespmem:v9+s16+$0x0], $0xffff;
	v10 =	vbroadcast v10, $0x0;
	_ =	sdelay $0x1  }
0x2e0: {  	v10 =	vadd.s32 v4, v10  }
0x2e1: {  	s23 =	sadd.s32 $0xFFFFFFF5, s0  }
0x2e2: {  	v11 =	vmov s23  }
0x2e3: {  	v11 =	vshrl.u32 v11, $0x3  }
0x2e4: {  	[tilespmem:s28+$0xFFFFFFA0] =	vst v9;
	v9 =	vshll.u32 v11, v1  }
0x2e5: {  	v10 =	vld.idx.msk [tilespmem:v10+s16+$0x0], $0xffff;
	v9 =	vbroadcast v9, $0x0;
	_ =	sdelay $0x1  }
0x2e6: {  	v9 =	vadd.s32 v5, v9  }
0x2e7: {  	s23 =	sadd.s32 $0xFFFFFFF6, s0  }
0x2e8: {  	v11 =	vmov s23  }
0x2e9: {  	v11 =	vshrl.u32 v11, $0x3  }
0x2ea: {  	[tilespmem:s28+$0xFFFFFFB0] =	vst v10;
	v10 =	vshll.u32 v11, v1  }
0x2eb: {  	v9 =	vld.idx.msk [tilespmem:v9+s16+$0x0], $0xffff;
	v10 =	vbroadcast v10, $0x0;
	_ =	sdelay $0x1  }
0x2ec: {  	v10 =	vadd.s32 v6, v10  }
0x2ed: {  	s23 =	sadd.s32 $0xFFFFFFF7, s0  }
0x2ee: {  	v11 =	vmov s23  }
0x2ef: {  	v11 =	vshrl.u32 v11, $0x3  }
0x2f0: {  	[tilespmem:s28+$0xFFFFFFC0] =	vst v9;
	v9 =	vshll.u32 v11, v1  }
0x2f1: {  	v10 =	vld.idx.msk [tilespmem:v10+s16+$0x0], $0xffff;
	v9 =	vbroadcast v9, $0x0;
	_ =	sdelay $0x1  }
0x2f2: {  	v9 =	vadd.s32 v7, v9  }
0x2f3: {  	s23 =	sadd.s32 $0xFFFFFFF8, s0  }
0x2f4: {  	v11 =	vmov s23  }
0x2f5: {  	v11 =	vshrl.u32 v11, $0x3  }
0x2f6: {  	[tilespmem:s28+$0xFFFFFFD0] =	vst v10;
	v10 =	vshll.u32 v11, v1  }
0x2f7: {  	v9 =	vld.idx.msk [tilespmem:v9+s16+$0x0], $0xffff;
	v10 =	vbroadcast v10, $0x0;
	_ =	sdelay $0x1  }
0x2f8: {  	v10 =	vadd.s32 v8, v10  }
0x2f9: {  	s23 =	sadd.s32 $0xFFFFFFF9, s0  }
0x2fa: {  	v11 =	vmov s23  }
0x2fb: {  	v11 =	vshrl.u32 v11, $0x3  }
0x2fc: {  	[tilespmem:s28+$0xFFFFFFE0] =	vst v9;
	v9 =	vshll.u32 v11, v1  }
0x2fd: {  	v10 =	vld.idx.msk [tilespmem:v10+s16+$0x0], $0xffff;
	v9 =	vbroadcast v9, $0x0;
	_ =	sdelay $0x1  }
0x2fe: {  	v9 =	vadd.s32 v0, v9  }
0x2ff: {  	s23 =	sadd.s32 $0xFFFFFFFA, s0  }
0x300: {  	v11 =	vmov s23  }
0x301: {  	v11 =	vshrl.u32 v11, $0x3  }
0x302: {  	[tilespmem:s28+$0xFFFFFFF0] =	vst v10;
	v10 =	vshll.u32 v11, v1  }
0x303: {  	v9 =	vld.idx.msk [tilespmem:v9+s16+$0x0], $0xffff;
	v10 =	vbroadcast v10, $0x0;
	_ =	sdelay $0x1  }
0x304: {  	v10 =	vadd.s32 v2, v10  }
0x305: {  	s23 =	sadd.s32 $0xFFFFFFFB, s0  }
0x306: {  	v11 =	vmov s23  }
0x307: {  	v11 =	vshrl.u32 v11, $0x3  }
0x308: {  	[tilespmem:s28+$0x0] =	vst v9;
	v9 =	vshll.u32 v11, v1  }
0x309: {  	v10 =	vld.idx.msk [tilespmem:v10+s16+$0x0], $0xffff;
	v9 =	vbroadcast v9, $0x0;
	_ =	sdelay $0x1  }
0x30a: {  	v9 =	vadd.s32 v3, v9  }
0x30b: {  	s23 =	sadd.s32 $0xFFFFFFFC, s0  }
0x30c: {  	v11 =	vmov s23  }
0x30d: {  	v11 =	vshrl.u32 v11, $0x3  }
0x30e: {  	[tilespmem:s28+$0x10] =	vst v10;
	v10 =	vshll.u32 v11, v1  }
0x30f: {  	v9 =	vld.idx.msk [tilespmem:v9+s16+$0x0], $0xffff;
	v10 =	vbroadcast v10, $0x0;
	_ =	sdelay $0x1  }
0x310: {  	v10 =	vadd.s32 v4, v10  }
0x311: {  	s23 =	sadd.s32 $0xFFFFFFFD, s0  }
0x312: {  	v11 =	vmov s23  }
0x313: {  	v11 =	vshrl.u32 v11, $0x3  }
0x314: {  	[tilespmem:s28+$0x20] =	vst v9;
	v9 =	vshll.u32 v11, v1  }
0x315: {  	v10 =	vld.idx.msk [tilespmem:v10+s16+$0x0], $0xffff;
	v9 =	vbroadcast v9, $0x0;
	_ =	sdelay $0x1  }
0x316: {  	v9 =	vadd.s32 v5, v9  }
0x317: {  	s23 =	sadd.s32 $0xFFFFFFFE, s0  }
0x318: {  	v11 =	vmov s23  }
0x319: {  	v11 =	vshrl.u32 v11, $0x3  }
0x31a: {  	[tilespmem:s28+$0x30] =	vst v10;
	v10 =	vshll.u32 v11, v1  }
0x31b: {  	v9 =	vld.idx.msk [tilespmem:v9+s16+$0x0], $0xffff;
	v10 =	vbroadcast v10, $0x0;
	_ =	sdelay $0x1  }
0x31c: {  	v10 =	vadd.s32 v6, v10  }
0x31d: {  	s23 =	sadd.s32 $0xFFFFFFFF, s0  }
0x31e: {  	v11 =	vmov s23  }
0x31f: {  	v11 =	vshrl.u32 v11, $0x3  }
0x320: {  	[tilespmem:s28+$0x40] =	vst v9;
	v9 =	vshll.u32 v11, v1  }
0x321: {  	v10 =	vld.idx.msk [tilespmem:v10+s16+$0x0], $0xffff;
	v9 =	vbroadcast v9, $0x0;
	_ =	sdelay $0x1  }
0x322: {  	v9 =	vadd.s32 v7, v9;
	_ =	sdelay $0x1  }
0x323: {  	v11 =	vmov s0;
	s0 =	smov.u32 s1  }
0x324: {  	v11 =	vshrl.u32 v11, $0x3  }
.Ltmp3:
0x325: {  	[tilespmem:s28+$0x50] =	vst v10;
	v10 =	vshll.u32 v11, v1;
	(pc) =	sbr.rel @p0 .LBB2_8-.Ltmp3, $3  }
0x326: {  	v9 =	vld.idx.msk [tilespmem:v9+s16+$0x0], $0xffff;
	v10 =	vbroadcast v10, $0x0;
	_ =	sdelay $0x1  }
0x327: {  	v10 =	vadd.s32 v8, v10  }
0x328: {  	s1 =	sadd.s32 $0x10, s1;
	s23 =	sadd.s32 $0xFFFFFFF1, s0  }
0x329: {  	v11 =	vmov s23  }
0x32a: {  	v11 =	vshrl.u32 v11, $0x3  }
0x32b: {  	v11 =	vshll.u32 v11, v1  }
0x32c: {  	[tilespmem:s28+$0x60] =	vst v9;
	v9 =	vbroadcast v11, $0x0  }
0x32d: {  	v10 =	vld.idx.msk [tilespmem:v10+s16+$0x0], $0xffff  }
0x32e: {  	s1 =	sadd.s32 $0xFFFFFFF2, s0;
	v9 =	vadd.s32 v0, v9  }
0x32f: {  	v11 =	vmov s1  }
0x330: {  	v11 =	vshrl.u32 v11, $0x3  }
0x331: {  	v11 =	vshll.u32 v11, v1  }
0x332: {  	[tilespmem:s28+$0x70] =	vst v10;
	v10 =	vbroadcast v11, $0x0  }
0x333: {  	v9 =	vld.idx.msk [tilespmem:v9+s16+$0x0], $0xffff  }
0x334: {  	s30 =	sadd.s32 $0xFFFFFFF3, s0;
	v10 =	vadd.s32 v2, v10  }
0x335: {  	v11 =	vmov s30  }
0x336: {  	v11 =	vshrl.u32 v11, $0x3  }
0x337: {  	s1 =	sadd.s32 $0x100, s28;
	v11 =	vshll.u32 v11, v1  }
0x338: {  	[tilespmem:s1+$0xFFFFFF80] =	vst v9;
	v9 =	vbroadcast v11, $0x0  }
0x339: {  	v10 =	vld.idx.msk [tilespmem:v10+s16+$0x0], $0xffff  }
0x33a: {  	s31 =	sadd.s32 $0xFFFFFFF4, s0;
	v9 =	vadd.s32 v3, v9  }
0x33b: {  	v11 =	vmov s31  }
0x33c: {  	v11 =	vshrl.u32 v11, $0x3  }
0x33d: {  	v11 =	vshll.u32 v11, v1  }
0x33e: {  	[tilespmem:s1+$0xFFFFFF90] =	vst v10;
	v10 =	vbroadcast v11, $0x0  }
0x33f: {  	v9 =	vld.idx.msk [tilespmem:v9+s16+$0x0], $0xffff  }
0x340: {  	s28 =	sadd.s32 $0xFFFFFFF5, s0;
	v10 =	vadd.s32 v4, v10  }
0x341: {  	v11 =	vmov s28  }
0x342: {  	v11 =	vshrl.u32 v11, $0x3  }
0x343: {  	v11 =	vshll.u32 v11, v1  }
0x344: {  	[tilespmem:s1+$0xFFFFFFA0] =	vst v9;
	v9 =	vbroadcast v11, $0x0  }
0x345: {  	v10 =	vld.idx.msk [tilespmem:v10+s16+$0x0], $0xffff  }
0x346: {  	s29 =	sadd.s32 $0xFFFFFFF6, s0;
	v9 =	vadd.s32 v5, v9  }
0x347: {  	v11 =	vmov s29  }
0x348: {  	v11 =	vshrl.u32 v11, $0x3  }
0x349: {  	v11 =	vshll.u32 v11, v1  }
0x34a: {  	[tilespmem:s1+$0xFFFFFFB0] =	vst v10;
	v10 =	vbroadcast v11, $0x0  }
0x34b: {  	v9 =	vld.idx.msk [tilespmem:v9+s16+$0x0], $0xffff  }
0x34c: {  	s30 =	sadd.s32 $0xFFFFFFF7, s0;
	v10 =	vadd.s32 v6, v10  }
0x34d: {  	v11 =	vmov s30  }
0x34e: {  	v11 =	vshrl.u32 v11, $0x3  }
0x34f: {  	v11 =	vshll.u32 v11, v1  }
0x350: {  	[tilespmem:s1+$0xFFFFFFC0] =	vst v9;
	v9 =	vbroadcast v11, $0x0  }
0x351: {  	v10 =	vld.idx.msk [tilespmem:v10+s16+$0x0], $0xffff  }
0x352: {  	s31 =	sadd.s32 $0xFFFFFFF8, s0;
	v9 =	vadd.s32 v7, v9  }
0x353: {  	v11 =	vmov s31  }
0x354: {  	v11 =	vshrl.u32 v11, $0x3  }
0x355: {  	v11 =	vshll.u32 v11, v1  }
0x356: {  	[tilespmem:s1+$0xFFFFFFD0] =	vst v10;
	v10 =	vbroadcast v11, $0x0  }
0x357: {  	v9 =	vld.idx.msk [tilespmem:v9+s16+$0x0], $0xffff  }
0x358: {  	s28 =	sadd.s32 $0xFFFFFFF9, s0;
	v10 =	vadd.s32 v8, v10  }
0x359: {  	v11 =	vmov s28  }
0x35a: {  	v11 =	vshrl.u32 v11, $0x3  }
0x35b: {  	v11 =	vshll.u32 v11, v1  }
0x35c: {  	[tilespmem:s1+$0xFFFFFFE0] =	vst v9;
	v9 =	vbroadcast v11, $0x0  }
0x35d: {  	v10 =	vld.idx.msk [tilespmem:v10+s16+$0x0], $0xffff  }
0x35e: {  	s29 =	sadd.s32 $0xFFFFFFFA, s0;
	v9 =	vadd.s32 v0, v9  }
0x35f: {  	v11 =	vmov s29  }
0x360: {  	v11 =	vshrl.u32 v11, $0x3  }
0x361: {  	v11 =	vshll.u32 v11, v1  }
0x362: {  	[tilespmem:s1+$0xFFFFFFF0] =	vst v10;
	v10 =	vbroadcast v11, $0x0  }
0x363: {  	v9 =	vld.idx.msk [tilespmem:v9+s16+$0x0], $0xffff  }
0x364: {  	s30 =	sadd.s32 $0xFFFFFFFB, s0;
	v10 =	vadd.s32 v2, v10  }
0x365: {  	v11 =	vmov s30  }
0x366: {  	v11 =	vshrl.u32 v11, $0x3  }
0x367: {  	v11 =	vshll.u32 v11, v1  }
0x368: {  	[tilespmem:s1+$0x0] =	vst v9;
	v9 =	vbroadcast v11, $0x0  }
0x369: {  	v10 =	vld.idx.msk [tilespmem:v10+s16+$0x0], $0xffff  }
0x36a: {  	s31 =	sadd.s32 $0xFFFFFFFC, s0;
	v9 =	vadd.s32 v3, v9  }
0x36b: {  	v11 =	vmov s31  }
0x36c: {  	v11 =	vshrl.u32 v11, $0x3  }
0x36d: {  	v11 =	vshll.u32 v11, v1  }
0x36e: {  	[tilespmem:s1+$0x10] =	vst v10;
	v10 =	vbroadcast v11, $0x0  }
0x36f: {  	v9 =	vld.idx.msk [tilespmem:v9+s16+$0x0], $0xffff  }
0x370: {  	s28 =	sadd.s32 $0xFFFFFFFD, s0;
	v10 =	vadd.s32 v4, v10  }
0x371: {  	v11 =	vmov s28  }
0x372: {  	v11 =	vshrl.u32 v11, $0x3  }
0x373: {  	v11 =	vshll.u32 v11, v1  }
0x374: {  	[tilespmem:s1+$0x20] =	vst v9;
	v9 =	vbroadcast v11, $0x0  }
0x375: {  	v10 =	vld.idx.msk [tilespmem:v10+s16+$0x0], $0xffff  }
0x376: {  	s29 =	sadd.s32 $0xFFFFFFFE, s0;
	v9 =	vadd.s32 v5, v9  }
0x377: {  	v11 =	vmov s29  }
0x378: {  	v11 =	vshrl.u32 v11, $0x3  }
0x379: {  	v11 =	vshll.u32 v11, v1  }
0x37a: {  	[tilespmem:s1+$0x30] =	vst v10;
	v10 =	vbroadcast v11, $0x0  }
0x37b: {  	v9 =	vld.idx.msk [tilespmem:v9+s16+$0x0], $0xffff  }
0x37c: {  	s30 =	sadd.s32 $0xFFFFFFFF, s0;
	v10 =	vadd.s32 v6, v10  }
0x37d: {  	v11 =	vmov s30  }
0x37e: {  	v11 =	vshrl.u32 v11, $0x3  }
0x37f: {  	v11 =	vshll.u32 v11, v1  }
0x380: {  	[tilespmem:s1+$0x40] =	vst v9;
	v9 =	vbroadcast v11, $0x0  }
0x381: {  	v10 =	vld.idx.msk [tilespmem:v10+s16+$0x0], $0xffff  }
0x382: {  	v9 =	vadd.s32 v7, v9  }
0x383: {  	v11 =	vmov s0  }
0x384: {  	v11 =	vshrl.u32 v11, $0x3  }
0x385: {  	v11 =	vshll.u32 v11, v1  }
0x386: {  	[tilespmem:s1+$0x50] =	vst v10;
	v10 =	vbroadcast v11, $0x0  }
0x387: {  	v9 =	vld.idx.msk [tilespmem:v9+s16+$0x0], $0xffff  }
0x388: {  	v10 =	vadd.s32 v8, v10;
	_ =	sdelay $0x3  }
0x389: {  	[tilespmem:s1+$0x60] =	vst v9  }
0x38a: {  	v9 =	vld.idx.msk [tilespmem:v10+s16+$0x0], $0xffff;
	_ =	sdelay $0x4  }
0x38b: {  	s31 =	simm.s32 $0x26C0;
	[tilespmem:s1+$0x70] =	vst v9  }
0x38c: {  	[spmem:s2] =	stream.indirect.scatter.add.f32 [tilespmem:s19], [sflag:$0x3], $0x10, s31, s14, $0xb8;
	[tilespmem:$0x6220] =	vst v63  }
0x38d: {  	_ =	swait.ge [sflag:s25], $0x500  }
0x38e: {  	[sflag:s25] =	ssyncset.done $0x0  }
0x38f: {  	[sflag:s25] =	ssyncadd.s32 $0xFFFFFB00  }
0x390: {  	_ =	swait.ge [sflag:s22], $0x500  }
0x391: {  	s26 =	sadd.s32 $0x1, s26;
	[sflag:s22] =	ssyncset.done $0x0  }
0x392: {  	p0 =	sne.s32 s26, s11;
	[sflag:s22] =	ssyncadd.s32 $0xFFFFFB00  }
.Ltmp4:
0x393: {  	[bflag:$0x0] =	sbarrier.arrive $0xFFFF;
	(pc) =	sbr.rel @p0 .LBB2_1-.Ltmp4, $4  }
0x394: {  	[hbm:s24], [sflag:s7] =	dma.local [spmem:s12], $0x4E2  }
0x395: {  	_ =	swait.ge [sflag:s13], $0x4E2  }
0x396: {  	[sflag:s13] =	ssyncset.done $0x0  }
0x397: {  	[sflag:s13] =	ssyncadd.s32 $0xFFFFFB1E  }
0x398: {  	_ =	sfence.sel $0x180000  }
0x399: {  	[bflag:$0x0] =	sbarrier.arrive $0xFFFF  }
0x39a: {  	_ =	strace $0x9000004A  }
0x39b: {  	s0 =	stileid.u32;
	[bflag:$0x2] =	sbarrier.arrive $0xFFFF  }
0x39c: {  	p0 =	sne.s32 s0, $0x0;
	s0 =	rddreg [dreg:$0x3]  }
0x39d: {  	s0 =	sadd.s32 @!p0 $0x100000, s0  }
0x39e: {  	[sflag:s0] =	ssyncadd.tile.s32 @!p0 $0x1;
	_ =	shalt  }
.Lfunc_end2:
_tile_overlayer_lowered:
.L_overlay_start_2:
0x39f: {  	(tag) =	ssettag $0x2  }
0x3a0: {  	s0 =	rddreg [dreg:$0x0];
	s2 =	stileid.u32  }
0x3a1: {  	s1 =	rddreg [dreg:$0x1];
	p0 =	sne.s32 s2, $0x0  }
0x3a2: {  	s3 =	rddreg [dreg:$0x2];
	[bflag:$0x3] =	sbarrier.arrive $0xFFFF;
	s2 =	simm.s32 @!p0 $0x1C05  }
0x3a3: {  	[timem:s3], [sflag:s2] =	dma.local @!p0 [hbm:s0], s1  }
0x3a4: {  	s0 =	simm.s32 @!p0 $0x5  }
0x3a5: {  	_ =	swait.ge @!p0 [sflag:s0], s1  }
0x3a6: {  	s1 =	ssub.s32 @!p0 $0x0, s1;
	[sflag:s0] =	ssyncset.done @!p0 $0x0  }
0x3a7: {  	[sflag:s0] =	ssyncadd.s32 @!p0 s1  }
0x3a8: {  	[bflag:$0x3] =	sbarrier.arrive $0xFFFF  }
0x3a9: {  	_ =	shalt  }

// kernel: kernel.7.cloned.1.call-start
scs
__scs_entry_jumppad:
0x0: {  	(pc) =	sbr.rel $0x88, $3  }
0x1: {  	(tag) =	ssettag $0x0;
	lr =	simm.s32 $0x1  }
0x2: {  	[smem:$0x3F91] =	sst lr;
	_ =	strace $0xD0000000  }
0x3: {  	_ = 	snop  }
0x4: {  	_ = 	snop  }
0x5: {  	_ = 	snop  }
0x6: {  	_ = 	snop  }
0x7: {  	_ = 	snop  }
__scs_overlays_trampoline_lowered:
0x8: {  	[smem:$0x3FA0] =	sst s0  }
0x9: {  	[smem:$0x3FA1] =	sst s1  }
0xa: {  	[smem:$0x3FA2] =	sst s2  }
0xb: {  	[smem:$0x3FA3] =	sst s3  }
0xc: {  	[smem:$0x3FA4] =	sst s4  }
0xd: {  	[smem:$0x3FA5] =	sst s5  }
0xe: {  	[smem:$0x3FA6] =	sst s6  }
0xf: {  	[smem:$0x3FA7] =	sst s7  }
0x10: {  	[smem:$0x3FA8] =	sst s8  }
0x11: {  	[smem:$0x3FA9] =	sst s9;
	s0 =	simm.s32 @!p0 $0x0  }
0x12: {  	s1 =	sld [smem:$0x3F8F];
	s0 =	simm.s32 @p0 $0x1  }
0x13: {  	[smem:$0x3FAA] =	sst s0;
	s0 =	simm.s32 @!p1 $0x0  }
0x14: {  	s2 =	sld [smem:$0x3F8E];
	s0 =	simm.s32 @p1 $0x1  }
0x15: {  	[smem:$0x3FAB] =	sst s0;
	s0 =	simm.s32 @!p2 $0x0  }
0x16: {  	s3 =	sld [smem:$0x3FDB];
	s0 =	simm.s32 @p2 $0x1  }
0x17: {  	s4 =	simm.s32 $0x1BF5;
	[smem:$0x3FAD] =	sst s0  }
0x18: {  	s0 =	sld [smem:$0x3F90];
	_ =	swait.ge [sflag:s4], $0x0  }
0x19: {  	s7 =	sld [smem:$0x3F91]  }
0x1a: {  	s8 =	sadd.s32 $0xFFFFE003, lr  }
0x1b: {  	s9 =	sadd.s32 $0xFFFFFEF7, lr;
	s5 =	simm.s32 $0xFFFFFFFF;
	p2 =	slt.u32 s8, $0xFFFFF086  }
0x1c: {  	p1 =	slt.u32 s9, $0xF7A;
	s5 =	simm.s32 @!p2 $0x0  }
0x1d: {  	s5 =	simm.s32 @p1 $0x1;
	p0 =	seq.s32 s7, s2  }
0x1e: {  	s7 =	smul.u32 @!p0 $0xF7A, s2;
	p2 =	seq.s32 @!p0 s5, $0x0  }
0x1f: {  	s9 =	smul.u32 $0xF7A, s1;
	s8 =	simm.s32 @!p0 $0x1BF5;
	p2 =	por !p2, p0  }
0x20: {  	[sflag:s8] =	ssyncset.s32 @!p0 $0xFFFFF086;
	s6 =	sadd.s32 @!p0 s3, s7;
	s7 =	simm.s32 @!p0 $0x108  }
0x21: {  	s3 =	sadd.s32 s3, s9;
	s6 =	sadd.s32 @!p0 $0x88, s6;
	s7 =	simm.s32 @p2 $0x1082  }
0x22: {  	[simem:s7], [sflag:s8] =	dma.local @!p0 [hbm:s6], $0xF7A  }
0x23: {  	s9 =	sor.u32 $0xD0000000, s2;
	s6 =	simm.s32 $0x108;
	_ =	swait.ge @!p0 [sflag:s8], $0x0  }
0x24: {  	s3 =	sadd.s32 $0x88, s3;
	s6 =	simm.s32 @!p1 $0x1082;
	[sflag:s4] =	ssyncset.s32 $0xFFFFF086  }
0x25: {  	[simem:s6], [sflag:s4] =	dma.local [hbm:s3], $0xF7A  }
0x26: {  	[smem:$0x3F91] =	sst s1;
	(tag) =	ssettag s2;
	_ =	strace s9  }
0x27: {  	s1 =	sld [smem:$0x3FA1]  }
0x28: {  	s2 =	sld [smem:$0x3FA2]  }
0x29: {  	s4 =	sld [smem:$0x3FA4]  }
0x2a: {  	p0 =	seq.s32 s5, $0x0;
	s5 =	sld [smem:$0x3FA5]  }
0x2b: {  	s6 =	sld [smem:$0x3FA6]  }
0x2c: {  	s7 =	sld [smem:$0x3FA7]  }
0x2d: {  	s3 =	simm.s32 $0x108;
	s8 =	sld [smem:$0x3FA8]  }
0x2e: {  	s3 =	simm.s32 @!p0 $0x1082;
	s9 =	sld [smem:$0x3FA9]  }
0x2f: {  	lr =	sadd.s32 s0, s3;
	s0 =	sld [smem:$0x3FA0]  }
0x30: {  	s3 =	sld [smem:$0x3FA3]  }
0x31: {  	[smem:$0x3FAC] =	sst s10  }
0x32: {  	s10 =	sld [smem:$0x3FAA];
	_ =	sdelay $0x3  }
0x33: {  	p0 =	seq.s32 s10, $0x1;
	s10 =	sld [smem:$0x3FAC];
	_ =	sdelay $0x3  }
0x34: {  	[smem:$0x3FAC] =	sst s10  }
0x35: {  	s10 =	sld [smem:$0x3FAB];
	_ =	sdelay $0x3  }
0x36: {  	p1 =	seq.s32 s10, $0x1;
	s10 =	sld [smem:$0x3FAC];
	_ =	sdelay $0x3  }
0x37: {  	[smem:$0x3FAC] =	sst s10  }
0x38: {  	s10 =	sld [smem:$0x3FAD]  }
0x39: {  	_ = 	snop;
	(pc) =	sbr.ind lr, $3  }
0x3a: {  	_ = 	snop  }
0x3b: {  	_ = 	snop  }
0x3c: {  	p2 =	seq.s32 s10, $0x1;
	s10 =	sld [smem:$0x3FAC]  }
0x3d: {  	_ =	shalt  }
0x3e: {  	_ =	shalt  }
0x3f: {  	_ =	shalt  }
0x40: {  	_ =	shalt  }
0x41: {  	_ =	shalt  }
0x42: {  	_ =	shalt  }
0x43: {  	_ =	shalt  }
0x44: {  	_ =	shalt  }
0x45: {  	_ =	shalt  }
0x46: {  	_ =	shalt  }
0x47: {  	_ =	shalt  }
0x48: {  	_ =	shalt  }
0x49: {  	_ =	shalt  }
0x4a: {  	_ =	shalt  }
0x4b: {  	_ =	shalt  }
0x4c: {  	_ =	shalt  }
0x4d: {  	_ =	shalt  }
0x4e: {  	_ =	shalt  }
0x4f: {  	_ =	shalt  }
0x50: {  	_ =	shalt  }
0x51: {  	_ =	shalt  }
0x52: {  	_ =	shalt  }
0x53: {  	_ =	shalt  }
0x54: {  	_ =	shalt  }
0x55: {  	_ =	shalt  }
0x56: {  	_ =	shalt  }
0x57: {  	_ =	shalt  }
0x58: {  	_ =	shalt  }
0x59: {  	_ =	shalt  }
0x5a: {  	_ =	shalt  }
0x5b: {  	_ =	shalt  }
0x5c: {  	_ =	shalt  }
0x5d: {  	_ =	shalt  }
0x5e: {  	_ =	shalt  }
0x5f: {  	_ =	shalt  }
0x60: {  	_ =	shalt  }
0x61: {  	_ =	shalt  }
0x62: {  	_ =	shalt  }
0x63: {  	_ =	shalt  }
0x64: {  	_ =	shalt  }
0x65: {  	_ =	shalt  }
0x66: {  	_ =	shalt  }
0x67: {  	_ =	shalt  }
0x68: {  	_ =	shalt  }
0x69: {  	_ =	shalt  }
0x6a: {  	_ =	shalt  }
0x6b: {  	_ =	shalt  }
0x6c: {  	_ =	shalt  }
0x6d: {  	_ =	shalt  }
0x6e: {  	_ =	shalt  }
0x6f: {  	_ =	shalt  }
0x70: {  	_ =	shalt  }
0x71: {  	_ =	shalt  }
0x72: {  	_ =	shalt  }
0x73: {  	_ =	shalt  }
0x74: {  	_ =	shalt  }
0x75: {  	_ =	shalt  }
0x76: {  	_ =	shalt  }
0x77: {  	_ =	shalt  }
0x78: {  	_ =	shalt  }
0x79: {  	_ =	shalt  }
0x7a: {  	_ =	shalt  }
0x7b: {  	_ =	shalt  }
0x7c: {  	_ =	shalt  }
0x7d: {  	_ =	shalt  }
0x7e: {  	_ =	shalt  }
0x7f: {  	_ =	shalt  }
0x80: {  	_ =	shalt  }
0x81: {  	_ =	shalt  }
0x82: {  	_ =	shalt  }
0x83: {  	_ =	shalt  }
0x84: {  	_ =	shalt  }
0x85: {  	_ =	shalt  }
0x86: {  	_ =	shalt  }
0x87: {  	_ =	shalt  }
.Lfunc_end0:
.L_simem_size_0:
called_computation_lowered:
.L_overlay_start_0:
0x88: {  	s2 =	sld [smem:$0x3FD9]  }
0x89: {  	s3 =	sld [smem:$0x3FFE];
	_ =	sdelay $0x1  }
0x8a: {  	s1 =	srdreg.scid  }
0x8b: {  	s0 =	sand.u32 $0x1, s1  }
0x8c: {  	s14 =	sshll.u32 s0, $0xA;
	s2 =	sadd.s32 s3, s2  }
0x8d: {  	s2 =	sadd.s32 s2, s14  }
0x8e: {  	[smem:$0x3FB8] =	sst s2  }
0x8f: {  	_ = 	snop  }
0x90: {  	s2 =	sld [smem:$0x3FD0];
	_ =	sdelay $0x2  }
0x91: {  	s15 =	simm.s32 $0xA;
	s4 =	simm.s32 $0x10  }
0x92: {  	[smem:s4], [sflag:s15] =	dma.local [hbm:s2], $0x1  }
0x93: {  	_ =	swait.eq [sflag:s15], $0x1  }
0x94: {  	[sflag:s15] =	ssyncset.done $0x0  }
0x95: {  	s16 =	sld [smem:$0x10];
	[sflag:s15] =	ssyncadd.s32 $0xFFFFFFFF  }
0x96: {  	s17 =	sld [smem:$0x11];
	(tm) =	ssettm $0x1  }
0x97: {  	s18 =	sld [smem:$0x3FFB];
	_ =	sdelay $0x3  }
0x98: {  	_ =	strace s18  }
0x99: {  	s4 =	sld [smem:$0x3FFC];
	_ =	sdelay $0x3  }
0x9a: {  	_ =	strace s4  }
0x9b: {  	s4 =	sld [smem:$0x3FFD];
	_ =	sdelay $0x3  }
0x9c: {  	_ =	strace s4  }
0x9d: {  	_ =	strace $0x8FFFFFFF  }
0x9e: {  	s19 =	sld [smem:$0x3FDB];
	_ =	sdelay $0x1  }
0x9f: {  	s5 =	simm.s32 $_scs_section_size  }
0xa0: {  	s6 =	simm.s32 $_size__tile_overlayer_lowered;
	s7 =	simm.s32 $_tile_overlayer_lowered  }
0xa1: {  	s22 =	simm.s32 $0x1BFF;
	s21 =	sshll.u32 s7, $0x1;
	s4 =	sadd.s32 s5, s19  }
0xa2: {  	s8 =	simm.s32 $0x0;
	s20 =	sshll.u32 s6, $0x1;
	s6 =	sadd.s32 s21, s4  }
0xa3: {  	[timem:s8], [sflag:s22] =	dma.local [hbm:s6], s20  }
0xa4: {  	_ =	swait.ge [sflag:s22], s20  }
0xa5: {  	s5 =	ssub.s32 $0x0, s20;
	[sflag:s22] =	ssyncset.done $0x0  }
0xa6: {  	[sflag:s22] =	ssyncadd.s32 s5;
	_ =	sdelay $0x1  }
0xa7: {  	s23 =	simm.s32 $0x1B8B  }
0xa8: {  	_ =	swait.ge [sflag:s23], $0x1  }
0xa9: {  	[sflag:s23] =	ssyncset.done $0x0  }
0xaa: {  	s25 =	simm.s32 $0x1B8E;
	s24 =	sld [smem:$0x3FFE];
	[sflag:s23] =	ssyncadd.s32 $0xFFFFFFFF  }
0xab: {  	s26 =	simm.s32 $execute0_lowered;
	[smem:$0x3FD2] =	sst s25  }
0xac: {  	s6 =	sshll.u32 s26, $0x1;
	_ =	strace $0x80000046;
	[dreg:$0x1] =	wrdreg $0xFFFFFFFF  }
0xad: {  	s28 =	simm.s32 $_size_execute0_lowered;
	s4 =	sadd.s32 s4, s6;
	[dreg:$0x0] =	wrdreg $0x0  }
0xae: {  	s6 =	sshll.u32 s28, $0x1;
	[dreg:$0x2] =	wrdreg s4  }
0xaf: {  	[dreg:$0x3] =	wrdreg s6  }
0xb0: {  	[dreg:$0x4] =	wrdreg $0xC0  }
0xb1: {  	_ =	task [dreg:s8], $0x5FFFF  }
0xb2: {  	[dreg:$0x1] =	wrdreg $0xFFFFFFFF  }
0xb3: {  	[dreg:$0x0] =	wrdreg $0x60  }
0xb4: {  	[dreg:$0x2] =	wrdreg s16  }
0xb5: {  	[dreg:$0x3] =	wrdreg s17  }
0xb6: {  	[dreg:$0x4] =	wrdreg s24  }
0xb7: {  	[dreg:$0x5] =	wrdreg $0x9  }
0xb8: {  	_ =	task.clear_ibuf [dreg:s8], $0x6FFFF;
	_ =	strace $0x90000046  }
0xb9: {  	s29 =	simm.s32 $0x9;
	_ =	strace $0x80000048  }
0xba: {  	_ =	swait.ge [sflag:s29], $0x1  }
0xbb: {  	[sflag:s29] =	ssyncadd.s32 $0xFFFFFFFF  }
0xbc: {  	_ =	strace $0x90000048  }
0xbd: {  	_ =	sfence  }
0xbe: {  	s30 =	sld [smem:$0x0];
	_ =	sdelay $0x2  }
0xbf: {  	s31 =	sshll.u32 s1, $0xD;
	s1 =	sshrl.u32 s1, $0x2  }
0xc0: {  	s3 =	sand.u32 $0x4000, s31;
	s1 =	sadd.s32 s1, s30  }
0xc1: {  	s0 =	sor.u32 s3, s0;
	s1 =	sshll.u32 s1, $0x11  }
0xc2: {  	s0 =	sor.u32 s1, s0  }
0xc3: {  	s0 =	sadd.s32 $0x8F2B, s0  }
0xc4: {  	[sflag:s0] =	ssyncadd.remote.s32 $0x1  }
0xc5: {  	_ =	sfence.sel $0xFFFF  }
0xc6: {  	[dreg:$0x0] =	wrdreg $0xFFFFFFFF;
	(pc) =	sbr.abs _section_cstart, $3  }
0xc7: {  	[dreg:$0x1] =	wrdreg $0xFFFFFFFF  }
0xc8: {  	_ =	task.clear_ibuf [dreg:s8], $0x2FFFF;
	_ =	strace $0x9FFFFFFF  }
0xc9: {  	(tm) =	ssettm $0x7FFFFFFF  }
tec
execute0_lowered:
.L_overlay_start_1:
0x0: {  	(tag) =	ssettag $0x1  }
0x1: {  	s0 =	rddreg [dreg:$0x0]  }
0x2: {  	s3 =	rddreg [dreg:$0x1];
	s1 =	srdreg.scid  }
0x3: {  	s2 =	rddreg [dreg:$0x2];
	s6 =	stileid.u32;
	s7 =	simm.s32 $0x0  }
0x4: {  	s29 =	simm.s32 $0x5;
	s31 =	simm.s32 $0x40;
	s9 =	simm.s32 $0x4  }
0x5: {  	s28 =	simm.s32 $0xC;
	s30 =	simm.s32 $0x10;
	s11 =	simm.s32 $0x0  }
0x6: {  	s1 =	sand.u32 $0x1, s1;
	s5 =	smul.u32 $0x4E2, s6;
	[smem:$0x7FF] =	sst s7  }
0x7: {  	s13 =	smul.u32 $0x138800, s6;
	s15 =	sadd.s32 $0x18400, s2;
	s7 =	simm.s32 $0x3  }
0x8: {  	s4 =	smul.u32 $0x4E20, s1;
	s14 =	ssub.s32 $0x2, s1;
	s1 =	sshll.u32 s1, $0x6  }
0x9: {  	_ =	strace $0x80000047;
	s8 =	sshrl.u32 s14, $0x1;
	s1 =	sor.u32 s1, s13  }
0xa: {  	s4 =	sadd.s32 s5, s4;
	s16 =	ssub.s32 s14, s8;
	s17 =	sadd.s32 $0x136000, s1  }
0xb: {  	s20 =	sadd.s32 $0x7800, s1;
	s21 =	sadd.s32 $0x5000, s1;
	s23 =	sadd.s32 $0x2800, s1  }
0xc: {  	s1 =	sshrl.u32 s1, $0x3;
	s8 =	simm.s32 $0x7;
	s4 =	sadd.s32 s4, s2  }
0xd: {  	s2 =	sadd.s32 $0x289400, s2;
	s19 =	sshrl.u32 s17, $0x3;
	s5 =	smax.u32 s16, $0x1  }
0xe: {  	s25 =	sshrl.u32 s23, $0x3;
	s17 =	sadd.s32 s1, s15;
	s23 =	simm.s32 $0xA  }
0xf: {  	s18 =	sadd.s32 $0x4800, s4;
	s4 =	sadd.s32 $0xE600, s4;
	[dreg:$0x8] =	wrdreg s5  }
0x10: {  	s6 =	sadd.s32 s15, s19;
	s5 =	sshrl.u32 s21, $0x3;
	[dreg:$0x4] =	wrdreg s18  }
0x11: {  	s26 =	sadd.s32 s25, s2;
	s21 =	simm.s32 $0x4E20;
	[dreg:$0x5] =	wrdreg s4  }
0x12: {  	[dreg:$0x6] =	wrdreg s6;
	s4 =	sadd.s32 s2, s19;
	s24 =	sadd.s32 s5, s2  }
0x13: {  	s5 =	sadd.s32 s5, s15;
	[dreg:$0xd] =	wrdreg s26;
	s26 =	simm.s32 $0x1  }
0x14: {  	s6 =	simm.s32 $0x6;
	s19 =	simm.s32 $0x8;
	[dreg:$0x7] =	wrdreg s4  }
0x15: {  	s18 =	simm.s32 $0xD;
	s4 =	sshrl.u32 s20, $0x3;
	[dreg:$0xb] =	wrdreg s24  }
0x16: {  	[dreg:$0xc] =	wrdreg s5;
	s20 =	simm.s32 $0x50;
	s24 =	simm.s32 $0xDA20  }
.Ltmp0:
0x17: {  	s5 =	simm.s32 $0x2;
	s22 =	sadd.s32 s4, s2;
	(pc) =	sbr.rel .LBB2_1-.Ltmp0, $4  }
0x18: {  	s4 =	sadd.s32 s4, s15;
	s2 =	sadd.s32 s1, s2;
	[dreg:$0x9] =	wrdreg s22  }
0x19: {  	s1 =	simm.s32 $0x8A20;
	[dreg:$0xa] =	wrdreg s4;
	s4 =	sadd.s32 s25, s15  }
0x1a: {  	[dreg:$0xf] =	wrdreg s2;
	s22 =	simm.s32 $0x9E20;
	s2 =	simm.s32 $0x80  }
0x1b: {  	s25 =	simm.s32 $0xE;
	[dreg:$0xe] =	wrdreg s4;
	s4 =	simm.s32 $0x9  }
.LBB2_4:
0x1c: {  	_ =	swait.ge [sflag:s26], $0x1400  }
0x1d: {  	[sflag:s26] =	ssyncset.done $0x0  }
0x1e: {  	[sflag:s26] =	ssyncadd.s32 $0xFFFFEC00  }
0x1f: {  	_ =	swait.ge [sflag:s29], $0x1400  }
0x20: {  	[sflag:s29] =	ssyncset.done $0x0  }
0x21: {  	s10 =	rddreg [dreg:$0x6];
	[sflag:s29] =	ssyncadd.s32 $0xFFFFEC00  }
0x22: {  	[hbm4b:s10+s31] =	stream.strided.scatter [tilespmem:s21], [sflag:$0x9], $0x1400, s2, s31, $0x38;
	[tilespmem:$0xEE20] =	vst v63  }
0x23: {  	s15 =	rddreg [dreg:$0x7]  }
0x24: {  	[hbm4b:s15+s31] =	stream.strided.scatter [tilespmem:s22], [sflag:$0xD], $0x1400, s2, s31, $0x38;
	[tilespmem:$0xEE20] =	vst v63  }
0x25: {  	_ =	swait.ge [sflag:s4], $0x1400  }
0x26: {  	[sflag:s4] =	ssyncset.done $0x0  }
0x27: {  	[sflag:s4] =	ssyncadd.s32 $0xFFFFEC00  }
0x28: {  	_ =	swait.ge [sflag:s18], $0x1400  }
0x29: {  	s11 =	rddreg [dreg:$0x10]  }
0x2a: {  	s16 =	rddreg [dreg:$0x8];
	s11 =	sadd.s32 $0x1, s11  }
0x2b: {  	p0 =	sne.s32 s11, s16  }
.Ltmp1:
0x2c: {  	_ = 	snop;
	(pc) =	sbr.rel @!p0 .LBB2_5-.Ltmp1, $3  }
0x2d: {  	_ =	sdelay $0x1  }
0x2e: {  	[sflag:s18] =	ssyncset.done $0x0  }
0x2f: {  	[sflag:s18] =	ssyncadd.s32 $0xFFFFEC00  }
.LBB2_1:
0x30: {  	[dreg:$0x10] =	wrdreg s11  }
0x31: {  	s10 =	simm.s32 $0x0;
	s15 =	rddreg [dreg:$0x4];
	s12 =	simm.s32 $0x11  }
0x32: {  	[tilespmem:s10], [sflag:$0x11] =	stream.linear.gather [hbm4b:s15+s10], $0x2710, $0x38;
	[tilespmem:$0xEE20] =	vst v63  }
0x33: {  	_ =	swait.ge [sflag:s12], $0x2710  }
0x34: {  	[sflag:s12] =	ssyncset.done $0x0  }
0x35: {  	s13 =	simm.s32 $0x2710;
	s16 =	rddreg [dreg:$0x5];
	[sflag:s12] =	ssyncadd.s32 $0xFFFFD8F0  }
0x36: {  	[tilespmem:s13], [sflag:$0x11] =	stream.linear.gather [hbm4b:s16+s10], $0x2710, $0x38;
	[tilespmem:$0xEE20] =	vst v63  }
0x37: {  	_ =	swait.ge [sflag:s12], $0x2710  }
0x38: {  	[sflag:s12] =	ssyncset.done $0x0  }
0x39: {  	[sflag:s12] =	ssyncadd.s32 $0xFFFFD8F0  }
0x3a: {  	[tilespmem:s21], [sflag:$0x1] =	stream.indirect.gather [hbm4b:s0+s20], $0x40, s10, s20, $0xb8;
	[tilespmem:$0xEE20] =	vst v63  }
0x3b: {  	_ = 	snop  }
0x3c: {  	[tilespmem:s22], [sflag:$0x5] =	stream.indirect.gather [hbm4b:s3+s20], $0x40, s13, s20, $0xb8;
	[tilespmem:$0xEE20] =	vst v63  }
0x3d: {  	s14 =	simm.s32 $0x6220  }
0x3e: {  	[tilespmem:s14], [sflag:$0x2] =	stream.indirect.gather [hbm4b:s0+s20], $0x40, s20, s20, $0xb8;
	[tilespmem:$0xEE20] =	vst v63  }
0x3f: {  	s15 =	simm.s32 $0x2760;
	s16 =	simm.s32 $0xB220  }
0x40: {  	[tilespmem:s16], [sflag:$0x6] =	stream.indirect.gather [hbm4b:s3+s20], $0x40, s15, s20, $0xb8;
	[tilespmem:$0xEE20] =	vst v63  }
0x41: {  	s11 =	simm.s32 $0xA0;
	s12 =	simm.s32 $0x7620  }
0x42: {  	[tilespmem:s12], [sflag:$0x3] =	stream.indirect.gather [hbm4b:s0+s20], $0x40, s11, s20, $0xb8;
	[tilespmem:$0xEE20] =	vst v63  }
0x43: {  	s13 =	simm.s32 $0x27B0;
	s14 =	simm.s32 $0xC620  }
0x44: {  	[tilespmem:s14], [sflag:$0x7] =	stream.indirect.gather [hbm4b:s3+s20], $0x40, s13, s20, $0xb8;
	[tilespmem:$0xEE20] =	vst v63  }
0x45: {  	s15 =	simm.s32 $0xF0  }
0x46: {  	[tilespmem:s1], [sflag:$0x4] =	stream.indirect.gather [hbm4b:s0+s20], $0x40, s15, s20, $0xb8;
	[tilespmem:$0xEE20] =	vst v63  }
0x47: {  	s10 =	simm.s32 $0x0;
	s16 =	simm.s32 $0x2800;
	s11 =	simm.s32 $0x0  }
0x48: {  	[tilespmem:s24], [sflag:$0x8] =	stream.indirect.gather [hbm4b:s3+s20], $0x40, s16, s20, $0xb8;
	[tilespmem:$0xEE20] =	vst v63  }
.LBB2_2:
0x49: {  	_ =	swait.ge [sflag:s26], $0x1400  }
0x4a: {  	[sflag:s26] =	ssyncset.done $0x0  }
0x4b: {  	[sflag:s26] =	ssyncadd.s32 $0xFFFFEC00  }
0x4c: {  	_ =	swait.ge [sflag:s29], $0x1400  }
0x4d: {  	[sflag:s29] =	ssyncset.done $0x0  }
0x4e: {  	s12 =	sadd.s32 s11, s17;
	s13 =	rddreg [dreg:$0xf];
	[sflag:s29] =	ssyncadd.s32 $0xFFFFEC00  }
0x4f: {  	[hbm4b:s12+s31] =	stream.strided.scatter [tilespmem:s21], [sflag:$0x9], $0x1400, s2, s31, $0x38;
	[tilespmem:$0xEE20] =	vst v63  }
0x50: {  	s12 =	sadd.s32 s11, s13  }
0x51: {  	[hbm4b:s12+s31] =	stream.strided.scatter [tilespmem:s22], [sflag:$0xD], $0x1400, s2, s31, $0x38;
	[tilespmem:$0xEE20] =	vst v63  }
0x52: {  	_ =	swait.ge [sflag:s5], $0x1400  }
0x53: {  	[sflag:s5] =	ssyncset.done $0x0  }
0x54: {  	[sflag:s5] =	ssyncadd.s32 $0xFFFFEC00  }
0x55: {  	_ =	swait.ge [sflag:s6], $0x1400  }
0x56: {  	s13 =	simm.s32 $0x6220;
	[sflag:s6] =	ssyncset.done $0x0;
	s14 =	rddreg [dreg:$0xe]  }
0x57: {  	s15 =	rddreg [dreg:$0xd];
	[sflag:s6] =	ssyncadd.s32 $0xFFFFEC00;
	s12 =	sadd.s32 s11, s14  }
0x58: {  	[hbm4b:s12+s31] =	stream.strided.scatter [tilespmem:s13], [sflag:$0xA], $0x1400, s2, s31, $0x38;
	[tilespmem:$0xEE20] =	vst v63  }
0x59: {  	s16 =	simm.s32 $0xB220;
	s12 =	sadd.s32 s11, s15  }
0x5a: {  	[hbm4b:s12+s31] =	stream.strided.scatter [tilespmem:s16], [sflag:$0xE], $0x1400, s2, s31, $0x38;
	[tilespmem:$0xEE20] =	vst v63  }
0x5b: {  	_ =	swait.ge [sflag:s7], $0x1400  }
0x5c: {  	[sflag:s7] =	ssyncset.done $0x0  }
0x5d: {  	[sflag:s7] =	ssyncadd.s32 $0xFFFFEC00  }
0x5e: {  	_ =	swait.ge [sflag:s8], $0x1400  }
0x5f: {  	s14 =	simm.s32 $0x7620;
	[sflag:s8] =	ssyncset.done $0x0;
	s13 =	rddreg [dreg:$0xc]  }
0x60: {  	s15 =	rddreg [dreg:$0xb];
	[sflag:s8] =	ssyncadd.s32 $0xFFFFEC00;
	s12 =	sadd.s32 s11, s13  }
0x61: {  	[hbm4b:s12+s31] =	stream.strided.scatter [tilespmem:s14], [sflag:$0xB], $0x1400, s2, s31, $0x38;
	[tilespmem:$0xEE20] =	vst v63  }
0x62: {  	s16 =	simm.s32 $0xC620;
	s12 =	sadd.s32 s11, s15  }
0x63: {  	[hbm4b:s12+s31] =	stream.strided.scatter [tilespmem:s16], [sflag:$0xF], $0x1400, s2, s31, $0x38;
	[tilespmem:$0xEE20] =	vst v63  }
0x64: {  	_ =	swait.ge [sflag:s9], $0x1400  }
0x65: {  	[sflag:s9] =	ssyncset.done $0x0  }
0x66: {  	[sflag:s9] =	ssyncadd.s32 $0xFFFFEC00  }
0x67: {  	_ =	swait.ge [sflag:s19], $0x1400  }
0x68: {  	[sflag:s19] =	ssyncset.done $0x0;
	s13 =	rddreg [dreg:$0xa]  }
0x69: {  	s14 =	rddreg [dreg:$0x9];
	[sflag:s19] =	ssyncadd.s32 $0xFFFFEC00;
	s12 =	sadd.s32 s11, s13  }
0x6a: {  	[hbm4b:s12+s31] =	stream.strided.scatter [tilespmem:s1], [sflag:$0xC], $0x1400, s2, s31, $0x38;
	[tilespmem:$0xEE20] =	vst v63  }
0x6b: {  	s12 =	sadd.s32 s11, s14  }
0x6c: {  	[hbm4b:s12+s31] =	stream.strided.scatter [tilespmem:s24], [sflag:$0x10], $0x1400, s2, s31, $0x38;
	[tilespmem:$0xEE20] =	vst v63  }
0x6d: {  	_ =	swait.ge [sflag:s4], $0x1400  }
0x6e: {  	[sflag:s4] =	ssyncset.done $0x0  }
0x6f: {  	[sflag:s4] =	ssyncadd.s32 $0xFFFFEC00  }
0x70: {  	_ =	swait.ge [sflag:s18], $0x1400  }
0x71: {  	s12 =	sshra.s32 s10, $0x2;
	[sflag:s18] =	ssyncset.done $0x0  }
0x72: {  	s15 =	sadd.s32 $0x140, s12;
	[sflag:s18] =	ssyncadd.s32 $0xFFFFEC00  }
0x73: {  	[tilespmem:s21], [sflag:$0x1] =	stream.indirect.gather [hbm4b:s0+s20], $0x40, s15, s20, $0xb8;
	[tilespmem:$0xEE20] =	vst v63  }
0x74: {  	s16 =	sadd.s32 $0x2850, s12  }
0x75: {  	[tilespmem:s22], [sflag:$0x5] =	stream.indirect.gather [hbm4b:s3+s20], $0x40, s16, s20, $0xb8;
	[tilespmem:$0xEE20] =	vst v63  }
0x76: {  	_ =	swait.ge [sflag:s23], $0x1400  }
0x77: {  	[sflag:s23] =	ssyncset.done $0x0  }
0x78: {  	[sflag:s23] =	ssyncadd.s32 $0xFFFFEC00  }
0x79: {  	_ =	swait.ge [sflag:s25], $0x1400  }
0x7a: {  	p0 =	seq.s32 s11, $0x25800;
	[sflag:s25] =	ssyncset.done $0x0  }
0x7b: {  	s13 =	simm.s32 @p0 $0xB;
	[sflag:s25] =	ssyncadd.s32 $0xFFFFEC00  }
0x7c: {  	_ =	swait.ge @p0 [sflag:s13], $0x1400  }
0x7d: {  	[sflag:s13] =	ssyncset.done @p0 $0x0  }
0x7e: {  	[sflag:s13] =	ssyncadd.s32 @p0 $0xFFFFEC00;
	s13 =	simm.s32 @p0 $0xF  }
0x7f: {  	_ =	swait.ge @p0 [sflag:s13], $0x1400  }
0x80: {  	[sflag:s13] =	ssyncset.done @p0 $0x0  }
0x81: {  	[sflag:s13] =	ssyncadd.s32 @p0 $0xFFFFEC00;
	s13 =	sshra.s32 @!p0 s10, $0x2  }
0x82: {  	s15 =	simm.s32 @!p0 $0x50;
	s16 =	simm.s32 @!p0 $0x6220;
	s14 =	sadd.s32 @!p0 $0x190, s13  }
0x83: {  	[tilespmem:s16], [sflag:$0x2] =	stream.indirect.gather @!p0 [hbm4b:s0+s15], $0x40, s14, s15, $0xb8;
	[tilespmem:$0xEE20] =	vst v63  }
0x84: {  	s14 =	sadd.s32 @!p0 $0x28A0, s13;
	s16 =	simm.s32 @!p0 $0xB220  }
0x85: {  	[tilespmem:s16], [sflag:$0x6] =	stream.indirect.gather @!p0 [hbm4b:s3+s15], $0x40, s14, s15, $0xb8;
	[tilespmem:$0xEE20] =	vst v63  }
0x86: {  	s14 =	simm.s32 @!p0 $0xB  }
0x87: {  	_ =	swait.ge @!p0 [sflag:s14], $0x1400  }
0x88: {  	[sflag:s14] =	ssyncset.done @!p0 $0x0  }
0x89: {  	[sflag:s14] =	ssyncadd.s32 @!p0 $0xFFFFEC00;
	s14 =	simm.s32 @!p0 $0xF  }
0x8a: {  	_ =	swait.ge @!p0 [sflag:s14], $0x1400  }
0x8b: {  	[sflag:s14] =	ssyncset.done @!p0 $0x0  }
0x8c: {  	s16 =	simm.s32 @!p0 $0x7620;
	[sflag:s14] =	ssyncadd.s32 @!p0 $0xFFFFEC00;
	s14 =	sadd.s32 @!p0 $0x1E0, s13  }
0x8d: {  	[tilespmem:s16], [sflag:$0x3] =	stream.indirect.gather @!p0 [hbm4b:s0+s15], $0x40, s14, s15, $0xb8;
	[tilespmem:$0xEE20] =	vst v63  }
0x8e: {  	s13 =	sadd.s32 @!p0 $0x28F0, s13;
	s14 =	simm.s32 @!p0 $0xC620  }
0x8f: {  	[tilespmem:s14], [sflag:$0x7] =	stream.indirect.gather @!p0 [hbm4b:s3+s15], $0x40, s13, s15, $0xb8;
	[tilespmem:$0xEE20] =	vst v63  }
0x90: {  	_ =	swait.ge [sflag:s28], $0x1400  }
.Ltmp2:
0x91: {  	[sflag:s28] =	ssyncset.done $0x0;
	(pc) =	sbr.rel @p0 .LBB2_4-.Ltmp2, $4  }
0x92: {  	[sflag:s28] =	ssyncadd.s32 $0xFFFFEC00  }
0x93: {  	_ =	swait.ge [sflag:s30], $0x1400  }
0x94: {  	[sflag:s30] =	ssyncset.done $0x0  }
0x95: {  	[sflag:s30] =	ssyncadd.s32 $0xFFFFEC00  }
.Ltmp3:
0x96: {  	(pc) =	sbr.rel .LBB2_2-.Ltmp3, $4  }
0x97: {  	s13 =	sadd.s32 $0x230, s12  }
0x98: {  	[tilespmem:s1], [sflag:$0x4] =	stream.indirect.gather [hbm4b:s0+s20], $0x40, s13, s20, $0xb8;
	[tilespmem:$0xEE20] =	vst v63  }
0x99: {  	s16 =	sadd.s32 $0x2940, s12;
	s11 =	sadd.s32 $0x1400, s11;
	s10 =	sadd.s32 $0x500, s10  }
0x9a: {  	[tilespmem:s24], [sflag:$0x8] =	stream.indirect.gather [hbm4b:s3+s20], $0x40, s16, s20, $0xb8;
	[tilespmem:$0xEE20] =	vst v63  }
.LBB2_5:
0x9b: {  	_ =	sfence.sel $0x180000  }
0x9c: {  	[bflag:$0x0] =	sbarrier.arrive $0xFFFF  }
0x9d: {  	_ =	strace $0x90000047  }
0x9e: {  	s0 =	stileid.u32;
	[bflag:$0x2] =	sbarrier.arrive $0xFFFF  }
0x9f: {  	p0 =	sne.s32 s0, $0x0;
	s0 =	rddreg [dreg:$0x3]  }
0xa0: {  	s0 =	sadd.s32 @!p0 $0x100000, s0  }
0xa1: {  	[sflag:s0] =	ssyncadd.tile.s32 @!p0 $0x1;
	_ =	shalt  }
.Lfunc_end2:
_tile_overlayer_lowered:
.L_overlay_start_2:
0xa2: {  	(tag) =	ssettag $0x2  }
0xa3: {  	s0 =	rddreg [dreg:$0x0];
	s2 =	stileid.u32  }
0xa4: {  	s1 =	rddreg [dreg:$0x1];
	p0 =	sne.s32 s2, $0x0  }
0xa5: {  	s3 =	rddreg [dreg:$0x2];
	[bflag:$0x3] =	sbarrier.arrive $0xFFFF;
	s2 =	simm.s32 @!p0 $0x1C11  }
0xa6: {  	[timem:s3], [sflag:s2] =	dma.local @!p0 [hbm:s0], s1  }
0xa7: {  	s0 =	simm.s32 @!p0 $0x11  }
0xa8: {  	_ =	swait.ge @!p0 [sflag:s0], s1  }
0xa9: {  	s1 =	ssub.s32 @!p0 $0x0, s1;
	[sflag:s0] =	ssyncset.done @!p0 $0x0  }
0xaa: {  	[sflag:s0] =	ssyncadd.s32 @!p0 s1  }
0xab: {  	[bflag:$0x3] =	sbarrier.arrive $0xFFFF  }
0xac: {  	_ =	shalt  }

</sc_bundles>
